<compile_context>
chip_gen: v7x
topology: tpu7x:2x2x1
jax: 0.10.2.dev20260603
libtpu: 0.0.44.dev20260713+nightly
codegen_flags: <defaults>
</compile_context>

<pallas_src>
import jax
import jax.numpy as jnp
from jax import lax
from jax.experimental import pallas as pl
from jax.experimental.pallas import tpu as pltpu
from jax.experimental.pallas import tpu_sc as plsc

N_TOKENS = 8192
N_HIDDEN = 1024
N_ROWS = 16384

NC = 2
NS = 16

CHUNK = 128
N_CHUNKS = N_HIDDEN // CHUNK
CHUNKS_PER_CORE = N_CHUNKS // NC
ROWS_PER_TILE = N_ROWS // NS
BATCH = 128
N_BATCH = ROWS_PER_TILE // BATCH
OUT_PER_TILE = N_TOKENS // NS


NBUF = 3
ZROWS = 64


def _body(tok_hbm, idx_hbm, out_hbm, idx_v, bufs_v, zero_v, acc_s,
          gsems, ssems, zsem, wsem):
    c = lax.axis_index("c")
    s = lax.axis_index("s")

    def _zfill(j, carry):
        r = j // (CHUNK // 16)
        col = (j % (CHUNK // 16)) * 16
        zero_v[r, pl.ds(col, 16)] = jnp.zeros((16,), jnp.float32)
        return carry
    lax.fori_loop(0, ZROWS * (CHUNK // 16), _zfill, 0)

    out_r0 = pl.multiple_of(s * OUT_PER_TILE, OUT_PER_TILE)
    HALF = OUT_PER_TILE // 2

    def _col0(k):
        return pl.multiple_of((c * CHUNKS_PER_CORE + k) * CHUNK, CHUNK)

    def _gather(k, b):
        row0 = pl.multiple_of(s * ROWS_PER_TILE + b * BATCH, BATCH)
        sl = b % NBUF
        return pltpu.async_copy(
            tok_hbm.at[pl.ds(row0, BATCH), pl.ds(_col0(k), CHUNK)],
            bufs_v.at[sl], gsems.at[sl])

    def _zero_half(h):
        r0 = s * OUT_PER_TILE + h * HALF
        return [
            pltpu.async_copy(
                zero_v, acc_s.at[pl.ds(r0 + z * ZROWS, ZROWS)], zsem)
            for z in range(HALF // ZROWS)]

    zh = _zero_half(0) + _zero_half(1)
    gh = [_gather(0, b) for b in range(NBUF)]
    pltpu.sync_copy(idx_hbm.at[s], idx_v)
    for h in zh:
        h.wait()
    plsc.subcore_barrier()

    for k in range(CHUNKS_PER_CORE):
        sh = [None] * N_BATCH
        for b in range(N_BATCH):
            sl = b % NBUF
            gh[sl].wait()
            sh[b] = pltpu.async_copy(
                bufs_v.at[sl], acc_s.at[idx_v.at[b]], ssems.at[sl], add=True)
            b2 = b + NBUF
            if b2 < N_BATCH:
                sh[b].wait()
                gh[sl] = _gather(k, b2)
        for b in range(N_BATCH - NBUF, N_BATCH):
            sh[b].wait()
        plsc.subcore_barrier()

        if k + 1 < CHUNKS_PER_CORE:
            gh = [_gather(k + 1, b) for b in range(NBUF)]

        wh = [pltpu.async_copy(
            acc_s.at[pl.ds(out_r0 + h * HALF, HALF)],
            out_hbm.at[pl.ds(out_r0 + h * HALF, HALF), pl.ds(_col0(k), CHUNK)],
            wsem.at[h]) for h in range(2)]
        if k + 1 < CHUNKS_PER_CORE:
            zh = []
            for h in range(2):
                wh[h].wait()
                zh += _zero_half(h)
            for z in zh:
                z.wait()
            plsc.subcore_barrier()
        else:
            for h in range(2):
                wh[h].wait()


@jax.jit
def _unpermute(tokens, idx3):
    mesh = plsc.VectorSubcoreMesh(core_axis_name="c", subcore_axis_name="s")
    return pl.kernel(
        _body,
        mesh=mesh,
        out_type=jax.ShapeDtypeStruct((N_TOKENS, N_HIDDEN), jnp.float32),
        scratch_types=[
            pltpu.VMEM((N_BATCH, BATCH), jnp.int32),
            pltpu.VMEM((NBUF, BATCH, CHUNK), jnp.float32),
            pltpu.VMEM((ZROWS, CHUNK), jnp.float32),
            pltpu.VMEM_SHARED((N_TOKENS, CHUNK), jnp.float32),
            pltpu.SemaphoreType.DMA((NBUF,)),
            pltpu.SemaphoreType.DMA((NBUF,)),
            pltpu.SemaphoreType.DMA,
            pltpu.SemaphoreType.DMA((2,)),
        ],
    )(tokens, idx3)


def kernel(permuted_tokens, sorted_indices):
    idx3 = sorted_indices.astype(jnp.int32).reshape(NS, N_BATCH, BATCH)
    return _unpermute(permuted_tokens, idx3)

# --- scband reference (transcript-rebuilt; emitter-appended) ---
"""Pipeline reference for scband-turbo-token-unpermuter-73169062854665 (READ-ONLY COPY).

The authoritative reference and input builder live on the scoring server;
editing this copy changes nothing except your own understanding.
"""

import jax, jax.numpy as jnp
import numpy as np

NUM_TOKENS = 8192
HIDDEN = 1024
TOP_K = 2
NUM_PERMUTED = NUM_TOKENS * TOP_K

def setup_inputs(seed: int = 0) -> dict:
    key = jax.random.key(seed)
    k1, k2 = jax.random.split(key)
    permuted_tokens = jax.random.normal(k1, (NUM_PERMUTED, HIDDEN), dtype=jnp.float32)
    sorted_indices = jax.random.randint(k2, (NUM_PERMUTED,), 0, NUM_TOKENS, dtype=jnp.int64 if jax.config.jax_enable_x64 else jnp.int32)
    return {"permuted_tokens": permuted_tokens, "sorted_indices": sorted_indices}

def reference(permuted_tokens, sorted_indices):
    # TurboTokenUnpermuter.forward with probs=None, drop_and_pad=False, permute_fusion=False
    # restore_shape = (NUM_TOKENS, HIDDEN) closed over as a constant.
    input_dtype = permuted_tokens.dtype
    output_tokens = jnp.zeros((NUM_TOKENS, HIDDEN), dtype=permuted_tokens.dtype)
    # torch: output_tokens.scatter_add_(0, sorted_indices.unsqueeze(1).expand(-1, hidden), permuted_tokens)
    output_tokens = output_tokens.at[sorted_indices].add(permuted_tokens)
    return output_tokens.astype(input_dtype)

if __name__ == "__main__":
    import jax
    _d = setup_inputs()
    print(jax.jit(kernel)(*tuple(_d.values())))

</pallas_src>

<mosaic_0001>
#map = affine_map<(d0, d1) -> (0, 0)>
#map1 = affine_map<(d0, d1) -> (0, 0, 0)>
module attributes {stable_mosaic.version = 14 : i64} {
  func.func @_body(%arg0: i32, %arg1: i32, %arg2: memref<16384x1024xf32, #tpu.memory_space<hbm>>, %arg3: memref<16x8x128xi32, #tpu.memory_space<hbm>>, %arg4: memref<8192x1024xf32, #tpu.memory_space<hbm>>, %arg5: memref<8x128xi32, #tpu.memory_space<vmem>>, %arg6: memref<3x128x128xf32, #tpu.memory_space<vmem>>, %arg7: memref<64x128xf32, #tpu.memory_space<vmem>>, %arg8: memref<8192x128xf32, #tpu.memory_space<vmem_shared>>, %arg9: memref<3x!tpu.dma_semaphore, #tpu.memory_space<semaphore_mem>>, %arg10: memref<3x!tpu.dma_semaphore, #tpu.memory_space<semaphore_mem>>, %arg11: memref<!tpu.dma_semaphore, #tpu.memory_space<semaphore_mem>>, %arg12: memref<2x!tpu.dma_semaphore, #tpu.memory_space<semaphore_mem>>) attributes {dimension_semantics = [#tpu.dimension_semantics<core_parallel>, #tpu.dimension_semantics<subcore_parallel>], iteration_bounds = array<i64: 2, 16>, scalar_prefetch = 0 : i64, scratch_operands = 8 : i64, tpu.core_type = #tpu.core_type<sc_vector_subcore>, window_params = [{transform_indices = #map}, {transform_indices = #map1}, {transform_indices = #map}]} {
    %scan3A = arith.constant 0 : i32
    %scan3A_0 = arith.constant 0 : i32
    %scan3A_1 = arith.constant 512 : i32
    %scan3A_2 = arith.addi %scan3A_0, %scan3A_1 : i32
    %scan3A_3 = arith.constant 1 : i32
    scf.for %scan3A_2786 = %scan3A_0 to %scan3A_2 step %scan3A_3  : i32 {
      %jit3A = arith.constant 8 : i32
      %div3A = arith.divsi %scan3A_2786, %jit3A : i32
      %sign3A = arith.constant 0 : i32
      %sign3A_2787 = arith.cmpi sgt, %scan3A_2786, %sign3A : i32
      %sign3A_2788 = arith.extui %sign3A_2787 : i1 to i32
      %sign3A_2789 = arith.constant 0 : i32
      %sign3A_2790 = arith.cmpi slt, %scan3A_2786, %sign3A_2789 : i32
      %sign3A_2791 = arith.extui %sign3A_2790 : i1 to i32
      %sign3A_2792 = arith.subi %sign3A_2788, %sign3A_2791 : i32
      %sign3A_2793 = arith.constant 0 : i32
      %sign3A_2794 = arith.cmpi sgt, %jit3A, %sign3A_2793 : i32
      %sign3A_2795 = arith.extui %sign3A_2794 : i1 to i32
      %sign3A_2796 = arith.constant 0 : i32
      %sign3A_2797 = arith.cmpi slt, %jit3A, %sign3A_2796 : i32
      %sign3A_2798 = arith.extui %sign3A_2797 : i1 to i32
      %sign3A_2799 = arith.subi %sign3A_2795, %sign3A_2798 : i32
      %ne3A = arith.cmpi ne, %sign3A_2792, %sign3A_2799 : i32
      %rem3A = arith.remsi %scan3A_2786, %jit3A : i32
      %ne3A_2800 = arith.constant 0 : i32
      %ne3A_2801 = arith.cmpi ne, %rem3A, %ne3A_2800 : i32
      %and3A = arith.andi %ne3A, %ne3A_2801 : i1
      %sub3A = arith.constant 1 : i32
      %sub3A_2802 = arith.subi %div3A, %sub3A : i32
      %select_n3A = arith.select %and3A, %sub3A_2802, %div3A : i32
      %jit3A_2803 = arith.constant 8 : i32
      %eq3A = arith.constant 0 : i32
      %eq3A_2804 = arith.cmpi eq, %jit3A_2803, %eq3A : i32
      %jit3A_2805 = arith.constant 1 : i32
      %select_n3A_2806 = arith.select %eq3A_2804, %jit3A_2805, %jit3A_2803 : i32
      %rem3A_2807 = arith.remsi %scan3A_2786, %select_n3A_2806 : i32
      %ne3A_2808 = arith.constant 0 : i32
      %ne3A_2809 = arith.cmpi ne, %rem3A_2807, %ne3A_2808 : i32
      %lt3A = arith.constant 0 : i32
      %lt3A_2810 = arith.cmpi slt, %rem3A_2807, %lt3A : i32
      %lt3A_2811 = arith.constant 0 : i32
      %lt3A_2812 = arith.cmpi slt, %select_n3A_2806, %lt3A_2811 : i32
      %ne3A_2813 = arith.xori %lt3A_2810, %lt3A_2812 : i1
      %and3A_2814 = arith.andi %ne3A_2813, %ne3A_2809 : i1
      %add3A_2815 = arith.addi %rem3A_2807, %select_n3A_2806 : i32
      %select_n3A_2816 = arith.select %and3A_2814, %add3A_2815, %rem3A_2807 : i32
      %mul3A_2817 = arith.constant 16 : i32
      %mul3A_2818 = arith.muli %select_n3A_2816, %mul3A_2817 : i32
      %broadcast_in_dim3A = arith.constant 0.000000e+00 : f32
      %broadcast_in_dim3A_2819 = vector.broadcast %broadcast_in_dim3A : f32 to vector<16xf32>
      %swap3A = arith.index_cast %select_n3A : i32 to index
      %swap3A_2820 = arith.index_cast %mul3A_2818 : i32 to index
      %swap3A_2821 = tpu.vector_load %arg7[%swap3A, %swap3A_2820] {strides = array<i32>} : memref<64x128xf32, #tpu.memory_space<vmem>>, vector<1x16xf32>,
      %swap3A_2822 = vector.shape_cast %swap3A_2821 : vector<1x16xf32> to vector<16xf32>
      %swap3A_2823 = vector.shape_cast %broadcast_in_dim3A_2819 : vector<16xf32> to vector<1x16xf32>
      tpu.vector_store %arg7[%swap3A, %swap3A_2820], %swap3A_2823 {strides = array<i32>} : memref<64x128xf32, #tpu.memory_space<vmem>>, vector<1x16xf32>,
    }
    %scan3A_4 = arith.constant 512 : i32
    %mul3A = arith.constant 512 : i32
    %mul3A_5 = arith.muli %arg1, %mul3A : i32
    %multiple_of3A = tpu.assume_multiple %mul3A_5, 512 : i32
    %mul3A_6 = arith.constant 512 : i32
    %mul3A_7 = arith.muli %arg1, %mul3A_6 : i32
    %add3A = arith.constant 0 : i32
    %add3A_8 = arith.addi %mul3A_7, %add3A : i32
    %add3A_9 = arith.constant 0 : i32
    %add3A_10 = arith.addi %add3A_8, %add3A_9 : i32
    %dma_start3A = arith.constant 0 : i32
    %dma_start3A_11 = tpu.memref_slice %arg8[%add3A_10, %dma_start3A] : memref<8192x128xf32, #tpu.memory_space<vmem_shared>> -> memref<64x128xf32, #tpu.memory_space<vmem_shared>>
    %dma_start3A_12 = arith.constant 0 : i32
    %dma_start3A_13 = tpu.memref_slice %arg8[%add3A_10, %dma_start3A_12] : memref<8192x128xf32, #tpu.memory_space<vmem_shared>> -> memref<64x128xf32, #tpu.memory_space<vmem_shared>>
    tpu.enqueue_dma source(%arg7 : memref<64x128xf32, #tpu.memory_space<vmem>>) target(%dma_start3A_13 : memref<64x128xf32, #tpu.memory_space<vmem_shared>>) target_semaphore(%arg11 : memref<!tpu.dma_semaphore, #tpu.memory_space<semaphore_mem>>)
    %add3A_14 = arith.constant 64 : i32
    %add3A_15 = arith.addi %add3A_8, %add3A_14 : i32
    %dma_start3A_16 = arith.constant 0 : i32
    %dma_start3A_17 = tpu.memref_slice %arg8[%add3A_15, %dma_start3A_16] : memref<8192x128xf32, #tpu.memory_space<vmem_shared>> -> memref<64x128xf32, #tpu.memory_space<vmem_shared>>
    %dma_start3A_18 = arith.constant 0 : i32
    %dma_start3A_19 = tpu.memref_slice %arg8[%add3A_15, %dma_start3A_18] : memref<8192x128xf32, #tpu.memory_space<vmem_shared>> -> memref<64x128xf32, #tpu.memory_space<vmem_shared>>
    tpu.enqueue_dma source(%arg7 : memref<64x128xf32, #tpu.memory_space<vmem>>) target(%dma_start3A_19 : memref<64x128xf32, #tpu.memory_space<vmem_shared>>) target_semaphore(%arg11 : memref<!tpu.dma_semaphore, #tpu.memory_space<semaphore_mem>>)
    %add3A_20 = arith.constant 128 : i32
    %add3A_21 = arith.addi %add3A_8, %add3A_20 : i32
    %dma_start3A_22 = arith.constant 0 : i32
    %dma_start3A_23 = tpu.memref_slice %arg8[%add3A_21, %dma_start3A_22] : memref<8192x128xf32, #tpu.memory_space<vmem_shared>> -> memref<64x128xf32, #tpu.memory_space<vmem_shared>>
    %dma_start3A_24 = arith.constant 0 : i32
    %dma_start3A_25 = tpu.memref_slice %arg8[%add3A_21, %dma_start3A_24] : memref<8192x128xf32, #tpu.memory_space<vmem_shared>> -> memref<64x128xf32, #tpu.memory_space<vmem_shared>>
    tpu.enqueue_dma source(%arg7 : memref<64x128xf32, #tpu.memory_space<vmem>>) target(%dma_start3A_25 : memref<64x128xf32, #tpu.memory_space<vmem_shared>>) target_semaphore(%arg11 : memref<!tpu.dma_semaphore, #tpu.memory_space<semaphore_mem>>)
    %add3A_26 = arith.constant 192 : i32
    %add3A_27 = arith.addi %add3A_8, %add3A_26 : i32
    %dma_start3A_28 = arith.constant 0 : i32
    %dma_start3A_29 = tpu.memref_slice %arg8[%add3A_27, %dma_start3A_28] : memref<8192x128xf32, #tpu.memory_space<vmem_shared>> -> memref<64x128xf32, #tpu.memory_space<vmem_shared>>
    %dma_start3A_30 = arith.constant 0 : i32
    %dma_start3A_31 = tpu.memref_slice %arg8[%add3A_27, %dma_start3A_30] : memref<8192x128xf32, #tpu.memory_space<vmem_shared>> -> memref<64x128xf32, #tpu.memory_space<vmem_shared>>
    tpu.enqueue_dma source(%arg7 : memref<64x128xf32, #tpu.memory_space<vmem>>) target(%dma_start3A_31 : memref<64x128xf32, #tpu.memory_space<vmem_shared>>) target_semaphore(%arg11 : memref<!tpu.dma_semaphore, #tpu.memory_space<semaphore_mem>>)
    %mul3A_32 = arith.constant 512 : i32
    %mul3A_33 = arith.muli %arg1, %mul3A_32 : i32
    %add3A_34 = arith.constant 256 : i32
    %add3A_35 = arith.addi %mul3A_33, %add3A_34 : i32
    %add3A_36 = arith.constant 0 : i32
    %add3A_37 = arith.addi %add3A_35, %add3A_36 : i32
    %dma_start3A_38 = arith.constant 0 : i32
    %dma_start3A_39 = tpu.memref_slice %arg8[%add3A_37, %dma_start3A_38] : memref<8192x128xf32, #tpu.memory_space<vmem_shared>> -> memref<64x128xf32, #tpu.memory_space<vmem_shared>>
    %dma_start3A_40 = arith.constant 0 : i32
    %dma_start3A_41 = tpu.memref_slice %arg8[%add3A_37, %dma_start3A_40] : memref<8192x128xf32, #tpu.memory_space<vmem_shared>> -> memref<64x128xf32, #tpu.memory_space<vmem_shared>>
    tpu.enqueue_dma source(%arg7 : memref<64x128xf32, #tpu.memory_space<vmem>>) target(%dma_start3A_41 : memref<64x128xf32, #tpu.memory_space<vmem_shared>>) target_semaphore(%arg11 : memref<!tpu.dma_semaphore, #tpu.memory_space<semaphore_mem>>)
    %add3A_42 = arith.constant 64 : i32
    %add3A_43 = arith.addi %add3A_35, %add3A_42 : i32
    %dma_start3A_44 = arith.constant 0 : i32
    %dma_start3A_45 = tpu.memref_slice %arg8[%add3A_43, %dma_start3A_44] : memref<8192x128xf32, #tpu.memory_space<vmem_shared>> -> memref<64x128xf32, #tpu.memory_space<vmem_shared>>
    %dma_start3A_46 = arith.constant 0 : i32
    %dma_start3A_47 = tpu.memref_slice %arg8[%add3A_43, %dma_start3A_46] : memref<8192x128xf32, #tpu.memory_space<vmem_shared>> -> memref<64x128xf32, #tpu.memory_space<vmem_shared>>
    tpu.enqueue_dma source(%arg7 : memref<64x128xf32, #tpu.memory_space<vmem>>) target(%dma_start3A_47 : memref<64x128xf32, #tpu.memory_space<vmem_shared>>) target_semaphore(%arg11 : memref<!tpu.dma_semaphore, #tpu.memory_space<semaphore_mem>>)
    %add3A_48 = arith.constant 128 : i32
    %add3A_49 = arith.addi %add3A_35, %add3A_48 : i32
    %dma_start3A_50 = arith.constant 0 : i32
    %dma_start3A_51 = tpu.memref_slice %arg8[%add3A_49, %dma_start3A_50] : memref<8192x128xf32, #tpu.memory_space<vmem_shared>> -> memref<64x128xf32, #tpu.memory_space<vmem_shared>>
    %dma_start3A_52 = arith.constant 0 : i32
    %dma_start3A_53 = tpu.memref_slice %arg8[%add3A_49, %dma_start3A_52] : memref<8192x128xf32, #tpu.memory_space<vmem_shared>> -> memref<64x128xf32, #tpu.memory_space<vmem_shared>>
    tpu.enqueue_dma source(%arg7 : memref<64x128xf32, #tpu.memory_space<vmem>>) target(%dma_start3A_53 : memref<64x128xf32, #tpu.memory_space<vmem_shared>>) target_semaphore(%arg11 : memref<!tpu.dma_semaphore, #tpu.memory_space<semaphore_mem>>)
    %add3A_54 = arith.constant 192 : i32
    %add3A_55 = arith.addi %add3A_35, %add3A_54 : i32
    %dma_start3A_56 = arith.constant 0 : i32
    %dma_start3A_57 = tpu.memref_slice %arg8[%add3A_55, %dma_start3A_56] : memref<8192x128xf32, #tpu.memory_space<vmem_shared>> -> memref<64x128xf32, #tpu.memory_space<vmem_shared>>
    %dma_start3A_58 = arith.constant 0 : i32
    %dma_start3A_59 = tpu.memref_slice %arg8[%add3A_55, %dma_start3A_58] : memref<8192x128xf32, #tpu.memory_space<vmem_shared>> -> memref<64x128xf32, #tpu.memory_space<vmem_shared>>
    tpu.enqueue_dma source(%arg7 : memref<64x128xf32, #tpu.memory_space<vmem>>) target(%dma_start3A_59 : memref<64x128xf32, #tpu.memory_space<vmem_shared>>) target_semaphore(%arg11 : memref<!tpu.dma_semaphore, #tpu.memory_space<semaphore_mem>>)
    %mul3A_60 = arith.constant 1024 : i32
    %mul3A_61 = arith.muli %arg1, %mul3A_60 : i32
    %add3A_62 = arith.constant 0 : i32
    %add3A_63 = arith.addi %mul3A_61, %add3A_62 : i32
    %multiple_of3A_64 = tpu.assume_multiple %add3A_63, 128 : i32
    %mul3A_65 = arith.constant 4 : i32
    %mul3A_66 = arith.muli %arg0, %mul3A_65 : i32
    %add3A_67 = arith.constant 0 : i32
    %add3A_68 = arith.addi %mul3A_66, %add3A_67 : i32
    %mul3A_69 = arith.constant 128 : i32
    %mul3A_70 = arith.muli %add3A_68, %mul3A_69 : i32
    %multiple_of3A_71 = tpu.assume_multiple %mul3A_70, 128 : i32
    %dma_start3A_72 = arith.constant 0 : i32
    %dma_start3A_73 = arith.constant 0 : i32
    %dma_start3A_74 = arith.constant 0 : i32
    %dma_start3A_75 = arith.constant 0 : i32
    %dma_start3A_76 = tpu.memref_slice %arg6[%dma_start3A_72, %dma_start3A_74, %dma_start3A_75] : memref<3x128x128xf32, #tpu.memory_space<vmem>> -> memref<1x128x128xf32, #tpu.memory_space<vmem>>
    %dma_start3A_77 = tpu.memref_squeeze %dma_start3A_76 : memref<1x128x128xf32, #tpu.memory_space<vmem>> -> memref<128x128xf32, #tpu.memory_space<vmem>>
    %dma_start3A_78 = tpu.memref_slice %arg2[%multiple_of3A_64, %multiple_of3A_71] : memref<16384x1024xf32, #tpu.memory_space<hbm>> -> memref<128x128xf32, #tpu.memory_space<hbm>>
    %dma_start3A_79 = tpu.memref_slice %arg9[%dma_start3A_73] : memref<3x!tpu.dma_semaphore, #tpu.memory_space<semaphore_mem>> -> memref<1x!tpu.dma_semaphore, #tpu.memory_space<semaphore_mem>>
    %dma_start3A_80 = tpu.memref_squeeze %dma_start3A_79 : memref<1x!tpu.dma_semaphore, #tpu.memory_space<semaphore_mem>> -> memref<!tpu.dma_semaphore, #tpu.memory_space<semaphore_mem>>
    %dma_start3A_81 = arith.constant 0 : i32
    %dma_start3A_82 = arith.constant 0 : i32
    %dma_start3A_83 = tpu.memref_slice %arg6[%dma_start3A_72, %dma_start3A_81, %dma_start3A_82] : memref<3x128x128xf32, #tpu.memory_space<vmem>> -> memref<1x128x128xf32, #tpu.memory_space<vmem>>
    %dma_start3A_84 = tpu.memref_squeeze %dma_start3A_83 : memref<1x128x128xf32, #tpu.memory_space<vmem>> -> memref<128x128xf32, #tpu.memory_space<vmem>>
    %dma_start3A_85 = tpu.memref_slice %arg2[%multiple_of3A_64, %multiple_of3A_71] : memref<16384x1024xf32, #tpu.memory_space<hbm>> -> memref<128x128xf32, #tpu.memory_space<hbm>>
    tpu.enqueue_dma source(%dma_start3A_85 : memref<128x128xf32, #tpu.memory_space<hbm>>) target(%dma_start3A_84 : memref<128x128xf32, #tpu.memory_space<vmem>>) target_semaphore(%dma_start3A_80 : memref<!tpu.dma_semaphore, #tpu.memory_space<semaphore_mem>>)
    %mul3A_86 = arith.constant 1024 : i32
    %mul3A_87 = arith.muli %arg1, %mul3A_86 : i32
    %add3A_88 = arith.constant 128 : i32
    %add3A_89 = arith.addi %mul3A_87, %add3A_88 : i32
    %multiple_of3A_90 = tpu.assume_multiple %add3A_89, 128 : i32
    %mul3A_91 = arith.constant 4 : i32
    %mul3A_92 = arith.muli %arg0, %mul3A_91 : i32
    %add3A_93 = arith.constant 0 : i32
    %add3A_94 = arith.addi %mul3A_92, %add3A_93 : i32
    %mul3A_95 = arith.constant 128 : i32
    %mul3A_96 = arith.muli %add3A_94, %mul3A_95 : i32
    %multiple_of3A_97 = tpu.assume_multiple %mul3A_96, 128 : i32
    %dma_start3A_98 = arith.constant 1 : i32
    %dma_start3A_99 = arith.constant 1 : i32
    %dma_start3A_100 = arith.constant 0 : i32
    %dma_start3A_101 = arith.constant 0 : i32
    %dma_start3A_102 = tpu.memref_slice %arg6[%dma_start3A_98, %dma_start3A_100, %dma_start3A_101] : memref<3x128x128xf32, #tpu.memory_space<vmem>> -> memref<1x128x128xf32, #tpu.memory_space<vmem>>
    %dma_start3A_103 = tpu.memref_squeeze %dma_start3A_102 : memref<1x128x128xf32, #tpu.memory_space<vmem>> -> memref<128x128xf32, #tpu.memory_space<vmem>>
    %dma_start3A_104 = tpu.memref_slice %arg2[%multiple_of3A_90, %multiple_of3A_97] : memref<16384x1024xf32, #tpu.memory_space<hbm>> -> memref<128x128xf32, #tpu.memory_space<hbm>>
    %dma_start3A_105 = tpu.memref_slice %arg9[%dma_start3A_99] : memref<3x!tpu.dma_semaphore, #tpu.memory_space<semaphore_mem>> -> memref<1x!tpu.dma_semaphore, #tpu.memory_space<semaphore_mem>>
    %dma_start3A_106 = tpu.memref_squeeze %dma_start3A_105 : memref<1x!tpu.dma_semaphore, #tpu.memory_space<semaphore_mem>> -> memref<!tpu.dma_semaphore, #tpu.memory_space<semaphore_mem>>
    %dma_start3A_107 = arith.constant 0 : i32
    %dma_start3A_108 = arith.constant 0 : i32
    %dma_start3A_109 = tpu.memref_slice %arg6[%dma_start3A_98, %dma_start3A_107, %dma_start3A_108] : memref<3x128x128xf32, #tpu.memory_space<vmem>> -> memref<1x128x128xf32, #tpu.memory_space<vmem>>
    %dma_start3A_110 = tpu.memref_squeeze %dma_start3A_109 : memref<1x128x128xf32, #tpu.memory_space<vmem>> -> memref<128x128xf32, #tpu.memory_space<vmem>>
    %dma_start3A_111 = tpu.memref_slice %arg2[%multiple_of3A_90, %multiple_of3A_97] : memref<16384x1024xf32, #tpu.memory_space<hbm>> -> memref<128x128xf32, #tpu.memory_space<hbm>>
    tpu.enqueue_dma source(%dma_start3A_111 : memref<128x128xf32, #tpu.memory_space<hbm>>) target(%dma_start3A_110 : memref<128x128xf32, #tpu.memory_space<vmem>>) target_semaphore(%dma_start3A_106 : memref<!tpu.dma_semaphore, #tpu.memory_space<semaphore_mem>>)
    %mul3A_112 = arith.constant 1024 : i32
    %mul3A_113 = arith.muli %arg1, %mul3A_112 : i32
    %add3A_114 = arith.constant 256 : i32
    %add3A_115 = arith.addi %mul3A_113, %add3A_114 : i32
    %multiple_of3A_116 = tpu.assume_multiple %add3A_115, 128 : i32
    %mul3A_117 = arith.constant 4 : i32
    %mul3A_118 = arith.muli %arg0, %mul3A_117 : i32
    %add3A_119 = arith.constant 0 : i32
    %add3A_120 = arith.addi %mul3A_118, %add3A_119 : i32
    %mul3A_121 = arith.constant 128 : i32
    %mul3A_122 = arith.muli %add3A_120, %mul3A_121 : i32
    %multiple_of3A_123 = tpu.assume_multiple %mul3A_122, 128 : i32
    %dma_start3A_124 = arith.constant 2 : i32
    %dma_start3A_125 = arith.constant 2 : i32
    %dma_start3A_126 = arith.constant 0 : i32
    %dma_start3A_127 = arith.constant 0 : i32
    %dma_start3A_128 = tpu.memref_slice %arg6[%dma_start3A_124, %dma_start3A_126, %dma_start3A_127] : memref<3x128x128xf32, #tpu.memory_space<vmem>> -> memref<1x128x128xf32, #tpu.memory_space<vmem>>
    %dma_start3A_129 = tpu.memref_squeeze %dma_start3A_128 : memref<1x128x128xf32, #tpu.memory_space<vmem>> -> memref<128x128xf32, #tpu.memory_space<vmem>>
    %dma_start3A_130 = tpu.memref_slice %arg2[%multiple_of3A_116, %multiple_of3A_123] : memref<16384x1024xf32, #tpu.memory_space<hbm>> -> memref<128x128xf32, #tpu.memory_space<hbm>>
    %dma_start3A_131 = tpu.memref_slice %arg9[%dma_start3A_125] : memref<3x!tpu.dma_semaphore, #tpu.memory_space<semaphore_mem>> -> memref<1x!tpu.dma_semaphore, #tpu.memory_space<semaphore_mem>>
    %dma_start3A_132 = tpu.memref_squeeze %dma_start3A_131 : memref<1x!tpu.dma_semaphore, #tpu.memory_space<semaphore_mem>> -> memref<!tpu.dma_semaphore, #tpu.memory_space<semaphore_mem>>
    %dma_start3A_133 = arith.constant 0 : i32
    %dma_start3A_134 = arith.constant 0 : i32
    %dma_start3A_135 = tpu.memref_slice %arg6[%dma_start3A_124, %dma_start3A_133, %dma_start3A_134] : memref<3x128x128xf32, #tpu.memory_space<vmem>> -> memref<1x128x128xf32, #tpu.memory_space<vmem>>
    %dma_start3A_136 = tpu.memref_squeeze %dma_start3A_135 : memref<1x128x128xf32, #tpu.memory_space<vmem>> -> memref<128x128xf32, #tpu.memory_space<vmem>>
    %dma_start3A_137 = tpu.memref_slice %arg2[%multiple_of3A_116, %multiple_of3A_123] : memref<16384x1024xf32, #tpu.memory_space<hbm>> -> memref<128x128xf32, #tpu.memory_space<hbm>>
    tpu.enqueue_dma source(%dma_start3A_137 : memref<128x128xf32, #tpu.memory_space<hbm>>) target(%dma_start3A_136 : memref<128x128xf32, #tpu.memory_space<vmem>>) target_semaphore(%dma_start3A_132 : memref<!tpu.dma_semaphore, #tpu.memory_space<semaphore_mem>>)
    "tpu.region"() ({
      %run_scoped3A = tpu.sem_alloc : memref<!tpu.dma_semaphore, #tpu.memory_space<semaphore_mem>>
      %dma_start3A_2786 = arith.constant 0 : i32
      %dma_start3A_2787 = arith.constant 0 : i32
      %dma_start3A_2788 = tpu.memref_slice %arg3[%arg1, %dma_start3A_2786, %dma_start3A_2787] : memref<16x8x128xi32, #tpu.memory_space<hbm>> -> memref<1x8x128xi32, #tpu.memory_space<hbm>>
      %dma_start3A_2789 = tpu.memref_squeeze %dma_start3A_2788 : memref<1x8x128xi32, #tpu.memory_space<hbm>> -> memref<8x128xi32, #tpu.memory_space<hbm>>
      %dma_start3A_2790 = arith.constant 0 : i32
      %dma_start3A_2791 = arith.constant 0 : i32
      %dma_start3A_2792 = tpu.memref_slice %arg3[%arg1, %dma_start3A_2790, %dma_start3A_2791] : memref<16x8x128xi32, #tpu.memory_space<hbm>> -> memref<1x8x128xi32, #tpu.memory_space<hbm>>
      %dma_start3A_2793 = tpu.memref_squeeze %dma_start3A_2792 : memref<1x8x128xi32, #tpu.memory_space<hbm>> -> memref<8x128xi32, #tpu.memory_space<hbm>>
      tpu.enqueue_dma source(%dma_start3A_2793 : memref<8x128xi32, #tpu.memory_space<hbm>>) target(%arg5 : memref<8x128xi32, #tpu.memory_space<vmem>>) target_semaphore(%run_scoped3A : memref<!tpu.dma_semaphore, #tpu.memory_space<semaphore_mem>>)
      %dma_wait3A_2794 = arith.constant 0 : i32
      %dma_wait3A_2795 = arith.constant 0 : i32
      %dma_wait3A_2796 = tpu.memref_slice %arg3[%arg1, %dma_wait3A_2794, %dma_wait3A_2795] : memref<16x8x128xi32, #tpu.memory_space<hbm>> -> memref<1x8x128xi32, #tpu.memory_space<hbm>>
      %dma_wait3A_2797 = tpu.memref_squeeze %dma_wait3A_2796 : memref<1x8x128xi32, #tpu.memory_space<hbm>> -> memref<8x128xi32, #tpu.memory_space<hbm>>
      %dma_wait3A_2798 = arith.constant 0 : i32
      %dma_wait3A_2799 = arith.constant 0 : i32
      %dma_wait3A_2800 = tpu.memref_slice %arg3[%arg1, %dma_wait3A_2798, %dma_wait3A_2799] : memref<16x8x128xi32, #tpu.memory_space<hbm>> -> memref<1x8x128xi32, #tpu.memory_space<hbm>>
      %dma_wait3A_2801 = tpu.memref_squeeze %dma_wait3A_2800 : memref<1x8x128xi32, #tpu.memory_space<hbm>> -> memref<8x128xi32, #tpu.memory_space<hbm>>
      tpu.wait_dma2 semaphore(%run_scoped3A : memref<!tpu.dma_semaphore, #tpu.memory_space<semaphore_mem>>) src(%dma_wait3A_2801 : memref<8x128xi32, #tpu.memory_space<hbm>>) dst(%arg5 : memref<8x128xi32, #tpu.memory_space<vmem>>)
      tpu.yield
    }) : () -> ()
    %dma_wait3A = arith.constant 0 : i32
    %dma_wait3A_138 = tpu.memref_slice %arg8[%add3A_10, %dma_wait3A] : memref<8192x128xf32, #tpu.memory_space<vmem_shared>> -> memref<64x128xf32, #tpu.memory_space<vmem_shared>>
    %dma_wait3A_139 = arith.constant 0 : i32
    %dma_wait3A_140 = tpu.memref_slice %arg8[%add3A_10, %dma_wait3A_139] : memref<8192x128xf32, #tpu.memory_space<vmem_shared>> -> memref<64x128xf32, #tpu.memory_space<vmem_shared>>
    tpu.wait_dma2 semaphore(%arg11 : memref<!tpu.dma_semaphore, #tpu.memory_space<semaphore_mem>>) src(%arg7 : memref<64x128xf32, #tpu.memory_space<vmem>>) dst(%dma_wait3A_140 : memref<64x128xf32, #tpu.memory_space<vmem_shared>>)
    %dma_wait3A_141 = arith.constant 0 : i32
    %dma_wait3A_142 = tpu.memref_slice %arg8[%add3A_15, %dma_wait3A_141] : memref<8192x128xf32, #tpu.memory_space<vmem_shared>> -> memref<64x128xf32, #tpu.memory_space<vmem_shared>>
    %dma_wait3A_143 = arith.constant 0 : i32
    %dma_wait3A_144 = tpu.memref_slice %arg8[%add3A_15, %dma_wait3A_143] : memref<8192x128xf32, #tpu.memory_space<vmem_shared>> -> memref<64x128xf32, #tpu.memory_space<vmem_shared>>
    tpu.wait_dma2 semaphore(%arg11 : memref<!tpu.dma_semaphore, #tpu.memory_space<semaphore_mem>>) src(%arg7 : memref<64x128xf32, #tpu.memory_space<vmem>>) dst(%dma_wait3A_144 : memref<64x128xf32, #tpu.memory_space<vmem_shared>>)
    %dma_wait3A_145 = arith.constant 0 : i32
    %dma_wait3A_146 = tpu.memref_slice %arg8[%add3A_21, %dma_wait3A_145] : memref<8192x128xf32, #tpu.memory_space<vmem_shared>> -> memref<64x128xf32, #tpu.memory_space<vmem_shared>>
    %dma_wait3A_147 = arith.constant 0 : i32
    %dma_wait3A_148 = tpu.memref_slice %arg8[%add3A_21, %dma_wait3A_147] : memref<8192x128xf32, #tpu.memory_space<vmem_shared>> -> memref<64x128xf32, #tpu.memory_space<vmem_shared>>
    tpu.wait_dma2 semaphore(%arg11 : memref<!tpu.dma_semaphore, #tpu.memory_space<semaphore_mem>>) src(%arg7 : memref<64x128xf32, #tpu.memory_space<vmem>>) dst(%dma_wait3A_148 : memref<64x128xf32, #tpu.memory_space<vmem_shared>>)
    %dma_wait3A_149 = arith.constant 0 : i32
    %dma_wait3A_150 = tpu.memref_slice %arg8[%add3A_27, %dma_wait3A_149] : memref<8192x128xf32, #tpu.memory_space<vmem_shared>> -> memref<64x128xf32, #tpu.memory_space<vmem_shared>>
    %dma_wait3A_151 = arith.constant 0 : i32
    %dma_wait3A_152 = tpu.memref_slice %arg8[%add3A_27, %dma_wait3A_151] : memref<8192x128xf32, #tpu.memory_space<vmem_shared>> -> memref<64x128xf32, #tpu.memory_space<vmem_shared>>
    tpu.wait_dma2 semaphore(%arg11 : memref<!tpu.dma_semaphore, #tpu.memory_space<semaphore_mem>>) src(%arg7 : memref<64x128xf32, #tpu.memory_space<vmem>>) dst(%dma_wait3A_152 : memref<64x128xf32, #tpu.memory_space<vmem_shared>>)
    %dma_wait3A_153 = arith.constant 0 : i32
    %dma_wait3A_154 = tpu.memref_slice %arg8[%add3A_37, %dma_wait3A_153] : memref<8192x128xf32, #tpu.memory_space<vmem_shared>> -> memref<64x128xf32, #tpu.memory_space<vmem_shared>>
    %dma_wait3A_155 = arith.constant 0 : i32
    %dma_wait3A_156 = tpu.memref_slice %arg8[%add3A_37, %dma_wait3A_155] : memref<8192x128xf32, #tpu.memory_space<vmem_shared>> -> memref<64x128xf32, #tpu.memory_space<vmem_shared>>
    tpu.wait_dma2 semaphore(%arg11 : memref<!tpu.dma_semaphore, #tpu.memory_space<semaphore_mem>>) src(%arg7 : memref<64x128xf32, #tpu.memory_space<vmem>>) dst(%dma_wait3A_156 : memref<64x128xf32, #tpu.memory_space<vmem_shared>>)
    %dma_wait3A_157 = arith.constant 0 : i32
    %dma_wait3A_158 = tpu.memref_slice %arg8[%add3A_43, %dma_wait3A_157] : memref<8192x128xf32, #tpu.memory_space<vmem_shared>> -> memref<64x128xf32, #tpu.memory_space<vmem_shared>>
    %dma_wait3A_159 = arith.constant 0 : i32
    %dma_wait3A_160 = tpu.memref_slice %arg8[%add3A_43, %dma_wait3A_159] : memref<8192x128xf32, #tpu.memory_space<vmem_shared>> -> memref<64x128xf32, #tpu.memory_space<vmem_shared>>
    tpu.wait_dma2 semaphore(%arg11 : memref<!tpu.dma_semaphore, #tpu.memory_space<semaphore_mem>>) src(%arg7 : memref<64x128xf32, #tpu.memory_space<vmem>>) dst(%dma_wait3A_160 : memref<64x128xf32, #tpu.memory_space<vmem_shared>>)
    %dma_wait3A_161 = arith.constant 0 : i32
    %dma_wait3A_162 = tpu.memref_slice %arg8[%add3A_49, %dma_wait3A_161] : memref<8192x128xf32, #tpu.memory_space<vmem_shared>> -> memref<64x128xf32, #tpu.memory_space<vmem_shared>>
    %dma_wait3A_163 = arith.constant 0 : i32
    %dma_wait3A_164 = tpu.memref_slice %arg8[%add3A_49, %dma_wait3A_163] : memref<8192x128xf32, #tpu.memory_space<vmem_shared>> -> memref<64x128xf32, #tpu.memory_space<vmem_shared>>
    tpu.wait_dma2 semaphore(%arg11 : memref<!tpu.dma_semaphore, #tpu.memory_space<semaphore_mem>>) src(%arg7 : memref<64x128xf32, #tpu.memory_space<vmem>>) dst(%dma_wait3A_164 : memref<64x128xf32, #tpu.memory_space<vmem_shared>>)
    %dma_wait3A_165 = arith.constant 0 : i32
    %dma_wait3A_166 = tpu.memref_slice %arg8[%add3A_55, %dma_wait3A_165] : memref<8192x128xf32, #tpu.memory_space<vmem_shared>> -> memref<64x128xf32, #tpu.memory_space<vmem_shared>>
    %dma_wait3A_167 = arith.constant 0 : i32
    %dma_wait3A_168 = tpu.memref_slice %arg8[%add3A_55, %dma_wait3A_167] : memref<8192x128xf32, #tpu.memory_space<vmem_shared>> -> memref<64x128xf32, #tpu.memory_space<vmem_shared>>
    tpu.wait_dma2 semaphore(%arg11 : memref<!tpu.dma_semaphore, #tpu.memory_space<semaphore_mem>>) src(%arg7 : memref<64x128xf32, #tpu.memory_space<vmem>>) dst(%dma_wait3A_168 : memref<64x128xf32, #tpu.memory_space<vmem_shared>>)
    %barrier3A = arith.constant 0 : index
    tpu.barrier barrier_id(%barrier3A)
    %dma_wait3A_169 = arith.constant 0 : i32
    %dma_wait3A_170 = arith.constant 0 : i32
    %dma_wait3A_171 = arith.constant 0 : i32
    %dma_wait3A_172 = arith.constant 0 : i32
    %dma_wait3A_173 = tpu.memref_slice %arg6[%dma_wait3A_169, %dma_wait3A_171, %dma_wait3A_172] : memref<3x128x128xf32, #tpu.memory_space<vmem>> -> memref<1x128x128xf32, #tpu.memory_space<vmem>>
    %dma_wait3A_174 = tpu.memref_squeeze %dma_wait3A_173 : memref<1x128x128xf32, #tpu.memory_space<vmem>> -> memref<128x128xf32, #tpu.memory_space<vmem>>
    %dma_wait3A_175 = tpu.memref_slice %arg2[%multiple_of3A_64, %multiple_of3A_71] : memref<16384x1024xf32, #tpu.memory_space<hbm>> -> memref<128x128xf32, #tpu.memory_space<hbm>>
    %dma_wait3A_176 = tpu.memref_slice %arg9[%dma_wait3A_170] : memref<3x!tpu.dma_semaphore, #tpu.memory_space<semaphore_mem>> -> memref<1x!tpu.dma_semaphore, #tpu.memory_space<semaphore_mem>>
    %dma_wait3A_177 = tpu.memref_squeeze %dma_wait3A_176 : memref<1x!tpu.dma_semaphore, #tpu.memory_space<semaphore_mem>> -> memref<!tpu.dma_semaphore, #tpu.memory_space<semaphore_mem>>
    %dma_wait3A_178 = arith.constant 0 : i32
    %dma_wait3A_179 = arith.constant 0 : i32
    %dma_wait3A_180 = tpu.memref_slice %arg6[%dma_wait3A_169, %dma_wait3A_178, %dma_wait3A_179] : memref<3x128x128xf32, #tpu.memory_space<vmem>> -> memref<1x128x128xf32, #tpu.memory_space<vmem>>
    %dma_wait3A_181 = tpu.memref_squeeze %dma_wait3A_180 : memref<1x128x128xf32, #tpu.memory_space<vmem>> -> memref<128x128xf32, #tpu.memory_space<vmem>>
    %dma_wait3A_182 = tpu.memref_slice %arg2[%multiple_of3A_64, %multiple_of3A_71] : memref<16384x1024xf32, #tpu.memory_space<hbm>> -> memref<128x128xf32, #tpu.memory_space<hbm>>
    tpu.wait_dma2 semaphore(%dma_wait3A_177 : memref<!tpu.dma_semaphore, #tpu.memory_space<semaphore_mem>>) src(%dma_wait3A_182 : memref<128x128xf32, #tpu.memory_space<hbm>>) dst(%dma_wait3A_181 : memref<128x128xf32, #tpu.memory_space<vmem>>)
    %dma_start3A_183 = arith.constant 0 : i32
    %dma_start3A_184 = arith.constant 0 : i32
    %dma_start3A_185 = arith.constant 0 : i32
    %dma_start3A_186 = arith.constant 0 : i32
    %dma_start3A_187 = arith.constant 0 : i32
    %dma_start3A_188 = tpu.memref_slice %arg6[%dma_start3A_183, %dma_start3A_186, %dma_start3A_187] : memref<3x128x128xf32, #tpu.memory_space<vmem>> -> memref<1x128x128xf32, #tpu.memory_space<vmem>>
    %dma_start3A_189 = tpu.memref_squeeze %dma_start3A_188 : memref<1x128x128xf32, #tpu.memory_space<vmem>> -> memref<128x128xf32, #tpu.memory_space<vmem>>
    %dma_start3A_190 = arith.constant 0 : i32
    %dma_start3A_191 = tpu.memref_slice %arg5[%dma_start3A_184, %dma_start3A_190] : memref<8x128xi32, #tpu.memory_space<vmem>> -> memref<1x128xi32, #tpu.memory_space<vmem>>
    %dma_start3A_192 = tpu.memref_squeeze %dma_start3A_191 : memref<1x128xi32, #tpu.memory_space<vmem>> -> memref<128xi32, #tpu.memory_space<vmem>>
    %dma_start3A_193 = arith.constant 0 : i32
    %dma_start3A_194 = arith.constant 0 : i32
    %dma_start3A_195 = tpu.memref_slice %arg8[%dma_start3A_193, %dma_start3A_194] : memref<8192x128xf32, #tpu.memory_space<vmem_shared>> -> memref<8192x128xf32, #tpu.memory_space<vmem_shared>>
    %dma_start3A_196 = tpu.memref_slice %arg10[%dma_start3A_185] : memref<3x!tpu.dma_semaphore, #tpu.memory_space<semaphore_mem>> -> memref<1x!tpu.dma_semaphore, #tpu.memory_space<semaphore_mem>>
    %dma_start3A_197 = tpu.memref_squeeze %dma_start3A_196 : memref<1x!tpu.dma_semaphore, #tpu.memory_space<semaphore_mem>> -> memref<!tpu.dma_semaphore, #tpu.memory_space<semaphore_mem>>
    tpu.enqueue_indirect_dma source(%dma_start3A_189 : memref<128x128xf32, #tpu.memory_space<vmem>>) target(%dma_start3A_195 : memref<8192x128xf32, #tpu.memory_space<vmem_shared>>) offsets(%dma_start3A_192 : memref<128xi32, #tpu.memory_space<vmem>>) semaphore(%dma_start3A_197 : memref<!tpu.dma_semaphore, #tpu.memory_space<semaphore_mem>>) {add = true}
    %dma_wait3A_198 = arith.constant 0 : i32
    %dma_wait3A_199 = arith.constant 0 : i32
    %dma_wait3A_200 = arith.constant 0 : i32
    %dma_wait3A_201 = arith.constant 0 : i32
    %dma_wait3A_202 = arith.constant 0 : i32
    %dma_wait3A_203 = tpu.memref_slice %arg6[%dma_wait3A_198, %dma_wait3A_201, %dma_wait3A_202] : memref<3x128x128xf32, #tpu.memory_space<vmem>> -> memref<1x128x128xf32, #tpu.memory_space<vmem>>
    %dma_wait3A_204 = tpu.memref_squeeze %dma_wait3A_203 : memref<1x128x128xf32, #tpu.memory_space<vmem>> -> memref<128x128xf32, #tpu.memory_space<vmem>>
    %dma_wait3A_205 = arith.constant 0 : i32
    %dma_wait3A_206 = tpu.memref_slice %arg5[%dma_wait3A_199, %dma_wait3A_205] : memref<8x128xi32, #tpu.memory_space<vmem>> -> memref<1x128xi32, #tpu.memory_space<vmem>>
    %dma_wait3A_207 = tpu.memref_squeeze %dma_wait3A_206 : memref<1x128xi32, #tpu.memory_space<vmem>> -> memref<128xi32, #tpu.memory_space<vmem>>
    %dma_wait3A_208 = arith.constant 0 : i32
    %dma_wait3A_209 = arith.constant 0 : i32
    %dma_wait3A_210 = tpu.memref_slice %arg8[%dma_wait3A_208, %dma_wait3A_209] : memref<8192x128xf32, #tpu.memory_space<vmem_shared>> -> memref<8192x128xf32, #tpu.memory_space<vmem_shared>>
    %dma_wait3A_211 = tpu.memref_slice %arg10[%dma_wait3A_200] : memref<3x!tpu.dma_semaphore, #tpu.memory_space<semaphore_mem>> -> memref<1x!tpu.dma_semaphore, #tpu.memory_space<semaphore_mem>>
    %dma_wait3A_212 = tpu.memref_squeeze %dma_wait3A_211 : memref<1x!tpu.dma_semaphore, #tpu.memory_space<semaphore_mem>> -> memref<!tpu.dma_semaphore, #tpu.memory_space<semaphore_mem>>
    tpu.wait_indirect_dma semaphore(%dma_wait3A_212 : memref<!tpu.dma_semaphore, #tpu.memory_space<semaphore_mem>>) src(%dma_wait3A_204 : memref<128x128xf32, #tpu.memory_space<vmem>>) dst(%dma_wait3A_210 : memref<8192x128xf32, #tpu.memory_space<vmem_shared>>)
    %mul3A_213 = arith.constant 1024 : i32
    %mul3A_214 = arith.muli %arg1, %mul3A_213 : i32
    %add3A_215 = arith.constant 384 : i32
    %add3A_216 = arith.addi %mul3A_214, %add3A_215 : i32
    %multiple_of3A_217 = tpu.assume_multiple %add3A_216, 128 : i32
    %mul3A_218 = arith.constant 4 : i32
    %mul3A_219 = arith.muli %arg0, %mul3A_218 : i32
    %add3A_220 = arith.constant 0 : i32
    %add3A_221 = arith.addi %mul3A_219, %add3A_220 : i32
    %mul3A_222 = arith.constant 128 : i32
    %mul3A_223 = arith.muli %add3A_221, %mul3A_222 : i32
    %multiple_of3A_224 = tpu.assume_multiple %mul3A_223, 128 : i32
    %dma_start3A_225 = arith.constant 0 : i32
    %dma_start3A_226 = arith.constant 0 : i32
    %dma_start3A_227 = arith.constant 0 : i32
    %dma_start3A_228 = arith.constant 0 : i32
    %dma_start3A_229 = tpu.memref_slice %arg6[%dma_start3A_225, %dma_start3A_227, %dma_start3A_228] : memref<3x128x128xf32, #tpu.memory_space<vmem>> -> memref<1x128x128xf32, #tpu.memory_space<vmem>>
    %dma_start3A_230 = tpu.memref_squeeze %dma_start3A_229 : memref<1x128x128xf32, #tpu.memory_space<vmem>> -> memref<128x128xf32, #tpu.memory_space<vmem>>
    %dma_start3A_231 = tpu.memref_slice %arg2[%multiple_of3A_217, %multiple_of3A_224] : memref<16384x1024xf32, #tpu.memory_space<hbm>> -> memref<128x128xf32, #tpu.memory_space<hbm>>
    %dma_start3A_232 = tpu.memref_slice %arg9[%dma_start3A_226] : memref<3x!tpu.dma_semaphore, #tpu.memory_space<semaphore_mem>> -> memref<1x!tpu.dma_semaphore, #tpu.memory_space<semaphore_mem>>
    %dma_start3A_233 = tpu.memref_squeeze %dma_start3A_232 : memref<1x!tpu.dma_semaphore, #tpu.memory_space<semaphore_mem>> -> memref<!tpu.dma_semaphore, #tpu.memory_space<semaphore_mem>>
    %dma_start3A_234 = arith.constant 0 : i32
    %dma_start3A_235 = arith.constant 0 : i32
    %dma_start3A_236 = tpu.memref_slice %arg6[%dma_start3A_225, %dma_start3A_234, %dma_start3A_235] : memref<3x128x128xf32, #tpu.memory_space<vmem>> -> memref<1x128x128xf32, #tpu.memory_space<vmem>>
    %dma_start3A_237 = tpu.memref_squeeze %dma_start3A_236 : memref<1x128x128xf32, #tpu.memory_space<vmem>> -> memref<128x128xf32, #tpu.memory_space<vmem>>
    %dma_start3A_238 = tpu.memref_slice %arg2[%multiple_of3A_217, %multiple_of3A_224] : memref<16384x1024xf32, #tpu.memory_space<hbm>> -> memref<128x128xf32, #tpu.memory_space<hbm>>
    tpu.enqueue_dma source(%dma_start3A_238 : memref<128x128xf32, #tpu.memory_space<hbm>>) target(%dma_start3A_237 : memref<128x128xf32, #tpu.memory_space<vmem>>) target_semaphore(%dma_start3A_233 : memref<!tpu.dma_semaphore, #tpu.memory_space<semaphore_mem>>)
    %dma_wait3A_239 = arith.constant 1 : i32
    %dma_wait3A_240 = arith.constant 1 : i32
    %dma_wait3A_241 = arith.constant 0 : i32
    %dma_wait3A_242 = arith.constant 0 : i32
    %dma_wait3A_243 = tpu.memref_slice %arg6[%dma_wait3A_239, %dma_wait3A_241, %dma_wait3A_242] : memref<3x128x128xf32, #tpu.memory_space<vmem>> -> memref<1x128x128xf32, #tpu.memory_space<vmem>>
    %dma_wait3A_244 = tpu.memref_squeeze %dma_wait3A_243 : memref<1x128x128xf32, #tpu.memory_space<vmem>> -> memref<128x128xf32, #tpu.memory_space<vmem>>
    %dma_wait3A_245 = tpu.memref_slice %arg2[%multiple_of3A_90, %multiple_of3A_97] : memref<16384x1024xf32, #tpu.memory_space<hbm>> -> memref<128x128xf32, #tpu.memory_space<hbm>>
    %dma_wait3A_246 = tpu.memref_slice %arg9[%dma_wait3A_240] : memref<3x!tpu.dma_semaphore, #tpu.memory_space<semaphore_mem>> -> memref<1x!tpu.dma_semaphore, #tpu.memory_space<semaphore_mem>>
    %dma_wait3A_247 = tpu.memref_squeeze %dma_wait3A_246 : memref<1x!tpu.dma_semaphore, #tpu.memory_space<semaphore_mem>> -> memref<!tpu.dma_semaphore, #tpu.memory_space<semaphore_mem>>
    %dma_wait3A_248 = arith.constant 0 : i32
    %dma_wait3A_249 = arith.constant 0 : i32
    %dma_wait3A_250 = tpu.memref_slice %arg6[%dma_wait3A_239, %dma_wait3A_248, %dma_wait3A_249] : memref<3x128x128xf32, #tpu.memory_space<vmem>> -> memref<1x128x128xf32, #tpu.memory_space<vmem>>
    %dma_wait3A_251 = tpu.memref_squeeze %dma_wait3A_250 : memref<1x128x128xf32, #tpu.memory_space<vmem>> -> memref<128x128xf32, #tpu.memory_space<vmem>>
    %dma_wait3A_252 = tpu.memref_slice %arg2[%multiple_of3A_90, %multiple_of3A_97] : memref<16384x1024xf32, #tpu.memory_space<hbm>> -> memref<128x128xf32, #tpu.memory_space<hbm>>
    tpu.wait_dma2 semaphore(%dma_wait3A_247 : memref<!tpu.dma_semaphore, #tpu.memory_space<semaphore_mem>>) src(%dma_wait3A_252 : memref<128x128xf32, #tpu.memory_space<hbm>>) dst(%dma_wait3A_251 : memref<128x128xf32, #tpu.memory_space<vmem>>)
    %dma_start3A_253 = arith.constant 1 : i32
    %dma_start3A_254 = arith.constant 1 : i32
    %dma_start3A_255 = arith.constant 1 : i32
    %dma_start3A_256 = arith.constant 0 : i32
    %dma_start3A_257 = arith.constant 0 : i32
    %dma_start3A_258 = tpu.memref_slice %arg6[%dma_start3A_253, %dma_start3A_256, %dma_start3A_257] : memref<3x128x128xf32, #tpu.memory_space<vmem>> -> memref<1x128x128xf32, #tpu.memory_space<vmem>>
    %dma_start3A_259 = tpu.memref_squeeze %dma_start3A_258 : memref<1x128x128xf32, #tpu.memory_space<vmem>> -> memref<128x128xf32, #tpu.memory_space<vmem>>
    %dma_start3A_260 = arith.constant 0 : i32
    %dma_start3A_261 = tpu.memref_slice %arg5[%dma_start3A_254, %dma_start3A_260] : memref<8x128xi32, #tpu.memory_space<vmem>> -> memref<1x128xi32, #tpu.memory_space<vmem>>
    %dma_start3A_262 = tpu.memref_squeeze %dma_start3A_261 : memref<1x128xi32, #tpu.memory_space<vmem>> -> memref<128xi32, #tpu.memory_space<vmem>>
    %dma_start3A_263 = arith.constant 0 : i32
    %dma_start3A_264 = arith.constant 0 : i32
    %dma_start3A_265 = tpu.memref_slice %arg8[%dma_start3A_263, %dma_start3A_264] : memref<8192x128xf32, #tpu.memory_space<vmem_shared>> -> memref<8192x128xf32, #tpu.memory_space<vmem_shared>>
    %dma_start3A_266 = tpu.memref_slice %arg10[%dma_start3A_255] : memref<3x!tpu.dma_semaphore, #tpu.memory_space<semaphore_mem>> -> memref<1x!tpu.dma_semaphore, #tpu.memory_space<semaphore_mem>>
    %dma_start3A_267 = tpu.memref_squeeze %dma_start3A_266 : memref<1x!tpu.dma_semaphore, #tpu.memory_space<semaphore_mem>> -> memref<!tpu.dma_semaphore, #tpu.memory_space<semaphore_mem>>
    tpu.enqueue_indirect_dma source(%dma_start3A_259 : memref<128x128xf32, #tpu.memory_space<vmem>>) target(%dma_start3A_265 : memref<8192x128xf32, #tpu.memory_space<vmem_shared>>) offsets(%dma_start3A_262 : memref<128xi32, #tpu.memory_space<vmem>>) semaphore(%dma_start3A_267 : memref<!tpu.dma_semaphore, #tpu.memory_space<semaphore_mem>>) {add = true}
    %dma_wait3A_268 = arith.constant 1 : i32
    %dma_wait3A_269 = arith.constant 1 : i32
    %dma_wait3A_270 = arith.constant 1 : i32
    %dma_wait3A_271 = arith.constant 0 : i32
    %dma_wait3A_272 = arith.constant 0 : i32
    %dma_wait3A_273 = tpu.memref_slice %arg6[%dma_wait3A_268, %dma_wait3A_271, %dma_wait3A_272] : memref<3x128x128xf32, #tpu.memory_space<vmem>> -> memref<1x128x128xf32, #tpu.memory_space<vmem>>
    %dma_wait3A_274 = tpu.memref_squeeze %dma_wait3A_273 : memref<1x128x128xf32, #tpu.memory_space<vmem>> -> memref<128x128xf32, #tpu.memory_space<vmem>>
    %dma_wait3A_275 = arith.constant 0 : i32
    %dma_wait3A_276 = tpu.memref_slice %arg5[%dma_wait3A_269, %dma_wait3A_275] : memref<8x128xi32, #tpu.memory_space<vmem>> -> memref<1x128xi32, #tpu.memory_space<vmem>>
    %dma_wait3A_277 = tpu.memref_squeeze %dma_wait3A_276 : memref<1x128xi32, #tpu.memory_space<vmem>> -> memref<128xi32, #tpu.memory_space<vmem>>
    %dma_wait3A_278 = arith.constant 0 : i32
    %dma_wait3A_279 = arith.constant 0 : i32
    %dma_wait3A_280 = tpu.memref_slice %arg8[%dma_wait3A_278, %dma_wait3A_279] : memref<8192x128xf32, #tpu.memory_space<vmem_shared>> -> memref<8192x128xf32, #tpu.memory_space<vmem_shared>>
    %dma_wait3A_281 = tpu.memref_slice %arg10[%dma_wait3A_270] : memref<3x!tpu.dma_semaphore, #tpu.memory_space<semaphore_mem>> -> memref<1x!tpu.dma_semaphore, #tpu.memory_space<semaphore_mem>>
    %dma_wait3A_282 = tpu.memref_squeeze %dma_wait3A_281 : memref<1x!tpu.dma_semaphore, #tpu.memory_space<semaphore_mem>> -> memref<!tpu.dma_semaphore, #tpu.memory_space<semaphore_mem>>
    tpu.wait_indirect_dma semaphore(%dma_wait3A_282 : memref<!tpu.dma_semaphore, #tpu.memory_space<semaphore_mem>>) src(%dma_wait3A_274 : memref<128x128xf32, #tpu.memory_space<vmem>>) dst(%dma_wait3A_280 : memref<8192x128xf32, #tpu.memory_space<vmem_shared>>)
    %mul3A_283 = arith.constant 1024 : i32
    %mul3A_284 = arith.muli %arg1, %mul3A_283 : i32
    %add3A_285 = arith.constant 512 : i32
    %add3A_286 = arith.addi %mul3A_284, %add3A_285 : i32
    %multiple_of3A_287 = tpu.assume_multiple %add3A_286, 128 : i32
    %mul3A_288 = arith.constant 4 : i32
    %mul3A_289 = arith.muli %arg0, %mul3A_288 : i32
    %add3A_290 = arith.constant 0 : i32
    %add3A_291 = arith.addi %mul3A_289, %add3A_290 : i32
    %mul3A_292 = arith.constant 128 : i32
    %mul3A_293 = arith.muli %add3A_291, %mul3A_292 : i32
    %multiple_of3A_294 = tpu.assume_multiple %mul3A_293, 128 : i32
    %dma_start3A_295 = arith.constant 1 : i32
    %dma_start3A_296 = arith.constant 1 : i32
    %dma_start3A_297 = arith.constant 0 : i32
    %dma_start3A_298 = arith.constant 0 : i32
    %dma_start3A_299 = tpu.memref_slice %arg6[%dma_start3A_295, %dma_start3A_297, %dma_start3A_298] : memref<3x128x128xf32, #tpu.memory_space<vmem>> -> memref<1x128x128xf32, #tpu.memory_space<vmem>>
    %dma_start3A_300 = tpu.memref_squeeze %dma_start3A_299 : memref<1x128x128xf32, #tpu.memory_space<vmem>> -> memref<128x128xf32, #tpu.memory_space<vmem>>
    %dma_start3A_301 = tpu.memref_slice %arg2[%multiple_of3A_287, %multiple_of3A_294] : memref<16384x1024xf32, #tpu.memory_space<hbm>> -> memref<128x128xf32, #tpu.memory_space<hbm>>
    %dma_start3A_302 = tpu.memref_slice %arg9[%dma_start3A_296] : memref<3x!tpu.dma_semaphore, #tpu.memory_space<semaphore_mem>> -> memref<1x!tpu.dma_semaphore, #tpu.memory_space<semaphore_mem>>
    %dma_start3A_303 = tpu.memref_squeeze %dma_start3A_302 : memref<1x!tpu.dma_semaphore, #tpu.memory_space<semaphore_mem>> -> memref<!tpu.dma_semaphore, #tpu.memory_space<semaphore_mem>>
    %dma_start3A_304 = arith.constant 0 : i32
    %dma_start3A_305 = arith.constant 0 : i32
    %dma_start3A_306 = tpu.memref_slice %arg6[%dma_start3A_295, %dma_start3A_304, %dma_start3A_305] : memref<3x128x128xf32, #tpu.memory_space<vmem>> -> memref<1x128x128xf32, #tpu.memory_space<vmem>>
    %dma_start3A_307 = tpu.memref_squeeze %dma_start3A_306 : memref<1x128x128xf32, #tpu.memory_space<vmem>> -> memref<128x128xf32, #tpu.memory_space<vmem>>
    %dma_start3A_308 = tpu.memref_slice %arg2[%multiple_of3A_287, %multiple_of3A_294] : memref<16384x1024xf32, #tpu.memory_space<hbm>> -> memref<128x128xf32, #tpu.memory_space<hbm>>
    tpu.enqueue_dma source(%dma_start3A_308 : memref<128x128xf32, #tpu.memory_space<hbm>>) target(%dma_start3A_307 : memref<128x128xf32, #tpu.memory_space<vmem>>) target_semaphore(%dma_start3A_303 : memref<!tpu.dma_semaphore, #tpu.memory_space<semaphore_mem>>)
    %dma_wait3A_309 = arith.constant 2 : i32
    %dma_wait3A_310 = arith.constant 2 : i32
    %dma_wait3A_311 = arith.constant 0 : i32
    %dma_wait3A_312 = arith.constant 0 : i32
    %dma_wait3A_313 = tpu.memref_slice %arg6[%dma_wait3A_309, %dma_wait3A_311, %dma_wait3A_312] : memref<3x128x128xf32, #tpu.memory_space<vmem>> -> memref<1x128x128xf32, #tpu.memory_space<vmem>>
    %dma_wait3A_314 = tpu.memref_squeeze %dma_wait3A_313 : memref<1x128x128xf32, #tpu.memory_space<vmem>> -> memref<128x128xf32, #tpu.memory_space<vmem>>
    %dma_wait3A_315 = tpu.memref_slice %arg2[%multiple_of3A_116, %multiple_of3A_123] : memref<16384x1024xf32, #tpu.memory_space<hbm>> -> memref<128x128xf32, #tpu.memory_space<hbm>>
    %dma_wait3A_316 = tpu.memref_slice %arg9[%dma_wait3A_310] : memref<3x!tpu.dma_semaphore, #tpu.memory_space<semaphore_mem>> -> memref<1x!tpu.dma_semaphore, #tpu.memory_space<semaphore_mem>>
    %dma_wait3A_317 = tpu.memref_squeeze %dma_wait3A_316 : memref<1x!tpu.dma_semaphore, #tpu.memory_space<semaphore_mem>> -> memref<!tpu.dma_semaphore, #tpu.memory_space<semaphore_mem>>
    %dma_wait3A_318 = arith.constant 0 : i32
    %dma_wait3A_319 = arith.constant 0 : i32
    %dma_wait3A_320 = tpu.memref_slice %arg6[%dma_wait3A_309, %dma_wait3A_318, %dma_wait3A_319] : memref<3x128x128xf32, #tpu.memory_space<vmem>> -> memref<1x128x128xf32, #tpu.memory_space<vmem>>
    %dma_wait3A_321 = tpu.memref_squeeze %dma_wait3A_320 : memref<1x128x128xf32, #tpu.memory_space<vmem>> -> memref<128x128xf32, #tpu.memory_space<vmem>>
    %dma_wait3A_322 = tpu.memref_slice %arg2[%multiple_of3A_116, %multiple_of3A_123] : memref<16384x1024xf32, #tpu.memory_space<hbm>> -> memref<128x128xf32, #tpu.memory_space<hbm>>
    tpu.wait_dma2 semaphore(%dma_wait3A_317 : memref<!tpu.dma_semaphore, #tpu.memory_space<semaphore_mem>>) src(%dma_wait3A_322 : memref<128x128xf32, #tpu.memory_space<hbm>>) dst(%dma_wait3A_321 : memref<128x128xf32, #tpu.memory_space<vmem>>)
    %dma_start3A_323 = arith.constant 2 : i32
    %dma_start3A_324 = arith.constant 2 : i32
    %dma_start3A_325 = arith.constant 2 : i32
    %dma_start3A_326 = arith.constant 0 : i32
    %dma_start3A_327 = arith.constant 0 : i32
    %dma_start3A_328 = tpu.memref_slice %arg6[%dma_start3A_323, %dma_start3A_326, %dma_start3A_327] : memref<3x128x128xf32, #tpu.memory_space<vmem>> -> memref<1x128x128xf32, #tpu.memory_space<vmem>>
    %dma_start3A_329 = tpu.memref_squeeze %dma_start3A_328 : memref<1x128x128xf32, #tpu.memory_space<vmem>> -> memref<128x128xf32, #tpu.memory_space<vmem>>
    %dma_start3A_330 = arith.constant 0 : i32
    %dma_start3A_331 = tpu.memref_slice %arg5[%dma_start3A_324, %dma_start3A_330] : memref<8x128xi32, #tpu.memory_space<vmem>> -> memref<1x128xi32, #tpu.memory_space<vmem>>
    %dma_start3A_332 = tpu.memref_squeeze %dma_start3A_331 : memref<1x128xi32, #tpu.memory_space<vmem>> -> memref<128xi32, #tpu.memory_space<vmem>>
    %dma_start3A_333 = arith.constant 0 : i32
    %dma_start3A_334 = arith.constant 0 : i32
    %dma_start3A_335 = tpu.memref_slice %arg8[%dma_start3A_333, %dma_start3A_334] : memref<8192x128xf32, #tpu.memory_space<vmem_shared>> -> memref<8192x128xf32, #tpu.memory_space<vmem_shared>>
    %dma_start3A_336 = tpu.memref_slice %arg10[%dma_start3A_325] : memref<3x!tpu.dma_semaphore, #tpu.memory_space<semaphore_mem>> -> memref<1x!tpu.dma_semaphore, #tpu.memory_space<semaphore_mem>>
    %dma_start3A_337 = tpu.memref_squeeze %dma_start3A_336 : memref<1x!tpu.dma_semaphore, #tpu.memory_space<semaphore_mem>> -> memref<!tpu.dma_semaphore, #tpu.memory_space<semaphore_mem>>
    tpu.enqueue_indirect_dma source(%dma_start3A_329 : memref<128x128xf32, #tpu.memory_space<vmem>>) target(%dma_start3A_335 : memref<8192x128xf32, #tpu.memory_space<vmem_shared>>) offsets(%dma_start3A_332 : memref<128xi32, #tpu.memory_space<vmem>>) semaphore(%dma_start3A_337 : memref<!tpu.dma_semaphore, #tpu.memory_space<semaphore_mem>>) {add = true}
    %dma_wait3A_338 = arith.constant 2 : i32
    %dma_wait3A_339 = arith.constant 2 : i32
    %dma_wait3A_340 = arith.constant 2 : i32
    %dma_wait3A_341 = arith.constant 0 : i32
    %dma_wait3A_342 = arith.constant 0 : i32
    %dma_wait3A_343 = tpu.memref_slice %arg6[%dma_wait3A_338, %dma_wait3A_341, %dma_wait3A_342] : memref<3x128x128xf32, #tpu.memory_space<vmem>> -> memref<1x128x128xf32, #tpu.memory_space<vmem>>
    %dma_wait3A_344 = tpu.memref_squeeze %dma_wait3A_343 : memref<1x128x128xf32, #tpu.memory_space<vmem>> -> memref<128x128xf32, #tpu.memory_space<vmem>>
    %dma_wait3A_345 = arith.constant 0 : i32
    %dma_wait3A_346 = tpu.memref_slice %arg5[%dma_wait3A_339, %dma_wait3A_345] : memref<8x128xi32, #tpu.memory_space<vmem>> -> memref<1x128xi32, #tpu.memory_space<vmem>>
    %dma_wait3A_347 = tpu.memref_squeeze %dma_wait3A_346 : memref<1x128xi32, #tpu.memory_space<vmem>> -> memref<128xi32, #tpu.memory_space<vmem>>
    %dma_wait3A_348 = arith.constant 0 : i32
    %dma_wait3A_349 = arith.constant 0 : i32
    %dma_wait3A_350 = tpu.memref_slice %arg8[%dma_wait3A_348, %dma_wait3A_349] : memref<8192x128xf32, #tpu.memory_space<vmem_shared>> -> memref<8192x128xf32, #tpu.memory_space<vmem_shared>>
    %dma_wait3A_351 = tpu.memref_slice %arg10[%dma_wait3A_340] : memref<3x!tpu.dma_semaphore, #tpu.memory_space<semaphore_mem>> -> memref<1x!tpu.dma_semaphore, #tpu.memory_space<semaphore_mem>>
    %dma_wait3A_352 = tpu.memref_squeeze %dma_wait3A_351 : memref<1x!tpu.dma_semaphore, #tpu.memory_space<semaphore_mem>> -> memref<!tpu.dma_semaphore, #tpu.memory_space<semaphore_mem>>
    tpu.wait_indirect_dma semaphore(%dma_wait3A_352 : memref<!tpu.dma_semaphore, #tpu.memory_space<semaphore_mem>>) src(%dma_wait3A_344 : memref<128x128xf32, #tpu.memory_space<vmem>>) dst(%dma_wait3A_350 : memref<8192x128xf32, #tpu.memory_space<vmem_shared>>)
    %mul3A_353 = arith.constant 1024 : i32
    %mul3A_354 = arith.muli %arg1, %mul3A_353 : i32
    %add3A_355 = arith.constant 640 : i32
    %add3A_356 = arith.addi %mul3A_354, %add3A_355 : i32
    %multiple_of3A_357 = tpu.assume_multiple %add3A_356, 128 : i32
    %mul3A_358 = arith.constant 4 : i32
    %mul3A_359 = arith.muli %arg0, %mul3A_358 : i32
    %add3A_360 = arith.constant 0 : i32
    %add3A_361 = arith.addi %mul3A_359, %add3A_360 : i32
    %mul3A_362 = arith.constant 128 : i32
    %mul3A_363 = arith.muli %add3A_361, %mul3A_362 : i32
    %multiple_of3A_364 = tpu.assume_multiple %mul3A_363, 128 : i32
    %dma_start3A_365 = arith.constant 2 : i32
    %dma_start3A_366 = arith.constant 2 : i32
    %dma_start3A_367 = arith.constant 0 : i32
    %dma_start3A_368 = arith.constant 0 : i32
    %dma_start3A_369 = tpu.memref_slice %arg6[%dma_start3A_365, %dma_start3A_367, %dma_start3A_368] : memref<3x128x128xf32, #tpu.memory_space<vmem>> -> memref<1x128x128xf32, #tpu.memory_space<vmem>>
    %dma_start3A_370 = tpu.memref_squeeze %dma_start3A_369 : memref<1x128x128xf32, #tpu.memory_space<vmem>> -> memref<128x128xf32, #tpu.memory_space<vmem>>
    %dma_start3A_371 = tpu.memref_slice %arg2[%multiple_of3A_357, %multiple_of3A_364] : memref<16384x1024xf32, #tpu.memory_space<hbm>> -> memref<128x128xf32, #tpu.memory_space<hbm>>
    %dma_start3A_372 = tpu.memref_slice %arg9[%dma_start3A_366] : memref<3x!tpu.dma_semaphore, #tpu.memory_space<semaphore_mem>> -> memref<1x!tpu.dma_semaphore, #tpu.memory_space<semaphore_mem>>
    %dma_start3A_373 = tpu.memref_squeeze %dma_start3A_372 : memref<1x!tpu.dma_semaphore, #tpu.memory_space<semaphore_mem>> -> memref<!tpu.dma_semaphore, #tpu.memory_space<semaphore_mem>>
    %dma_start3A_374 = arith.constant 0 : i32
    %dma_start3A_375 = arith.constant 0 : i32
    %dma_start3A_376 = tpu.memref_slice %arg6[%dma_start3A_365, %dma_start3A_374, %dma_start3A_375] : memref<3x128x128xf32, #tpu.memory_space<vmem>> -> memref<1x128x128xf32, #tpu.memory_space<vmem>>
    %dma_start3A_377 = tpu.memref_squeeze %dma_start3A_376 : memref<1x128x128xf32, #tpu.memory_space<vmem>> -> memref<128x128xf32, #tpu.memory_space<vmem>>
    %dma_start3A_378 = tpu.memref_slice %arg2[%multiple_of3A_357, %multiple_of3A_364] : memref<16384x1024xf32, #tpu.memory_space<hbm>> -> memref<128x128xf32, #tpu.memory_space<hbm>>
    tpu.enqueue_dma source(%dma_start3A_378 : memref<128x128xf32, #tpu.memory_space<hbm>>) target(%dma_start3A_377 : memref<128x128xf32, #tpu.memory_space<vmem>>) target_semaphore(%dma_start3A_373 : memref<!tpu.dma_semaphore, #tpu.memory_space<semaphore_mem>>)
    %dma_wait3A_379 = arith.constant 0 : i32
    %dma_wait3A_380 = arith.constant 0 : i32
    %dma_wait3A_381 = arith.constant 0 : i32
    %dma_wait3A_382 = arith.constant 0 : i32
    %dma_wait3A_383 = tpu.memref_slice %arg6[%dma_wait3A_379, %dma_wait3A_381, %dma_wait3A_382] : memref<3x128x128xf32, #tpu.memory_space<vmem>> -> memref<1x128x128xf32, #tpu.memory_space<vmem>>
    %dma_wait3A_384 = tpu.memref_squeeze %dma_wait3A_383 : memref<1x128x128xf32, #tpu.memory_space<vmem>> -> memref<128x128xf32, #tpu.memory_space<vmem>>
    %dma_wait3A_385 = tpu.memref_slice %arg2[%multiple_of3A_217, %multiple_of3A_224] : memref<16384x1024xf32, #tpu.memory_space<hbm>> -> memref<128x128xf32, #tpu.memory_space<hbm>>
    %dma_wait3A_386 = tpu.memref_slice %arg9[%dma_wait3A_380] : memref<3x!tpu.dma_semaphore, #tpu.memory_space<semaphore_mem>> -> memref<1x!tpu.dma_semaphore, #tpu.memory_space<semaphore_mem>>
    %dma_wait3A_387 = tpu.memref_squeeze %dma_wait3A_386 : memref<1x!tpu.dma_semaphore, #tpu.memory_space<semaphore_mem>> -> memref<!tpu.dma_semaphore, #tpu.memory_space<semaphore_mem>>
    %dma_wait3A_388 = arith.constant 0 : i32
    %dma_wait3A_389 = arith.constant 0 : i32
    %dma_wait3A_390 = tpu.memref_slice %arg6[%dma_wait3A_379, %dma_wait3A_388, %dma_wait3A_389] : memref<3x128x128xf32, #tpu.memory_space<vmem>> -> memref<1x128x128xf32, #tpu.memory_space<vmem>>
    %dma_wait3A_391 = tpu.memref_squeeze %dma_wait3A_390 : memref<1x128x128xf32, #tpu.memory_space<vmem>> -> memref<128x128xf32, #tpu.memory_space<vmem>>
    %dma_wait3A_392 = tpu.memref_slice %arg2[%multiple_of3A_217, %multiple_of3A_224] : memref<16384x1024xf32, #tpu.memory_space<hbm>> -> memref<128x128xf32, #tpu.memory_space<hbm>>
    tpu.wait_dma2 semaphore(%dma_wait3A_387 : memref<!tpu.dma_semaphore, #tpu.memory_space<semaphore_mem>>) src(%dma_wait3A_392 : memref<128x128xf32, #tpu.memory_space<hbm>>) dst(%dma_wait3A_391 : memref<128x128xf32, #tpu.memory_space<vmem>>)
    %dma_start3A_393 = arith.constant 0 : i32
    %dma_start3A_394 = arith.constant 3 : i32
    %dma_start3A_395 = arith.constant 0 : i32
    %dma_start3A_396 = arith.constant 0 : i32
    %dma_start3A_397 = arith.constant 0 : i32
    %dma_start3A_398 = tpu.memref_slice %arg6[%dma_start3A_393, %dma_start3A_396, %dma_start3A_397] : memref<3x128x128xf32, #tpu.memory_space<vmem>> -> memref<1x128x128xf32, #tpu.memory_space<vmem>>
    %dma_start3A_399 = tpu.memref_squeeze %dma_start3A_398 : memref<1x128x128xf32, #tpu.memory_space<vmem>> -> memref<128x128xf32, #tpu.memory_space<vmem>>
    %dma_start3A_400 = arith.constant 0 : i32
    %dma_start3A_401 = tpu.memref_slice %arg5[%dma_start3A_394, %dma_start3A_400] : memref<8x128xi32, #tpu.memory_space<vmem>> -> memref<1x128xi32, #tpu.memory_space<vmem>>
    %dma_start3A_402 = tpu.memref_squeeze %dma_start3A_401 : memref<1x128xi32, #tpu.memory_space<vmem>> -> memref<128xi32, #tpu.memory_space<vmem>>
    %dma_start3A_403 = arith.constant 0 : i32
    %dma_start3A_404 = arith.constant 0 : i32
    %dma_start3A_405 = tpu.memref_slice %arg8[%dma_start3A_403, %dma_start3A_404] : memref<8192x128xf32, #tpu.memory_space<vmem_shared>> -> memref<8192x128xf32, #tpu.memory_space<vmem_shared>>
    %dma_start3A_406 = tpu.memref_slice %arg10[%dma_start3A_395] : memref<3x!tpu.dma_semaphore, #tpu.memory_space<semaphore_mem>> -> memref<1x!tpu.dma_semaphore, #tpu.memory_space<semaphore_mem>>
    %dma_start3A_407 = tpu.memref_squeeze %dma_start3A_406 : memref<1x!tpu.dma_semaphore, #tpu.memory_space<semaphore_mem>> -> memref<!tpu.dma_semaphore, #tpu.memory_space<semaphore_mem>>
    tpu.enqueue_indirect_dma source(%dma_start3A_399 : memref<128x128xf32, #tpu.memory_space<vmem>>) target(%dma_start3A_405 : memref<8192x128xf32, #tpu.memory_space<vmem_shared>>) offsets(%dma_start3A_402 : memref<128xi32, #tpu.memory_space<vmem>>) semaphore(%dma_start3A_407 : memref<!tpu.dma_semaphore, #tpu.memory_space<semaphore_mem>>) {add = true}
    %dma_wait3A_408 = arith.constant 0 : i32
    %dma_wait3A_409 = arith.constant 3 : i32
    %dma_wait3A_410 = arith.constant 0 : i32
    %dma_wait3A_411 = arith.constant 0 : i32
    %dma_wait3A_412 = arith.constant 0 : i32
    %dma_wait3A_413 = tpu.memref_slice %arg6[%dma_wait3A_408, %dma_wait3A_411, %dma_wait3A_412] : memref<3x128x128xf32, #tpu.memory_space<vmem>> -> memref<1x128x128xf32, #tpu.memory_space<vmem>>
    %dma_wait3A_414 = tpu.memref_squeeze %dma_wait3A_413 : memref<1x128x128xf32, #tpu.memory_space<vmem>> -> memref<128x128xf32, #tpu.memory_space<vmem>>
    %dma_wait3A_415 = arith.constant 0 : i32
    %dma_wait3A_416 = tpu.memref_slice %arg5[%dma_wait3A_409, %dma_wait3A_415] : memref<8x128xi32, #tpu.memory_space<vmem>> -> memref<1x128xi32, #tpu.memory_space<vmem>>
    %dma_wait3A_417 = tpu.memref_squeeze %dma_wait3A_416 : memref<1x128xi32, #tpu.memory_space<vmem>> -> memref<128xi32, #tpu.memory_space<vmem>>
    %dma_wait3A_418 = arith.constant 0 : i32
    %dma_wait3A_419 = arith.constant 0 : i32
    %dma_wait3A_420 = tpu.memref_slice %arg8[%dma_wait3A_418, %dma_wait3A_419] : memref<8192x128xf32, #tpu.memory_space<vmem_shared>> -> memref<8192x128xf32, #tpu.memory_space<vmem_shared>>
    %dma_wait3A_421 = tpu.memref_slice %arg10[%dma_wait3A_410] : memref<3x!tpu.dma_semaphore, #tpu.memory_space<semaphore_mem>> -> memref<1x!tpu.dma_semaphore, #tpu.memory_space<semaphore_mem>>
    %dma_wait3A_422 = tpu.memref_squeeze %dma_wait3A_421 : memref<1x!tpu.dma_semaphore, #tpu.memory_space<semaphore_mem>> -> memref<!tpu.dma_semaphore, #tpu.memory_space<semaphore_mem>>
    tpu.wait_indirect_dma semaphore(%dma_wait3A_422 : memref<!tpu.dma_semaphore, #tpu.memory_space<semaphore_mem>>) src(%dma_wait3A_414 : memref<128x128xf32, #tpu.memory_space<vmem>>) dst(%dma_wait3A_420 : memref<8192x128xf32, #tpu.memory_space<vmem_shared>>)
    %mul3A_423 = arith.constant 1024 : i32
    %mul3A_424 = arith.muli %arg1, %mul3A_423 : i32
    %add3A_425 = arith.constant 768 : i32
    %add3A_426 = arith.addi %mul3A_424, %add3A_425 : i32
    %multiple_of3A_427 = tpu.assume_multiple %add3A_426, 128 : i32
    %mul3A_428 = arith.constant 4 : i32
    %mul3A_429 = arith.muli %arg0, %mul3A_428 : i32
    %add3A_430 = arith.constant 0 : i32
    %add3A_431 = arith.addi %mul3A_429, %add3A_430 : i32
    %mul3A_432 = arith.constant 128 : i32
    %mul3A_433 = arith.muli %add3A_431, %mul3A_432 : i32
    %multiple_of3A_434 = tpu.assume_multiple %mul3A_433, 128 : i32
    %dma_start3A_435 = arith.constant 0 : i32
    %dma_start3A_436 = arith.constant 0 : i32
    %dma_start3A_437 = arith.constant 0 : i32
    %dma_start3A_438 = arith.constant 0 : i32
    %dma_start3A_439 = tpu.memref_slice %arg6[%dma_start3A_435, %dma_start3A_437, %dma_start3A_438] : memref<3x128x128xf32, #tpu.memory_space<vmem>> -> memref<1x128x128xf32, #tpu.memory_space<vmem>>
    %dma_start3A_440 = tpu.memref_squeeze %dma_start3A_439 : memref<1x128x128xf32, #tpu.memory_space<vmem>> -> memref<128x128xf32, #tpu.memory_space<vmem>>
    %dma_start3A_441 = tpu.memref_slice %arg2[%multiple_of3A_427, %multiple_of3A_434] : memref<16384x1024xf32, #tpu.memory_space<hbm>> -> memref<128x128xf32, #tpu.memory_space<hbm>>
    %dma_start3A_442 = tpu.memref_slice %arg9[%dma_start3A_436] : memref<3x!tpu.dma_semaphore, #tpu.memory_space<semaphore_mem>> -> memref<1x!tpu.dma_semaphore, #tpu.memory_space<semaphore_mem>>
    %dma_start3A_443 = tpu.memref_squeeze %dma_start3A_442 : memref<1x!tpu.dma_semaphore, #tpu.memory_space<semaphore_mem>> -> memref<!tpu.dma_semaphore, #tpu.memory_space<semaphore_mem>>
    %dma_start3A_444 = arith.constant 0 : i32
    %dma_start3A_445 = arith.constant 0 : i32
    %dma_start3A_446 = tpu.memref_slice %arg6[%dma_start3A_435, %dma_start3A_444, %dma_start3A_445] : memref<3x128x128xf32, #tpu.memory_space<vmem>> -> memref<1x128x128xf32, #tpu.memory_space<vmem>>
    %dma_start3A_447 = tpu.memref_squeeze %dma_start3A_446 : memref<1x128x128xf32, #tpu.memory_space<vmem>> -> memref<128x128xf32, #tpu.memory_space<vmem>>
    %dma_start3A_448 = tpu.memref_slice %arg2[%multiple_of3A_427, %multiple_of3A_434] : memref<16384x1024xf32, #tpu.memory_space<hbm>> -> memref<128x128xf32, #tpu.memory_space<hbm>>
    tpu.enqueue_dma source(%dma_start3A_448 : memref<128x128xf32, #tpu.memory_space<hbm>>) target(%dma_start3A_447 : memref<128x128xf32, #tpu.memory_space<vmem>>) target_semaphore(%dma_start3A_443 : memref<!tpu.dma_semaphore, #tpu.memory_space<semaphore_mem>>)
    %dma_wait3A_449 = arith.constant 1 : i32
    %dma_wait3A_450 = arith.constant 1 : i32
    %dma_wait3A_451 = arith.constant 0 : i32
    %dma_wait3A_452 = arith.constant 0 : i32
    %dma_wait3A_453 = tpu.memref_slice %arg6[%dma_wait3A_449, %dma_wait3A_451, %dma_wait3A_452] : memref<3x128x128xf32, #tpu.memory_space<vmem>> -> memref<1x128x128xf32, #tpu.memory_space<vmem>>
    %dma_wait3A_454 = tpu.memref_squeeze %dma_wait3A_453 : memref<1x128x128xf32, #tpu.memory_space<vmem>> -> memref<128x128xf32, #tpu.memory_space<vmem>>
    %dma_wait3A_455 = tpu.memref_slice %arg2[%multiple_of3A_287, %multiple_of3A_294] : memref<16384x1024xf32, #tpu.memory_space<hbm>> -> memref<128x128xf32, #tpu.memory_space<hbm>>
    %dma_wait3A_456 = tpu.memref_slice %arg9[%dma_wait3A_450] : memref<3x!tpu.dma_semaphore, #tpu.memory_space<semaphore_mem>> -> memref<1x!tpu.dma_semaphore, #tpu.memory_space<semaphore_mem>>
    %dma_wait3A_457 = tpu.memref_squeeze %dma_wait3A_456 : memref<1x!tpu.dma_semaphore, #tpu.memory_space<semaphore_mem>> -> memref<!tpu.dma_semaphore, #tpu.memory_space<semaphore_mem>>
    %dma_wait3A_458 = arith.constant 0 : i32
    %dma_wait3A_459 = arith.constant 0 : i32
    %dma_wait3A_460 = tpu.memref_slice %arg6[%dma_wait3A_449, %dma_wait3A_458, %dma_wait3A_459] : memref<3x128x128xf32, #tpu.memory_space<vmem>> -> memref<1x128x128xf32, #tpu.memory_space<vmem>>
    %dma_wait3A_461 = tpu.memref_squeeze %dma_wait3A_460 : memref<1x128x128xf32, #tpu.memory_space<vmem>> -> memref<128x128xf32, #tpu.memory_space<vmem>>
    %dma_wait3A_462 = tpu.memref_slice %arg2[%multiple_of3A_287, %multiple_of3A_294] : memref<16384x1024xf32, #tpu.memory_space<hbm>> -> memref<128x128xf32, #tpu.memory_space<hbm>>
    tpu.wait_dma2 semaphore(%dma_wait3A_457 : memref<!tpu.dma_semaphore, #tpu.memory_space<semaphore_mem>>) src(%dma_wait3A_462 : memref<128x128xf32, #tpu.memory_space<hbm>>) dst(%dma_wait3A_461 : memref<128x128xf32, #tpu.memory_space<vmem>>)
    %dma_start3A_463 = arith.constant 1 : i32
    %dma_start3A_464 = arith.constant 4 : i32
    %dma_start3A_465 = arith.constant 1 : i32
    %dma_start3A_466 = arith.constant 0 : i32
    %dma_start3A_467 = arith.constant 0 : i32
    %dma_start3A_468 = tpu.memref_slice %arg6[%dma_start3A_463, %dma_start3A_466, %dma_start3A_467] : memref<3x128x128xf32, #tpu.memory_space<vmem>> -> memref<1x128x128xf32, #tpu.memory_space<vmem>>
    %dma_start3A_469 = tpu.memref_squeeze %dma_start3A_468 : memref<1x128x128xf32, #tpu.memory_space<vmem>> -> memref<128x128xf32, #tpu.memory_space<vmem>>
    %dma_start3A_470 = arith.constant 0 : i32
    %dma_start3A_471 = tpu.memref_slice %arg5[%dma_start3A_464, %dma_start3A_470] : memref<8x128xi32, #tpu.memory_space<vmem>> -> memref<1x128xi32, #tpu.memory_space<vmem>>
    %dma_start3A_472 = tpu.memref_squeeze %dma_start3A_471 : memref<1x128xi32, #tpu.memory_space<vmem>> -> memref<128xi32, #tpu.memory_space<vmem>>
    %dma_start3A_473 = arith.constant 0 : i32
    %dma_start3A_474 = arith.constant 0 : i32
    %dma_start3A_475 = tpu.memref_slice %arg8[%dma_start3A_473, %dma_start3A_474] : memref<8192x128xf32, #tpu.memory_space<vmem_shared>> -> memref<8192x128xf32, #tpu.memory_space<vmem_shared>>
    %dma_start3A_476 = tpu.memref_slice %arg10[%dma_start3A_465] : memref<3x!tpu.dma_semaphore, #tpu.memory_space<semaphore_mem>> -> memref<1x!tpu.dma_semaphore, #tpu.memory_space<semaphore_mem>>
    %dma_start3A_477 = tpu.memref_squeeze %dma_start3A_476 : memref<1x!tpu.dma_semaphore, #tpu.memory_space<semaphore_mem>> -> memref<!tpu.dma_semaphore, #tpu.memory_space<semaphore_mem>>
    tpu.enqueue_indirect_dma source(%dma_start3A_469 : memref<128x128xf32, #tpu.memory_space<vmem>>) target(%dma_start3A_475 : memref<8192x128xf32, #tpu.memory_space<vmem_shared>>) offsets(%dma_start3A_472 : memref<128xi32, #tpu.memory_space<vmem>>) semaphore(%dma_start3A_477 : memref<!tpu.dma_semaphore, #tpu.memory_space<semaphore_mem>>) {add = true}
    %dma_wait3A_478 = arith.constant 1 : i32
    %dma_wait3A_479 = arith.constant 4 : i32
    %dma_wait3A_480 = arith.constant 1 : i32
    %dma_wait3A_481 = arith.constant 0 : i32
    %dma_wait3A_482 = arith.constant 0 : i32
    %dma_wait3A_483 = tpu.memref_slice %arg6[%dma_wait3A_478, %dma_wait3A_481, %dma_wait3A_482] : memref<3x128x128xf32, #tpu.memory_space<vmem>> -> memref<1x128x128xf32, #tpu.memory_space<vmem>>
    %dma_wait3A_484 = tpu.memref_squeeze %dma_wait3A_483 : memref<1x128x128xf32, #tpu.memory_space<vmem>> -> memref<128x128xf32, #tpu.memory_space<vmem>>
    %dma_wait3A_485 = arith.constant 0 : i32
    %dma_wait3A_486 = tpu.memref_slice %arg5[%dma_wait3A_479, %dma_wait3A_485] : memref<8x128xi32, #tpu.memory_space<vmem>> -> memref<1x128xi32, #tpu.memory_space<vmem>>
    %dma_wait3A_487 = tpu.memref_squeeze %dma_wait3A_486 : memref<1x128xi32, #tpu.memory_space<vmem>> -> memref<128xi32, #tpu.memory_space<vmem>>
    %dma_wait3A_488 = arith.constant 0 : i32
    %dma_wait3A_489 = arith.constant 0 : i32
    %dma_wait3A_490 = tpu.memref_slice %arg8[%dma_wait3A_488, %dma_wait3A_489] : memref<8192x128xf32, #tpu.memory_space<vmem_shared>> -> memref<8192x128xf32, #tpu.memory_space<vmem_shared>>
    %dma_wait3A_491 = tpu.memref_slice %arg10[%dma_wait3A_480] : memref<3x!tpu.dma_semaphore, #tpu.memory_space<semaphore_mem>> -> memref<1x!tpu.dma_semaphore, #tpu.memory_space<semaphore_mem>>
    %dma_wait3A_492 = tpu.memref_squeeze %dma_wait3A_491 : memref<1x!tpu.dma_semaphore, #tpu.memory_space<semaphore_mem>> -> memref<!tpu.dma_semaphore, #tpu.memory_space<semaphore_mem>>
    tpu.wait_indirect_dma semaphore(%dma_wait3A_492 : memref<!tpu.dma_semaphore, #tpu.memory_space<semaphore_mem>>) src(%dma_wait3A_484 : memref<128x128xf32, #tpu.memory_space<vmem>>) dst(%dma_wait3A_490 : memref<8192x128xf32, #tpu.memory_space<vmem_shared>>)
    %mul3A_493 = arith.constant 1024 : i32
    %mul3A_494 = arith.muli %arg1, %mul3A_493 : i32
    %add3A_495 = arith.constant 896 : i32
    %add3A_496 = arith.addi %mul3A_494, %add3A_495 : i32
    %multiple_of3A_497 = tpu.assume_multiple %add3A_496, 128 : i32
    %mul3A_498 = arith.constant 4 : i32
    %mul3A_499 = arith.muli %arg0, %mul3A_498 : i32
    %add3A_500 = arith.constant 0 : i32
    %add3A_501 = arith.addi %mul3A_499, %add3A_500 : i32
    %mul3A_502 = arith.constant 128 : i32
    %mul3A_503 = arith.muli %add3A_501, %mul3A_502 : i32
    %multiple_of3A_504 = tpu.assume_multiple %mul3A_503, 128 : i32
    %dma_start3A_505 = arith.constant 1 : i32
    %dma_start3A_506 = arith.constant 1 : i32
    %dma_start3A_507 = arith.constant 0 : i32
    %dma_start3A_508 = arith.constant 0 : i32
    %dma_start3A_509 = tpu.memref_slice %arg6[%dma_start3A_505, %dma_start3A_507, %dma_start3A_508] : memref<3x128x128xf32, #tpu.memory_space<vmem>> -> memref<1x128x128xf32, #tpu.memory_space<vmem>>
    %dma_start3A_510 = tpu.memref_squeeze %dma_start3A_509 : memref<1x128x128xf32, #tpu.memory_space<vmem>> -> memref<128x128xf32, #tpu.memory_space<vmem>>
    %dma_start3A_511 = tpu.memref_slice %arg2[%multiple_of3A_497, %multiple_of3A_504] : memref<16384x1024xf32, #tpu.memory_space<hbm>> -> memref<128x128xf32, #tpu.memory_space<hbm>>
    %dma_start3A_512 = tpu.memref_slice %arg9[%dma_start3A_506] : memref<3x!tpu.dma_semaphore, #tpu.memory_space<semaphore_mem>> -> memref<1x!tpu.dma_semaphore, #tpu.memory_space<semaphore_mem>>
    %dma_start3A_513 = tpu.memref_squeeze %dma_start3A_512 : memref<1x!tpu.dma_semaphore, #tpu.memory_space<semaphore_mem>> -> memref<!tpu.dma_semaphore, #tpu.memory_space<semaphore_mem>>
    %dma_start3A_514 = arith.constant 0 : i32
    %dma_start3A_515 = arith.constant 0 : i32
    %dma_start3A_516 = tpu.memref_slice %arg6[%dma_start3A_505, %dma_start3A_514, %dma_start3A_515] : memref<3x128x128xf32, #tpu.memory_space<vmem>> -> memref<1x128x128xf32, #tpu.memory_space<vmem>>
    %dma_start3A_517 = tpu.memref_squeeze %dma_start3A_516 : memref<1x128x128xf32, #tpu.memory_space<vmem>> -> memref<128x128xf32, #tpu.memory_space<vmem>>
    %dma_start3A_518 = tpu.memref_slice %arg2[%multiple_of3A_497, %multiple_of3A_504] : memref<16384x1024xf32, #tpu.memory_space<hbm>> -> memref<128x128xf32, #tpu.memory_space<hbm>>
    tpu.enqueue_dma source(%dma_start3A_518 : memref<128x128xf32, #tpu.memory_space<hbm>>) target(%dma_start3A_517 : memref<128x128xf32, #tpu.memory_space<vmem>>) target_semaphore(%dma_start3A_513 : memref<!tpu.dma_semaphore, #tpu.memory_space<semaphore_mem>>)
    %dma_wait3A_519 = arith.constant 2 : i32
    %dma_wait3A_520 = arith.constant 2 : i32
    %dma_wait3A_521 = arith.constant 0 : i32
    %dma_wait3A_522 = arith.constant 0 : i32
    %dma_wait3A_523 = tpu.memref_slice %arg6[%dma_wait3A_519, %dma_wait3A_521, %dma_wait3A_522] : memref<3x128x128xf32, #tpu.memory_space<vmem>> -> memref<1x128x128xf32, #tpu.memory_space<vmem>>
    %dma_wait3A_524 = tpu.memref_squeeze %dma_wait3A_523 : memref<1x128x128xf32, #tpu.memory_space<vmem>> -> memref<128x128xf32, #tpu.memory_space<vmem>>
    %dma_wait3A_525 = tpu.memref_slice %arg2[%multiple_of3A_357, %multiple_of3A_364] : memref<16384x1024xf32, #tpu.memory_space<hbm>> -> memref<128x128xf32, #tpu.memory_space<hbm>>
    %dma_wait3A_526 = tpu.memref_slice %arg9[%dma_wait3A_520] : memref<3x!tpu.dma_semaphore, #tpu.memory_space<semaphore_mem>> -> memref<1x!tpu.dma_semaphore, #tpu.memory_space<semaphore_mem>>
    %dma_wait3A_527 = tpu.memref_squeeze %dma_wait3A_526 : memref<1x!tpu.dma_semaphore, #tpu.memory_space<semaphore_mem>> -> memref<!tpu.dma_semaphore, #tpu.memory_space<semaphore_mem>>
    %dma_wait3A_528 = arith.constant 0 : i32
    %dma_wait3A_529 = arith.constant 0 : i32
    %dma_wait3A_530 = tpu.memref_slice %arg6[%dma_wait3A_519, %dma_wait3A_528, %dma_wait3A_529] : memref<3x128x128xf32, #tpu.memory_space<vmem>> -> memref<1x128x128xf32, #tpu.memory_space<vmem>>
    %dma_wait3A_531 = tpu.memref_squeeze %dma_wait3A_530 : memref<1x128x128xf32, #tpu.memory_space<vmem>> -> memref<128x128xf32, #tpu.memory_space<vmem>>
    %dma_wait3A_532 = tpu.memref_slice %arg2[%multiple_of3A_357, %multiple_of3A_364] : memref<16384x1024xf32, #tpu.memory_space<hbm>> -> memref<128x128xf32, #tpu.memory_space<hbm>>
    tpu.wait_dma2 semaphore(%dma_wait3A_527 : memref<!tpu.dma_semaphore, #tpu.memory_space<semaphore_mem>>) src(%dma_wait3A_532 : memref<128x128xf32, #tpu.memory_space<hbm>>) dst(%dma_wait3A_531 : memref<128x128xf32, #tpu.memory_space<vmem>>)
    %dma_start3A_533 = arith.constant 2 : i32
    %dma_start3A_534 = arith.constant 5 : i32
    %dma_start3A_535 = arith.constant 2 : i32
    %dma_start3A_536 = arith.constant 0 : i32
    %dma_start3A_537 = arith.constant 0 : i32
    %dma_start3A_538 = tpu.memref_slice %arg6[%dma_start3A_533, %dma_start3A_536, %dma_start3A_537] : memref<3x128x128xf32, #tpu.memory_space<vmem>> -> memref<1x128x128xf32, #tpu.memory_space<vmem>>
    %dma_start3A_539 = tpu.memref_squeeze %dma_start3A_538 : memref<1x128x128xf32, #tpu.memory_space<vmem>> -> memref<128x128xf32, #tpu.memory_space<vmem>>
    %dma_start3A_540 = arith.constant 0 : i32
    %dma_start3A_541 = tpu.memref_slice %arg5[%dma_start3A_534, %dma_start3A_540] : memref<8x128xi32, #tpu.memory_space<vmem>> -> memref<1x128xi32, #tpu.memory_space<vmem>>
    %dma_start3A_542 = tpu.memref_squeeze %dma_start3A_541 : memref<1x128xi32, #tpu.memory_space<vmem>> -> memref<128xi32, #tpu.memory_space<vmem>>
    %dma_start3A_543 = arith.constant 0 : i32
    %dma_start3A_544 = arith.constant 0 : i32
    %dma_start3A_545 = tpu.memref_slice %arg8[%dma_start3A_543, %dma_start3A_544] : memref<8192x128xf32, #tpu.memory_space<vmem_shared>> -> memref<8192x128xf32, #tpu.memory_space<vmem_shared>>
    %dma_start3A_546 = tpu.memref_slice %arg10[%dma_start3A_535] : memref<3x!tpu.dma_semaphore, #tpu.memory_space<semaphore_mem>> -> memref<1x!tpu.dma_semaphore, #tpu.memory_space<semaphore_mem>>
    %dma_start3A_547 = tpu.memref_squeeze %dma_start3A_546 : memref<1x!tpu.dma_semaphore, #tpu.memory_space<semaphore_mem>> -> memref<!tpu.dma_semaphore, #tpu.memory_space<semaphore_mem>>
    tpu.enqueue_indirect_dma source(%dma_start3A_539 : memref<128x128xf32, #tpu.memory_space<vmem>>) target(%dma_start3A_545 : memref<8192x128xf32, #tpu.memory_space<vmem_shared>>) offsets(%dma_start3A_542 : memref<128xi32, #tpu.memory_space<vmem>>) semaphore(%dma_start3A_547 : memref<!tpu.dma_semaphore, #tpu.memory_space<semaphore_mem>>) {add = true}
    %dma_wait3A_548 = arith.constant 0 : i32
    %dma_wait3A_549 = arith.constant 0 : i32
    %dma_wait3A_550 = arith.constant 0 : i32
    %dma_wait3A_551 = arith.constant 0 : i32
    %dma_wait3A_552 = tpu.memref_slice %arg6[%dma_wait3A_548, %dma_wait3A_550, %dma_wait3A_551] : memref<3x128x128xf32, #tpu.memory_space<vmem>> -> memref<1x128x128xf32, #tpu.memory_space<vmem>>
    %dma_wait3A_553 = tpu.memref_squeeze %dma_wait3A_552 : memref<1x128x128xf32, #tpu.memory_space<vmem>> -> memref<128x128xf32, #tpu.memory_space<vmem>>
    %dma_wait3A_554 = tpu.memref_slice %arg2[%multiple_of3A_427, %multiple_of3A_434] : memref<16384x1024xf32, #tpu.memory_space<hbm>> -> memref<128x128xf32, #tpu.memory_space<hbm>>
    %dma_wait3A_555 = tpu.memref_slice %arg9[%dma_wait3A_549] : memref<3x!tpu.dma_semaphore, #tpu.memory_space<semaphore_mem>> -> memref<1x!tpu.dma_semaphore, #tpu.memory_space<semaphore_mem>>
    %dma_wait3A_556 = tpu.memref_squeeze %dma_wait3A_555 : memref<1x!tpu.dma_semaphore, #tpu.memory_space<semaphore_mem>> -> memref<!tpu.dma_semaphore, #tpu.memory_space<semaphore_mem>>
    %dma_wait3A_557 = arith.constant 0 : i32
    %dma_wait3A_558 = arith.constant 0 : i32
    %dma_wait3A_559 = tpu.memref_slice %arg6[%dma_wait3A_548, %dma_wait3A_557, %dma_wait3A_558] : memref<3x128x128xf32, #tpu.memory_space<vmem>> -> memref<1x128x128xf32, #tpu.memory_space<vmem>>
    %dma_wait3A_560 = tpu.memref_squeeze %dma_wait3A_559 : memref<1x128x128xf32, #tpu.memory_space<vmem>> -> memref<128x128xf32, #tpu.memory_space<vmem>>
    %dma_wait3A_561 = tpu.memref_slice %arg2[%multiple_of3A_427, %multiple_of3A_434] : memref<16384x1024xf32, #tpu.memory_space<hbm>> -> memref<128x128xf32, #tpu.memory_space<hbm>>
    tpu.wait_dma2 semaphore(%dma_wait3A_556 : memref<!tpu.dma_semaphore, #tpu.memory_space<semaphore_mem>>) src(%dma_wait3A_561 : memref<128x128xf32, #tpu.memory_space<hbm>>) dst(%dma_wait3A_560 : memref<128x128xf32, #tpu.memory_space<vmem>>)
    %dma_start3A_562 = arith.constant 0 : i32
    %dma_start3A_563 = arith.constant 6 : i32
    %dma_start3A_564 = arith.constant 0 : i32
    %dma_start3A_565 = arith.constant 0 : i32
    %dma_start3A_566 = arith.constant 0 : i32
    %dma_start3A_567 = tpu.memref_slice %arg6[%dma_start3A_562, %dma_start3A_565, %dma_start3A_566] : memref<3x128x128xf32, #tpu.memory_space<vmem>> -> memref<1x128x128xf32, #tpu.memory_space<vmem>>
    %dma_start3A_568 = tpu.memref_squeeze %dma_start3A_567 : memref<1x128x128xf32, #tpu.memory_space<vmem>> -> memref<128x128xf32, #tpu.memory_space<vmem>>
    %dma_start3A_569 = arith.constant 0 : i32
    %dma_start3A_570 = tpu.memref_slice %arg5[%dma_start3A_563, %dma_start3A_569] : memref<8x128xi32, #tpu.memory_space<vmem>> -> memref<1x128xi32, #tpu.memory_space<vmem>>
    %dma_start3A_571 = tpu.memref_squeeze %dma_start3A_570 : memref<1x128xi32, #tpu.memory_space<vmem>> -> memref<128xi32, #tpu.memory_space<vmem>>
    %dma_start3A_572 = arith.constant 0 : i32
    %dma_start3A_573 = arith.constant 0 : i32
    %dma_start3A_574 = tpu.memref_slice %arg8[%dma_start3A_572, %dma_start3A_573] : memref<8192x128xf32, #tpu.memory_space<vmem_shared>> -> memref<8192x128xf32, #tpu.memory_space<vmem_shared>>
    %dma_start3A_575 = tpu.memref_slice %arg10[%dma_start3A_564] : memref<3x!tpu.dma_semaphore, #tpu.memory_space<semaphore_mem>> -> memref<1x!tpu.dma_semaphore, #tpu.memory_space<semaphore_mem>>
    %dma_start3A_576 = tpu.memref_squeeze %dma_start3A_575 : memref<1x!tpu.dma_semaphore, #tpu.memory_space<semaphore_mem>> -> memref<!tpu.dma_semaphore, #tpu.memory_space<semaphore_mem>>
    tpu.enqueue_indirect_dma source(%dma_start3A_568 : memref<128x128xf32, #tpu.memory_space<vmem>>) target(%dma_start3A_574 : memref<8192x128xf32, #tpu.memory_space<vmem_shared>>) offsets(%dma_start3A_571 : memref<128xi32, #tpu.memory_space<vmem>>) semaphore(%dma_start3A_576 : memref<!tpu.dma_semaphore, #tpu.memory_space<semaphore_mem>>) {add = true}
    %dma_wait3A_577 = arith.constant 1 : i32
    %dma_wait3A_578 = arith.constant 1 : i32
    %dma_wait3A_579 = arith.constant 0 : i32
    %dma_wait3A_580 = arith.constant 0 : i32
    %dma_wait3A_581 = tpu.memref_slice %arg6[%dma_wait3A_577, %dma_wait3A_579, %dma_wait3A_580] : memref<3x128x128xf32, #tpu.memory_space<vmem>> -> memref<1x128x128xf32, #tpu.memory_space<vmem>>
    %dma_wait3A_582 = tpu.memref_squeeze %dma_wait3A_581 : memref<1x128x128xf32, #tpu.memory_space<vmem>> -> memref<128x128xf32, #tpu.memory_space<vmem>>
    %dma_wait3A_583 = tpu.memref_slice %arg2[%multiple_of3A_497, %multiple_of3A_504] : memref<16384x1024xf32, #tpu.memory_space<hbm>> -> memref<128x128xf32, #tpu.memory_space<hbm>>
    %dma_wait3A_584 = tpu.memref_slice %arg9[%dma_wait3A_578] : memref<3x!tpu.dma_semaphore, #tpu.memory_space<semaphore_mem>> -> memref<1x!tpu.dma_semaphore, #tpu.memory_space<semaphore_mem>>
    %dma_wait3A_585 = tpu.memref_squeeze %dma_wait3A_584 : memref<1x!tpu.dma_semaphore, #tpu.memory_space<semaphore_mem>> -> memref<!tpu.dma_semaphore, #tpu.memory_space<semaphore_mem>>
    %dma_wait3A_586 = arith.constant 0 : i32
    %dma_wait3A_587 = arith.constant 0 : i32
    %dma_wait3A_588 = tpu.memref_slice %arg6[%dma_wait3A_577, %dma_wait3A_586, %dma_wait3A_587] : memref<3x128x128xf32, #tpu.memory_space<vmem>> -> memref<1x128x128xf32, #tpu.memory_space<vmem>>
    %dma_wait3A_589 = tpu.memref_squeeze %dma_wait3A_588 : memref<1x128x128xf32, #tpu.memory_space<vmem>> -> memref<128x128xf32, #tpu.memory_space<vmem>>
    %dma_wait3A_590 = tpu.memref_slice %arg2[%multiple_of3A_497, %multiple_of3A_504] : memref<16384x1024xf32, #tpu.memory_space<hbm>> -> memref<128x128xf32, #tpu.memory_space<hbm>>
    tpu.wait_dma2 semaphore(%dma_wait3A_585 : memref<!tpu.dma_semaphore, #tpu.memory_space<semaphore_mem>>) src(%dma_wait3A_590 : memref<128x128xf32, #tpu.memory_space<hbm>>) dst(%dma_wait3A_589 : memref<128x128xf32, #tpu.memory_space<vmem>>)
    %dma_start3A_591 = arith.constant 1 : i32
    %dma_start3A_592 = arith.constant 7 : i32
    %dma_start3A_593 = arith.constant 1 : i32
    %dma_start3A_594 = arith.constant 0 : i32
    %dma_start3A_595 = arith.constant 0 : i32
    %dma_start3A_596 = tpu.memref_slice %arg6[%dma_start3A_591, %dma_start3A_594, %dma_start3A_595] : memref<3x128x128xf32, #tpu.memory_space<vmem>> -> memref<1x128x128xf32, #tpu.memory_space<vmem>>
    %dma_start3A_597 = tpu.memref_squeeze %dma_start3A_596 : memref<1x128x128xf32, #tpu.memory_space<vmem>> -> memref<128x128xf32, #tpu.memory_space<vmem>>
    %dma_start3A_598 = arith.constant 0 : i32
    %dma_start3A_599 = tpu.memref_slice %arg5[%dma_start3A_592, %dma_start3A_598] : memref<8x128xi32, #tpu.memory_space<vmem>> -> memref<1x128xi32, #tpu.memory_space<vmem>>
    %dma_start3A_600 = tpu.memref_squeeze %dma_start3A_599 : memref<1x128xi32, #tpu.memory_space<vmem>> -> memref<128xi32, #tpu.memory_space<vmem>>
    %dma_start3A_601 = arith.constant 0 : i32
    %dma_start3A_602 = arith.constant 0 : i32
    %dma_start3A_603 = tpu.memref_slice %arg8[%dma_start3A_601, %dma_start3A_602] : memref<8192x128xf32, #tpu.memory_space<vmem_shared>> -> memref<8192x128xf32, #tpu.memory_space<vmem_shared>>
    %dma_start3A_604 = tpu.memref_slice %arg10[%dma_start3A_593] : memref<3x!tpu.dma_semaphore, #tpu.memory_space<semaphore_mem>> -> memref<1x!tpu.dma_semaphore, #tpu.memory_space<semaphore_mem>>
    %dma_start3A_605 = tpu.memref_squeeze %dma_start3A_604 : memref<1x!tpu.dma_semaphore, #tpu.memory_space<semaphore_mem>> -> memref<!tpu.dma_semaphore, #tpu.memory_space<semaphore_mem>>
    tpu.enqueue_indirect_dma source(%dma_start3A_597 : memref<128x128xf32, #tpu.memory_space<vmem>>) target(%dma_start3A_603 : memref<8192x128xf32, #tpu.memory_space<vmem_shared>>) offsets(%dma_start3A_600 : memref<128xi32, #tpu.memory_space<vmem>>) semaphore(%dma_start3A_605 : memref<!tpu.dma_semaphore, #tpu.memory_space<semaphore_mem>>) {add = true}
    %dma_wait3A_606 = arith.constant 2 : i32
    %dma_wait3A_607 = arith.constant 5 : i32
    %dma_wait3A_608 = arith.constant 2 : i32
    %dma_wait3A_609 = arith.constant 0 : i32
    %dma_wait3A_610 = arith.constant 0 : i32
    %dma_wait3A_611 = tpu.memref_slice %arg6[%dma_wait3A_606, %dma_wait3A_609, %dma_wait3A_610] : memref<3x128x128xf32, #tpu.memory_space<vmem>> -> memref<1x128x128xf32, #tpu.memory_space<vmem>>
    %dma_wait3A_612 = tpu.memref_squeeze %dma_wait3A_611 : memref<1x128x128xf32, #tpu.memory_space<vmem>> -> memref<128x128xf32, #tpu.memory_space<vmem>>
    %dma_wait3A_613 = arith.constant 0 : i32
    %dma_wait3A_614 = tpu.memref_slice %arg5[%dma_wait3A_607, %dma_wait3A_613] : memref<8x128xi32, #tpu.memory_space<vmem>> -> memref<1x128xi32, #tpu.memory_space<vmem>>
    %dma_wait3A_615 = tpu.memref_squeeze %dma_wait3A_614 : memref<1x128xi32, #tpu.memory_space<vmem>> -> memref<128xi32, #tpu.memory_space<vmem>>
    %dma_wait3A_616 = arith.constant 0 : i32
    %dma_wait3A_617 = arith.constant 0 : i32
    %dma_wait3A_618 = tpu.memref_slice %arg8[%dma_wait3A_616, %dma_wait3A_617] : memref<8192x128xf32, #tpu.memory_space<vmem_shared>> -> memref<8192x128xf32, #tpu.memory_space<vmem_shared>>
    %dma_wait3A_619 = tpu.memref_slice %arg10[%dma_wait3A_608] : memref<3x!tpu.dma_semaphore, #tpu.memory_space<semaphore_mem>> -> memref<1x!tpu.dma_semaphore, #tpu.memory_space<semaphore_mem>>
    %dma_wait3A_620 = tpu.memref_squeeze %dma_wait3A_619 : memref<1x!tpu.dma_semaphore, #tpu.memory_space<semaphore_mem>> -> memref<!tpu.dma_semaphore, #tpu.memory_space<semaphore_mem>>
    tpu.wait_indirect_dma semaphore(%dma_wait3A_620 : memref<!tpu.dma_semaphore, #tpu.memory_space<semaphore_mem>>) src(%dma_wait3A_612 : memref<128x128xf32, #tpu.memory_space<vmem>>) dst(%dma_wait3A_618 : memref<8192x128xf32, #tpu.memory_space<vmem_shared>>)
    %dma_wait3A_621 = arith.constant 0 : i32
    %dma_wait3A_622 = arith.constant 6 : i32
    %dma_wait3A_623 = arith.constant 0 : i32
    %dma_wait3A_624 = arith.constant 0 : i32
    %dma_wait3A_625 = arith.constant 0 : i32
    %dma_wait3A_626 = tpu.memref_slice %arg6[%dma_wait3A_621, %dma_wait3A_624, %dma_wait3A_625] : memref<3x128x128xf32, #tpu.memory_space<vmem>> -> memref<1x128x128xf32, #tpu.memory_space<vmem>>
    %dma_wait3A_627 = tpu.memref_squeeze %dma_wait3A_626 : memref<1x128x128xf32, #tpu.memory_space<vmem>> -> memref<128x128xf32, #tpu.memory_space<vmem>>
    %dma_wait3A_628 = arith.constant 0 : i32
    %dma_wait3A_629 = tpu.memref_slice %arg5[%dma_wait3A_622, %dma_wait3A_628] : memref<8x128xi32, #tpu.memory_space<vmem>> -> memref<1x128xi32, #tpu.memory_space<vmem>>
    %dma_wait3A_630 = tpu.memref_squeeze %dma_wait3A_629 : memref<1x128xi32, #tpu.memory_space<vmem>> -> memref<128xi32, #tpu.memory_space<vmem>>
    %dma_wait3A_631 = arith.constant 0 : i32
    %dma_wait3A_632 = arith.constant 0 : i32
    %dma_wait3A_633 = tpu.memref_slice %arg8[%dma_wait3A_631, %dma_wait3A_632] : memref<8192x128xf32, #tpu.memory_space<vmem_shared>> -> memref<8192x128xf32, #tpu.memory_space<vmem_shared>>
    %dma_wait3A_634 = tpu.memref_slice %arg10[%dma_wait3A_623] : memref<3x!tpu.dma_semaphore, #tpu.memory_space<semaphore_mem>> -> memref<1x!tpu.dma_semaphore, #tpu.memory_space<semaphore_mem>>
    %dma_wait3A_635 = tpu.memref_squeeze %dma_wait3A_634 : memref<1x!tpu.dma_semaphore, #tpu.memory_space<semaphore_mem>> -> memref<!tpu.dma_semaphore, #tpu.memory_space<semaphore_mem>>
    tpu.wait_indirect_dma semaphore(%dma_wait3A_635 : memref<!tpu.dma_semaphore, #tpu.memory_space<semaphore_mem>>) src(%dma_wait3A_627 : memref<128x128xf32, #tpu.memory_space<vmem>>) dst(%dma_wait3A_633 : memref<8192x128xf32, #tpu.memory_space<vmem_shared>>)
    %dma_wait3A_636 = arith.constant 1 : i32
    %dma_wait3A_637 = arith.constant 7 : i32
    %dma_wait3A_638 = arith.constant 1 : i32
    %dma_wait3A_639 = arith.constant 0 : i32
    %dma_wait3A_640 = arith.constant 0 : i32
    %dma_wait3A_641 = tpu.memref_slice %arg6[%dma_wait3A_636, %dma_wait3A_639, %dma_wait3A_640] : memref<3x128x128xf32, #tpu.memory_space<vmem>> -> memref<1x128x128xf32, #tpu.memory_space<vmem>>
    %dma_wait3A_642 = tpu.memref_squeeze %dma_wait3A_641 : memref<1x128x128xf32, #tpu.memory_space<vmem>> -> memref<128x128xf32, #tpu.memory_space<vmem>>
    %dma_wait3A_643 = arith.constant 0 : i32
    %dma_wait3A_644 = tpu.memref_slice %arg5[%dma_wait3A_637, %dma_wait3A_643] : memref<8x128xi32, #tpu.memory_space<vmem>> -> memref<1x128xi32, #tpu.memory_space<vmem>>
    %dma_wait3A_645 = tpu.memref_squeeze %dma_wait3A_644 : memref<1x128xi32, #tpu.memory_space<vmem>> -> memref<128xi32, #tpu.memory_space<vmem>>
    %dma_wait3A_646 = arith.constant 0 : i32
    %dma_wait3A_647 = arith.constant 0 : i32
    %dma_wait3A_648 = tpu.memref_slice %arg8[%dma_wait3A_646, %dma_wait3A_647] : memref<8192x128xf32, #tpu.memory_space<vmem_shared>> -> memref<8192x128xf32, #tpu.memory_space<vmem_shared>>
    %dma_wait3A_649 = tpu.memref_slice %arg10[%dma_wait3A_638] : memref<3x!tpu.dma_semaphore, #tpu.memory_space<semaphore_mem>> -> memref<1x!tpu.dma_semaphore, #tpu.memory_space<semaphore_mem>>
    %dma_wait3A_650 = tpu.memref_squeeze %dma_wait3A_649 : memref<1x!tpu.dma_semaphore, #tpu.memory_space<semaphore_mem>> -> memref<!tpu.dma_semaphore, #tpu.memory_space<semaphore_mem>>
    tpu.wait_indirect_dma semaphore(%dma_wait3A_650 : memref<!tpu.dma_semaphore, #tpu.memory_space<semaphore_mem>>) src(%dma_wait3A_642 : memref<128x128xf32, #tpu.memory_space<vmem>>) dst(%dma_wait3A_648 : memref<8192x128xf32, #tpu.memory_space<vmem_shared>>)
    %barrier3A_651 = arith.constant 0 : index
    tpu.barrier barrier_id(%barrier3A_651)
    %mul3A_652 = arith.constant 1024 : i32
    %mul3A_653 = arith.muli %arg1, %mul3A_652 : i32
    %add3A_654 = arith.constant 0 : i32
    %add3A_655 = arith.addi %mul3A_653, %add3A_654 : i32
    %multiple_of3A_656 = tpu.assume_multiple %add3A_655, 128 : i32
    %mul3A_657 = arith.constant 4 : i32
    %mul3A_658 = arith.muli %arg0, %mul3A_657 : i32
    %add3A_659 = arith.constant 1 : i32
    %add3A_660 = arith.addi %mul3A_658, %add3A_659 : i32
    %mul3A_661 = arith.constant 128 : i32
    %mul3A_662 = arith.muli %add3A_660, %mul3A_661 : i32
    %multiple_of3A_663 = tpu.assume_multiple %mul3A_662, 128 : i32
    %dma_start3A_664 = arith.constant 0 : i32
    %dma_start3A_665 = arith.constant 0 : i32
    %dma_start3A_666 = arith.constant 0 : i32
    %dma_start3A_667 = arith.constant 0 : i32
    %dma_start3A_668 = tpu.memref_slice %arg6[%dma_start3A_664, %dma_start3A_666, %dma_start3A_667] : memref<3x128x128xf32, #tpu.memory_space<vmem>> -> memref<1x128x128xf32, #tpu.memory_space<vmem>>
    %dma_start3A_669 = tpu.memref_squeeze %dma_start3A_668 : memref<1x128x128xf32, #tpu.memory_space<vmem>> -> memref<128x128xf32, #tpu.memory_space<vmem>>
    %dma_start3A_670 = tpu.memref_slice %arg2[%multiple_of3A_656, %multiple_of3A_663] : memref<16384x1024xf32, #tpu.memory_space<hbm>> -> memref<128x128xf32, #tpu.memory_space<hbm>>
    %dma_start3A_671 = tpu.memref_slice %arg9[%dma_start3A_665] : memref<3x!tpu.dma_semaphore, #tpu.memory_space<semaphore_mem>> -> memref<1x!tpu.dma_semaphore, #tpu.memory_space<semaphore_mem>>
    %dma_start3A_672 = tpu.memref_squeeze %dma_start3A_671 : memref<1x!tpu.dma_semaphore, #tpu.memory_space<semaphore_mem>> -> memref<!tpu.dma_semaphore, #tpu.memory_space<semaphore_mem>>
    %dma_start3A_673 = arith.constant 0 : i32
    %dma_start3A_674 = arith.constant 0 : i32
    %dma_start3A_675 = tpu.memref_slice %arg6[%dma_start3A_664, %dma_start3A_673, %dma_start3A_674] : memref<3x128x128xf32, #tpu.memory_space<vmem>> -> memref<1x128x128xf32, #tpu.memory_space<vmem>>
    %dma_start3A_676 = tpu.memref_squeeze %dma_start3A_675 : memref<1x128x128xf32, #tpu.memory_space<vmem>> -> memref<128x128xf32, #tpu.memory_space<vmem>>
    %dma_start3A_677 = tpu.memref_slice %arg2[%multiple_of3A_656, %multiple_of3A_663] : memref<16384x1024xf32, #tpu.memory_space<hbm>> -> memref<128x128xf32, #tpu.memory_space<hbm>>
    tpu.enqueue_dma source(%dma_start3A_677 : memref<128x128xf32, #tpu.memory_space<hbm>>) target(%dma_start3A_676 : memref<128x128xf32, #tpu.memory_space<vmem>>) target_semaphore(%dma_start3A_672 : memref<!tpu.dma_semaphore, #tpu.memory_space<semaphore_mem>>)
    %mul3A_678 = arith.constant 1024 : i32
    %mul3A_679 = arith.muli %arg1, %mul3A_678 : i32
    %add3A_680 = arith.constant 128 : i32
    %add3A_681 = arith.addi %mul3A_679, %add3A_680 : i32
    %multiple_of3A_682 = tpu.assume_multiple %add3A_681, 128 : i32
    %mul3A_683 = arith.constant 4 : i32
    %mul3A_684 = arith.muli %arg0, %mul3A_683 : i32
    %add3A_685 = arith.constant 1 : i32
    %add3A_686 = arith.addi %mul3A_684, %add3A_685 : i32
    %mul3A_687 = arith.constant 128 : i32
    %mul3A_688 = arith.muli %add3A_686, %mul3A_687 : i32
    %multiple_of3A_689 = tpu.assume_multiple %mul3A_688, 128 : i32
    %dma_start3A_690 = arith.constant 1 : i32
    %dma_start3A_691 = arith.constant 1 : i32
    %dma_start3A_692 = arith.constant 0 : i32
    %dma_start3A_693 = arith.constant 0 : i32
    %dma_start3A_694 = tpu.memref_slice %arg6[%dma_start3A_690, %dma_start3A_692, %dma_start3A_693] : memref<3x128x128xf32, #tpu.memory_space<vmem>> -> memref<1x128x128xf32, #tpu.memory_space<vmem>>
    %dma_start3A_695 = tpu.memref_squeeze %dma_start3A_694 : memref<1x128x128xf32, #tpu.memory_space<vmem>> -> memref<128x128xf32, #tpu.memory_space<vmem>>
    %dma_start3A_696 = tpu.memref_slice %arg2[%multiple_of3A_682, %multiple_of3A_689] : memref<16384x1024xf32, #tpu.memory_space<hbm>> -> memref<128x128xf32, #tpu.memory_space<hbm>>
    %dma_start3A_697 = tpu.memref_slice %arg9[%dma_start3A_691] : memref<3x!tpu.dma_semaphore, #tpu.memory_space<semaphore_mem>> -> memref<1x!tpu.dma_semaphore, #tpu.memory_space<semaphore_mem>>
    %dma_start3A_698 = tpu.memref_squeeze %dma_start3A_697 : memref<1x!tpu.dma_semaphore, #tpu.memory_space<semaphore_mem>> -> memref<!tpu.dma_semaphore, #tpu.memory_space<semaphore_mem>>
    %dma_start3A_699 = arith.constant 0 : i32
    %dma_start3A_700 = arith.constant 0 : i32
    %dma_start3A_701 = tpu.memref_slice %arg6[%dma_start3A_690, %dma_start3A_699, %dma_start3A_700] : memref<3x128x128xf32, #tpu.memory_space<vmem>> -> memref<1x128x128xf32, #tpu.memory_space<vmem>>
    %dma_start3A_702 = tpu.memref_squeeze %dma_start3A_701 : memref<1x128x128xf32, #tpu.memory_space<vmem>> -> memref<128x128xf32, #tpu.memory_space<vmem>>
    %dma_start3A_703 = tpu.memref_slice %arg2[%multiple_of3A_682, %multiple_of3A_689] : memref<16384x1024xf32, #tpu.memory_space<hbm>> -> memref<128x128xf32, #tpu.memory_space<hbm>>
    tpu.enqueue_dma source(%dma_start3A_703 : memref<128x128xf32, #tpu.memory_space<hbm>>) target(%dma_start3A_702 : memref<128x128xf32, #tpu.memory_space<vmem>>) target_semaphore(%dma_start3A_698 : memref<!tpu.dma_semaphore, #tpu.memory_space<semaphore_mem>>)
    %mul3A_704 = arith.constant 1024 : i32
    %mul3A_705 = arith.muli %arg1, %mul3A_704 : i32
    %add3A_706 = arith.constant 256 : i32
    %add3A_707 = arith.addi %mul3A_705, %add3A_706 : i32
    %multiple_of3A_708 = tpu.assume_multiple %add3A_707, 128 : i32
    %mul3A_709 = arith.constant 4 : i32
    %mul3A_710 = arith.muli %arg0, %mul3A_709 : i32
    %add3A_711 = arith.constant 1 : i32
    %add3A_712 = arith.addi %mul3A_710, %add3A_711 : i32
    %mul3A_713 = arith.constant 128 : i32
    %mul3A_714 = arith.muli %add3A_712, %mul3A_713 : i32
    %multiple_of3A_715 = tpu.assume_multiple %mul3A_714, 128 : i32
    %dma_start3A_716 = arith.constant 2 : i32
    %dma_start3A_717 = arith.constant 2 : i32
    %dma_start3A_718 = arith.constant 0 : i32
    %dma_start3A_719 = arith.constant 0 : i32
    %dma_start3A_720 = tpu.memref_slice %arg6[%dma_start3A_716, %dma_start3A_718, %dma_start3A_719] : memref<3x128x128xf32, #tpu.memory_space<vmem>> -> memref<1x128x128xf32, #tpu.memory_space<vmem>>
    %dma_start3A_721 = tpu.memref_squeeze %dma_start3A_720 : memref<1x128x128xf32, #tpu.memory_space<vmem>> -> memref<128x128xf32, #tpu.memory_space<vmem>>
    %dma_start3A_722 = tpu.memref_slice %arg2[%multiple_of3A_708, %multiple_of3A_715] : memref<16384x1024xf32, #tpu.memory_space<hbm>> -> memref<128x128xf32, #tpu.memory_space<hbm>>
    %dma_start3A_723 = tpu.memref_slice %arg9[%dma_start3A_717] : memref<3x!tpu.dma_semaphore, #tpu.memory_space<semaphore_mem>> -> memref<1x!tpu.dma_semaphore, #tpu.memory_space<semaphore_mem>>
    %dma_start3A_724 = tpu.memref_squeeze %dma_start3A_723 : memref<1x!tpu.dma_semaphore, #tpu.memory_space<semaphore_mem>> -> memref<!tpu.dma_semaphore, #tpu.memory_space<semaphore_mem>>
    %dma_start3A_725 = arith.constant 0 : i32
    %dma_start3A_726 = arith.constant 0 : i32
    %dma_start3A_727 = tpu.memref_slice %arg6[%dma_start3A_716, %dma_start3A_725, %dma_start3A_726] : memref<3x128x128xf32, #tpu.memory_space<vmem>> -> memref<1x128x128xf32, #tpu.memory_space<vmem>>
    %dma_start3A_728 = tpu.memref_squeeze %dma_start3A_727 : memref<1x128x128xf32, #tpu.memory_space<vmem>> -> memref<128x128xf32, #tpu.memory_space<vmem>>
    %dma_start3A_729 = tpu.memref_slice %arg2[%multiple_of3A_708, %multiple_of3A_715] : memref<16384x1024xf32, #tpu.memory_space<hbm>> -> memref<128x128xf32, #tpu.memory_space<hbm>>
    tpu.enqueue_dma source(%dma_start3A_729 : memref<128x128xf32, #tpu.memory_space<hbm>>) target(%dma_start3A_728 : memref<128x128xf32, #tpu.memory_space<vmem>>) target_semaphore(%dma_start3A_724 : memref<!tpu.dma_semaphore, #tpu.memory_space<semaphore_mem>>)
    %add3A_730 = arith.constant 0 : i32
    %add3A_731 = arith.addi %multiple_of3A, %add3A_730 : i32
    %add3A_732 = arith.constant 0 : i32
    %add3A_733 = arith.addi %multiple_of3A, %add3A_732 : i32
    %mul3A_734 = arith.constant 4 : i32
    %mul3A_735 = arith.muli %arg0, %mul3A_734 : i32
    %add3A_736 = arith.constant 0 : i32
    %add3A_737 = arith.addi %mul3A_735, %add3A_736 : i32
    %mul3A_738 = arith.constant 128 : i32
    %mul3A_739 = arith.muli %add3A_737, %mul3A_738 : i32
    %multiple_of3A_740 = tpu.assume_multiple %mul3A_739, 128 : i32
    %dma_start3A_741 = arith.constant 0 : i32
    %dma_start3A_742 = tpu.memref_slice %arg12[%dma_start3A_741] : memref<2x!tpu.dma_semaphore, #tpu.memory_space<semaphore_mem>> -> memref<1x!tpu.dma_semaphore, #tpu.memory_space<semaphore_mem>>
    %dma_start3A_743 = tpu.memref_squeeze %dma_start3A_742 : memref<1x!tpu.dma_semaphore, #tpu.memory_space<semaphore_mem>> -> memref<!tpu.dma_semaphore, #tpu.memory_space<semaphore_mem>>
    %dma_start3A_744 = tpu.memref_slice %arg4[%add3A_733, %multiple_of3A_740] : memref<8192x1024xf32, #tpu.memory_space<hbm>> -> memref<256x128xf32, #tpu.memory_space<hbm>>
    %dma_start3A_745 = arith.constant 0 : i32
    %dma_start3A_746 = tpu.memref_slice %arg8[%add3A_731, %dma_start3A_745] : memref<8192x128xf32, #tpu.memory_space<vmem_shared>> -> memref<256x128xf32, #tpu.memory_space<vmem_shared>>
    tpu.enqueue_dma source(%dma_start3A_746 : memref<256x128xf32, #tpu.memory_space<vmem_shared>>) target(%dma_start3A_744 : memref<256x128xf32, #tpu.memory_space<hbm>>) target_semaphore(%dma_start3A_743 : memref<!tpu.dma_semaphore, #tpu.memory_space<semaphore_mem>>)
    %add3A_747 = arith.constant 256 : i32
    %add3A_748 = arith.addi %multiple_of3A, %add3A_747 : i32
    %add3A_749 = arith.constant 256 : i32
    %add3A_750 = arith.addi %multiple_of3A, %add3A_749 : i32
    %mul3A_751 = arith.constant 4 : i32
    %mul3A_752 = arith.muli %arg0, %mul3A_751 : i32
    %add3A_753 = arith.constant 0 : i32
    %add3A_754 = arith.addi %mul3A_752, %add3A_753 : i32
    %mul3A_755 = arith.constant 128 : i32
    %mul3A_756 = arith.muli %add3A_754, %mul3A_755 : i32
    %multiple_of3A_757 = tpu.assume_multiple %mul3A_756, 128 : i32
    %dma_start3A_758 = arith.constant 1 : i32
    %dma_start3A_759 = tpu.memref_slice %arg12[%dma_start3A_758] : memref<2x!tpu.dma_semaphore, #tpu.memory_space<semaphore_mem>> -> memref<1x!tpu.dma_semaphore, #tpu.memory_space<semaphore_mem>>
    %dma_start3A_760 = tpu.memref_squeeze %dma_start3A_759 : memref<1x!tpu.dma_semaphore, #tpu.memory_space<semaphore_mem>> -> memref<!tpu.dma_semaphore, #tpu.memory_space<semaphore_mem>>
    %dma_start3A_761 = tpu.memref_slice %arg4[%add3A_750, %multiple_of3A_757] : memref<8192x1024xf32, #tpu.memory_space<hbm>> -> memref<256x128xf32, #tpu.memory_space<hbm>>
    %dma_start3A_762 = arith.constant 0 : i32
    %dma_start3A_763 = tpu.memref_slice %arg8[%add3A_748, %dma_start3A_762] : memref<8192x128xf32, #tpu.memory_space<vmem_shared>> -> memref<256x128xf32, #tpu.memory_space<vmem_shared>>
    tpu.enqueue_dma source(%dma_start3A_763 : memref<256x128xf32, #tpu.memory_space<vmem_shared>>) target(%dma_start3A_761 : memref<256x128xf32, #tpu.memory_space<hbm>>) target_semaphore(%dma_start3A_760 : memref<!tpu.dma_semaphore, #tpu.memory_space<semaphore_mem>>)
    %dma_wait3A_764 = arith.constant 0 : i32
    %dma_wait3A_765 = tpu.memref_slice %arg12[%dma_wait3A_764] : memref<2x!tpu.dma_semaphore, #tpu.memory_space<semaphore_mem>> -> memref<1x!tpu.dma_semaphore, #tpu.memory_space<semaphore_mem>>
    %dma_wait3A_766 = tpu.memref_squeeze %dma_wait3A_765 : memref<1x!tpu.dma_semaphore, #tpu.memory_space<semaphore_mem>> -> memref<!tpu.dma_semaphore, #tpu.memory_space<semaphore_mem>>
    %dma_wait3A_767 = tpu.memref_slice %arg4[%add3A_733, %multiple_of3A_740] : memref<8192x1024xf32, #tpu.memory_space<hbm>> -> memref<256x128xf32, #tpu.memory_space<hbm>>
    %dma_wait3A_768 = arith.constant 0 : i32
    %dma_wait3A_769 = tpu.memref_slice %arg8[%add3A_731, %dma_wait3A_768] : memref<8192x128xf32, #tpu.memory_space<vmem_shared>> -> memref<256x128xf32, #tpu.memory_space<vmem_shared>>
    tpu.wait_dma2 semaphore(%dma_wait3A_766 : memref<!tpu.dma_semaphore, #tpu.memory_space<semaphore_mem>>) src(%dma_wait3A_769 : memref<256x128xf32, #tpu.memory_space<vmem_shared>>) dst(%dma_wait3A_767 : memref<256x128xf32, #tpu.memory_space<hbm>>)
    %mul3A_770 = arith.constant 512 : i32
    %mul3A_771 = arith.muli %arg1, %mul3A_770 : i32
    %add3A_772 = arith.constant 0 : i32
    %add3A_773 = arith.addi %mul3A_771, %add3A_772 : i32
    %add3A_774 = arith.constant 0 : i32
    %add3A_775 = arith.addi %add3A_773, %add3A_774 : i32
    %dma_start3A_776 = arith.constant 0 : i32
    %dma_start3A_777 = tpu.memref_slice %arg8[%add3A_775, %dma_start3A_776] : memref<8192x128xf32, #tpu.memory_space<vmem_shared>> -> memref<64x128xf32, #tpu.memory_space<vmem_shared>>
    %dma_start3A_778 = arith.constant 0 : i32
    %dma_start3A_779 = tpu.memref_slice %arg8[%add3A_775, %dma_start3A_778] : memref<8192x128xf32, #tpu.memory_space<vmem_shared>> -> memref<64x128xf32, #tpu.memory_space<vmem_shared>>
    tpu.enqueue_dma source(%arg7 : memref<64x128xf32, #tpu.memory_space<vmem>>) target(%dma_start3A_779 : memref<64x128xf32, #tpu.memory_space<vmem_shared>>) target_semaphore(%arg11 : memref<!tpu.dma_semaphore, #tpu.memory_space<semaphore_mem>>)
    %add3A_780 = arith.constant 64 : i32
    %add3A_781 = arith.addi %add3A_773, %add3A_780 : i32
    %dma_start3A_782 = arith.constant 0 : i32
    %dma_start3A_783 = tpu.memref_slice %arg8[%add3A_781, %dma_start3A_782] : memref<8192x128xf32, #tpu.memory_space<vmem_shared>> -> memref<64x128xf32, #tpu.memory_space<vmem_shared>>
    %dma_start3A_784 = arith.constant 0 : i32
    %dma_start3A_785 = tpu.memref_slice %arg8[%add3A_781, %dma_start3A_784] : memref<8192x128xf32, #tpu.memory_space<vmem_shared>> -> memref<64x128xf32, #tpu.memory_space<vmem_shared>>
    tpu.enqueue_dma source(%arg7 : memref<64x128xf32, #tpu.memory_space<vmem>>) target(%dma_start3A_785 : memref<64x128xf32, #tpu.memory_space<vmem_shared>>) target_semaphore(%arg11 : memref<!tpu.dma_semaphore, #tpu.memory_space<semaphore_mem>>)
    %add3A_786 = arith.constant 128 : i32
    %add3A_787 = arith.addi %add3A_773, %add3A_786 : i32
    %dma_start3A_788 = arith.constant 0 : i32
    %dma_start3A_789 = tpu.memref_slice %arg8[%add3A_787, %dma_start3A_788] : memref<8192x128xf32, #tpu.memory_space<vmem_shared>> -> memref<64x128xf32, #tpu.memory_space<vmem_shared>>
    %dma_start3A_790 = arith.constant 0 : i32
    %dma_start3A_791 = tpu.memref_slice %arg8[%add3A_787, %dma_start3A_790] : memref<8192x128xf32, #tpu.memory_space<vmem_shared>> -> memref<64x128xf32, #tpu.memory_space<vmem_shared>>
    tpu.enqueue_dma source(%arg7 : memref<64x128xf32, #tpu.memory_space<vmem>>) target(%dma_start3A_791 : memref<64x128xf32, #tpu.memory_space<vmem_shared>>) target_semaphore(%arg11 : memref<!tpu.dma_semaphore, #tpu.memory_space<semaphore_mem>>)
    %add3A_792 = arith.constant 192 : i32
    %add3A_793 = arith.addi %add3A_773, %add3A_792 : i32
    %dma_start3A_794 = arith.constant 0 : i32
    %dma_start3A_795 = tpu.memref_slice %arg8[%add3A_793, %dma_start3A_794] : memref<8192x128xf32, #tpu.memory_space<vmem_shared>> -> memref<64x128xf32, #tpu.memory_space<vmem_shared>>
    %dma_start3A_796 = arith.constant 0 : i32
    %dma_start3A_797 = tpu.memref_slice %arg8[%add3A_793, %dma_start3A_796] : memref<8192x128xf32, #tpu.memory_space<vmem_shared>> -> memref<64x128xf32, #tpu.memory_space<vmem_shared>>
    tpu.enqueue_dma source(%arg7 : memref<64x128xf32, #tpu.memory_space<vmem>>) target(%dma_start3A_797 : memref<64x128xf32, #tpu.memory_space<vmem_shared>>) target_semaphore(%arg11 : memref<!tpu.dma_semaphore, #tpu.memory_space<semaphore_mem>>)
    %dma_wait3A_798 = arith.constant 1 : i32
    %dma_wait3A_799 = tpu.memref_slice %arg12[%dma_wait3A_798] : memref<2x!tpu.dma_semaphore, #tpu.memory_space<semaphore_mem>> -> memref<1x!tpu.dma_semaphore, #tpu.memory_space<semaphore_mem>>
    %dma_wait3A_800 = tpu.memref_squeeze %dma_wait3A_799 : memref<1x!tpu.dma_semaphore, #tpu.memory_space<semaphore_mem>> -> memref<!tpu.dma_semaphore, #tpu.memory_space<semaphore_mem>>
    %dma_wait3A_801 = tpu.memref_slice %arg4[%add3A_750, %multiple_of3A_757] : memref<8192x1024xf32, #tpu.memory_space<hbm>> -> memref<256x128xf32, #tpu.memory_space<hbm>>
    %dma_wait3A_802 = arith.constant 0 : i32
    %dma_wait3A_803 = tpu.memref_slice %arg8[%add3A_748, %dma_wait3A_802] : memref<8192x128xf32, #tpu.memory_space<vmem_shared>> -> memref<256x128xf32, #tpu.memory_space<vmem_shared>>
    tpu.wait_dma2 semaphore(%dma_wait3A_800 : memref<!tpu.dma_semaphore, #tpu.memory_space<semaphore_mem>>) src(%dma_wait3A_803 : memref<256x128xf32, #tpu.memory_space<vmem_shared>>) dst(%dma_wait3A_801 : memref<256x128xf32, #tpu.memory_space<hbm>>)
    %mul3A_804 = arith.constant 512 : i32
    %mul3A_805 = arith.muli %arg1, %mul3A_804 : i32
    %add3A_806 = arith.constant 256 : i32
    %add3A_807 = arith.addi %mul3A_805, %add3A_806 : i32
    %add3A_808 = arith.constant 0 : i32
    %add3A_809 = arith.addi %add3A_807, %add3A_808 : i32
    %dma_start3A_810 = arith.constant 0 : i32
    %dma_start3A_811 = tpu.memref_slice %arg8[%add3A_809, %dma_start3A_810] : memref<8192x128xf32, #tpu.memory_space<vmem_shared>> -> memref<64x128xf32, #tpu.memory_space<vmem_shared>>
    %dma_start3A_812 = arith.constant 0 : i32
    %dma_start3A_813 = tpu.memref_slice %arg8[%add3A_809, %dma_start3A_812] : memref<8192x128xf32, #tpu.memory_space<vmem_shared>> -> memref<64x128xf32, #tpu.memory_space<vmem_shared>>
    tpu.enqueue_dma source(%arg7 : memref<64x128xf32, #tpu.memory_space<vmem>>) target(%dma_start3A_813 : memref<64x128xf32, #tpu.memory_space<vmem_shared>>) target_semaphore(%arg11 : memref<!tpu.dma_semaphore, #tpu.memory_space<semaphore_mem>>)
    %add3A_814 = arith.constant 64 : i32
    %add3A_815 = arith.addi %add3A_807, %add3A_814 : i32
    %dma_start3A_816 = arith.constant 0 : i32
    %dma_start3A_817 = tpu.memref_slice %arg8[%add3A_815, %dma_start3A_816] : memref<8192x128xf32, #tpu.memory_space<vmem_shared>> -> memref<64x128xf32, #tpu.memory_space<vmem_shared>>
    %dma_start3A_818 = arith.constant 0 : i32
    %dma_start3A_819 = tpu.memref_slice %arg8[%add3A_815, %dma_start3A_818] : memref<8192x128xf32, #tpu.memory_space<vmem_shared>> -> memref<64x128xf32, #tpu.memory_space<vmem_shared>>
    tpu.enqueue_dma source(%arg7 : memref<64x128xf32, #tpu.memory_space<vmem>>) target(%dma_start3A_819 : memref<64x128xf32, #tpu.memory_space<vmem_shared>>) target_semaphore(%arg11 : memref<!tpu.dma_semaphore, #tpu.memory_space<semaphore_mem>>)
    %add3A_820 = arith.constant 128 : i32
    %add3A_821 = arith.addi %add3A_807, %add3A_820 : i32
    %dma_start3A_822 = arith.constant 0 : i32
    %dma_start3A_823 = tpu.memref_slice %arg8[%add3A_821, %dma_start3A_822] : memref<8192x128xf32, #tpu.memory_space<vmem_shared>> -> memref<64x128xf32, #tpu.memory_space<vmem_shared>>
    %dma_start3A_824 = arith.constant 0 : i32
    %dma_start3A_825 = tpu.memref_slice %arg8[%add3A_821, %dma_start3A_824] : memref<8192x128xf32, #tpu.memory_space<vmem_shared>> -> memref<64x128xf32, #tpu.memory_space<vmem_shared>>
    tpu.enqueue_dma source(%arg7 : memref<64x128xf32, #tpu.memory_space<vmem>>) target(%dma_start3A_825 : memref<64x128xf32, #tpu.memory_space<vmem_shared>>) target_semaphore(%arg11 : memref<!tpu.dma_semaphore, #tpu.memory_space<semaphore_mem>>)
    %add3A_826 = arith.constant 192 : i32
    %add3A_827 = arith.addi %add3A_807, %add3A_826 : i32
    %dma_start3A_828 = arith.constant 0 : i32
    %dma_start3A_829 = tpu.memref_slice %arg8[%add3A_827, %dma_start3A_828] : memref<8192x128xf32, #tpu.memory_space<vmem_shared>> -> memref<64x128xf32, #tpu.memory_space<vmem_shared>>
    %dma_start3A_830 = arith.constant 0 : i32
    %dma_start3A_831 = tpu.memref_slice %arg8[%add3A_827, %dma_start3A_830] : memref<8192x128xf32, #tpu.memory_space<vmem_shared>> -> memref<64x128xf32, #tpu.memory_space<vmem_shared>>
    tpu.enqueue_dma source(%arg7 : memref<64x128xf32, #tpu.memory_space<vmem>>) target(%dma_start3A_831 : memref<64x128xf32, #tpu.memory_space<vmem_shared>>) target_semaphore(%arg11 : memref<!tpu.dma_semaphore, #tpu.memory_space<semaphore_mem>>)
    %dma_wait3A_832 = arith.constant 0 : i32
    %dma_wait3A_833 = tpu.memref_slice %arg8[%add3A_775, %dma_wait3A_832] : memref<8192x128xf32, #tpu.memory_space<vmem_shared>> -> memref<64x128xf32, #tpu.memory_space<vmem_shared>>
    %dma_wait3A_834 = arith.constant 0 : i32
    %dma_wait3A_835 = tpu.memref_slice %arg8[%add3A_775, %dma_wait3A_834] : memref<8192x128xf32, #tpu.memory_space<vmem_shared>> -> memref<64x128xf32, #tpu.memory_space<vmem_shared>>
    tpu.wait_dma2 semaphore(%arg11 : memref<!tpu.dma_semaphore, #tpu.memory_space<semaphore_mem>>) src(%arg7 : memref<64x128xf32, #tpu.memory_space<vmem>>) dst(%dma_wait3A_835 : memref<64x128xf32, #tpu.memory_space<vmem_shared>>)
    %dma_wait3A_836 = arith.constant 0 : i32
    %dma_wait3A_837 = tpu.memref_slice %arg8[%add3A_781, %dma_wait3A_836] : memref<8192x128xf32, #tpu.memory_space<vmem_shared>> -> memref<64x128xf32, #tpu.memory_space<vmem_shared>>
    %dma_wait3A_838 = arith.constant 0 : i32
    %dma_wait3A_839 = tpu.memref_slice %arg8[%add3A_781, %dma_wait3A_838] : memref<8192x128xf32, #tpu.memory_space<vmem_shared>> -> memref<64x128xf32, #tpu.memory_space<vmem_shared>>
    tpu.wait_dma2 semaphore(%arg11 : memref<!tpu.dma_semaphore, #tpu.memory_space<semaphore_mem>>) src(%arg7 : memref<64x128xf32, #tpu.memory_space<vmem>>) dst(%dma_wait3A_839 : memref<64x128xf32, #tpu.memory_space<vmem_shared>>)
    %dma_wait3A_840 = arith.constant 0 : i32
    %dma_wait3A_841 = tpu.memref_slice %arg8[%add3A_787, %dma_wait3A_840] : memref<8192x128xf32, #tpu.memory_space<vmem_shared>> -> memref<64x128xf32, #tpu.memory_space<vmem_shared>>
    %dma_wait3A_842 = arith.constant 0 : i32
    %dma_wait3A_843 = tpu.memref_slice %arg8[%add3A_787, %dma_wait3A_842] : memref<8192x128xf32, #tpu.memory_space<vmem_shared>> -> memref<64x128xf32, #tpu.memory_space<vmem_shared>>
    tpu.wait_dma2 semaphore(%arg11 : memref<!tpu.dma_semaphore, #tpu.memory_space<semaphore_mem>>) src(%arg7 : memref<64x128xf32, #tpu.memory_space<vmem>>) dst(%dma_wait3A_843 : memref<64x128xf32, #tpu.memory_space<vmem_shared>>)
    %dma_wait3A_844 = arith.constant 0 : i32
    %dma_wait3A_845 = tpu.memref_slice %arg8[%add3A_793, %dma_wait3A_844] : memref<8192x128xf32, #tpu.memory_space<vmem_shared>> -> memref<64x128xf32, #tpu.memory_space<vmem_shared>>
    %dma_wait3A_846 = arith.constant 0 : i32
    %dma_wait3A_847 = tpu.memref_slice %arg8[%add3A_793, %dma_wait3A_846] : memref<8192x128xf32, #tpu.memory_space<vmem_shared>> -> memref<64x128xf32, #tpu.memory_space<vmem_shared>>
    tpu.wait_dma2 semaphore(%arg11 : memref<!tpu.dma_semaphore, #tpu.memory_space<semaphore_mem>>) src(%arg7 : memref<64x128xf32, #tpu.memory_space<vmem>>) dst(%dma_wait3A_847 : memref<64x128xf32, #tpu.memory_space<vmem_shared>>)
    %dma_wait3A_848 = arith.constant 0 : i32
    %dma_wait3A_849 = tpu.memref_slice %arg8[%add3A_809, %dma_wait3A_848] : memref<8192x128xf32, #tpu.memory_space<vmem_shared>> -> memref<64x128xf32, #tpu.memory_space<vmem_shared>>
    %dma_wait3A_850 = arith.constant 0 : i32
    %dma_wait3A_851 = tpu.memref_slice %arg8[%add3A_809, %dma_wait3A_850] : memref<8192x128xf32, #tpu.memory_space<vmem_shared>> -> memref<64x128xf32, #tpu.memory_space<vmem_shared>>
    tpu.wait_dma2 semaphore(%arg11 : memref<!tpu.dma_semaphore, #tpu.memory_space<semaphore_mem>>) src(%arg7 : memref<64x128xf32, #tpu.memory_space<vmem>>) dst(%dma_wait3A_851 : memref<64x128xf32, #tpu.memory_space<vmem_shared>>)
    %dma_wait3A_852 = arith.constant 0 : i32
    %dma_wait3A_853 = tpu.memref_slice %arg8[%add3A_815, %dma_wait3A_852] : memref<8192x128xf32, #tpu.memory_space<vmem_shared>> -> memref<64x128xf32, #tpu.memory_space<vmem_shared>>
    %dma_wait3A_854 = arith.constant 0 : i32
    %dma_wait3A_855 = tpu.memref_slice %arg8[%add3A_815, %dma_wait3A_854] : memref<8192x128xf32, #tpu.memory_space<vmem_shared>> -> memref<64x128xf32, #tpu.memory_space<vmem_shared>>
    tpu.wait_dma2 semaphore(%arg11 : memref<!tpu.dma_semaphore, #tpu.memory_space<semaphore_mem>>) src(%arg7 : memref<64x128xf32, #tpu.memory_space<vmem>>) dst(%dma_wait3A_855 : memref<64x128xf32, #tpu.memory_space<vmem_shared>>)
    %dma_wait3A_856 = arith.constant 0 : i32
    %dma_wait3A_857 = tpu.memref_slice %arg8[%add3A_821, %dma_wait3A_856] : memref<8192x128xf32, #tpu.memory_space<vmem_shared>> -> memref<64x128xf32, #tpu.memory_space<vmem_shared>>
    %dma_wait3A_858 = arith.constant 0 : i32
    %dma_wait3A_859 = tpu.memref_slice %arg8[%add3A_821, %dma_wait3A_858] : memref<8192x128xf32, #tpu.memory_space<vmem_shared>> -> memref<64x128xf32, #tpu.memory_space<vmem_shared>>
    tpu.wait_dma2 semaphore(%arg11 : memref<!tpu.dma_semaphore, #tpu.memory_space<semaphore_mem>>) src(%arg7 : memref<64x128xf32, #tpu.memory_space<vmem>>) dst(%dma_wait3A_859 : memref<64x128xf32, #tpu.memory_space<vmem_shared>>)
    %dma_wait3A_860 = arith.constant 0 : i32
    %dma_wait3A_861 = tpu.memref_slice %arg8[%add3A_827, %dma_wait3A_860] : memref<8192x128xf32, #tpu.memory_space<vmem_shared>> -> memref<64x128xf32, #tpu.memory_space<vmem_shared>>
    %dma_wait3A_862 = arith.constant 0 : i32
    %dma_wait3A_863 = tpu.memref_slice %arg8[%add3A_827, %dma_wait3A_862] : memref<8192x128xf32, #tpu.memory_space<vmem_shared>> -> memref<64x128xf32, #tpu.memory_space<vmem_shared>>
    tpu.wait_dma2 semaphore(%arg11 : memref<!tpu.dma_semaphore, #tpu.memory_space<semaphore_mem>>) src(%arg7 : memref<64x128xf32, #tpu.memory_space<vmem>>) dst(%dma_wait3A_863 : memref<64x128xf32, #tpu.memory_space<vmem_shared>>)
    %barrier3A_864 = arith.constant 0 : index
    tpu.barrier barrier_id(%barrier3A_864)
    %dma_wait3A_865 = arith.constant 0 : i32
    %dma_wait3A_866 = arith.constant 0 : i32
    %dma_wait3A_867 = arith.constant 0 : i32
    %dma_wait3A_868 = arith.constant 0 : i32
    %dma_wait3A_869 = tpu.memref_slice %arg6[%dma_wait3A_865, %dma_wait3A_867, %dma_wait3A_868] : memref<3x128x128xf32, #tpu.memory_space<vmem>> -> memref<1x128x128xf32, #tpu.memory_space<vmem>>
    %dma_wait3A_870 = tpu.memref_squeeze %dma_wait3A_869 : memref<1x128x128xf32, #tpu.memory_space<vmem>> -> memref<128x128xf32, #tpu.memory_space<vmem>>
    %dma_wait3A_871 = tpu.memref_slice %arg2[%multiple_of3A_656, %multiple_of3A_663] : memref<16384x1024xf32, #tpu.memory_space<hbm>> -> memref<128x128xf32, #tpu.memory_space<hbm>>
    %dma_wait3A_872 = tpu.memref_slice %arg9[%dma_wait3A_866] : memref<3x!tpu.dma_semaphore, #tpu.memory_space<semaphore_mem>> -> memref<1x!tpu.dma_semaphore, #tpu.memory_space<semaphore_mem>>
    %dma_wait3A_873 = tpu.memref_squeeze %dma_wait3A_872 : memref<1x!tpu.dma_semaphore, #tpu.memory_space<semaphore_mem>> -> memref<!tpu.dma_semaphore, #tpu.memory_space<semaphore_mem>>
    %dma_wait3A_874 = arith.constant 0 : i32
    %dma_wait3A_875 = arith.constant 0 : i32
    %dma_wait3A_876 = tpu.memref_slice %arg6[%dma_wait3A_865, %dma_wait3A_874, %dma_wait3A_875] : memref<3x128x128xf32, #tpu.memory_space<vmem>> -> memref<1x128x128xf32, #tpu.memory_space<vmem>>
    %dma_wait3A_877 = tpu.memref_squeeze %dma_wait3A_876 : memref<1x128x128xf32, #tpu.memory_space<vmem>> -> memref<128x128xf32, #tpu.memory_space<vmem>>
    %dma_wait3A_878 = tpu.memref_slice %arg2[%multiple_of3A_656, %multiple_of3A_663] : memref<16384x1024xf32, #tpu.memory_space<hbm>> -> memref<128x128xf32, #tpu.memory_space<hbm>>
    tpu.wait_dma2 semaphore(%dma_wait3A_873 : memref<!tpu.dma_semaphore, #tpu.memory_space<semaphore_mem>>) src(%dma_wait3A_878 : memref<128x128xf32, #tpu.memory_space<hbm>>) dst(%dma_wait3A_877 : memref<128x128xf32, #tpu.memory_space<vmem>>)
    %dma_start3A_879 = arith.constant 0 : i32
    %dma_start3A_880 = arith.constant 0 : i32
    %dma_start3A_881 = arith.constant 0 : i32
    %dma_start3A_882 = arith.constant 0 : i32
    %dma_start3A_883 = arith.constant 0 : i32
    %dma_start3A_884 = tpu.memref_slice %arg6[%dma_start3A_879, %dma_start3A_882, %dma_start3A_883] : memref<3x128x128xf32, #tpu.memory_space<vmem>> -> memref<1x128x128xf32, #tpu.memory_space<vmem>>
    %dma_start3A_885 = tpu.memref_squeeze %dma_start3A_884 : memref<1x128x128xf32, #tpu.memory_space<vmem>> -> memref<128x128xf32, #tpu.memory_space<vmem>>
    %dma_start3A_886 = arith.constant 0 : i32
    %dma_start3A_887 = tpu.memref_slice %arg5[%dma_start3A_880, %dma_start3A_886] : memref<8x128xi32, #tpu.memory_space<vmem>> -> memref<1x128xi32, #tpu.memory_space<vmem>>
    %dma_start3A_888 = tpu.memref_squeeze %dma_start3A_887 : memref<1x128xi32, #tpu.memory_space<vmem>> -> memref<128xi32, #tpu.memory_space<vmem>>
    %dma_start3A_889 = arith.constant 0 : i32
    %dma_start3A_890 = arith.constant 0 : i32
    %dma_start3A_891 = tpu.memref_slice %arg8[%dma_start3A_889, %dma_start3A_890] : memref<8192x128xf32, #tpu.memory_space<vmem_shared>> -> memref<8192x128xf32, #tpu.memory_space<vmem_shared>>
    %dma_start3A_892 = tpu.memref_slice %arg10[%dma_start3A_881] : memref<3x!tpu.dma_semaphore, #tpu.memory_space<semaphore_mem>> -> memref<1x!tpu.dma_semaphore, #tpu.memory_space<semaphore_mem>>
    %dma_start3A_893 = tpu.memref_squeeze %dma_start3A_892 : memref<1x!tpu.dma_semaphore, #tpu.memory_space<semaphore_mem>> -> memref<!tpu.dma_semaphore, #tpu.memory_space<semaphore_mem>>
    tpu.enqueue_indirect_dma source(%dma_start3A_885 : memref<128x128xf32, #tpu.memory_space<vmem>>) target(%dma_start3A_891 : memref<8192x128xf32, #tpu.memory_space<vmem_shared>>) offsets(%dma_start3A_888 : memref<128xi32, #tpu.memory_space<vmem>>) semaphore(%dma_start3A_893 : memref<!tpu.dma_semaphore, #tpu.memory_space<semaphore_mem>>) {add = true}
    %dma_wait3A_894 = arith.constant 0 : i32
    %dma_wait3A_895 = arith.constant 0 : i32
    %dma_wait3A_896 = arith.constant 0 : i32
    %dma_wait3A_897 = arith.constant 0 : i32
    %dma_wait3A_898 = arith.constant 0 : i32
    %dma_wait3A_899 = tpu.memref_slice %arg6[%dma_wait3A_894, %dma_wait3A_897, %dma_wait3A_898] : memref<3x128x128xf32, #tpu.memory_space<vmem>> -> memref<1x128x128xf32, #tpu.memory_space<vmem>>
    %dma_wait3A_900 = tpu.memref_squeeze %dma_wait3A_899 : memref<1x128x128xf32, #tpu.memory_space<vmem>> -> memref<128x128xf32, #tpu.memory_space<vmem>>
    %dma_wait3A_901 = arith.constant 0 : i32
    %dma_wait3A_902 = tpu.memref_slice %arg5[%dma_wait3A_895, %dma_wait3A_901] : memref<8x128xi32, #tpu.memory_space<vmem>> -> memref<1x128xi32, #tpu.memory_space<vmem>>
    %dma_wait3A_903 = tpu.memref_squeeze %dma_wait3A_902 : memref<1x128xi32, #tpu.memory_space<vmem>> -> memref<128xi32, #tpu.memory_space<vmem>>
    %dma_wait3A_904 = arith.constant 0 : i32
    %dma_wait3A_905 = arith.constant 0 : i32
    %dma_wait3A_906 = tpu.memref_slice %arg8[%dma_wait3A_904, %dma_wait3A_905] : memref<8192x128xf32, #tpu.memory_space<vmem_shared>> -> memref<8192x128xf32, #tpu.memory_space<vmem_shared>>
    %dma_wait3A_907 = tpu.memref_slice %arg10[%dma_wait3A_896] : memref<3x!tpu.dma_semaphore, #tpu.memory_space<semaphore_mem>> -> memref<1x!tpu.dma_semaphore, #tpu.memory_space<semaphore_mem>>
    %dma_wait3A_908 = tpu.memref_squeeze %dma_wait3A_907 : memref<1x!tpu.dma_semaphore, #tpu.memory_space<semaphore_mem>> -> memref<!tpu.dma_semaphore, #tpu.memory_space<semaphore_mem>>
    tpu.wait_indirect_dma semaphore(%dma_wait3A_908 : memref<!tpu.dma_semaphore, #tpu.memory_space<semaphore_mem>>) src(%dma_wait3A_900 : memref<128x128xf32, #tpu.memory_space<vmem>>) dst(%dma_wait3A_906 : memref<8192x128xf32, #tpu.memory_space<vmem_shared>>)
    %mul3A_909 = arith.constant 1024 : i32
    %mul3A_910 = arith.muli %arg1, %mul3A_909 : i32
    %add3A_911 = arith.constant 384 : i32
    %add3A_912 = arith.addi %mul3A_910, %add3A_911 : i32
    %multiple_of3A_913 = tpu.assume_multiple %add3A_912, 128 : i32
    %mul3A_914 = arith.constant 4 : i32
    %mul3A_915 = arith.muli %arg0, %mul3A_914 : i32
    %add3A_916 = arith.constant 1 : i32
    %add3A_917 = arith.addi %mul3A_915, %add3A_916 : i32
    %mul3A_918 = arith.constant 128 : i32
    %mul3A_919 = arith.muli %add3A_917, %mul3A_918 : i32
    %multiple_of3A_920 = tpu.assume_multiple %mul3A_919, 128 : i32
    %dma_start3A_921 = arith.constant 0 : i32
    %dma_start3A_922 = arith.constant 0 : i32
    %dma_start3A_923 = arith.constant 0 : i32
    %dma_start3A_924 = arith.constant 0 : i32
    %dma_start3A_925 = tpu.memref_slice %arg6[%dma_start3A_921, %dma_start3A_923, %dma_start3A_924] : memref<3x128x128xf32, #tpu.memory_space<vmem>> -> memref<1x128x128xf32, #tpu.memory_space<vmem>>
    %dma_start3A_926 = tpu.memref_squeeze %dma_start3A_925 : memref<1x128x128xf32, #tpu.memory_space<vmem>> -> memref<128x128xf32, #tpu.memory_space<vmem>>
    %dma_start3A_927 = tpu.memref_slice %arg2[%multiple_of3A_913, %multiple_of3A_920] : memref<16384x1024xf32, #tpu.memory_space<hbm>> -> memref<128x128xf32, #tpu.memory_space<hbm>>
    %dma_start3A_928 = tpu.memref_slice %arg9[%dma_start3A_922] : memref<3x!tpu.dma_semaphore, #tpu.memory_space<semaphore_mem>> -> memref<1x!tpu.dma_semaphore, #tpu.memory_space<semaphore_mem>>
    %dma_start3A_929 = tpu.memref_squeeze %dma_start3A_928 : memref<1x!tpu.dma_semaphore, #tpu.memory_space<semaphore_mem>> -> memref<!tpu.dma_semaphore, #tpu.memory_space<semaphore_mem>>
    %dma_start3A_930 = arith.constant 0 : i32
    %dma_start3A_931 = arith.constant 0 : i32
    %dma_start3A_932 = tpu.memref_slice %arg6[%dma_start3A_921, %dma_start3A_930, %dma_start3A_931] : memref<3x128x128xf32, #tpu.memory_space<vmem>> -> memref<1x128x128xf32, #tpu.memory_space<vmem>>
    %dma_start3A_933 = tpu.memref_squeeze %dma_start3A_932 : memref<1x128x128xf32, #tpu.memory_space<vmem>> -> memref<128x128xf32, #tpu.memory_space<vmem>>
    %dma_start3A_934 = tpu.memref_slice %arg2[%multiple_of3A_913, %multiple_of3A_920] : memref<16384x1024xf32, #tpu.memory_space<hbm>> -> memref<128x128xf32, #tpu.memory_space<hbm>>
    tpu.enqueue_dma source(%dma_start3A_934 : memref<128x128xf32, #tpu.memory_space<hbm>>) target(%dma_start3A_933 : memref<128x128xf32, #tpu.memory_space<vmem>>) target_semaphore(%dma_start3A_929 : memref<!tpu.dma_semaphore, #tpu.memory_space<semaphore_mem>>)
    %dma_wait3A_935 = arith.constant 1 : i32
    %dma_wait3A_936 = arith.constant 1 : i32
    %dma_wait3A_937 = arith.constant 0 : i32
    %dma_wait3A_938 = arith.constant 0 : i32
    %dma_wait3A_939 = tpu.memref_slice %arg6[%dma_wait3A_935, %dma_wait3A_937, %dma_wait3A_938] : memref<3x128x128xf32, #tpu.memory_space<vmem>> -> memref<1x128x128xf32, #tpu.memory_space<vmem>>
    %dma_wait3A_940 = tpu.memref_squeeze %dma_wait3A_939 : memref<1x128x128xf32, #tpu.memory_space<vmem>> -> memref<128x128xf32, #tpu.memory_space<vmem>>
    %dma_wait3A_941 = tpu.memref_slice %arg2[%multiple_of3A_682, %multiple_of3A_689] : memref<16384x1024xf32, #tpu.memory_space<hbm>> -> memref<128x128xf32, #tpu.memory_space<hbm>>
    %dma_wait3A_942 = tpu.memref_slice %arg9[%dma_wait3A_936] : memref<3x!tpu.dma_semaphore, #tpu.memory_space<semaphore_mem>> -> memref<1x!tpu.dma_semaphore, #tpu.memory_space<semaphore_mem>>
    %dma_wait3A_943 = tpu.memref_squeeze %dma_wait3A_942 : memref<1x!tpu.dma_semaphore, #tpu.memory_space<semaphore_mem>> -> memref<!tpu.dma_semaphore, #tpu.memory_space<semaphore_mem>>
    %dma_wait3A_944 = arith.constant 0 : i32
    %dma_wait3A_945 = arith.constant 0 : i32
    %dma_wait3A_946 = tpu.memref_slice %arg6[%dma_wait3A_935, %dma_wait3A_944, %dma_wait3A_945] : memref<3x128x128xf32, #tpu.memory_space<vmem>> -> memref<1x128x128xf32, #tpu.memory_space<vmem>>
    %dma_wait3A_947 = tpu.memref_squeeze %dma_wait3A_946 : memref<1x128x128xf32, #tpu.memory_space<vmem>> -> memref<128x128xf32, #tpu.memory_space<vmem>>
    %dma_wait3A_948 = tpu.memref_slice %arg2[%multiple_of3A_682, %multiple_of3A_689] : memref<16384x1024xf32, #tpu.memory_space<hbm>> -> memref<128x128xf32, #tpu.memory_space<hbm>>
    tpu.wait_dma2 semaphore(%dma_wait3A_943 : memref<!tpu.dma_semaphore, #tpu.memory_space<semaphore_mem>>) src(%dma_wait3A_948 : memref<128x128xf32, #tpu.memory_space<hbm>>) dst(%dma_wait3A_947 : memref<128x128xf32, #tpu.memory_space<vmem>>)
    %dma_start3A_949 = arith.constant 1 : i32
    %dma_start3A_950 = arith.constant 1 : i32
    %dma_start3A_951 = arith.constant 1 : i32
    %dma_start3A_952 = arith.constant 0 : i32
    %dma_start3A_953 = arith.constant 0 : i32
    %dma_start3A_954 = tpu.memref_slice %arg6[%dma_start3A_949, %dma_start3A_952, %dma_start3A_953] : memref<3x128x128xf32, #tpu.memory_space<vmem>> -> memref<1x128x128xf32, #tpu.memory_space<vmem>>
    %dma_start3A_955 = tpu.memref_squeeze %dma_start3A_954 : memref<1x128x128xf32, #tpu.memory_space<vmem>> -> memref<128x128xf32, #tpu.memory_space<vmem>>
    %dma_start3A_956 = arith.constant 0 : i32
    %dma_start3A_957 = tpu.memref_slice %arg5[%dma_start3A_950, %dma_start3A_956] : memref<8x128xi32, #tpu.memory_space<vmem>> -> memref<1x128xi32, #tpu.memory_space<vmem>>
    %dma_start3A_958 = tpu.memref_squeeze %dma_start3A_957 : memref<1x128xi32, #tpu.memory_space<vmem>> -> memref<128xi32, #tpu.memory_space<vmem>>
    %dma_start3A_959 = arith.constant 0 : i32
    %dma_start3A_960 = arith.constant 0 : i32
    %dma_start3A_961 = tpu.memref_slice %arg8[%dma_start3A_959, %dma_start3A_960] : memref<8192x128xf32, #tpu.memory_space<vmem_shared>> -> memref<8192x128xf32, #tpu.memory_space<vmem_shared>>
    %dma_start3A_962 = tpu.memref_slice %arg10[%dma_start3A_951] : memref<3x!tpu.dma_semaphore, #tpu.memory_space<semaphore_mem>> -> memref<1x!tpu.dma_semaphore, #tpu.memory_space<semaphore_mem>>
    %dma_start3A_963 = tpu.memref_squeeze %dma_start3A_962 : memref<1x!tpu.dma_semaphore, #tpu.memory_space<semaphore_mem>> -> memref<!tpu.dma_semaphore, #tpu.memory_space<semaphore_mem>>
    tpu.enqueue_indirect_dma source(%dma_start3A_955 : memref<128x128xf32, #tpu.memory_space<vmem>>) target(%dma_start3A_961 : memref<8192x128xf32, #tpu.memory_space<vmem_shared>>) offsets(%dma_start3A_958 : memref<128xi32, #tpu.memory_space<vmem>>) semaphore(%dma_start3A_963 : memref<!tpu.dma_semaphore, #tpu.memory_space<semaphore_mem>>) {add = true}
    %dma_wait3A_964 = arith.constant 1 : i32
    %dma_wait3A_965 = arith.constant 1 : i32
    %dma_wait3A_966 = arith.constant 1 : i32
    %dma_wait3A_967 = arith.constant 0 : i32
    %dma_wait3A_968 = arith.constant 0 : i32
    %dma_wait3A_969 = tpu.memref_slice %arg6[%dma_wait3A_964, %dma_wait3A_967, %dma_wait3A_968] : memref<3x128x128xf32, #tpu.memory_space<vmem>> -> memref<1x128x128xf32, #tpu.memory_space<vmem>>
    %dma_wait3A_970 = tpu.memref_squeeze %dma_wait3A_969 : memref<1x128x128xf32, #tpu.memory_space<vmem>> -> memref<128x128xf32, #tpu.memory_space<vmem>>
    %dma_wait3A_971 = arith.constant 0 : i32
    %dma_wait3A_972 = tpu.memref_slice %arg5[%dma_wait3A_965, %dma_wait3A_971] : memref<8x128xi32, #tpu.memory_space<vmem>> -> memref<1x128xi32, #tpu.memory_space<vmem>>
    %dma_wait3A_973 = tpu.memref_squeeze %dma_wait3A_972 : memref<1x128xi32, #tpu.memory_space<vmem>> -> memref<128xi32, #tpu.memory_space<vmem>>
    %dma_wait3A_974 = arith.constant 0 : i32
    %dma_wait3A_975 = arith.constant 0 : i32
    %dma_wait3A_976 = tpu.memref_slice %arg8[%dma_wait3A_974, %dma_wait3A_975] : memref<8192x128xf32, #tpu.memory_space<vmem_shared>> -> memref<8192x128xf32, #tpu.memory_space<vmem_shared>>
    %dma_wait3A_977 = tpu.memref_slice %arg10[%dma_wait3A_966] : memref<3x!tpu.dma_semaphore, #tpu.memory_space<semaphore_mem>> -> memref<1x!tpu.dma_semaphore, #tpu.memory_space<semaphore_mem>>
    %dma_wait3A_978 = tpu.memref_squeeze %dma_wait3A_977 : memref<1x!tpu.dma_semaphore, #tpu.memory_space<semaphore_mem>> -> memref<!tpu.dma_semaphore, #tpu.memory_space<semaphore_mem>>
    tpu.wait_indirect_dma semaphore(%dma_wait3A_978 : memref<!tpu.dma_semaphore, #tpu.memory_space<semaphore_mem>>) src(%dma_wait3A_970 : memref<128x128xf32, #tpu.memory_space<vmem>>) dst(%dma_wait3A_976 : memref<8192x128xf32, #tpu.memory_space<vmem_shared>>)
    %mul3A_979 = arith.constant 1024 : i32
    %mul3A_980 = arith.muli %arg1, %mul3A_979 : i32
    %add3A_981 = arith.constant 512 : i32
    %add3A_982 = arith.addi %mul3A_980, %add3A_981 : i32
    %multiple_of3A_983 = tpu.assume_multiple %add3A_982, 128 : i32
    %mul3A_984 = arith.constant 4 : i32
    %mul3A_985 = arith.muli %arg0, %mul3A_984 : i32
    %add3A_986 = arith.constant 1 : i32
    %add3A_987 = arith.addi %mul3A_985, %add3A_986 : i32
    %mul3A_988 = arith.constant 128 : i32
    %mul3A_989 = arith.muli %add3A_987, %mul3A_988 : i32
    %multiple_of3A_990 = tpu.assume_multiple %mul3A_989, 128 : i32
    %dma_start3A_991 = arith.constant 1 : i32
    %dma_start3A_992 = arith.constant 1 : i32
    %dma_start3A_993 = arith.constant 0 : i32
    %dma_start3A_994 = arith.constant 0 : i32
    %dma_start3A_995 = tpu.memref_slice %arg6[%dma_start3A_991, %dma_start3A_993, %dma_start3A_994] : memref<3x128x128xf32, #tpu.memory_space<vmem>> -> memref<1x128x128xf32, #tpu.memory_space<vmem>>
    %dma_start3A_996 = tpu.memref_squeeze %dma_start3A_995 : memref<1x128x128xf32, #tpu.memory_space<vmem>> -> memref<128x128xf32, #tpu.memory_space<vmem>>
    %dma_start3A_997 = tpu.memref_slice %arg2[%multiple_of3A_983, %multiple_of3A_990] : memref<16384x1024xf32, #tpu.memory_space<hbm>> -> memref<128x128xf32, #tpu.memory_space<hbm>>
    %dma_start3A_998 = tpu.memref_slice %arg9[%dma_start3A_992] : memref<3x!tpu.dma_semaphore, #tpu.memory_space<semaphore_mem>> -> memref<1x!tpu.dma_semaphore, #tpu.memory_space<semaphore_mem>>
    %dma_start3A_999 = tpu.memref_squeeze %dma_start3A_998 : memref<1x!tpu.dma_semaphore, #tpu.memory_space<semaphore_mem>> -> memref<!tpu.dma_semaphore, #tpu.memory_space<semaphore_mem>>
    %dma_start3A_1000 = arith.constant 0 : i32
    %dma_start3A_1001 = arith.constant 0 : i32
    %dma_start3A_1002 = tpu.memref_slice %arg6[%dma_start3A_991, %dma_start3A_1000, %dma_start3A_1001] : memref<3x128x128xf32, #tpu.memory_space<vmem>> -> memref<1x128x128xf32, #tpu.memory_space<vmem>>
    %dma_start3A_1003 = tpu.memref_squeeze %dma_start3A_1002 : memref<1x128x128xf32, #tpu.memory_space<vmem>> -> memref<128x128xf32, #tpu.memory_space<vmem>>
    %dma_start3A_1004 = tpu.memref_slice %arg2[%multiple_of3A_983, %multiple_of3A_990] : memref<16384x1024xf32, #tpu.memory_space<hbm>> -> memref<128x128xf32, #tpu.memory_space<hbm>>
    tpu.enqueue_dma source(%dma_start3A_1004 : memref<128x128xf32, #tpu.memory_space<hbm>>) target(%dma_start3A_1003 : memref<128x128xf32, #tpu.memory_space<vmem>>) target_semaphore(%dma_start3A_999 : memref<!tpu.dma_semaphore, #tpu.memory_space<semaphore_mem>>)
    %dma_wait3A_1005 = arith.constant 2 : i32
    %dma_wait3A_1006 = arith.constant 2 : i32
    %dma_wait3A_1007 = arith.constant 0 : i32
    %dma_wait3A_1008 = arith.constant 0 : i32
    %dma_wait3A_1009 = tpu.memref_slice %arg6[%dma_wait3A_1005, %dma_wait3A_1007, %dma_wait3A_1008] : memref<3x128x128xf32, #tpu.memory_space<vmem>> -> memref<1x128x128xf32, #tpu.memory_space<vmem>>
    %dma_wait3A_1010 = tpu.memref_squeeze %dma_wait3A_1009 : memref<1x128x128xf32, #tpu.memory_space<vmem>> -> memref<128x128xf32, #tpu.memory_space<vmem>>
    %dma_wait3A_1011 = tpu.memref_slice %arg2[%multiple_of3A_708, %multiple_of3A_715] : memref<16384x1024xf32, #tpu.memory_space<hbm>> -> memref<128x128xf32, #tpu.memory_space<hbm>>
    %dma_wait3A_1012 = tpu.memref_slice %arg9[%dma_wait3A_1006] : memref<3x!tpu.dma_semaphore, #tpu.memory_space<semaphore_mem>> -> memref<1x!tpu.dma_semaphore, #tpu.memory_space<semaphore_mem>>
    %dma_wait3A_1013 = tpu.memref_squeeze %dma_wait3A_1012 : memref<1x!tpu.dma_semaphore, #tpu.memory_space<semaphore_mem>> -> memref<!tpu.dma_semaphore, #tpu.memory_space<semaphore_mem>>
    %dma_wait3A_1014 = arith.constant 0 : i32
    %dma_wait3A_1015 = arith.constant 0 : i32
    %dma_wait3A_1016 = tpu.memref_slice %arg6[%dma_wait3A_1005, %dma_wait3A_1014, %dma_wait3A_1015] : memref<3x128x128xf32, #tpu.memory_space<vmem>> -> memref<1x128x128xf32, #tpu.memory_space<vmem>>
    %dma_wait3A_1017 = tpu.memref_squeeze %dma_wait3A_1016 : memref<1x128x128xf32, #tpu.memory_space<vmem>> -> memref<128x128xf32, #tpu.memory_space<vmem>>
    %dma_wait3A_1018 = tpu.memref_slice %arg2[%multiple_of3A_708, %multiple_of3A_715] : memref<16384x1024xf32, #tpu.memory_space<hbm>> -> memref<128x128xf32, #tpu.memory_space<hbm>>
    tpu.wait_dma2 semaphore(%dma_wait3A_1013 : memref<!tpu.dma_semaphore, #tpu.memory_space<semaphore_mem>>) src(%dma_wait3A_1018 : memref<128x128xf32, #tpu.memory_space<hbm>>) dst(%dma_wait3A_1017 : memref<128x128xf32, #tpu.memory_space<vmem>>)
    %dma_start3A_1019 = arith.constant 2 : i32
    %dma_start3A_1020 = arith.constant 2 : i32
    %dma_start3A_1021 = arith.constant 2 : i32
    %dma_start3A_1022 = arith.constant 0 : i32
    %dma_start3A_1023 = arith.constant 0 : i32
    %dma_start3A_1024 = tpu.memref_slice %arg6[%dma_start3A_1019, %dma_start3A_1022, %dma_start3A_1023] : memref<3x128x128xf32, #tpu.memory_space<vmem>> -> memref<1x128x128xf32, #tpu.memory_space<vmem>>
    %dma_start3A_1025 = tpu.memref_squeeze %dma_start3A_1024 : memref<1x128x128xf32, #tpu.memory_space<vmem>> -> memref<128x128xf32, #tpu.memory_space<vmem>>
    %dma_start3A_1026 = arith.constant 0 : i32
    %dma_start3A_1027 = tpu.memref_slice %arg5[%dma_start3A_1020, %dma_start3A_1026] : memref<8x128xi32, #tpu.memory_space<vmem>> -> memref<1x128xi32, #tpu.memory_space<vmem>>
    %dma_start3A_1028 = tpu.memref_squeeze %dma_start3A_1027 : memref<1x128xi32, #tpu.memory_space<vmem>> -> memref<128xi32, #tpu.memory_space<vmem>>
    %dma_start3A_1029 = arith.constant 0 : i32
    %dma_start3A_1030 = arith.constant 0 : i32
    %dma_start3A_1031 = tpu.memref_slice %arg8[%dma_start3A_1029, %dma_start3A_1030] : memref<8192x128xf32, #tpu.memory_space<vmem_shared>> -> memref<8192x128xf32, #tpu.memory_space<vmem_shared>>
    %dma_start3A_1032 = tpu.memref_slice %arg10[%dma_start3A_1021] : memref<3x!tpu.dma_semaphore, #tpu.memory_space<semaphore_mem>> -> memref<1x!tpu.dma_semaphore, #tpu.memory_space<semaphore_mem>>
    %dma_start3A_1033 = tpu.memref_squeeze %dma_start3A_1032 : memref<1x!tpu.dma_semaphore, #tpu.memory_space<semaphore_mem>> -> memref<!tpu.dma_semaphore, #tpu.memory_space<semaphore_mem>>
    tpu.enqueue_indirect_dma source(%dma_start3A_1025 : memref<128x128xf32, #tpu.memory_space<vmem>>) target(%dma_start3A_1031 : memref<8192x128xf32, #tpu.memory_space<vmem_shared>>) offsets(%dma_start3A_1028 : memref<128xi32, #tpu.memory_space<vmem>>) semaphore(%dma_start3A_1033 : memref<!tpu.dma_semaphore, #tpu.memory_space<semaphore_mem>>) {add = true}
    %dma_wait3A_1034 = arith.constant 2 : i32
    %dma_wait3A_1035 = arith.constant 2 : i32
    %dma_wait3A_1036 = arith.constant 2 : i32
    %dma_wait3A_1037 = arith.constant 0 : i32
    %dma_wait3A_1038 = arith.constant 0 : i32
    %dma_wait3A_1039 = tpu.memref_slice %arg6[%dma_wait3A_1034, %dma_wait3A_1037, %dma_wait3A_1038] : memref<3x128x128xf32, #tpu.memory_space<vmem>> -> memref<1x128x128xf32, #tpu.memory_space<vmem>>
    %dma_wait3A_1040 = tpu.memref_squeeze %dma_wait3A_1039 : memref<1x128x128xf32, #tpu.memory_space<vmem>> -> memref<128x128xf32, #tpu.memory_space<vmem>>
    %dma_wait3A_1041 = arith.constant 0 : i32
    %dma_wait3A_1042 = tpu.memref_slice %arg5[%dma_wait3A_1035, %dma_wait3A_1041] : memref<8x128xi32, #tpu.memory_space<vmem>> -> memref<1x128xi32, #tpu.memory_space<vmem>>
    %dma_wait3A_1043 = tpu.memref_squeeze %dma_wait3A_1042 : memref<1x128xi32, #tpu.memory_space<vmem>> -> memref<128xi32, #tpu.memory_space<vmem>>
    %dma_wait3A_1044 = arith.constant 0 : i32
    %dma_wait3A_1045 = arith.constant 0 : i32
    %dma_wait3A_1046 = tpu.memref_slice %arg8[%dma_wait3A_1044, %dma_wait3A_1045] : memref<8192x128xf32, #tpu.memory_space<vmem_shared>> -> memref<8192x128xf32, #tpu.memory_space<vmem_shared>>
    %dma_wait3A_1047 = tpu.memref_slice %arg10[%dma_wait3A_1036] : memref<3x!tpu.dma_semaphore, #tpu.memory_space<semaphore_mem>> -> memref<1x!tpu.dma_semaphore, #tpu.memory_space<semaphore_mem>>
    %dma_wait3A_1048 = tpu.memref_squeeze %dma_wait3A_1047 : memref<1x!tpu.dma_semaphore, #tpu.memory_space<semaphore_mem>> -> memref<!tpu.dma_semaphore, #tpu.memory_space<semaphore_mem>>
    tpu.wait_indirect_dma semaphore(%dma_wait3A_1048 : memref<!tpu.dma_semaphore, #tpu.memory_space<semaphore_mem>>) src(%dma_wait3A_1040 : memref<128x128xf32, #tpu.memory_space<vmem>>) dst(%dma_wait3A_1046 : memref<8192x128xf32, #tpu.memory_space<vmem_shared>>)
    %mul3A_1049 = arith.constant 1024 : i32
    %mul3A_1050 = arith.muli %arg1, %mul3A_1049 : i32
    %add3A_1051 = arith.constant 640 : i32
    %add3A_1052 = arith.addi %mul3A_1050, %add3A_1051 : i32
    %multiple_of3A_1053 = tpu.assume_multiple %add3A_1052, 128 : i32
    %mul3A_1054 = arith.constant 4 : i32
    %mul3A_1055 = arith.muli %arg0, %mul3A_1054 : i32
    %add3A_1056 = arith.constant 1 : i32
    %add3A_1057 = arith.addi %mul3A_1055, %add3A_1056 : i32
    %mul3A_1058 = arith.constant 128 : i32
    %mul3A_1059 = arith.muli %add3A_1057, %mul3A_1058 : i32
    %multiple_of3A_1060 = tpu.assume_multiple %mul3A_1059, 128 : i32
    %dma_start3A_1061 = arith.constant 2 : i32
    %dma_start3A_1062 = arith.constant 2 : i32
    %dma_start3A_1063 = arith.constant 0 : i32
    %dma_start3A_1064 = arith.constant 0 : i32
    %dma_start3A_1065 = tpu.memref_slice %arg6[%dma_start3A_1061, %dma_start3A_1063, %dma_start3A_1064] : memref<3x128x128xf32, #tpu.memory_space<vmem>> -> memref<1x128x128xf32, #tpu.memory_space<vmem>>
    %dma_start3A_1066 = tpu.memref_squeeze %dma_start3A_1065 : memref<1x128x128xf32, #tpu.memory_space<vmem>> -> memref<128x128xf32, #tpu.memory_space<vmem>>
    %dma_start3A_1067 = tpu.memref_slice %arg2[%multiple_of3A_1053, %multiple_of3A_1060] : memref<16384x1024xf32, #tpu.memory_space<hbm>> -> memref<128x128xf32, #tpu.memory_space<hbm>>
    %dma_start3A_1068 = tpu.memref_slice %arg9[%dma_start3A_1062] : memref<3x!tpu.dma_semaphore, #tpu.memory_space<semaphore_mem>> -> memref<1x!tpu.dma_semaphore, #tpu.memory_space<semaphore_mem>>
    %dma_start3A_1069 = tpu.memref_squeeze %dma_start3A_1068 : memref<1x!tpu.dma_semaphore, #tpu.memory_space<semaphore_mem>> -> memref<!tpu.dma_semaphore, #tpu.memory_space<semaphore_mem>>
    %dma_start3A_1070 = arith.constant 0 : i32
    %dma_start3A_1071 = arith.constant 0 : i32
    %dma_start3A_1072 = tpu.memref_slice %arg6[%dma_start3A_1061, %dma_start3A_1070, %dma_start3A_1071] : memref<3x128x128xf32, #tpu.memory_space<vmem>> -> memref<1x128x128xf32, #tpu.memory_space<vmem>>
    %dma_start3A_1073 = tpu.memref_squeeze %dma_start3A_1072 : memref<1x128x128xf32, #tpu.memory_space<vmem>> -> memref<128x128xf32, #tpu.memory_space<vmem>>
    %dma_start3A_1074 = tpu.memref_slice %arg2[%multiple_of3A_1053, %multiple_of3A_1060] : memref<16384x1024xf32, #tpu.memory_space<hbm>> -> memref<128x128xf32, #tpu.memory_space<hbm>>
    tpu.enqueue_dma source(%dma_start3A_1074 : memref<128x128xf32, #tpu.memory_space<hbm>>) target(%dma_start3A_1073 : memref<128x128xf32, #tpu.memory_space<vmem>>) target_semaphore(%dma_start3A_1069 : memref<!tpu.dma_semaphore, #tpu.memory_space<semaphore_mem>>)
    %dma_wait3A_1075 = arith.constant 0 : i32
    %dma_wait3A_1076 = arith.constant 0 : i32
    %dma_wait3A_1077 = arith.constant 0 : i32
    %dma_wait3A_1078 = arith.constant 0 : i32
    %dma_wait3A_1079 = tpu.memref_slice %arg6[%dma_wait3A_1075, %dma_wait3A_1077, %dma_wait3A_1078] : memref<3x128x128xf32, #tpu.memory_space<vmem>> -> memref<1x128x128xf32, #tpu.memory_space<vmem>>
    %dma_wait3A_1080 = tpu.memref_squeeze %dma_wait3A_1079 : memref<1x128x128xf32, #tpu.memory_space<vmem>> -> memref<128x128xf32, #tpu.memory_space<vmem>>
    %dma_wait3A_1081 = tpu.memref_slice %arg2[%multiple_of3A_913, %multiple_of3A_920] : memref<16384x1024xf32, #tpu.memory_space<hbm>> -> memref<128x128xf32, #tpu.memory_space<hbm>>
    %dma_wait3A_1082 = tpu.memref_slice %arg9[%dma_wait3A_1076] : memref<3x!tpu.dma_semaphore, #tpu.memory_space<semaphore_mem>> -> memref<1x!tpu.dma_semaphore, #tpu.memory_space<semaphore_mem>>
    %dma_wait3A_1083 = tpu.memref_squeeze %dma_wait3A_1082 : memref<1x!tpu.dma_semaphore, #tpu.memory_space<semaphore_mem>> -> memref<!tpu.dma_semaphore, #tpu.memory_space<semaphore_mem>>
    %dma_wait3A_1084 = arith.constant 0 : i32
    %dma_wait3A_1085 = arith.constant 0 : i32
    %dma_wait3A_1086 = tpu.memref_slice %arg6[%dma_wait3A_1075, %dma_wait3A_1084, %dma_wait3A_1085] : memref<3x128x128xf32, #tpu.memory_space<vmem>> -> memref<1x128x128xf32, #tpu.memory_space<vmem>>
    %dma_wait3A_1087 = tpu.memref_squeeze %dma_wait3A_1086 : memref<1x128x128xf32, #tpu.memory_space<vmem>> -> memref<128x128xf32, #tpu.memory_space<vmem>>
    %dma_wait3A_1088 = tpu.memref_slice %arg2[%multiple_of3A_913, %multiple_of3A_920] : memref<16384x1024xf32, #tpu.memory_space<hbm>> -> memref<128x128xf32, #tpu.memory_space<hbm>>
    tpu.wait_dma2 semaphore(%dma_wait3A_1083 : memref<!tpu.dma_semaphore, #tpu.memory_space<semaphore_mem>>) src(%dma_wait3A_1088 : memref<128x128xf32, #tpu.memory_space<hbm>>) dst(%dma_wait3A_1087 : memref<128x128xf32, #tpu.memory_space<vmem>>)
    %dma_start3A_1089 = arith.constant 0 : i32
    %dma_start3A_1090 = arith.constant 3 : i32
    %dma_start3A_1091 = arith.constant 0 : i32
    %dma_start3A_1092 = arith.constant 0 : i32
    %dma_start3A_1093 = arith.constant 0 : i32
    %dma_start3A_1094 = tpu.memref_slice %arg6[%dma_start3A_1089, %dma_start3A_1092, %dma_start3A_1093] : memref<3x128x128xf32, #tpu.memory_space<vmem>> -> memref<1x128x128xf32, #tpu.memory_space<vmem>>
    %dma_start3A_1095 = tpu.memref_squeeze %dma_start3A_1094 : memref<1x128x128xf32, #tpu.memory_space<vmem>> -> memref<128x128xf32, #tpu.memory_space<vmem>>
    %dma_start3A_1096 = arith.constant 0 : i32
    %dma_start3A_1097 = tpu.memref_slice %arg5[%dma_start3A_1090, %dma_start3A_1096] : memref<8x128xi32, #tpu.memory_space<vmem>> -> memref<1x128xi32, #tpu.memory_space<vmem>>
    %dma_start3A_1098 = tpu.memref_squeeze %dma_start3A_1097 : memref<1x128xi32, #tpu.memory_space<vmem>> -> memref<128xi32, #tpu.memory_space<vmem>>
    %dma_start3A_1099 = arith.constant 0 : i32
    %dma_start3A_1100 = arith.constant 0 : i32
    %dma_start3A_1101 = tpu.memref_slice %arg8[%dma_start3A_1099, %dma_start3A_1100] : memref<8192x128xf32, #tpu.memory_space<vmem_shared>> -> memref<8192x128xf32, #tpu.memory_space<vmem_shared>>
    %dma_start3A_1102 = tpu.memref_slice %arg10[%dma_start3A_1091] : memref<3x!tpu.dma_semaphore, #tpu.memory_space<semaphore_mem>> -> memref<1x!tpu.dma_semaphore, #tpu.memory_space<semaphore_mem>>
    %dma_start3A_1103 = tpu.memref_squeeze %dma_start3A_1102 : memref<1x!tpu.dma_semaphore, #tpu.memory_space<semaphore_mem>> -> memref<!tpu.dma_semaphore, #tpu.memory_space<semaphore_mem>>
    tpu.enqueue_indirect_dma source(%dma_start3A_1095 : memref<128x128xf32, #tpu.memory_space<vmem>>) target(%dma_start3A_1101 : memref<8192x128xf32, #tpu.memory_space<vmem_shared>>) offsets(%dma_start3A_1098 : memref<128xi32, #tpu.memory_space<vmem>>) semaphore(%dma_start3A_1103 : memref<!tpu.dma_semaphore, #tpu.memory_space<semaphore_mem>>) {add = true}
    %dma_wait3A_1104 = arith.constant 0 : i32
    %dma_wait3A_1105 = arith.constant 3 : i32
    %dma_wait3A_1106 = arith.constant 0 : i32
    %dma_wait3A_1107 = arith.constant 0 : i32
    %dma_wait3A_1108 = arith.constant 0 : i32
    %dma_wait3A_1109 = tpu.memref_slice %arg6[%dma_wait3A_1104, %dma_wait3A_1107, %dma_wait3A_1108] : memref<3x128x128xf32, #tpu.memory_space<vmem>> -> memref<1x128x128xf32, #tpu.memory_space<vmem>>
    %dma_wait3A_1110 = tpu.memref_squeeze %dma_wait3A_1109 : memref<1x128x128xf32, #tpu.memory_space<vmem>> -> memref<128x128xf32, #tpu.memory_space<vmem>>
    %dma_wait3A_1111 = arith.constant 0 : i32
    %dma_wait3A_1112 = tpu.memref_slice %arg5[%dma_wait3A_1105, %dma_wait3A_1111] : memref<8x128xi32, #tpu.memory_space<vmem>> -> memref<1x128xi32, #tpu.memory_space<vmem>>
    %dma_wait3A_1113 = tpu.memref_squeeze %dma_wait3A_1112 : memref<1x128xi32, #tpu.memory_space<vmem>> -> memref<128xi32, #tpu.memory_space<vmem>>
    %dma_wait3A_1114 = arith.constant 0 : i32
    %dma_wait3A_1115 = arith.constant 0 : i32
    %dma_wait3A_1116 = tpu.memref_slice %arg8[%dma_wait3A_1114, %dma_wait3A_1115] : memref<8192x128xf32, #tpu.memory_space<vmem_shared>> -> memref<8192x128xf32, #tpu.memory_space<vmem_shared>>
    %dma_wait3A_1117 = tpu.memref_slice %arg10[%dma_wait3A_1106] : memref<3x!tpu.dma_semaphore, #tpu.memory_space<semaphore_mem>> -> memref<1x!tpu.dma_semaphore, #tpu.memory_space<semaphore_mem>>
    %dma_wait3A_1118 = tpu.memref_squeeze %dma_wait3A_1117 : memref<1x!tpu.dma_semaphore, #tpu.memory_space<semaphore_mem>> -> memref<!tpu.dma_semaphore, #tpu.memory_space<semaphore_mem>>
    tpu.wait_indirect_dma semaphore(%dma_wait3A_1118 : memref<!tpu.dma_semaphore, #tpu.memory_space<semaphore_mem>>) src(%dma_wait3A_1110 : memref<128x128xf32, #tpu.memory_space<vmem>>) dst(%dma_wait3A_1116 : memref<8192x128xf32, #tpu.memory_space<vmem_shared>>)
    %mul3A_1119 = arith.constant 1024 : i32
    %mul3A_1120 = arith.muli %arg1, %mul3A_1119 : i32
    %add3A_1121 = arith.constant 768 : i32
    %add3A_1122 = arith.addi %mul3A_1120, %add3A_1121 : i32
    %multiple_of3A_1123 = tpu.assume_multiple %add3A_1122, 128 : i32
    %mul3A_1124 = arith.constant 4 : i32
    %mul3A_1125 = arith.muli %arg0, %mul3A_1124 : i32
    %add3A_1126 = arith.constant 1 : i32
    %add3A_1127 = arith.addi %mul3A_1125, %add3A_1126 : i32
    %mul3A_1128 = arith.constant 128 : i32
    %mul3A_1129 = arith.muli %add3A_1127, %mul3A_1128 : i32
    %multiple_of3A_1130 = tpu.assume_multiple %mul3A_1129, 128 : i32
    %dma_start3A_1131 = arith.constant 0 : i32
    %dma_start3A_1132 = arith.constant 0 : i32
    %dma_start3A_1133 = arith.constant 0 : i32
    %dma_start3A_1134 = arith.constant 0 : i32
    %dma_start3A_1135 = tpu.memref_slice %arg6[%dma_start3A_1131, %dma_start3A_1133, %dma_start3A_1134] : memref<3x128x128xf32, #tpu.memory_space<vmem>> -> memref<1x128x128xf32, #tpu.memory_space<vmem>>
    %dma_start3A_1136 = tpu.memref_squeeze %dma_start3A_1135 : memref<1x128x128xf32, #tpu.memory_space<vmem>> -> memref<128x128xf32, #tpu.memory_space<vmem>>
    %dma_start3A_1137 = tpu.memref_slice %arg2[%multiple_of3A_1123, %multiple_of3A_1130] : memref<16384x1024xf32, #tpu.memory_space<hbm>> -> memref<128x128xf32, #tpu.memory_space<hbm>>
    %dma_start3A_1138 = tpu.memref_slice %arg9[%dma_start3A_1132] : memref<3x!tpu.dma_semaphore, #tpu.memory_space<semaphore_mem>> -> memref<1x!tpu.dma_semaphore, #tpu.memory_space<semaphore_mem>>
    %dma_start3A_1139 = tpu.memref_squeeze %dma_start3A_1138 : memref<1x!tpu.dma_semaphore, #tpu.memory_space<semaphore_mem>> -> memref<!tpu.dma_semaphore, #tpu.memory_space<semaphore_mem>>
    %dma_start3A_1140 = arith.constant 0 : i32
    %dma_start3A_1141 = arith.constant 0 : i32
    %dma_start3A_1142 = tpu.memref_slice %arg6[%dma_start3A_1131, %dma_start3A_1140, %dma_start3A_1141] : memref<3x128x128xf32, #tpu.memory_space<vmem>> -> memref<1x128x128xf32, #tpu.memory_space<vmem>>
    %dma_start3A_1143 = tpu.memref_squeeze %dma_start3A_1142 : memref<1x128x128xf32, #tpu.memory_space<vmem>> -> memref<128x128xf32, #tpu.memory_space<vmem>>
    %dma_start3A_1144 = tpu.memref_slice %arg2[%multiple_of3A_1123, %multiple_of3A_1130] : memref<16384x1024xf32, #tpu.memory_space<hbm>> -> memref<128x128xf32, #tpu.memory_space<hbm>>
    tpu.enqueue_dma source(%dma_start3A_1144 : memref<128x128xf32, #tpu.memory_space<hbm>>) target(%dma_start3A_1143 : memref<128x128xf32, #tpu.memory_space<vmem>>) target_semaphore(%dma_start3A_1139 : memref<!tpu.dma_semaphore, #tpu.memory_space<semaphore_mem>>)
    %dma_wait3A_1145 = arith.constant 1 : i32
    %dma_wait3A_1146 = arith.constant 1 : i32
    %dma_wait3A_1147 = arith.constant 0 : i32
    %dma_wait3A_1148 = arith.constant 0 : i32
    %dma_wait3A_1149 = tpu.memref_slice %arg6[%dma_wait3A_1145, %dma_wait3A_1147, %dma_wait3A_1148] : memref<3x128x128xf32, #tpu.memory_space<vmem>> -> memref<1x128x128xf32, #tpu.memory_space<vmem>>
    %dma_wait3A_1150 = tpu.memref_squeeze %dma_wait3A_1149 : memref<1x128x128xf32, #tpu.memory_space<vmem>> -> memref<128x128xf32, #tpu.memory_space<vmem>>
    %dma_wait3A_1151 = tpu.memref_slice %arg2[%multiple_of3A_983, %multiple_of3A_990] : memref<16384x1024xf32, #tpu.memory_space<hbm>> -> memref<128x128xf32, #tpu.memory_space<hbm>>
    %dma_wait3A_1152 = tpu.memref_slice %arg9[%dma_wait3A_1146] : memref<3x!tpu.dma_semaphore, #tpu.memory_space<semaphore_mem>> -> memref<1x!tpu.dma_semaphore, #tpu.memory_space<semaphore_mem>>
    %dma_wait3A_1153 = tpu.memref_squeeze %dma_wait3A_1152 : memref<1x!tpu.dma_semaphore, #tpu.memory_space<semaphore_mem>> -> memref<!tpu.dma_semaphore, #tpu.memory_space<semaphore_mem>>
    %dma_wait3A_1154 = arith.constant 0 : i32
    %dma_wait3A_1155 = arith.constant 0 : i32
    %dma_wait3A_1156 = tpu.memref_slice %arg6[%dma_wait3A_1145, %dma_wait3A_1154, %dma_wait3A_1155] : memref<3x128x128xf32, #tpu.memory_space<vmem>> -> memref<1x128x128xf32, #tpu.memory_space<vmem>>
    %dma_wait3A_1157 = tpu.memref_squeeze %dma_wait3A_1156 : memref<1x128x128xf32, #tpu.memory_space<vmem>> -> memref<128x128xf32, #tpu.memory_space<vmem>>
    %dma_wait3A_1158 = tpu.memref_slice %arg2[%multiple_of3A_983, %multiple_of3A_990] : memref<16384x1024xf32, #tpu.memory_space<hbm>> -> memref<128x128xf32, #tpu.memory_space<hbm>>
    tpu.wait_dma2 semaphore(%dma_wait3A_1153 : memref<!tpu.dma_semaphore, #tpu.memory_space<semaphore_mem>>) src(%dma_wait3A_1158 : memref<128x128xf32, #tpu.memory_space<hbm>>) dst(%dma_wait3A_1157 : memref<128x128xf32, #tpu.memory_space<vmem>>)
    %dma_start3A_1159 = arith.constant 1 : i32
    %dma_start3A_1160 = arith.constant 4 : i32
    %dma_start3A_1161 = arith.constant 1 : i32
    %dma_start3A_1162 = arith.constant 0 : i32
    %dma_start3A_1163 = arith.constant 0 : i32
    %dma_start3A_1164 = tpu.memref_slice %arg6[%dma_start3A_1159, %dma_start3A_1162, %dma_start3A_1163] : memref<3x128x128xf32, #tpu.memory_space<vmem>> -> memref<1x128x128xf32, #tpu.memory_space<vmem>>
    %dma_start3A_1165 = tpu.memref_squeeze %dma_start3A_1164 : memref<1x128x128xf32, #tpu.memory_space<vmem>> -> memref<128x128xf32, #tpu.memory_space<vmem>>
    %dma_start3A_1166 = arith.constant 0 : i32
    %dma_start3A_1167 = tpu.memref_slice %arg5[%dma_start3A_1160, %dma_start3A_1166] : memref<8x128xi32, #tpu.memory_space<vmem>> -> memref<1x128xi32, #tpu.memory_space<vmem>>
    %dma_start3A_1168 = tpu.memref_squeeze %dma_start3A_1167 : memref<1x128xi32, #tpu.memory_space<vmem>> -> memref<128xi32, #tpu.memory_space<vmem>>
    %dma_start3A_1169 = arith.constant 0 : i32
    %dma_start3A_1170 = arith.constant 0 : i32
    %dma_start3A_1171 = tpu.memref_slice %arg8[%dma_start3A_1169, %dma_start3A_1170] : memref<8192x128xf32, #tpu.memory_space<vmem_shared>> -> memref<8192x128xf32, #tpu.memory_space<vmem_shared>>
    %dma_start3A_1172 = tpu.memref_slice %arg10[%dma_start3A_1161] : memref<3x!tpu.dma_semaphore, #tpu.memory_space<semaphore_mem>> -> memref<1x!tpu.dma_semaphore, #tpu.memory_space<semaphore_mem>>
    %dma_start3A_1173 = tpu.memref_squeeze %dma_start3A_1172 : memref<1x!tpu.dma_semaphore, #tpu.memory_space<semaphore_mem>> -> memref<!tpu.dma_semaphore, #tpu.memory_space<semaphore_mem>>
    tpu.enqueue_indirect_dma source(%dma_start3A_1165 : memref<128x128xf32, #tpu.memory_space<vmem>>) target(%dma_start3A_1171 : memref<8192x128xf32, #tpu.memory_space<vmem_shared>>) offsets(%dma_start3A_1168 : memref<128xi32, #tpu.memory_space<vmem>>) semaphore(%dma_start3A_1173 : memref<!tpu.dma_semaphore, #tpu.memory_space<semaphore_mem>>) {add = true}
    %dma_wait3A_1174 = arith.constant 1 : i32
    %dma_wait3A_1175 = arith.constant 4 : i32
    %dma_wait3A_1176 = arith.constant 1 : i32
    %dma_wait3A_1177 = arith.constant 0 : i32
    %dma_wait3A_1178 = arith.constant 0 : i32
    %dma_wait3A_1179 = tpu.memref_slice %arg6[%dma_wait3A_1174, %dma_wait3A_1177, %dma_wait3A_1178] : memref<3x128x128xf32, #tpu.memory_space<vmem>> -> memref<1x128x128xf32, #tpu.memory_space<vmem>>
    %dma_wait3A_1180 = tpu.memref_squeeze %dma_wait3A_1179 : memref<1x128x128xf32, #tpu.memory_space<vmem>> -> memref<128x128xf32, #tpu.memory_space<vmem>>
    %dma_wait3A_1181 = arith.constant 0 : i32
    %dma_wait3A_1182 = tpu.memref_slice %arg5[%dma_wait3A_1175, %dma_wait3A_1181] : memref<8x128xi32, #tpu.memory_space<vmem>> -> memref<1x128xi32, #tpu.memory_space<vmem>>
    %dma_wait3A_1183 = tpu.memref_squeeze %dma_wait3A_1182 : memref<1x128xi32, #tpu.memory_space<vmem>> -> memref<128xi32, #tpu.memory_space<vmem>>
    %dma_wait3A_1184 = arith.constant 0 : i32
    %dma_wait3A_1185 = arith.constant 0 : i32
    %dma_wait3A_1186 = tpu.memref_slice %arg8[%dma_wait3A_1184, %dma_wait3A_1185] : memref<8192x128xf32, #tpu.memory_space<vmem_shared>> -> memref<8192x128xf32, #tpu.memory_space<vmem_shared>>
    %dma_wait3A_1187 = tpu.memref_slice %arg10[%dma_wait3A_1176] : memref<3x!tpu.dma_semaphore, #tpu.memory_space<semaphore_mem>> -> memref<1x!tpu.dma_semaphore, #tpu.memory_space<semaphore_mem>>
    %dma_wait3A_1188 = tpu.memref_squeeze %dma_wait3A_1187 : memref<1x!tpu.dma_semaphore, #tpu.memory_space<semaphore_mem>> -> memref<!tpu.dma_semaphore, #tpu.memory_space<semaphore_mem>>
    tpu.wait_indirect_dma semaphore(%dma_wait3A_1188 : memref<!tpu.dma_semaphore, #tpu.memory_space<semaphore_mem>>) src(%dma_wait3A_1180 : memref<128x128xf32, #tpu.memory_space<vmem>>) dst(%dma_wait3A_1186 : memref<8192x128xf32, #tpu.memory_space<vmem_shared>>)
    %mul3A_1189 = arith.constant 1024 : i32
    %mul3A_1190 = arith.muli %arg1, %mul3A_1189 : i32
    %add3A_1191 = arith.constant 896 : i32
    %add3A_1192 = arith.addi %mul3A_1190, %add3A_1191 : i32
    %multiple_of3A_1193 = tpu.assume_multiple %add3A_1192, 128 : i32
    %mul3A_1194 = arith.constant 4 : i32
    %mul3A_1195 = arith.muli %arg0, %mul3A_1194 : i32
    %add3A_1196 = arith.constant 1 : i32
    %add3A_1197 = arith.addi %mul3A_1195, %add3A_1196 : i32
    %mul3A_1198 = arith.constant 128 : i32
    %mul3A_1199 = arith.muli %add3A_1197, %mul3A_1198 : i32
    %multiple_of3A_1200 = tpu.assume_multiple %mul3A_1199, 128 : i32
    %dma_start3A_1201 = arith.constant 1 : i32
    %dma_start3A_1202 = arith.constant 1 : i32
    %dma_start3A_1203 = arith.constant 0 : i32
    %dma_start3A_1204 = arith.constant 0 : i32
    %dma_start3A_1205 = tpu.memref_slice %arg6[%dma_start3A_1201, %dma_start3A_1203, %dma_start3A_1204] : memref<3x128x128xf32, #tpu.memory_space<vmem>> -> memref<1x128x128xf32, #tpu.memory_space<vmem>>
    %dma_start3A_1206 = tpu.memref_squeeze %dma_start3A_1205 : memref<1x128x128xf32, #tpu.memory_space<vmem>> -> memref<128x128xf32, #tpu.memory_space<vmem>>
    %dma_start3A_1207 = tpu.memref_slice %arg2[%multiple_of3A_1193, %multiple_of3A_1200] : memref<16384x1024xf32, #tpu.memory_space<hbm>> -> memref<128x128xf32, #tpu.memory_space<hbm>>
    %dma_start3A_1208 = tpu.memref_slice %arg9[%dma_start3A_1202] : memref<3x!tpu.dma_semaphore, #tpu.memory_space<semaphore_mem>> -> memref<1x!tpu.dma_semaphore, #tpu.memory_space<semaphore_mem>>
    %dma_start3A_1209 = tpu.memref_squeeze %dma_start3A_1208 : memref<1x!tpu.dma_semaphore, #tpu.memory_space<semaphore_mem>> -> memref<!tpu.dma_semaphore, #tpu.memory_space<semaphore_mem>>
    %dma_start3A_1210 = arith.constant 0 : i32
    %dma_start3A_1211 = arith.constant 0 : i32
    %dma_start3A_1212 = tpu.memref_slice %arg6[%dma_start3A_1201, %dma_start3A_1210, %dma_start3A_1211] : memref<3x128x128xf32, #tpu.memory_space<vmem>> -> memref<1x128x128xf32, #tpu.memory_space<vmem>>
    %dma_start3A_1213 = tpu.memref_squeeze %dma_start3A_1212 : memref<1x128x128xf32, #tpu.memory_space<vmem>> -> memref<128x128xf32, #tpu.memory_space<vmem>>
    %dma_start3A_1214 = tpu.memref_slice %arg2[%multiple_of3A_1193, %multiple_of3A_1200] : memref<16384x1024xf32, #tpu.memory_space<hbm>> -> memref<128x128xf32, #tpu.memory_space<hbm>>
    tpu.enqueue_dma source(%dma_start3A_1214 : memref<128x128xf32, #tpu.memory_space<hbm>>) target(%dma_start3A_1213 : memref<128x128xf32, #tpu.memory_space<vmem>>) target_semaphore(%dma_start3A_1209 : memref<!tpu.dma_semaphore, #tpu.memory_space<semaphore_mem>>)
    %dma_wait3A_1215 = arith.constant 2 : i32
    %dma_wait3A_1216 = arith.constant 2 : i32
    %dma_wait3A_1217 = arith.constant 0 : i32
    %dma_wait3A_1218 = arith.constant 0 : i32
    %dma_wait3A_1219 = tpu.memref_slice %arg6[%dma_wait3A_1215, %dma_wait3A_1217, %dma_wait3A_1218] : memref<3x128x128xf32, #tpu.memory_space<vmem>> -> memref<1x128x128xf32, #tpu.memory_space<vmem>>
    %dma_wait3A_1220 = tpu.memref_squeeze %dma_wait3A_1219 : memref<1x128x128xf32, #tpu.memory_space<vmem>> -> memref<128x128xf32, #tpu.memory_space<vmem>>
    %dma_wait3A_1221 = tpu.memref_slice %arg2[%multiple_of3A_1053, %multiple_of3A_1060] : memref<16384x1024xf32, #tpu.memory_space<hbm>> -> memref<128x128xf32, #tpu.memory_space<hbm>>
    %dma_wait3A_1222 = tpu.memref_slice %arg9[%dma_wait3A_1216] : memref<3x!tpu.dma_semaphore, #tpu.memory_space<semaphore_mem>> -> memref<1x!tpu.dma_semaphore, #tpu.memory_space<semaphore_mem>>
    %dma_wait3A_1223 = tpu.memref_squeeze %dma_wait3A_1222 : memref<1x!tpu.dma_semaphore, #tpu.memory_space<semaphore_mem>> -> memref<!tpu.dma_semaphore, #tpu.memory_space<semaphore_mem>>
    %dma_wait3A_1224 = arith.constant 0 : i32
    %dma_wait3A_1225 = arith.constant 0 : i32
    %dma_wait3A_1226 = tpu.memref_slice %arg6[%dma_wait3A_1215, %dma_wait3A_1224, %dma_wait3A_1225] : memref<3x128x128xf32, #tpu.memory_space<vmem>> -> memref<1x128x128xf32, #tpu.memory_space<vmem>>
    %dma_wait3A_1227 = tpu.memref_squeeze %dma_wait3A_1226 : memref<1x128x128xf32, #tpu.memory_space<vmem>> -> memref<128x128xf32, #tpu.memory_space<vmem>>
    %dma_wait3A_1228 = tpu.memref_slice %arg2[%multiple_of3A_1053, %multiple_of3A_1060] : memref<16384x1024xf32, #tpu.memory_space<hbm>> -> memref<128x128xf32, #tpu.memory_space<hbm>>
    tpu.wait_dma2 semaphore(%dma_wait3A_1223 : memref<!tpu.dma_semaphore, #tpu.memory_space<semaphore_mem>>) src(%dma_wait3A_1228 : memref<128x128xf32, #tpu.memory_space<hbm>>) dst(%dma_wait3A_1227 : memref<128x128xf32, #tpu.memory_space<vmem>>)
    %dma_start3A_1229 = arith.constant 2 : i32
    %dma_start3A_1230 = arith.constant 5 : i32
    %dma_start3A_1231 = arith.constant 2 : i32
    %dma_start3A_1232 = arith.constant 0 : i32
    %dma_start3A_1233 = arith.constant 0 : i32
    %dma_start3A_1234 = tpu.memref_slice %arg6[%dma_start3A_1229, %dma_start3A_1232, %dma_start3A_1233] : memref<3x128x128xf32, #tpu.memory_space<vmem>> -> memref<1x128x128xf32, #tpu.memory_space<vmem>>
    %dma_start3A_1235 = tpu.memref_squeeze %dma_start3A_1234 : memref<1x128x128xf32, #tpu.memory_space<vmem>> -> memref<128x128xf32, #tpu.memory_space<vmem>>
    %dma_start3A_1236 = arith.constant 0 : i32
    %dma_start3A_1237 = tpu.memref_slice %arg5[%dma_start3A_1230, %dma_start3A_1236] : memref<8x128xi32, #tpu.memory_space<vmem>> -> memref<1x128xi32, #tpu.memory_space<vmem>>
    %dma_start3A_1238 = tpu.memref_squeeze %dma_start3A_1237 : memref<1x128xi32, #tpu.memory_space<vmem>> -> memref<128xi32, #tpu.memory_space<vmem>>
    %dma_start3A_1239 = arith.constant 0 : i32
    %dma_start3A_1240 = arith.constant 0 : i32
    %dma_start3A_1241 = tpu.memref_slice %arg8[%dma_start3A_1239, %dma_start3A_1240] : memref<8192x128xf32, #tpu.memory_space<vmem_shared>> -> memref<8192x128xf32, #tpu.memory_space<vmem_shared>>
    %dma_start3A_1242 = tpu.memref_slice %arg10[%dma_start3A_1231] : memref<3x!tpu.dma_semaphore, #tpu.memory_space<semaphore_mem>> -> memref<1x!tpu.dma_semaphore, #tpu.memory_space<semaphore_mem>>
    %dma_start3A_1243 = tpu.memref_squeeze %dma_start3A_1242 : memref<1x!tpu.dma_semaphore, #tpu.memory_space<semaphore_mem>> -> memref<!tpu.dma_semaphore, #tpu.memory_space<semaphore_mem>>
    tpu.enqueue_indirect_dma source(%dma_start3A_1235 : memref<128x128xf32, #tpu.memory_space<vmem>>) target(%dma_start3A_1241 : memref<8192x128xf32, #tpu.memory_space<vmem_shared>>) offsets(%dma_start3A_1238 : memref<128xi32, #tpu.memory_space<vmem>>) semaphore(%dma_start3A_1243 : memref<!tpu.dma_semaphore, #tpu.memory_space<semaphore_mem>>) {add = true}
    %dma_wait3A_1244 = arith.constant 0 : i32
    %dma_wait3A_1245 = arith.constant 0 : i32
    %dma_wait3A_1246 = arith.constant 0 : i32
    %dma_wait3A_1247 = arith.constant 0 : i32
    %dma_wait3A_1248 = tpu.memref_slice %arg6[%dma_wait3A_1244, %dma_wait3A_1246, %dma_wait3A_1247] : memref<3x128x128xf32, #tpu.memory_space<vmem>> -> memref<1x128x128xf32, #tpu.memory_space<vmem>>
    %dma_wait3A_1249 = tpu.memref_squeeze %dma_wait3A_1248 : memref<1x128x128xf32, #tpu.memory_space<vmem>> -> memref<128x128xf32, #tpu.memory_space<vmem>>
    %dma_wait3A_1250 = tpu.memref_slice %arg2[%multiple_of3A_1123, %multiple_of3A_1130] : memref<16384x1024xf32, #tpu.memory_space<hbm>> -> memref<128x128xf32, #tpu.memory_space<hbm>>
    %dma_wait3A_1251 = tpu.memref_slice %arg9[%dma_wait3A_1245] : memref<3x!tpu.dma_semaphore, #tpu.memory_space<semaphore_mem>> -> memref<1x!tpu.dma_semaphore, #tpu.memory_space<semaphore_mem>>
    %dma_wait3A_1252 = tpu.memref_squeeze %dma_wait3A_1251 : memref<1x!tpu.dma_semaphore, #tpu.memory_space<semaphore_mem>> -> memref<!tpu.dma_semaphore, #tpu.memory_space<semaphore_mem>>
    %dma_wait3A_1253 = arith.constant 0 : i32
    %dma_wait3A_1254 = arith.constant 0 : i32
    %dma_wait3A_1255 = tpu.memref_slice %arg6[%dma_wait3A_1244, %dma_wait3A_1253, %dma_wait3A_1254] : memref<3x128x128xf32, #tpu.memory_space<vmem>> -> memref<1x128x128xf32, #tpu.memory_space<vmem>>
    %dma_wait3A_1256 = tpu.memref_squeeze %dma_wait3A_1255 : memref<1x128x128xf32, #tpu.memory_space<vmem>> -> memref<128x128xf32, #tpu.memory_space<vmem>>
    %dma_wait3A_1257 = tpu.memref_slice %arg2[%multiple_of3A_1123, %multiple_of3A_1130] : memref<16384x1024xf32, #tpu.memory_space<hbm>> -> memref<128x128xf32, #tpu.memory_space<hbm>>
    tpu.wait_dma2 semaphore(%dma_wait3A_1252 : memref<!tpu.dma_semaphore, #tpu.memory_space<semaphore_mem>>) src(%dma_wait3A_1257 : memref<128x128xf32, #tpu.memory_space<hbm>>) dst(%dma_wait3A_1256 : memref<128x128xf32, #tpu.memory_space<vmem>>)
    %dma_start3A_1258 = arith.constant 0 : i32
    %dma_start3A_1259 = arith.constant 6 : i32
    %dma_start3A_1260 = arith.constant 0 : i32
    %dma_start3A_1261 = arith.constant 0 : i32
    %dma_start3A_1262 = arith.constant 0 : i32
    %dma_start3A_1263 = tpu.memref_slice %arg6[%dma_start3A_1258, %dma_start3A_1261, %dma_start3A_1262] : memref<3x128x128xf32, #tpu.memory_space<vmem>> -> memref<1x128x128xf32, #tpu.memory_space<vmem>>
    %dma_start3A_1264 = tpu.memref_squeeze %dma_start3A_1263 : memref<1x128x128xf32, #tpu.memory_space<vmem>> -> memref<128x128xf32, #tpu.memory_space<vmem>>
    %dma_start3A_1265 = arith.constant 0 : i32
    %dma_start3A_1266 = tpu.memref_slice %arg5[%dma_start3A_1259, %dma_start3A_1265] : memref<8x128xi32, #tpu.memory_space<vmem>> -> memref<1x128xi32, #tpu.memory_space<vmem>>
    %dma_start3A_1267 = tpu.memref_squeeze %dma_start3A_1266 : memref<1x128xi32, #tpu.memory_space<vmem>> -> memref<128xi32, #tpu.memory_space<vmem>>
    %dma_start3A_1268 = arith.constant 0 : i32
    %dma_start3A_1269 = arith.constant 0 : i32
    %dma_start3A_1270 = tpu.memref_slice %arg8[%dma_start3A_1268, %dma_start3A_1269] : memref<8192x128xf32, #tpu.memory_space<vmem_shared>> -> memref<8192x128xf32, #tpu.memory_space<vmem_shared>>
    %dma_start3A_1271 = tpu.memref_slice %arg10[%dma_start3A_1260] : memref<3x!tpu.dma_semaphore, #tpu.memory_space<semaphore_mem>> -> memref<1x!tpu.dma_semaphore, #tpu.memory_space<semaphore_mem>>
    %dma_start3A_1272 = tpu.memref_squeeze %dma_start3A_1271 : memref<1x!tpu.dma_semaphore, #tpu.memory_space<semaphore_mem>> -> memref<!tpu.dma_semaphore, #tpu.memory_space<semaphore_mem>>
    tpu.enqueue_indirect_dma source(%dma_start3A_1264 : memref<128x128xf32, #tpu.memory_space<vmem>>) target(%dma_start3A_1270 : memref<8192x128xf32, #tpu.memory_space<vmem_shared>>) offsets(%dma_start3A_1267 : memref<128xi32, #tpu.memory_space<vmem>>) semaphore(%dma_start3A_1272 : memref<!tpu.dma_semaphore, #tpu.memory_space<semaphore_mem>>) {add = true}
    %dma_wait3A_1273 = arith.constant 1 : i32
    %dma_wait3A_1274 = arith.constant 1 : i32
    %dma_wait3A_1275 = arith.constant 0 : i32
    %dma_wait3A_1276 = arith.constant 0 : i32
    %dma_wait3A_1277 = tpu.memref_slice %arg6[%dma_wait3A_1273, %dma_wait3A_1275, %dma_wait3A_1276] : memref<3x128x128xf32, #tpu.memory_space<vmem>> -> memref<1x128x128xf32, #tpu.memory_space<vmem>>
    %dma_wait3A_1278 = tpu.memref_squeeze %dma_wait3A_1277 : memref<1x128x128xf32, #tpu.memory_space<vmem>> -> memref<128x128xf32, #tpu.memory_space<vmem>>
    %dma_wait3A_1279 = tpu.memref_slice %arg2[%multiple_of3A_1193, %multiple_of3A_1200] : memref<16384x1024xf32, #tpu.memory_space<hbm>> -> memref<128x128xf32, #tpu.memory_space<hbm>>
    %dma_wait3A_1280 = tpu.memref_slice %arg9[%dma_wait3A_1274] : memref<3x!tpu.dma_semaphore, #tpu.memory_space<semaphore_mem>> -> memref<1x!tpu.dma_semaphore, #tpu.memory_space<semaphore_mem>>
    %dma_wait3A_1281 = tpu.memref_squeeze %dma_wait3A_1280 : memref<1x!tpu.dma_semaphore, #tpu.memory_space<semaphore_mem>> -> memref<!tpu.dma_semaphore, #tpu.memory_space<semaphore_mem>>
    %dma_wait3A_1282 = arith.constant 0 : i32
    %dma_wait3A_1283 = arith.constant 0 : i32
    %dma_wait3A_1284 = tpu.memref_slice %arg6[%dma_wait3A_1273, %dma_wait3A_1282, %dma_wait3A_1283] : memref<3x128x128xf32, #tpu.memory_space<vmem>> -> memref<1x128x128xf32, #tpu.memory_space<vmem>>
    %dma_wait3A_1285 = tpu.memref_squeeze %dma_wait3A_1284 : memref<1x128x128xf32, #tpu.memory_space<vmem>> -> memref<128x128xf32, #tpu.memory_space<vmem>>
    %dma_wait3A_1286 = tpu.memref_slice %arg2[%multiple_of3A_1193, %multiple_of3A_1200] : memref<16384x1024xf32, #tpu.memory_space<hbm>> -> memref<128x128xf32, #tpu.memory_space<hbm>>
    tpu.wait_dma2 semaphore(%dma_wait3A_1281 : memref<!tpu.dma_semaphore, #tpu.memory_space<semaphore_mem>>) src(%dma_wait3A_1286 : memref<128x128xf32, #tpu.memory_space<hbm>>) dst(%dma_wait3A_1285 : memref<128x128xf32, #tpu.memory_space<vmem>>)
    %dma_start3A_1287 = arith.constant 1 : i32
    %dma_start3A_1288 = arith.constant 7 : i32
    %dma_start3A_1289 = arith.constant 1 : i32
    %dma_start3A_1290 = arith.constant 0 : i32
    %dma_start3A_1291 = arith.constant 0 : i32
    %dma_start3A_1292 = tpu.memref_slice %arg6[%dma_start3A_1287, %dma_start3A_1290, %dma_start3A_1291] : memref<3x128x128xf32, #tpu.memory_space<vmem>> -> memref<1x128x128xf32, #tpu.memory_space<vmem>>
    %dma_start3A_1293 = tpu.memref_squeeze %dma_start3A_1292 : memref<1x128x128xf32, #tpu.memory_space<vmem>> -> memref<128x128xf32, #tpu.memory_space<vmem>>
    %dma_start3A_1294 = arith.constant 0 : i32
    %dma_start3A_1295 = tpu.memref_slice %arg5[%dma_start3A_1288, %dma_start3A_1294] : memref<8x128xi32, #tpu.memory_space<vmem>> -> memref<1x128xi32, #tpu.memory_space<vmem>>
    %dma_start3A_1296 = tpu.memref_squeeze %dma_start3A_1295 : memref<1x128xi32, #tpu.memory_space<vmem>> -> memref<128xi32, #tpu.memory_space<vmem>>
    %dma_start3A_1297 = arith.constant 0 : i32
    %dma_start3A_1298 = arith.constant 0 : i32
    %dma_start3A_1299 = tpu.memref_slice %arg8[%dma_start3A_1297, %dma_start3A_1298] : memref<8192x128xf32, #tpu.memory_space<vmem_shared>> -> memref<8192x128xf32, #tpu.memory_space<vmem_shared>>
    %dma_start3A_1300 = tpu.memref_slice %arg10[%dma_start3A_1289] : memref<3x!tpu.dma_semaphore, #tpu.memory_space<semaphore_mem>> -> memref<1x!tpu.dma_semaphore, #tpu.memory_space<semaphore_mem>>
    %dma_start3A_1301 = tpu.memref_squeeze %dma_start3A_1300 : memref<1x!tpu.dma_semaphore, #tpu.memory_space<semaphore_mem>> -> memref<!tpu.dma_semaphore, #tpu.memory_space<semaphore_mem>>
    tpu.enqueue_indirect_dma source(%dma_start3A_1293 : memref<128x128xf32, #tpu.memory_space<vmem>>) target(%dma_start3A_1299 : memref<8192x128xf32, #tpu.memory_space<vmem_shared>>) offsets(%dma_start3A_1296 : memref<128xi32, #tpu.memory_space<vmem>>) semaphore(%dma_start3A_1301 : memref<!tpu.dma_semaphore, #tpu.memory_space<semaphore_mem>>) {add = true}
    %dma_wait3A_1302 = arith.constant 2 : i32
    %dma_wait3A_1303 = arith.constant 5 : i32
    %dma_wait3A_1304 = arith.constant 2 : i32
    %dma_wait3A_1305 = arith.constant 0 : i32
    %dma_wait3A_1306 = arith.constant 0 : i32
    %dma_wait3A_1307 = tpu.memref_slice %arg6[%dma_wait3A_1302, %dma_wait3A_1305, %dma_wait3A_1306] : memref<3x128x128xf32, #tpu.memory_space<vmem>> -> memref<1x128x128xf32, #tpu.memory_space<vmem>>
    %dma_wait3A_1308 = tpu.memref_squeeze %dma_wait3A_1307 : memref<1x128x128xf32, #tpu.memory_space<vmem>> -> memref<128x128xf32, #tpu.memory_space<vmem>>
    %dma_wait3A_1309 = arith.constant 0 : i32
    %dma_wait3A_1310 = tpu.memref_slice %arg5[%dma_wait3A_1303, %dma_wait3A_1309] : memref<8x128xi32, #tpu.memory_space<vmem>> -> memref<1x128xi32, #tpu.memory_space<vmem>>
    %dma_wait3A_1311 = tpu.memref_squeeze %dma_wait3A_1310 : memref<1x128xi32, #tpu.memory_space<vmem>> -> memref<128xi32, #tpu.memory_space<vmem>>
    %dma_wait3A_1312 = arith.constant 0 : i32
    %dma_wait3A_1313 = arith.constant 0 : i32
    %dma_wait3A_1314 = tpu.memref_slice %arg8[%dma_wait3A_1312, %dma_wait3A_1313] : memref<8192x128xf32, #tpu.memory_space<vmem_shared>> -> memref<8192x128xf32, #tpu.memory_space<vmem_shared>>
    %dma_wait3A_1315 = tpu.memref_slice %arg10[%dma_wait3A_1304] : memref<3x!tpu.dma_semaphore, #tpu.memory_space<semaphore_mem>> -> memref<1x!tpu.dma_semaphore, #tpu.memory_space<semaphore_mem>>
    %dma_wait3A_1316 = tpu.memref_squeeze %dma_wait3A_1315 : memref<1x!tpu.dma_semaphore, #tpu.memory_space<semaphore_mem>> -> memref<!tpu.dma_semaphore, #tpu.memory_space<semaphore_mem>>
    tpu.wait_indirect_dma semaphore(%dma_wait3A_1316 : memref<!tpu.dma_semaphore, #tpu.memory_space<semaphore_mem>>) src(%dma_wait3A_1308 : memref<128x128xf32, #tpu.memory_space<vmem>>) dst(%dma_wait3A_1314 : memref<8192x128xf32, #tpu.memory_space<vmem_shared>>)
    %dma_wait3A_1317 = arith.constant 0 : i32
    %dma_wait3A_1318 = arith.constant 6 : i32
    %dma_wait3A_1319 = arith.constant 0 : i32
    %dma_wait3A_1320 = arith.constant 0 : i32
    %dma_wait3A_1321 = arith.constant 0 : i32
    %dma_wait3A_1322 = tpu.memref_slice %arg6[%dma_wait3A_1317, %dma_wait3A_1320, %dma_wait3A_1321] : memref<3x128x128xf32, #tpu.memory_space<vmem>> -> memref<1x128x128xf32, #tpu.memory_space<vmem>>
    %dma_wait3A_1323 = tpu.memref_squeeze %dma_wait3A_1322 : memref<1x128x128xf32, #tpu.memory_space<vmem>> -> memref<128x128xf32, #tpu.memory_space<vmem>>
    %dma_wait3A_1324 = arith.constant 0 : i32
    %dma_wait3A_1325 = tpu.memref_slice %arg5[%dma_wait3A_1318, %dma_wait3A_1324] : memref<8x128xi32, #tpu.memory_space<vmem>> -> memref<1x128xi32, #tpu.memory_space<vmem>>
    %dma_wait3A_1326 = tpu.memref_squeeze %dma_wait3A_1325 : memref<1x128xi32, #tpu.memory_space<vmem>> -> memref<128xi32, #tpu.memory_space<vmem>>
    %dma_wait3A_1327 = arith.constant 0 : i32
    %dma_wait3A_1328 = arith.constant 0 : i32
    %dma_wait3A_1329 = tpu.memref_slice %arg8[%dma_wait3A_1327, %dma_wait3A_1328] : memref<8192x128xf32, #tpu.memory_space<vmem_shared>> -> memref<8192x128xf32, #tpu.memory_space<vmem_shared>>
    %dma_wait3A_1330 = tpu.memref_slice %arg10[%dma_wait3A_1319] : memref<3x!tpu.dma_semaphore, #tpu.memory_space<semaphore_mem>> -> memref<1x!tpu.dma_semaphore, #tpu.memory_space<semaphore_mem>>
    %dma_wait3A_1331 = tpu.memref_squeeze %dma_wait3A_1330 : memref<1x!tpu.dma_semaphore, #tpu.memory_space<semaphore_mem>> -> memref<!tpu.dma_semaphore, #tpu.memory_space<semaphore_mem>>
    tpu.wait_indirect_dma semaphore(%dma_wait3A_1331 : memref<!tpu.dma_semaphore, #tpu.memory_space<semaphore_mem>>) src(%dma_wait3A_1323 : memref<128x128xf32, #tpu.memory_space<vmem>>) dst(%dma_wait3A_1329 : memref<8192x128xf32, #tpu.memory_space<vmem_shared>>)
    %dma_wait3A_1332 = arith.constant 1 : i32
    %dma_wait3A_1333 = arith.constant 7 : i32
    %dma_wait3A_1334 = arith.constant 1 : i32
    %dma_wait3A_1335 = arith.constant 0 : i32
    %dma_wait3A_1336 = arith.constant 0 : i32
    %dma_wait3A_1337 = tpu.memref_slice %arg6[%dma_wait3A_1332, %dma_wait3A_1335, %dma_wait3A_1336] : memref<3x128x128xf32, #tpu.memory_space<vmem>> -> memref<1x128x128xf32, #tpu.memory_space<vmem>>
    %dma_wait3A_1338 = tpu.memref_squeeze %dma_wait3A_1337 : memref<1x128x128xf32, #tpu.memory_space<vmem>> -> memref<128x128xf32, #tpu.memory_space<vmem>>
    %dma_wait3A_1339 = arith.constant 0 : i32
    %dma_wait3A_1340 = tpu.memref_slice %arg5[%dma_wait3A_1333, %dma_wait3A_1339] : memref<8x128xi32, #tpu.memory_space<vmem>> -> memref<1x128xi32, #tpu.memory_space<vmem>>
    %dma_wait3A_1341 = tpu.memref_squeeze %dma_wait3A_1340 : memref<1x128xi32, #tpu.memory_space<vmem>> -> memref<128xi32, #tpu.memory_space<vmem>>
    %dma_wait3A_1342 = arith.constant 0 : i32
    %dma_wait3A_1343 = arith.constant 0 : i32
    %dma_wait3A_1344 = tpu.memref_slice %arg8[%dma_wait3A_1342, %dma_wait3A_1343] : memref<8192x128xf32, #tpu.memory_space<vmem_shared>> -> memref<8192x128xf32, #tpu.memory_space<vmem_shared>>
    %dma_wait3A_1345 = tpu.memref_slice %arg10[%dma_wait3A_1334] : memref<3x!tpu.dma_semaphore, #tpu.memory_space<semaphore_mem>> -> memref<1x!tpu.dma_semaphore, #tpu.memory_space<semaphore_mem>>
    %dma_wait3A_1346 = tpu.memref_squeeze %dma_wait3A_1345 : memref<1x!tpu.dma_semaphore, #tpu.memory_space<semaphore_mem>> -> memref<!tpu.dma_semaphore, #tpu.memory_space<semaphore_mem>>
    tpu.wait_indirect_dma semaphore(%dma_wait3A_1346 : memref<!tpu.dma_semaphore, #tpu.memory_space<semaphore_mem>>) src(%dma_wait3A_1338 : memref<128x128xf32, #tpu.memory_space<vmem>>) dst(%dma_wait3A_1344 : memref<8192x128xf32, #tpu.memory_space<vmem_shared>>)
    %barrier3A_1347 = arith.constant 0 : index
    tpu.barrier barrier_id(%barrier3A_1347)
    %mul3A_1348 = arith.constant 1024 : i32
    %mul3A_1349 = arith.muli %arg1, %mul3A_1348 : i32
    %add3A_1350 = arith.constant 0 : i32
    %add3A_1351 = arith.addi %mul3A_1349, %add3A_1350 : i32
    %multiple_of3A_1352 = tpu.assume_multiple %add3A_1351, 128 : i32
    %mul3A_1353 = arith.constant 4 : i32
    %mul3A_1354 = arith.muli %arg0, %mul3A_1353 : i32
    %add3A_1355 = arith.constant 2 : i32
    %add3A_1356 = arith.addi %mul3A_1354, %add3A_1355 : i32
    %mul3A_1357 = arith.constant 128 : i32
    %mul3A_1358 = arith.muli %add3A_1356, %mul3A_1357 : i32
    %multiple_of3A_1359 = tpu.assume_multiple %mul3A_1358, 128 : i32
    %dma_start3A_1360 = arith.constant 0 : i32
    %dma_start3A_1361 = arith.constant 0 : i32
    %dma_start3A_1362 = arith.constant 0 : i32
    %dma_start3A_1363 = arith.constant 0 : i32
    %dma_start3A_1364 = tpu.memref_slice %arg6[%dma_start3A_1360, %dma_start3A_1362, %dma_start3A_1363] : memref<3x128x128xf32, #tpu.memory_space<vmem>> -> memref<1x128x128xf32, #tpu.memory_space<vmem>>
    %dma_start3A_1365 = tpu.memref_squeeze %dma_start3A_1364 : memref<1x128x128xf32, #tpu.memory_space<vmem>> -> memref<128x128xf32, #tpu.memory_space<vmem>>
    %dma_start3A_1366 = tpu.memref_slice %arg2[%multiple_of3A_1352, %multiple_of3A_1359] : memref<16384x1024xf32, #tpu.memory_space<hbm>> -> memref<128x128xf32, #tpu.memory_space<hbm>>
    %dma_start3A_1367 = tpu.memref_slice %arg9[%dma_start3A_1361] : memref<3x!tpu.dma_semaphore, #tpu.memory_space<semaphore_mem>> -> memref<1x!tpu.dma_semaphore, #tpu.memory_space<semaphore_mem>>
    %dma_start3A_1368 = tpu.memref_squeeze %dma_start3A_1367 : memref<1x!tpu.dma_semaphore, #tpu.memory_space<semaphore_mem>> -> memref<!tpu.dma_semaphore, #tpu.memory_space<semaphore_mem>>
    %dma_start3A_1369 = arith.constant 0 : i32
    %dma_start3A_1370 = arith.constant 0 : i32
    %dma_start3A_1371 = tpu.memref_slice %arg6[%dma_start3A_1360, %dma_start3A_1369, %dma_start3A_1370] : memref<3x128x128xf32, #tpu.memory_space<vmem>> -> memref<1x128x128xf32, #tpu.memory_space<vmem>>
    %dma_start3A_1372 = tpu.memref_squeeze %dma_start3A_1371 : memref<1x128x128xf32, #tpu.memory_space<vmem>> -> memref<128x128xf32, #tpu.memory_space<vmem>>
    %dma_start3A_1373 = tpu.memref_slice %arg2[%multiple_of3A_1352, %multiple_of3A_1359] : memref<16384x1024xf32, #tpu.memory_space<hbm>> -> memref<128x128xf32, #tpu.memory_space<hbm>>
    tpu.enqueue_dma source(%dma_start3A_1373 : memref<128x128xf32, #tpu.memory_space<hbm>>) target(%dma_start3A_1372 : memref<128x128xf32, #tpu.memory_space<vmem>>) target_semaphore(%dma_start3A_1368 : memref<!tpu.dma_semaphore, #tpu.memory_space<semaphore_mem>>)
    %mul3A_1374 = arith.constant 1024 : i32
    %mul3A_1375 = arith.muli %arg1, %mul3A_1374 : i32
    %add3A_1376 = arith.constant 128 : i32
    %add3A_1377 = arith.addi %mul3A_1375, %add3A_1376 : i32
    %multiple_of3A_1378 = tpu.assume_multiple %add3A_1377, 128 : i32
    %mul3A_1379 = arith.constant 4 : i32
    %mul3A_1380 = arith.muli %arg0, %mul3A_1379 : i32
    %add3A_1381 = arith.constant 2 : i32
    %add3A_1382 = arith.addi %mul3A_1380, %add3A_1381 : i32
    %mul3A_1383 = arith.constant 128 : i32
    %mul3A_1384 = arith.muli %add3A_1382, %mul3A_1383 : i32
    %multiple_of3A_1385 = tpu.assume_multiple %mul3A_1384, 128 : i32
    %dma_start3A_1386 = arith.constant 1 : i32
    %dma_start3A_1387 = arith.constant 1 : i32
    %dma_start3A_1388 = arith.constant 0 : i32
    %dma_start3A_1389 = arith.constant 0 : i32
    %dma_start3A_1390 = tpu.memref_slice %arg6[%dma_start3A_1386, %dma_start3A_1388, %dma_start3A_1389] : memref<3x128x128xf32, #tpu.memory_space<vmem>> -> memref<1x128x128xf32, #tpu.memory_space<vmem>>
    %dma_start3A_1391 = tpu.memref_squeeze %dma_start3A_1390 : memref<1x128x128xf32, #tpu.memory_space<vmem>> -> memref<128x128xf32, #tpu.memory_space<vmem>>
    %dma_start3A_1392 = tpu.memref_slice %arg2[%multiple_of3A_1378, %multiple_of3A_1385] : memref<16384x1024xf32, #tpu.memory_space<hbm>> -> memref<128x128xf32, #tpu.memory_space<hbm>>
    %dma_start3A_1393 = tpu.memref_slice %arg9[%dma_start3A_1387] : memref<3x!tpu.dma_semaphore, #tpu.memory_space<semaphore_mem>> -> memref<1x!tpu.dma_semaphore, #tpu.memory_space<semaphore_mem>>
    %dma_start3A_1394 = tpu.memref_squeeze %dma_start3A_1393 : memref<1x!tpu.dma_semaphore, #tpu.memory_space<semaphore_mem>> -> memref<!tpu.dma_semaphore, #tpu.memory_space<semaphore_mem>>
    %dma_start3A_1395 = arith.constant 0 : i32
    %dma_start3A_1396 = arith.constant 0 : i32
    %dma_start3A_1397 = tpu.memref_slice %arg6[%dma_start3A_1386, %dma_start3A_1395, %dma_start3A_1396] : memref<3x128x128xf32, #tpu.memory_space<vmem>> -> memref<1x128x128xf32, #tpu.memory_space<vmem>>
    %dma_start3A_1398 = tpu.memref_squeeze %dma_start3A_1397 : memref<1x128x128xf32, #tpu.memory_space<vmem>> -> memref<128x128xf32, #tpu.memory_space<vmem>>
    %dma_start3A_1399 = tpu.memref_slice %arg2[%multiple_of3A_1378, %multiple_of3A_1385] : memref<16384x1024xf32, #tpu.memory_space<hbm>> -> memref<128x128xf32, #tpu.memory_space<hbm>>
    tpu.enqueue_dma source(%dma_start3A_1399 : memref<128x128xf32, #tpu.memory_space<hbm>>) target(%dma_start3A_1398 : memref<128x128xf32, #tpu.memory_space<vmem>>) target_semaphore(%dma_start3A_1394 : memref<!tpu.dma_semaphore, #tpu.memory_space<semaphore_mem>>)
    %mul3A_1400 = arith.constant 1024 : i32
    %mul3A_1401 = arith.muli %arg1, %mul3A_1400 : i32
    %add3A_1402 = arith.constant 256 : i32
    %add3A_1403 = arith.addi %mul3A_1401, %add3A_1402 : i32
    %multiple_of3A_1404 = tpu.assume_multiple %add3A_1403, 128 : i32
    %mul3A_1405 = arith.constant 4 : i32
    %mul3A_1406 = arith.muli %arg0, %mul3A_1405 : i32
    %add3A_1407 = arith.constant 2 : i32
    %add3A_1408 = arith.addi %mul3A_1406, %add3A_1407 : i32
    %mul3A_1409 = arith.constant 128 : i32
    %mul3A_1410 = arith.muli %add3A_1408, %mul3A_1409 : i32
    %multiple_of3A_1411 = tpu.assume_multiple %mul3A_1410, 128 : i32
    %dma_start3A_1412 = arith.constant 2 : i32
    %dma_start3A_1413 = arith.constant 2 : i32
    %dma_start3A_1414 = arith.constant 0 : i32
    %dma_start3A_1415 = arith.constant 0 : i32
    %dma_start3A_1416 = tpu.memref_slice %arg6[%dma_start3A_1412, %dma_start3A_1414, %dma_start3A_1415] : memref<3x128x128xf32, #tpu.memory_space<vmem>> -> memref<1x128x128xf32, #tpu.memory_space<vmem>>
    %dma_start3A_1417 = tpu.memref_squeeze %dma_start3A_1416 : memref<1x128x128xf32, #tpu.memory_space<vmem>> -> memref<128x128xf32, #tpu.memory_space<vmem>>
    %dma_start3A_1418 = tpu.memref_slice %arg2[%multiple_of3A_1404, %multiple_of3A_1411] : memref<16384x1024xf32, #tpu.memory_space<hbm>> -> memref<128x128xf32, #tpu.memory_space<hbm>>
    %dma_start3A_1419 = tpu.memref_slice %arg9[%dma_start3A_1413] : memref<3x!tpu.dma_semaphore, #tpu.memory_space<semaphore_mem>> -> memref<1x!tpu.dma_semaphore, #tpu.memory_space<semaphore_mem>>
    %dma_start3A_1420 = tpu.memref_squeeze %dma_start3A_1419 : memref<1x!tpu.dma_semaphore, #tpu.memory_space<semaphore_mem>> -> memref<!tpu.dma_semaphore, #tpu.memory_space<semaphore_mem>>
    %dma_start3A_1421 = arith.constant 0 : i32
    %dma_start3A_1422 = arith.constant 0 : i32
    %dma_start3A_1423 = tpu.memref_slice %arg6[%dma_start3A_1412, %dma_start3A_1421, %dma_start3A_1422] : memref<3x128x128xf32, #tpu.memory_space<vmem>> -> memref<1x128x128xf32, #tpu.memory_space<vmem>>
    %dma_start3A_1424 = tpu.memref_squeeze %dma_start3A_1423 : memref<1x128x128xf32, #tpu.memory_space<vmem>> -> memref<128x128xf32, #tpu.memory_space<vmem>>
    %dma_start3A_1425 = tpu.memref_slice %arg2[%multiple_of3A_1404, %multiple_of3A_1411] : memref<16384x1024xf32, #tpu.memory_space<hbm>> -> memref<128x128xf32, #tpu.memory_space<hbm>>
    tpu.enqueue_dma source(%dma_start3A_1425 : memref<128x128xf32, #tpu.memory_space<hbm>>) target(%dma_start3A_1424 : memref<128x128xf32, #tpu.memory_space<vmem>>) target_semaphore(%dma_start3A_1420 : memref<!tpu.dma_semaphore, #tpu.memory_space<semaphore_mem>>)
    %add3A_1426 = arith.constant 0 : i32
    %add3A_1427 = arith.addi %multiple_of3A, %add3A_1426 : i32
    %add3A_1428 = arith.constant 0 : i32
    %add3A_1429 = arith.addi %multiple_of3A, %add3A_1428 : i32
    %mul3A_1430 = arith.constant 4 : i32
    %mul3A_1431 = arith.muli %arg0, %mul3A_1430 : i32
    %add3A_1432 = arith.constant 1 : i32
    %add3A_1433 = arith.addi %mul3A_1431, %add3A_1432 : i32
    %mul3A_1434 = arith.constant 128 : i32
    %mul3A_1435 = arith.muli %add3A_1433, %mul3A_1434 : i32
    %multiple_of3A_1436 = tpu.assume_multiple %mul3A_1435, 128 : i32
    %dma_start3A_1437 = arith.constant 0 : i32
    %dma_start3A_1438 = tpu.memref_slice %arg12[%dma_start3A_1437] : memref<2x!tpu.dma_semaphore, #tpu.memory_space<semaphore_mem>> -> memref<1x!tpu.dma_semaphore, #tpu.memory_space<semaphore_mem>>
    %dma_start3A_1439 = tpu.memref_squeeze %dma_start3A_1438 : memref<1x!tpu.dma_semaphore, #tpu.memory_space<semaphore_mem>> -> memref<!tpu.dma_semaphore, #tpu.memory_space<semaphore_mem>>
    %dma_start3A_1440 = tpu.memref_slice %arg4[%add3A_1429, %multiple_of3A_1436] : memref<8192x1024xf32, #tpu.memory_space<hbm>> -> memref<256x128xf32, #tpu.memory_space<hbm>>
    %dma_start3A_1441 = arith.constant 0 : i32
    %dma_start3A_1442 = tpu.memref_slice %arg8[%add3A_1427, %dma_start3A_1441] : memref<8192x128xf32, #tpu.memory_space<vmem_shared>> -> memref<256x128xf32, #tpu.memory_space<vmem_shared>>
    tpu.enqueue_dma source(%dma_start3A_1442 : memref<256x128xf32, #tpu.memory_space<vmem_shared>>) target(%dma_start3A_1440 : memref<256x128xf32, #tpu.memory_space<hbm>>) target_semaphore(%dma_start3A_1439 : memref<!tpu.dma_semaphore, #tpu.memory_space<semaphore_mem>>)
    %add3A_1443 = arith.constant 256 : i32
    %add3A_1444 = arith.addi %multiple_of3A, %add3A_1443 : i32
    %add3A_1445 = arith.constant 256 : i32
    %add3A_1446 = arith.addi %multiple_of3A, %add3A_1445 : i32
    %mul3A_1447 = arith.constant 4 : i32
    %mul3A_1448 = arith.muli %arg0, %mul3A_1447 : i32
    %add3A_1449 = arith.constant 1 : i32
    %add3A_1450 = arith.addi %mul3A_1448, %add3A_1449 : i32
    %mul3A_1451 = arith.constant 128 : i32
    %mul3A_1452 = arith.muli %add3A_1450, %mul3A_1451 : i32
    %multiple_of3A_1453 = tpu.assume_multiple %mul3A_1452, 128 : i32
    %dma_start3A_1454 = arith.constant 1 : i32
    %dma_start3A_1455 = tpu.memref_slice %arg12[%dma_start3A_1454] : memref<2x!tpu.dma_semaphore, #tpu.memory_space<semaphore_mem>> -> memref<1x!tpu.dma_semaphore, #tpu.memory_space<semaphore_mem>>
    %dma_start3A_1456 = tpu.memref_squeeze %dma_start3A_1455 : memref<1x!tpu.dma_semaphore, #tpu.memory_space<semaphore_mem>> -> memref<!tpu.dma_semaphore, #tpu.memory_space<semaphore_mem>>
    %dma_start3A_1457 = tpu.memref_slice %arg4[%add3A_1446, %multiple_of3A_1453] : memref<8192x1024xf32, #tpu.memory_space<hbm>> -> memref<256x128xf32, #tpu.memory_space<hbm>>
    %dma_start3A_1458 = arith.constant 0 : i32
    %dma_start3A_1459 = tpu.memref_slice %arg8[%add3A_1444, %dma_start3A_1458] : memref<8192x128xf32, #tpu.memory_space<vmem_shared>> -> memref<256x128xf32, #tpu.memory_space<vmem_shared>>
    tpu.enqueue_dma source(%dma_start3A_1459 : memref<256x128xf32, #tpu.memory_space<vmem_shared>>) target(%dma_start3A_1457 : memref<256x128xf32, #tpu.memory_space<hbm>>) target_semaphore(%dma_start3A_1456 : memref<!tpu.dma_semaphore, #tpu.memory_space<semaphore_mem>>)
    %dma_wait3A_1460 = arith.constant 0 : i32
    %dma_wait3A_1461 = tpu.memref_slice %arg12[%dma_wait3A_1460] : memref<2x!tpu.dma_semaphore, #tpu.memory_space<semaphore_mem>> -> memref<1x!tpu.dma_semaphore, #tpu.memory_space<semaphore_mem>>
    %dma_wait3A_1462 = tpu.memref_squeeze %dma_wait3A_1461 : memref<1x!tpu.dma_semaphore, #tpu.memory_space<semaphore_mem>> -> memref<!tpu.dma_semaphore, #tpu.memory_space<semaphore_mem>>
    %dma_wait3A_1463 = tpu.memref_slice %arg4[%add3A_1429, %multiple_of3A_1436] : memref<8192x1024xf32, #tpu.memory_space<hbm>> -> memref<256x128xf32, #tpu.memory_space<hbm>>
    %dma_wait3A_1464 = arith.constant 0 : i32
    %dma_wait3A_1465 = tpu.memref_slice %arg8[%add3A_1427, %dma_wait3A_1464] : memref<8192x128xf32, #tpu.memory_space<vmem_shared>> -> memref<256x128xf32, #tpu.memory_space<vmem_shared>>
    tpu.wait_dma2 semaphore(%dma_wait3A_1462 : memref<!tpu.dma_semaphore, #tpu.memory_space<semaphore_mem>>) src(%dma_wait3A_1465 : memref<256x128xf32, #tpu.memory_space<vmem_shared>>) dst(%dma_wait3A_1463 : memref<256x128xf32, #tpu.memory_space<hbm>>)
    %mul3A_1466 = arith.constant 512 : i32
    %mul3A_1467 = arith.muli %arg1, %mul3A_1466 : i32
    %add3A_1468 = arith.constant 0 : i32
    %add3A_1469 = arith.addi %mul3A_1467, %add3A_1468 : i32
    %add3A_1470 = arith.constant 0 : i32
    %add3A_1471 = arith.addi %add3A_1469, %add3A_1470 : i32
    %dma_start3A_1472 = arith.constant 0 : i32
    %dma_start3A_1473 = tpu.memref_slice %arg8[%add3A_1471, %dma_start3A_1472] : memref<8192x128xf32, #tpu.memory_space<vmem_shared>> -> memref<64x128xf32, #tpu.memory_space<vmem_shared>>
    %dma_start3A_1474 = arith.constant 0 : i32
    %dma_start3A_1475 = tpu.memref_slice %arg8[%add3A_1471, %dma_start3A_1474] : memref<8192x128xf32, #tpu.memory_space<vmem_shared>> -> memref<64x128xf32, #tpu.memory_space<vmem_shared>>
    tpu.enqueue_dma source(%arg7 : memref<64x128xf32, #tpu.memory_space<vmem>>) target(%dma_start3A_1475 : memref<64x128xf32, #tpu.memory_space<vmem_shared>>) target_semaphore(%arg11 : memref<!tpu.dma_semaphore, #tpu.memory_space<semaphore_mem>>)
    %add3A_1476 = arith.constant 64 : i32
    %add3A_1477 = arith.addi %add3A_1469, %add3A_1476 : i32
    %dma_start3A_1478 = arith.constant 0 : i32
    %dma_start3A_1479 = tpu.memref_slice %arg8[%add3A_1477, %dma_start3A_1478] : memref<8192x128xf32, #tpu.memory_space<vmem_shared>> -> memref<64x128xf32, #tpu.memory_space<vmem_shared>>
    %dma_start3A_1480 = arith.constant 0 : i32
    %dma_start3A_1481 = tpu.memref_slice %arg8[%add3A_1477, %dma_start3A_1480] : memref<8192x128xf32, #tpu.memory_space<vmem_shared>> -> memref<64x128xf32, #tpu.memory_space<vmem_shared>>
    tpu.enqueue_dma source(%arg7 : memref<64x128xf32, #tpu.memory_space<vmem>>) target(%dma_start3A_1481 : memref<64x128xf32, #tpu.memory_space<vmem_shared>>) target_semaphore(%arg11 : memref<!tpu.dma_semaphore, #tpu.memory_space<semaphore_mem>>)
    %add3A_1482 = arith.constant 128 : i32
    %add3A_1483 = arith.addi %add3A_1469, %add3A_1482 : i32
    %dma_start3A_1484 = arith.constant 0 : i32
    %dma_start3A_1485 = tpu.memref_slice %arg8[%add3A_1483, %dma_start3A_1484] : memref<8192x128xf32, #tpu.memory_space<vmem_shared>> -> memref<64x128xf32, #tpu.memory_space<vmem_shared>>
    %dma_start3A_1486 = arith.constant 0 : i32
    %dma_start3A_1487 = tpu.memref_slice %arg8[%add3A_1483, %dma_start3A_1486] : memref<8192x128xf32, #tpu.memory_space<vmem_shared>> -> memref<64x128xf32, #tpu.memory_space<vmem_shared>>
    tpu.enqueue_dma source(%arg7 : memref<64x128xf32, #tpu.memory_space<vmem>>) target(%dma_start3A_1487 : memref<64x128xf32, #tpu.memory_space<vmem_shared>>) target_semaphore(%arg11 : memref<!tpu.dma_semaphore, #tpu.memory_space<semaphore_mem>>)
    %add3A_1488 = arith.constant 192 : i32
    %add3A_1489 = arith.addi %add3A_1469, %add3A_1488 : i32
    %dma_start3A_1490 = arith.constant 0 : i32
    %dma_start3A_1491 = tpu.memref_slice %arg8[%add3A_1489, %dma_start3A_1490] : memref<8192x128xf32, #tpu.memory_space<vmem_shared>> -> memref<64x128xf32, #tpu.memory_space<vmem_shared>>
    %dma_start3A_1492 = arith.constant 0 : i32
    %dma_start3A_1493 = tpu.memref_slice %arg8[%add3A_1489, %dma_start3A_1492] : memref<8192x128xf32, #tpu.memory_space<vmem_shared>> -> memref<64x128xf32, #tpu.memory_space<vmem_shared>>
    tpu.enqueue_dma source(%arg7 : memref<64x128xf32, #tpu.memory_space<vmem>>) target(%dma_start3A_1493 : memref<64x128xf32, #tpu.memory_space<vmem_shared>>) target_semaphore(%arg11 : memref<!tpu.dma_semaphore, #tpu.memory_space<semaphore_mem>>)
    %dma_wait3A_1494 = arith.constant 1 : i32
    %dma_wait3A_1495 = tpu.memref_slice %arg12[%dma_wait3A_1494] : memref<2x!tpu.dma_semaphore, #tpu.memory_space<semaphore_mem>> -> memref<1x!tpu.dma_semaphore, #tpu.memory_space<semaphore_mem>>
    %dma_wait3A_1496 = tpu.memref_squeeze %dma_wait3A_1495 : memref<1x!tpu.dma_semaphore, #tpu.memory_space<semaphore_mem>> -> memref<!tpu.dma_semaphore, #tpu.memory_space<semaphore_mem>>
    %dma_wait3A_1497 = tpu.memref_slice %arg4[%add3A_1446, %multiple_of3A_1453] : memref<8192x1024xf32, #tpu.memory_space<hbm>> -> memref<256x128xf32, #tpu.memory_space<hbm>>
    %dma_wait3A_1498 = arith.constant 0 : i32
    %dma_wait3A_1499 = tpu.memref_slice %arg8[%add3A_1444, %dma_wait3A_1498] : memref<8192x128xf32, #tpu.memory_space<vmem_shared>> -> memref<256x128xf32, #tpu.memory_space<vmem_shared>>
    tpu.wait_dma2 semaphore(%dma_wait3A_1496 : memref<!tpu.dma_semaphore, #tpu.memory_space<semaphore_mem>>) src(%dma_wait3A_1499 : memref<256x128xf32, #tpu.memory_space<vmem_shared>>) dst(%dma_wait3A_1497 : memref<256x128xf32, #tpu.memory_space<hbm>>)
    %mul3A_1500 = arith.constant 512 : i32
    %mul3A_1501 = arith.muli %arg1, %mul3A_1500 : i32
    %add3A_1502 = arith.constant 256 : i32
    %add3A_1503 = arith.addi %mul3A_1501, %add3A_1502 : i32
    %add3A_1504 = arith.constant 0 : i32
    %add3A_1505 = arith.addi %add3A_1503, %add3A_1504 : i32
    %dma_start3A_1506 = arith.constant 0 : i32
    %dma_start3A_1507 = tpu.memref_slice %arg8[%add3A_1505, %dma_start3A_1506] : memref<8192x128xf32, #tpu.memory_space<vmem_shared>> -> memref<64x128xf32, #tpu.memory_space<vmem_shared>>
    %dma_start3A_1508 = arith.constant 0 : i32
    %dma_start3A_1509 = tpu.memref_slice %arg8[%add3A_1505, %dma_start3A_1508] : memref<8192x128xf32, #tpu.memory_space<vmem_shared>> -> memref<64x128xf32, #tpu.memory_space<vmem_shared>>
    tpu.enqueue_dma source(%arg7 : memref<64x128xf32, #tpu.memory_space<vmem>>) target(%dma_start3A_1509 : memref<64x128xf32, #tpu.memory_space<vmem_shared>>) target_semaphore(%arg11 : memref<!tpu.dma_semaphore, #tpu.memory_space<semaphore_mem>>)
    %add3A_1510 = arith.constant 64 : i32
    %add3A_1511 = arith.addi %add3A_1503, %add3A_1510 : i32
    %dma_start3A_1512 = arith.constant 0 : i32
    %dma_start3A_1513 = tpu.memref_slice %arg8[%add3A_1511, %dma_start3A_1512] : memref<8192x128xf32, #tpu.memory_space<vmem_shared>> -> memref<64x128xf32, #tpu.memory_space<vmem_shared>>
    %dma_start3A_1514 = arith.constant 0 : i32
    %dma_start3A_1515 = tpu.memref_slice %arg8[%add3A_1511, %dma_start3A_1514] : memref<8192x128xf32, #tpu.memory_space<vmem_shared>> -> memref<64x128xf32, #tpu.memory_space<vmem_shared>>
    tpu.enqueue_dma source(%arg7 : memref<64x128xf32, #tpu.memory_space<vmem>>) target(%dma_start3A_1515 : memref<64x128xf32, #tpu.memory_space<vmem_shared>>) target_semaphore(%arg11 : memref<!tpu.dma_semaphore, #tpu.memory_space<semaphore_mem>>)
    %add3A_1516 = arith.constant 128 : i32
    %add3A_1517 = arith.addi %add3A_1503, %add3A_1516 : i32
    %dma_start3A_1518 = arith.constant 0 : i32
    %dma_start3A_1519 = tpu.memref_slice %arg8[%add3A_1517, %dma_start3A_1518] : memref<8192x128xf32, #tpu.memory_space<vmem_shared>> -> memref<64x128xf32, #tpu.memory_space<vmem_shared>>
    %dma_start3A_1520 = arith.constant 0 : i32
    %dma_start3A_1521 = tpu.memref_slice %arg8[%add3A_1517, %dma_start3A_1520] : memref<8192x128xf32, #tpu.memory_space<vmem_shared>> -> memref<64x128xf32, #tpu.memory_space<vmem_shared>>
    tpu.enqueue_dma source(%arg7 : memref<64x128xf32, #tpu.memory_space<vmem>>) target(%dma_start3A_1521 : memref<64x128xf32, #tpu.memory_space<vmem_shared>>) target_semaphore(%arg11 : memref<!tpu.dma_semaphore, #tpu.memory_space<semaphore_mem>>)
    %add3A_1522 = arith.constant 192 : i32
    %add3A_1523 = arith.addi %add3A_1503, %add3A_1522 : i32
    %dma_start3A_1524 = arith.constant 0 : i32
    %dma_start3A_1525 = tpu.memref_slice %arg8[%add3A_1523, %dma_start3A_1524] : memref<8192x128xf32, #tpu.memory_space<vmem_shared>> -> memref<64x128xf32, #tpu.memory_space<vmem_shared>>
    %dma_start3A_1526 = arith.constant 0 : i32
    %dma_start3A_1527 = tpu.memref_slice %arg8[%add3A_1523, %dma_start3A_1526] : memref<8192x128xf32, #tpu.memory_space<vmem_shared>> -> memref<64x128xf32, #tpu.memory_space<vmem_shared>>
    tpu.enqueue_dma source(%arg7 : memref<64x128xf32, #tpu.memory_space<vmem>>) target(%dma_start3A_1527 : memref<64x128xf32, #tpu.memory_space<vmem_shared>>) target_semaphore(%arg11 : memref<!tpu.dma_semaphore, #tpu.memory_space<semaphore_mem>>)
    %dma_wait3A_1528 = arith.constant 0 : i32
    %dma_wait3A_1529 = tpu.memref_slice %arg8[%add3A_1471, %dma_wait3A_1528] : memref<8192x128xf32, #tpu.memory_space<vmem_shared>> -> memref<64x128xf32, #tpu.memory_space<vmem_shared>>
    %dma_wait3A_1530 = arith.constant 0 : i32
    %dma_wait3A_1531 = tpu.memref_slice %arg8[%add3A_1471, %dma_wait3A_1530] : memref<8192x128xf32, #tpu.memory_space<vmem_shared>> -> memref<64x128xf32, #tpu.memory_space<vmem_shared>>
    tpu.wait_dma2 semaphore(%arg11 : memref<!tpu.dma_semaphore, #tpu.memory_space<semaphore_mem>>) src(%arg7 : memref<64x128xf32, #tpu.memory_space<vmem>>) dst(%dma_wait3A_1531 : memref<64x128xf32, #tpu.memory_space<vmem_shared>>)
    %dma_wait3A_1532 = arith.constant 0 : i32
    %dma_wait3A_1533 = tpu.memref_slice %arg8[%add3A_1477, %dma_wait3A_1532] : memref<8192x128xf32, #tpu.memory_space<vmem_shared>> -> memref<64x128xf32, #tpu.memory_space<vmem_shared>>
    %dma_wait3A_1534 = arith.constant 0 : i32
    %dma_wait3A_1535 = tpu.memref_slice %arg8[%add3A_1477, %dma_wait3A_1534] : memref<8192x128xf32, #tpu.memory_space<vmem_shared>> -> memref<64x128xf32, #tpu.memory_space<vmem_shared>>
    tpu.wait_dma2 semaphore(%arg11 : memref<!tpu.dma_semaphore, #tpu.memory_space<semaphore_mem>>) src(%arg7 : memref<64x128xf32, #tpu.memory_space<vmem>>) dst(%dma_wait3A_1535 : memref<64x128xf32, #tpu.memory_space<vmem_shared>>)
    %dma_wait3A_1536 = arith.constant 0 : i32
    %dma_wait3A_1537 = tpu.memref_slice %arg8[%add3A_1483, %dma_wait3A_1536] : memref<8192x128xf32, #tpu.memory_space<vmem_shared>> -> memref<64x128xf32, #tpu.memory_space<vmem_shared>>
    %dma_wait3A_1538 = arith.constant 0 : i32
    %dma_wait3A_1539 = tpu.memref_slice %arg8[%add3A_1483, %dma_wait3A_1538] : memref<8192x128xf32, #tpu.memory_space<vmem_shared>> -> memref<64x128xf32, #tpu.memory_space<vmem_shared>>
    tpu.wait_dma2 semaphore(%arg11 : memref<!tpu.dma_semaphore, #tpu.memory_space<semaphore_mem>>) src(%arg7 : memref<64x128xf32, #tpu.memory_space<vmem>>) dst(%dma_wait3A_1539 : memref<64x128xf32, #tpu.memory_space<vmem_shared>>)
    %dma_wait3A_1540 = arith.constant 0 : i32
    %dma_wait3A_1541 = tpu.memref_slice %arg8[%add3A_1489, %dma_wait3A_1540] : memref<8192x128xf32, #tpu.memory_space<vmem_shared>> -> memref<64x128xf32, #tpu.memory_space<vmem_shared>>
    %dma_wait3A_1542 = arith.constant 0 : i32
    %dma_wait3A_1543 = tpu.memref_slice %arg8[%add3A_1489, %dma_wait3A_1542] : memref<8192x128xf32, #tpu.memory_space<vmem_shared>> -> memref<64x128xf32, #tpu.memory_space<vmem_shared>>
    tpu.wait_dma2 semaphore(%arg11 : memref<!tpu.dma_semaphore, #tpu.memory_space<semaphore_mem>>) src(%arg7 : memref<64x128xf32, #tpu.memory_space<vmem>>) dst(%dma_wait3A_1543 : memref<64x128xf32, #tpu.memory_space<vmem_shared>>)
    %dma_wait3A_1544 = arith.constant 0 : i32
    %dma_wait3A_1545 = tpu.memref_slice %arg8[%add3A_1505, %dma_wait3A_1544] : memref<8192x128xf32, #tpu.memory_space<vmem_shared>> -> memref<64x128xf32, #tpu.memory_space<vmem_shared>>
    %dma_wait3A_1546 = arith.constant 0 : i32
    %dma_wait3A_1547 = tpu.memref_slice %arg8[%add3A_1505, %dma_wait3A_1546] : memref<8192x128xf32, #tpu.memory_space<vmem_shared>> -> memref<64x128xf32, #tpu.memory_space<vmem_shared>>
    tpu.wait_dma2 semaphore(%arg11 : memref<!tpu.dma_semaphore, #tpu.memory_space<semaphore_mem>>) src(%arg7 : memref<64x128xf32, #tpu.memory_space<vmem>>) dst(%dma_wait3A_1547 : memref<64x128xf32, #tpu.memory_space<vmem_shared>>)
    %dma_wait3A_1548 = arith.constant 0 : i32
    %dma_wait3A_1549 = tpu.memref_slice %arg8[%add3A_1511, %dma_wait3A_1548] : memref<8192x128xf32, #tpu.memory_space<vmem_shared>> -> memref<64x128xf32, #tpu.memory_space<vmem_shared>>
    %dma_wait3A_1550 = arith.constant 0 : i32
    %dma_wait3A_1551 = tpu.memref_slice %arg8[%add3A_1511, %dma_wait3A_1550] : memref<8192x128xf32, #tpu.memory_space<vmem_shared>> -> memref<64x128xf32, #tpu.memory_space<vmem_shared>>
    tpu.wait_dma2 semaphore(%arg11 : memref<!tpu.dma_semaphore, #tpu.memory_space<semaphore_mem>>) src(%arg7 : memref<64x128xf32, #tpu.memory_space<vmem>>) dst(%dma_wait3A_1551 : memref<64x128xf32, #tpu.memory_space<vmem_shared>>)
    %dma_wait3A_1552 = arith.constant 0 : i32
    %dma_wait3A_1553 = tpu.memref_slice %arg8[%add3A_1517, %dma_wait3A_1552] : memref<8192x128xf32, #tpu.memory_space<vmem_shared>> -> memref<64x128xf32, #tpu.memory_space<vmem_shared>>
    %dma_wait3A_1554 = arith.constant 0 : i32
    %dma_wait3A_1555 = tpu.memref_slice %arg8[%add3A_1517, %dma_wait3A_1554] : memref<8192x128xf32, #tpu.memory_space<vmem_shared>> -> memref<64x128xf32, #tpu.memory_space<vmem_shared>>
    tpu.wait_dma2 semaphore(%arg11 : memref<!tpu.dma_semaphore, #tpu.memory_space<semaphore_mem>>) src(%arg7 : memref<64x128xf32, #tpu.memory_space<vmem>>) dst(%dma_wait3A_1555 : memref<64x128xf32, #tpu.memory_space<vmem_shared>>)
    %dma_wait3A_1556 = arith.constant 0 : i32
    %dma_wait3A_1557 = tpu.memref_slice %arg8[%add3A_1523, %dma_wait3A_1556] : memref<8192x128xf32, #tpu.memory_space<vmem_shared>> -> memref<64x128xf32, #tpu.memory_space<vmem_shared>>
    %dma_wait3A_1558 = arith.constant 0 : i32
    %dma_wait3A_1559 = tpu.memref_slice %arg8[%add3A_1523, %dma_wait3A_1558] : memref<8192x128xf32, #tpu.memory_space<vmem_shared>> -> memref<64x128xf32, #tpu.memory_space<vmem_shared>>
    tpu.wait_dma2 semaphore(%arg11 : memref<!tpu.dma_semaphore, #tpu.memory_space<semaphore_mem>>) src(%arg7 : memref<64x128xf32, #tpu.memory_space<vmem>>) dst(%dma_wait3A_1559 : memref<64x128xf32, #tpu.memory_space<vmem_shared>>)
    %barrier3A_1560 = arith.constant 0 : index
    tpu.barrier barrier_id(%barrier3A_1560)
    %dma_wait3A_1561 = arith.constant 0 : i32
    %dma_wait3A_1562 = arith.constant 0 : i32
    %dma_wait3A_1563 = arith.constant 0 : i32
    %dma_wait3A_1564 = arith.constant 0 : i32
    %dma_wait3A_1565 = tpu.memref_slice %arg6[%dma_wait3A_1561, %dma_wait3A_1563, %dma_wait3A_1564] : memref<3x128x128xf32, #tpu.memory_space<vmem>> -> memref<1x128x128xf32, #tpu.memory_space<vmem>>
    %dma_wait3A_1566 = tpu.memref_squeeze %dma_wait3A_1565 : memref<1x128x128xf32, #tpu.memory_space<vmem>> -> memref<128x128xf32, #tpu.memory_space<vmem>>
    %dma_wait3A_1567 = tpu.memref_slice %arg2[%multiple_of3A_1352, %multiple_of3A_1359] : memref<16384x1024xf32, #tpu.memory_space<hbm>> -> memref<128x128xf32, #tpu.memory_space<hbm>>
    %dma_wait3A_1568 = tpu.memref_slice %arg9[%dma_wait3A_1562] : memref<3x!tpu.dma_semaphore, #tpu.memory_space<semaphore_mem>> -> memref<1x!tpu.dma_semaphore, #tpu.memory_space<semaphore_mem>>
    %dma_wait3A_1569 = tpu.memref_squeeze %dma_wait3A_1568 : memref<1x!tpu.dma_semaphore, #tpu.memory_space<semaphore_mem>> -> memref<!tpu.dma_semaphore, #tpu.memory_space<semaphore_mem>>
    %dma_wait3A_1570 = arith.constant 0 : i32
    %dma_wait3A_1571 = arith.constant 0 : i32
    %dma_wait3A_1572 = tpu.memref_slice %arg6[%dma_wait3A_1561, %dma_wait3A_1570, %dma_wait3A_1571] : memref<3x128x128xf32, #tpu.memory_space<vmem>> -> memref<1x128x128xf32, #tpu.memory_space<vmem>>
    %dma_wait3A_1573 = tpu.memref_squeeze %dma_wait3A_1572 : memref<1x128x128xf32, #tpu.memory_space<vmem>> -> memref<128x128xf32, #tpu.memory_space<vmem>>
    %dma_wait3A_1574 = tpu.memref_slice %arg2[%multiple_of3A_1352, %multiple_of3A_1359] : memref<16384x1024xf32, #tpu.memory_space<hbm>> -> memref<128x128xf32, #tpu.memory_space<hbm>>
    tpu.wait_dma2 semaphore(%dma_wait3A_1569 : memref<!tpu.dma_semaphore, #tpu.memory_space<semaphore_mem>>) src(%dma_wait3A_1574 : memref<128x128xf32, #tpu.memory_space<hbm>>) dst(%dma_wait3A_1573 : memref<128x128xf32, #tpu.memory_space<vmem>>)
    %dma_start3A_1575 = arith.constant 0 : i32
    %dma_start3A_1576 = arith.constant 0 : i32
    %dma_start3A_1577 = arith.constant 0 : i32
    %dma_start3A_1578 = arith.constant 0 : i32
    %dma_start3A_1579 = arith.constant 0 : i32
    %dma_start3A_1580 = tpu.memref_slice %arg6[%dma_start3A_1575, %dma_start3A_1578, %dma_start3A_1579] : memref<3x128x128xf32, #tpu.memory_space<vmem>> -> memref<1x128x128xf32, #tpu.memory_space<vmem>>
    %dma_start3A_1581 = tpu.memref_squeeze %dma_start3A_1580 : memref<1x128x128xf32, #tpu.memory_space<vmem>> -> memref<128x128xf32, #tpu.memory_space<vmem>>
    %dma_start3A_1582 = arith.constant 0 : i32
    %dma_start3A_1583 = tpu.memref_slice %arg5[%dma_start3A_1576, %dma_start3A_1582] : memref<8x128xi32, #tpu.memory_space<vmem>> -> memref<1x128xi32, #tpu.memory_space<vmem>>
    %dma_start3A_1584 = tpu.memref_squeeze %dma_start3A_1583 : memref<1x128xi32, #tpu.memory_space<vmem>> -> memref<128xi32, #tpu.memory_space<vmem>>
    %dma_start3A_1585 = arith.constant 0 : i32
    %dma_start3A_1586 = arith.constant 0 : i32
    %dma_start3A_1587 = tpu.memref_slice %arg8[%dma_start3A_1585, %dma_start3A_1586] : memref<8192x128xf32, #tpu.memory_space<vmem_shared>> -> memref<8192x128xf32, #tpu.memory_space<vmem_shared>>
    %dma_start3A_1588 = tpu.memref_slice %arg10[%dma_start3A_1577] : memref<3x!tpu.dma_semaphore, #tpu.memory_space<semaphore_mem>> -> memref<1x!tpu.dma_semaphore, #tpu.memory_space<semaphore_mem>>
    %dma_start3A_1589 = tpu.memref_squeeze %dma_start3A_1588 : memref<1x!tpu.dma_semaphore, #tpu.memory_space<semaphore_mem>> -> memref<!tpu.dma_semaphore, #tpu.memory_space<semaphore_mem>>
    tpu.enqueue_indirect_dma source(%dma_start3A_1581 : memref<128x128xf32, #tpu.memory_space<vmem>>) target(%dma_start3A_1587 : memref<8192x128xf32, #tpu.memory_space<vmem_shared>>) offsets(%dma_start3A_1584 : memref<128xi32, #tpu.memory_space<vmem>>) semaphore(%dma_start3A_1589 : memref<!tpu.dma_semaphore, #tpu.memory_space<semaphore_mem>>) {add = true}
    %dma_wait3A_1590 = arith.constant 0 : i32
    %dma_wait3A_1591 = arith.constant 0 : i32
    %dma_wait3A_1592 = arith.constant 0 : i32
    %dma_wait3A_1593 = arith.constant 0 : i32
    %dma_wait3A_1594 = arith.constant 0 : i32
    %dma_wait3A_1595 = tpu.memref_slice %arg6[%dma_wait3A_1590, %dma_wait3A_1593, %dma_wait3A_1594] : memref<3x128x128xf32, #tpu.memory_space<vmem>> -> memref<1x128x128xf32, #tpu.memory_space<vmem>>
    %dma_wait3A_1596 = tpu.memref_squeeze %dma_wait3A_1595 : memref<1x128x128xf32, #tpu.memory_space<vmem>> -> memref<128x128xf32, #tpu.memory_space<vmem>>
    %dma_wait3A_1597 = arith.constant 0 : i32
    %dma_wait3A_1598 = tpu.memref_slice %arg5[%dma_wait3A_1591, %dma_wait3A_1597] : memref<8x128xi32, #tpu.memory_space<vmem>> -> memref<1x128xi32, #tpu.memory_space<vmem>>
    %dma_wait3A_1599 = tpu.memref_squeeze %dma_wait3A_1598 : memref<1x128xi32, #tpu.memory_space<vmem>> -> memref<128xi32, #tpu.memory_space<vmem>>
    %dma_wait3A_1600 = arith.constant 0 : i32
    %dma_wait3A_1601 = arith.constant 0 : i32
    %dma_wait3A_1602 = tpu.memref_slice %arg8[%dma_wait3A_1600, %dma_wait3A_1601] : memref<8192x128xf32, #tpu.memory_space<vmem_shared>> -> memref<8192x128xf32, #tpu.memory_space<vmem_shared>>
    %dma_wait3A_1603 = tpu.memref_slice %arg10[%dma_wait3A_1592] : memref<3x!tpu.dma_semaphore, #tpu.memory_space<semaphore_mem>> -> memref<1x!tpu.dma_semaphore, #tpu.memory_space<semaphore_mem>>
    %dma_wait3A_1604 = tpu.memref_squeeze %dma_wait3A_1603 : memref<1x!tpu.dma_semaphore, #tpu.memory_space<semaphore_mem>> -> memref<!tpu.dma_semaphore, #tpu.memory_space<semaphore_mem>>
    tpu.wait_indirect_dma semaphore(%dma_wait3A_1604 : memref<!tpu.dma_semaphore, #tpu.memory_space<semaphore_mem>>) src(%dma_wait3A_1596 : memref<128x128xf32, #tpu.memory_space<vmem>>) dst(%dma_wait3A_1602 : memref<8192x128xf32, #tpu.memory_space<vmem_shared>>)
    %mul3A_1605 = arith.constant 1024 : i32
    %mul3A_1606 = arith.muli %arg1, %mul3A_1605 : i32
    %add3A_1607 = arith.constant 384 : i32
    %add3A_1608 = arith.addi %mul3A_1606, %add3A_1607 : i32
    %multiple_of3A_1609 = tpu.assume_multiple %add3A_1608, 128 : i32
    %mul3A_1610 = arith.constant 4 : i32
    %mul3A_1611 = arith.muli %arg0, %mul3A_1610 : i32
    %add3A_1612 = arith.constant 2 : i32
    %add3A_1613 = arith.addi %mul3A_1611, %add3A_1612 : i32
    %mul3A_1614 = arith.constant 128 : i32
    %mul3A_1615 = arith.muli %add3A_1613, %mul3A_1614 : i32
    %multiple_of3A_1616 = tpu.assume_multiple %mul3A_1615, 128 : i32
    %dma_start3A_1617 = arith.constant 0 : i32
    %dma_start3A_1618 = arith.constant 0 : i32
    %dma_start3A_1619 = arith.constant 0 : i32
    %dma_start3A_1620 = arith.constant 0 : i32
    %dma_start3A_1621 = tpu.memref_slice %arg6[%dma_start3A_1617, %dma_start3A_1619, %dma_start3A_1620] : memref<3x128x128xf32, #tpu.memory_space<vmem>> -> memref<1x128x128xf32, #tpu.memory_space<vmem>>
    %dma_start3A_1622 = tpu.memref_squeeze %dma_start3A_1621 : memref<1x128x128xf32, #tpu.memory_space<vmem>> -> memref<128x128xf32, #tpu.memory_space<vmem>>
    %dma_start3A_1623 = tpu.memref_slice %arg2[%multiple_of3A_1609, %multiple_of3A_1616] : memref<16384x1024xf32, #tpu.memory_space<hbm>> -> memref<128x128xf32, #tpu.memory_space<hbm>>
    %dma_start3A_1624 = tpu.memref_slice %arg9[%dma_start3A_1618] : memref<3x!tpu.dma_semaphore, #tpu.memory_space<semaphore_mem>> -> memref<1x!tpu.dma_semaphore, #tpu.memory_space<semaphore_mem>>
    %dma_start3A_1625 = tpu.memref_squeeze %dma_start3A_1624 : memref<1x!tpu.dma_semaphore, #tpu.memory_space<semaphore_mem>> -> memref<!tpu.dma_semaphore, #tpu.memory_space<semaphore_mem>>
    %dma_start3A_1626 = arith.constant 0 : i32
    %dma_start3A_1627 = arith.constant 0 : i32
    %dma_start3A_1628 = tpu.memref_slice %arg6[%dma_start3A_1617, %dma_start3A_1626, %dma_start3A_1627] : memref<3x128x128xf32, #tpu.memory_space<vmem>> -> memref<1x128x128xf32, #tpu.memory_space<vmem>>
    %dma_start3A_1629 = tpu.memref_squeeze %dma_start3A_1628 : memref<1x128x128xf32, #tpu.memory_space<vmem>> -> memref<128x128xf32, #tpu.memory_space<vmem>>
    %dma_start3A_1630 = tpu.memref_slice %arg2[%multiple_of3A_1609, %multiple_of3A_1616] : memref<16384x1024xf32, #tpu.memory_space<hbm>> -> memref<128x128xf32, #tpu.memory_space<hbm>>
    tpu.enqueue_dma source(%dma_start3A_1630 : memref<128x128xf32, #tpu.memory_space<hbm>>) target(%dma_start3A_1629 : memref<128x128xf32, #tpu.memory_space<vmem>>) target_semaphore(%dma_start3A_1625 : memref<!tpu.dma_semaphore, #tpu.memory_space<semaphore_mem>>)
    %dma_wait3A_1631 = arith.constant 1 : i32
    %dma_wait3A_1632 = arith.constant 1 : i32
    %dma_wait3A_1633 = arith.constant 0 : i32
    %dma_wait3A_1634 = arith.constant 0 : i32
    %dma_wait3A_1635 = tpu.memref_slice %arg6[%dma_wait3A_1631, %dma_wait3A_1633, %dma_wait3A_1634] : memref<3x128x128xf32, #tpu.memory_space<vmem>> -> memref<1x128x128xf32, #tpu.memory_space<vmem>>
    %dma_wait3A_1636 = tpu.memref_squeeze %dma_wait3A_1635 : memref<1x128x128xf32, #tpu.memory_space<vmem>> -> memref<128x128xf32, #tpu.memory_space<vmem>>
    %dma_wait3A_1637 = tpu.memref_slice %arg2[%multiple_of3A_1378, %multiple_of3A_1385] : memref<16384x1024xf32, #tpu.memory_space<hbm>> -> memref<128x128xf32, #tpu.memory_space<hbm>>
    %dma_wait3A_1638 = tpu.memref_slice %arg9[%dma_wait3A_1632] : memref<3x!tpu.dma_semaphore, #tpu.memory_space<semaphore_mem>> -> memref<1x!tpu.dma_semaphore, #tpu.memory_space<semaphore_mem>>
    %dma_wait3A_1639 = tpu.memref_squeeze %dma_wait3A_1638 : memref<1x!tpu.dma_semaphore, #tpu.memory_space<semaphore_mem>> -> memref<!tpu.dma_semaphore, #tpu.memory_space<semaphore_mem>>
    %dma_wait3A_1640 = arith.constant 0 : i32
    %dma_wait3A_1641 = arith.constant 0 : i32
    %dma_wait3A_1642 = tpu.memref_slice %arg6[%dma_wait3A_1631, %dma_wait3A_1640, %dma_wait3A_1641] : memref<3x128x128xf32, #tpu.memory_space<vmem>> -> memref<1x128x128xf32, #tpu.memory_space<vmem>>
    %dma_wait3A_1643 = tpu.memref_squeeze %dma_wait3A_1642 : memref<1x128x128xf32, #tpu.memory_space<vmem>> -> memref<128x128xf32, #tpu.memory_space<vmem>>
    %dma_wait3A_1644 = tpu.memref_slice %arg2[%multiple_of3A_1378, %multiple_of3A_1385] : memref<16384x1024xf32, #tpu.memory_space<hbm>> -> memref<128x128xf32, #tpu.memory_space<hbm>>
    tpu.wait_dma2 semaphore(%dma_wait3A_1639 : memref<!tpu.dma_semaphore, #tpu.memory_space<semaphore_mem>>) src(%dma_wait3A_1644 : memref<128x128xf32, #tpu.memory_space<hbm>>) dst(%dma_wait3A_1643 : memref<128x128xf32, #tpu.memory_space<vmem>>)
    %dma_start3A_1645 = arith.constant 1 : i32
    %dma_start3A_1646 = arith.constant 1 : i32
    %dma_start3A_1647 = arith.constant 1 : i32
    %dma_start3A_1648 = arith.constant 0 : i32
    %dma_start3A_1649 = arith.constant 0 : i32
    %dma_start3A_1650 = tpu.memref_slice %arg6[%dma_start3A_1645, %dma_start3A_1648, %dma_start3A_1649] : memref<3x128x128xf32, #tpu.memory_space<vmem>> -> memref<1x128x128xf32, #tpu.memory_space<vmem>>
    %dma_start3A_1651 = tpu.memref_squeeze %dma_start3A_1650 : memref<1x128x128xf32, #tpu.memory_space<vmem>> -> memref<128x128xf32, #tpu.memory_space<vmem>>
    %dma_start3A_1652 = arith.constant 0 : i32
    %dma_start3A_1653 = tpu.memref_slice %arg5[%dma_start3A_1646, %dma_start3A_1652] : memref<8x128xi32, #tpu.memory_space<vmem>> -> memref<1x128xi32, #tpu.memory_space<vmem>>
    %dma_start3A_1654 = tpu.memref_squeeze %dma_start3A_1653 : memref<1x128xi32, #tpu.memory_space<vmem>> -> memref<128xi32, #tpu.memory_space<vmem>>
    %dma_start3A_1655 = arith.constant 0 : i32
    %dma_start3A_1656 = arith.constant 0 : i32
    %dma_start3A_1657 = tpu.memref_slice %arg8[%dma_start3A_1655, %dma_start3A_1656] : memref<8192x128xf32, #tpu.memory_space<vmem_shared>> -> memref<8192x128xf32, #tpu.memory_space<vmem_shared>>
    %dma_start3A_1658 = tpu.memref_slice %arg10[%dma_start3A_1647] : memref<3x!tpu.dma_semaphore, #tpu.memory_space<semaphore_mem>> -> memref<1x!tpu.dma_semaphore, #tpu.memory_space<semaphore_mem>>
    %dma_start3A_1659 = tpu.memref_squeeze %dma_start3A_1658 : memref<1x!tpu.dma_semaphore, #tpu.memory_space<semaphore_mem>> -> memref<!tpu.dma_semaphore, #tpu.memory_space<semaphore_mem>>
    tpu.enqueue_indirect_dma source(%dma_start3A_1651 : memref<128x128xf32, #tpu.memory_space<vmem>>) target(%dma_start3A_1657 : memref<8192x128xf32, #tpu.memory_space<vmem_shared>>) offsets(%dma_start3A_1654 : memref<128xi32, #tpu.memory_space<vmem>>) semaphore(%dma_start3A_1659 : memref<!tpu.dma_semaphore, #tpu.memory_space<semaphore_mem>>) {add = true}
    %dma_wait3A_1660 = arith.constant 1 : i32
    %dma_wait3A_1661 = arith.constant 1 : i32
    %dma_wait3A_1662 = arith.constant 1 : i32
    %dma_wait3A_1663 = arith.constant 0 : i32
    %dma_wait3A_1664 = arith.constant 0 : i32
    %dma_wait3A_1665 = tpu.memref_slice %arg6[%dma_wait3A_1660, %dma_wait3A_1663, %dma_wait3A_1664] : memref<3x128x128xf32, #tpu.memory_space<vmem>> -> memref<1x128x128xf32, #tpu.memory_space<vmem>>
    %dma_wait3A_1666 = tpu.memref_squeeze %dma_wait3A_1665 : memref<1x128x128xf32, #tpu.memory_space<vmem>> -> memref<128x128xf32, #tpu.memory_space<vmem>>
    %dma_wait3A_1667 = arith.constant 0 : i32
    %dma_wait3A_1668 = tpu.memref_slice %arg5[%dma_wait3A_1661, %dma_wait3A_1667] : memref<8x128xi32, #tpu.memory_space<vmem>> -> memref<1x128xi32, #tpu.memory_space<vmem>>
    %dma_wait3A_1669 = tpu.memref_squeeze %dma_wait3A_1668 : memref<1x128xi32, #tpu.memory_space<vmem>> -> memref<128xi32, #tpu.memory_space<vmem>>
    %dma_wait3A_1670 = arith.constant 0 : i32
    %dma_wait3A_1671 = arith.constant 0 : i32
    %dma_wait3A_1672 = tpu.memref_slice %arg8[%dma_wait3A_1670, %dma_wait3A_1671] : memref<8192x128xf32, #tpu.memory_space<vmem_shared>> -> memref<8192x128xf32, #tpu.memory_space<vmem_shared>>
    %dma_wait3A_1673 = tpu.memref_slice %arg10[%dma_wait3A_1662] : memref<3x!tpu.dma_semaphore, #tpu.memory_space<semaphore_mem>> -> memref<1x!tpu.dma_semaphore, #tpu.memory_space<semaphore_mem>>
    %dma_wait3A_1674 = tpu.memref_squeeze %dma_wait3A_1673 : memref<1x!tpu.dma_semaphore, #tpu.memory_space<semaphore_mem>> -> memref<!tpu.dma_semaphore, #tpu.memory_space<semaphore_mem>>
    tpu.wait_indirect_dma semaphore(%dma_wait3A_1674 : memref<!tpu.dma_semaphore, #tpu.memory_space<semaphore_mem>>) src(%dma_wait3A_1666 : memref<128x128xf32, #tpu.memory_space<vmem>>) dst(%dma_wait3A_1672 : memref<8192x128xf32, #tpu.memory_space<vmem_shared>>)
    %mul3A_1675 = arith.constant 1024 : i32
    %mul3A_1676 = arith.muli %arg1, %mul3A_1675 : i32
    %add3A_1677 = arith.constant 512 : i32
    %add3A_1678 = arith.addi %mul3A_1676, %add3A_1677 : i32
    %multiple_of3A_1679 = tpu.assume_multiple %add3A_1678, 128 : i32
    %mul3A_1680 = arith.constant 4 : i32
    %mul3A_1681 = arith.muli %arg0, %mul3A_1680 : i32
    %add3A_1682 = arith.constant 2 : i32
    %add3A_1683 = arith.addi %mul3A_1681, %add3A_1682 : i32
    %mul3A_1684 = arith.constant 128 : i32
    %mul3A_1685 = arith.muli %add3A_1683, %mul3A_1684 : i32
    %multiple_of3A_1686 = tpu.assume_multiple %mul3A_1685, 128 : i32
    %dma_start3A_1687 = arith.constant 1 : i32
    %dma_start3A_1688 = arith.constant 1 : i32
    %dma_start3A_1689 = arith.constant 0 : i32
    %dma_start3A_1690 = arith.constant 0 : i32
    %dma_start3A_1691 = tpu.memref_slice %arg6[%dma_start3A_1687, %dma_start3A_1689, %dma_start3A_1690] : memref<3x128x128xf32, #tpu.memory_space<vmem>> -> memref<1x128x128xf32, #tpu.memory_space<vmem>>
    %dma_start3A_1692 = tpu.memref_squeeze %dma_start3A_1691 : memref<1x128x128xf32, #tpu.memory_space<vmem>> -> memref<128x128xf32, #tpu.memory_space<vmem>>
    %dma_start3A_1693 = tpu.memref_slice %arg2[%multiple_of3A_1679, %multiple_of3A_1686] : memref<16384x1024xf32, #tpu.memory_space<hbm>> -> memref<128x128xf32, #tpu.memory_space<hbm>>
    %dma_start3A_1694 = tpu.memref_slice %arg9[%dma_start3A_1688] : memref<3x!tpu.dma_semaphore, #tpu.memory_space<semaphore_mem>> -> memref<1x!tpu.dma_semaphore, #tpu.memory_space<semaphore_mem>>
    %dma_start3A_1695 = tpu.memref_squeeze %dma_start3A_1694 : memref<1x!tpu.dma_semaphore, #tpu.memory_space<semaphore_mem>> -> memref<!tpu.dma_semaphore, #tpu.memory_space<semaphore_mem>>
    %dma_start3A_1696 = arith.constant 0 : i32
    %dma_start3A_1697 = arith.constant 0 : i32
    %dma_start3A_1698 = tpu.memref_slice %arg6[%dma_start3A_1687, %dma_start3A_1696, %dma_start3A_1697] : memref<3x128x128xf32, #tpu.memory_space<vmem>> -> memref<1x128x128xf32, #tpu.memory_space<vmem>>
    %dma_start3A_1699 = tpu.memref_squeeze %dma_start3A_1698 : memref<1x128x128xf32, #tpu.memory_space<vmem>> -> memref<128x128xf32, #tpu.memory_space<vmem>>
    %dma_start3A_1700 = tpu.memref_slice %arg2[%multiple_of3A_1679, %multiple_of3A_1686] : memref<16384x1024xf32, #tpu.memory_space<hbm>> -> memref<128x128xf32, #tpu.memory_space<hbm>>
    tpu.enqueue_dma source(%dma_start3A_1700 : memref<128x128xf32, #tpu.memory_space<hbm>>) target(%dma_start3A_1699 : memref<128x128xf32, #tpu.memory_space<vmem>>) target_semaphore(%dma_start3A_1695 : memref<!tpu.dma_semaphore, #tpu.memory_space<semaphore_mem>>)
    %dma_wait3A_1701 = arith.constant 2 : i32
    %dma_wait3A_1702 = arith.constant 2 : i32
    %dma_wait3A_1703 = arith.constant 0 : i32
    %dma_wait3A_1704 = arith.constant 0 : i32
    %dma_wait3A_1705 = tpu.memref_slice %arg6[%dma_wait3A_1701, %dma_wait3A_1703, %dma_wait3A_1704] : memref<3x128x128xf32, #tpu.memory_space<vmem>> -> memref<1x128x128xf32, #tpu.memory_space<vmem>>
    %dma_wait3A_1706 = tpu.memref_squeeze %dma_wait3A_1705 : memref<1x128x128xf32, #tpu.memory_space<vmem>> -> memref<128x128xf32, #tpu.memory_space<vmem>>
    %dma_wait3A_1707 = tpu.memref_slice %arg2[%multiple_of3A_1404, %multiple_of3A_1411] : memref<16384x1024xf32, #tpu.memory_space<hbm>> -> memref<128x128xf32, #tpu.memory_space<hbm>>
    %dma_wait3A_1708 = tpu.memref_slice %arg9[%dma_wait3A_1702] : memref<3x!tpu.dma_semaphore, #tpu.memory_space<semaphore_mem>> -> memref<1x!tpu.dma_semaphore, #tpu.memory_space<semaphore_mem>>
    %dma_wait3A_1709 = tpu.memref_squeeze %dma_wait3A_1708 : memref<1x!tpu.dma_semaphore, #tpu.memory_space<semaphore_mem>> -> memref<!tpu.dma_semaphore, #tpu.memory_space<semaphore_mem>>
    %dma_wait3A_1710 = arith.constant 0 : i32
    %dma_wait3A_1711 = arith.constant 0 : i32
    %dma_wait3A_1712 = tpu.memref_slice %arg6[%dma_wait3A_1701, %dma_wait3A_1710, %dma_wait3A_1711] : memref<3x128x128xf32, #tpu.memory_space<vmem>> -> memref<1x128x128xf32, #tpu.memory_space<vmem>>
    %dma_wait3A_1713 = tpu.memref_squeeze %dma_wait3A_1712 : memref<1x128x128xf32, #tpu.memory_space<vmem>> -> memref<128x128xf32, #tpu.memory_space<vmem>>
    %dma_wait3A_1714 = tpu.memref_slice %arg2[%multiple_of3A_1404, %multiple_of3A_1411] : memref<16384x1024xf32, #tpu.memory_space<hbm>> -> memref<128x128xf32, #tpu.memory_space<hbm>>
    tpu.wait_dma2 semaphore(%dma_wait3A_1709 : memref<!tpu.dma_semaphore, #tpu.memory_space<semaphore_mem>>) src(%dma_wait3A_1714 : memref<128x128xf32, #tpu.memory_space<hbm>>) dst(%dma_wait3A_1713 : memref<128x128xf32, #tpu.memory_space<vmem>>)
    %dma_start3A_1715 = arith.constant 2 : i32
    %dma_start3A_1716 = arith.constant 2 : i32
    %dma_start3A_1717 = arith.constant 2 : i32
    %dma_start3A_1718 = arith.constant 0 : i32
    %dma_start3A_1719 = arith.constant 0 : i32
    %dma_start3A_1720 = tpu.memref_slice %arg6[%dma_start3A_1715, %dma_start3A_1718, %dma_start3A_1719] : memref<3x128x128xf32, #tpu.memory_space<vmem>> -> memref<1x128x128xf32, #tpu.memory_space<vmem>>
    %dma_start3A_1721 = tpu.memref_squeeze %dma_start3A_1720 : memref<1x128x128xf32, #tpu.memory_space<vmem>> -> memref<128x128xf32, #tpu.memory_space<vmem>>
    %dma_start3A_1722 = arith.constant 0 : i32
    %dma_start3A_1723 = tpu.memref_slice %arg5[%dma_start3A_1716, %dma_start3A_1722] : memref<8x128xi32, #tpu.memory_space<vmem>> -> memref<1x128xi32, #tpu.memory_space<vmem>>
    %dma_start3A_1724 = tpu.memref_squeeze %dma_start3A_1723 : memref<1x128xi32, #tpu.memory_space<vmem>> -> memref<128xi32, #tpu.memory_space<vmem>>
    %dma_start3A_1725 = arith.constant 0 : i32
    %dma_start3A_1726 = arith.constant 0 : i32
    %dma_start3A_1727 = tpu.memref_slice %arg8[%dma_start3A_1725, %dma_start3A_1726] : memref<8192x128xf32, #tpu.memory_space<vmem_shared>> -> memref<8192x128xf32, #tpu.memory_space<vmem_shared>>
    %dma_start3A_1728 = tpu.memref_slice %arg10[%dma_start3A_1717] : memref<3x!tpu.dma_semaphore, #tpu.memory_space<semaphore_mem>> -> memref<1x!tpu.dma_semaphore, #tpu.memory_space<semaphore_mem>>
    %dma_start3A_1729 = tpu.memref_squeeze %dma_start3A_1728 : memref<1x!tpu.dma_semaphore, #tpu.memory_space<semaphore_mem>> -> memref<!tpu.dma_semaphore, #tpu.memory_space<semaphore_mem>>
    tpu.enqueue_indirect_dma source(%dma_start3A_1721 : memref<128x128xf32, #tpu.memory_space<vmem>>) target(%dma_start3A_1727 : memref<8192x128xf32, #tpu.memory_space<vmem_shared>>) offsets(%dma_start3A_1724 : memref<128xi32, #tpu.memory_space<vmem>>) semaphore(%dma_start3A_1729 : memref<!tpu.dma_semaphore, #tpu.memory_space<semaphore_mem>>) {add = true}
    %dma_wait3A_1730 = arith.constant 2 : i32
    %dma_wait3A_1731 = arith.constant 2 : i32
    %dma_wait3A_1732 = arith.constant 2 : i32
    %dma_wait3A_1733 = arith.constant 0 : i32
    %dma_wait3A_1734 = arith.constant 0 : i32
    %dma_wait3A_1735 = tpu.memref_slice %arg6[%dma_wait3A_1730, %dma_wait3A_1733, %dma_wait3A_1734] : memref<3x128x128xf32, #tpu.memory_space<vmem>> -> memref<1x128x128xf32, #tpu.memory_space<vmem>>
    %dma_wait3A_1736 = tpu.memref_squeeze %dma_wait3A_1735 : memref<1x128x128xf32, #tpu.memory_space<vmem>> -> memref<128x128xf32, #tpu.memory_space<vmem>>
    %dma_wait3A_1737 = arith.constant 0 : i32
    %dma_wait3A_1738 = tpu.memref_slice %arg5[%dma_wait3A_1731, %dma_wait3A_1737] : memref<8x128xi32, #tpu.memory_space<vmem>> -> memref<1x128xi32, #tpu.memory_space<vmem>>
    %dma_wait3A_1739 = tpu.memref_squeeze %dma_wait3A_1738 : memref<1x128xi32, #tpu.memory_space<vmem>> -> memref<128xi32, #tpu.memory_space<vmem>>
    %dma_wait3A_1740 = arith.constant 0 : i32
    %dma_wait3A_1741 = arith.constant 0 : i32
    %dma_wait3A_1742 = tpu.memref_slice %arg8[%dma_wait3A_1740, %dma_wait3A_1741] : memref<8192x128xf32, #tpu.memory_space<vmem_shared>> -> memref<8192x128xf32, #tpu.memory_space<vmem_shared>>
    %dma_wait3A_1743 = tpu.memref_slice %arg10[%dma_wait3A_1732] : memref<3x!tpu.dma_semaphore, #tpu.memory_space<semaphore_mem>> -> memref<1x!tpu.dma_semaphore, #tpu.memory_space<semaphore_mem>>
    %dma_wait3A_1744 = tpu.memref_squeeze %dma_wait3A_1743 : memref<1x!tpu.dma_semaphore, #tpu.memory_space<semaphore_mem>> -> memref<!tpu.dma_semaphore, #tpu.memory_space<semaphore_mem>>
    tpu.wait_indirect_dma semaphore(%dma_wait3A_1744 : memref<!tpu.dma_semaphore, #tpu.memory_space<semaphore_mem>>) src(%dma_wait3A_1736 : memref<128x128xf32, #tpu.memory_space<vmem>>) dst(%dma_wait3A_1742 : memref<8192x128xf32, #tpu.memory_space<vmem_shared>>)
    %mul3A_1745 = arith.constant 1024 : i32
    %mul3A_1746 = arith.muli %arg1, %mul3A_1745 : i32
    %add3A_1747 = arith.constant 640 : i32
    %add3A_1748 = arith.addi %mul3A_1746, %add3A_1747 : i32
    %multiple_of3A_1749 = tpu.assume_multiple %add3A_1748, 128 : i32
    %mul3A_1750 = arith.constant 4 : i32
    %mul3A_1751 = arith.muli %arg0, %mul3A_1750 : i32
    %add3A_1752 = arith.constant 2 : i32
    %add3A_1753 = arith.addi %mul3A_1751, %add3A_1752 : i32
    %mul3A_1754 = arith.constant 128 : i32
    %mul3A_1755 = arith.muli %add3A_1753, %mul3A_1754 : i32
    %multiple_of3A_1756 = tpu.assume_multiple %mul3A_1755, 128 : i32
    %dma_start3A_1757 = arith.constant 2 : i32
    %dma_start3A_1758 = arith.constant 2 : i32
    %dma_start3A_1759 = arith.constant 0 : i32
    %dma_start3A_1760 = arith.constant 0 : i32
    %dma_start3A_1761 = tpu.memref_slice %arg6[%dma_start3A_1757, %dma_start3A_1759, %dma_start3A_1760] : memref<3x128x128xf32, #tpu.memory_space<vmem>> -> memref<1x128x128xf32, #tpu.memory_space<vmem>>
    %dma_start3A_1762 = tpu.memref_squeeze %dma_start3A_1761 : memref<1x128x128xf32, #tpu.memory_space<vmem>> -> memref<128x128xf32, #tpu.memory_space<vmem>>
    %dma_start3A_1763 = tpu.memref_slice %arg2[%multiple_of3A_1749, %multiple_of3A_1756] : memref<16384x1024xf32, #tpu.memory_space<hbm>> -> memref<128x128xf32, #tpu.memory_space<hbm>>
    %dma_start3A_1764 = tpu.memref_slice %arg9[%dma_start3A_1758] : memref<3x!tpu.dma_semaphore, #tpu.memory_space<semaphore_mem>> -> memref<1x!tpu.dma_semaphore, #tpu.memory_space<semaphore_mem>>
    %dma_start3A_1765 = tpu.memref_squeeze %dma_start3A_1764 : memref<1x!tpu.dma_semaphore, #tpu.memory_space<semaphore_mem>> -> memref<!tpu.dma_semaphore, #tpu.memory_space<semaphore_mem>>
    %dma_start3A_1766 = arith.constant 0 : i32
    %dma_start3A_1767 = arith.constant 0 : i32
    %dma_start3A_1768 = tpu.memref_slice %arg6[%dma_start3A_1757, %dma_start3A_1766, %dma_start3A_1767] : memref<3x128x128xf32, #tpu.memory_space<vmem>> -> memref<1x128x128xf32, #tpu.memory_space<vmem>>
    %dma_start3A_1769 = tpu.memref_squeeze %dma_start3A_1768 : memref<1x128x128xf32, #tpu.memory_space<vmem>> -> memref<128x128xf32, #tpu.memory_space<vmem>>
    %dma_start3A_1770 = tpu.memref_slice %arg2[%multiple_of3A_1749, %multiple_of3A_1756] : memref<16384x1024xf32, #tpu.memory_space<hbm>> -> memref<128x128xf32, #tpu.memory_space<hbm>>
    tpu.enqueue_dma source(%dma_start3A_1770 : memref<128x128xf32, #tpu.memory_space<hbm>>) target(%dma_start3A_1769 : memref<128x128xf32, #tpu.memory_space<vmem>>) target_semaphore(%dma_start3A_1765 : memref<!tpu.dma_semaphore, #tpu.memory_space<semaphore_mem>>)
    %dma_wait3A_1771 = arith.constant 0 : i32
    %dma_wait3A_1772 = arith.constant 0 : i32
    %dma_wait3A_1773 = arith.constant 0 : i32
    %dma_wait3A_1774 = arith.constant 0 : i32
    %dma_wait3A_1775 = tpu.memref_slice %arg6[%dma_wait3A_1771, %dma_wait3A_1773, %dma_wait3A_1774] : memref<3x128x128xf32, #tpu.memory_space<vmem>> -> memref<1x128x128xf32, #tpu.memory_space<vmem>>
    %dma_wait3A_1776 = tpu.memref_squeeze %dma_wait3A_1775 : memref<1x128x128xf32, #tpu.memory_space<vmem>> -> memref<128x128xf32, #tpu.memory_space<vmem>>
    %dma_wait3A_1777 = tpu.memref_slice %arg2[%multiple_of3A_1609, %multiple_of3A_1616] : memref<16384x1024xf32, #tpu.memory_space<hbm>> -> memref<128x128xf32, #tpu.memory_space<hbm>>
    %dma_wait3A_1778 = tpu.memref_slice %arg9[%dma_wait3A_1772] : memref<3x!tpu.dma_semaphore, #tpu.memory_space<semaphore_mem>> -> memref<1x!tpu.dma_semaphore, #tpu.memory_space<semaphore_mem>>
    %dma_wait3A_1779 = tpu.memref_squeeze %dma_wait3A_1778 : memref<1x!tpu.dma_semaphore, #tpu.memory_space<semaphore_mem>> -> memref<!tpu.dma_semaphore, #tpu.memory_space<semaphore_mem>>
    %dma_wait3A_1780 = arith.constant 0 : i32
    %dma_wait3A_1781 = arith.constant 0 : i32
    %dma_wait3A_1782 = tpu.memref_slice %arg6[%dma_wait3A_1771, %dma_wait3A_1780, %dma_wait3A_1781] : memref<3x128x128xf32, #tpu.memory_space<vmem>> -> memref<1x128x128xf32, #tpu.memory_space<vmem>>
    %dma_wait3A_1783 = tpu.memref_squeeze %dma_wait3A_1782 : memref<1x128x128xf32, #tpu.memory_space<vmem>> -> memref<128x128xf32, #tpu.memory_space<vmem>>
    %dma_wait3A_1784 = tpu.memref_slice %arg2[%multiple_of3A_1609, %multiple_of3A_1616] : memref<16384x1024xf32, #tpu.memory_space<hbm>> -> memref<128x128xf32, #tpu.memory_space<hbm>>
    tpu.wait_dma2 semaphore(%dma_wait3A_1779 : memref<!tpu.dma_semaphore, #tpu.memory_space<semaphore_mem>>) src(%dma_wait3A_1784 : memref<128x128xf32, #tpu.memory_space<hbm>>) dst(%dma_wait3A_1783 : memref<128x128xf32, #tpu.memory_space<vmem>>)
    %dma_start3A_1785 = arith.constant 0 : i32
    %dma_start3A_1786 = arith.constant 3 : i32
    %dma_start3A_1787 = arith.constant 0 : i32
    %dma_start3A_1788 = arith.constant 0 : i32
    %dma_start3A_1789 = arith.constant 0 : i32
    %dma_start3A_1790 = tpu.memref_slice %arg6[%dma_start3A_1785, %dma_start3A_1788, %dma_start3A_1789] : memref<3x128x128xf32, #tpu.memory_space<vmem>> -> memref<1x128x128xf32, #tpu.memory_space<vmem>>
    %dma_start3A_1791 = tpu.memref_squeeze %dma_start3A_1790 : memref<1x128x128xf32, #tpu.memory_space<vmem>> -> memref<128x128xf32, #tpu.memory_space<vmem>>
    %dma_start3A_1792 = arith.constant 0 : i32
    %dma_start3A_1793 = tpu.memref_slice %arg5[%dma_start3A_1786, %dma_start3A_1792] : memref<8x128xi32, #tpu.memory_space<vmem>> -> memref<1x128xi32, #tpu.memory_space<vmem>>
    %dma_start3A_1794 = tpu.memref_squeeze %dma_start3A_1793 : memref<1x128xi32, #tpu.memory_space<vmem>> -> memref<128xi32, #tpu.memory_space<vmem>>
    %dma_start3A_1795 = arith.constant 0 : i32
    %dma_start3A_1796 = arith.constant 0 : i32
    %dma_start3A_1797 = tpu.memref_slice %arg8[%dma_start3A_1795, %dma_start3A_1796] : memref<8192x128xf32, #tpu.memory_space<vmem_shared>> -> memref<8192x128xf32, #tpu.memory_space<vmem_shared>>
    %dma_start3A_1798 = tpu.memref_slice %arg10[%dma_start3A_1787] : memref<3x!tpu.dma_semaphore, #tpu.memory_space<semaphore_mem>> -> memref<1x!tpu.dma_semaphore, #tpu.memory_space<semaphore_mem>>
    %dma_start3A_1799 = tpu.memref_squeeze %dma_start3A_1798 : memref<1x!tpu.dma_semaphore, #tpu.memory_space<semaphore_mem>> -> memref<!tpu.dma_semaphore, #tpu.memory_space<semaphore_mem>>
    tpu.enqueue_indirect_dma source(%dma_start3A_1791 : memref<128x128xf32, #tpu.memory_space<vmem>>) target(%dma_start3A_1797 : memref<8192x128xf32, #tpu.memory_space<vmem_shared>>) offsets(%dma_start3A_1794 : memref<128xi32, #tpu.memory_space<vmem>>) semaphore(%dma_start3A_1799 : memref<!tpu.dma_semaphore, #tpu.memory_space<semaphore_mem>>) {add = true}
    %dma_wait3A_1800 = arith.constant 0 : i32
    %dma_wait3A_1801 = arith.constant 3 : i32
    %dma_wait3A_1802 = arith.constant 0 : i32
    %dma_wait3A_1803 = arith.constant 0 : i32
    %dma_wait3A_1804 = arith.constant 0 : i32
    %dma_wait3A_1805 = tpu.memref_slice %arg6[%dma_wait3A_1800, %dma_wait3A_1803, %dma_wait3A_1804] : memref<3x128x128xf32, #tpu.memory_space<vmem>> -> memref<1x128x128xf32, #tpu.memory_space<vmem>>
    %dma_wait3A_1806 = tpu.memref_squeeze %dma_wait3A_1805 : memref<1x128x128xf32, #tpu.memory_space<vmem>> -> memref<128x128xf32, #tpu.memory_space<vmem>>
    %dma_wait3A_1807 = arith.constant 0 : i32
    %dma_wait3A_1808 = tpu.memref_slice %arg5[%dma_wait3A_1801, %dma_wait3A_1807] : memref<8x128xi32, #tpu.memory_space<vmem>> -> memref<1x128xi32, #tpu.memory_space<vmem>>
    %dma_wait3A_1809 = tpu.memref_squeeze %dma_wait3A_1808 : memref<1x128xi32, #tpu.memory_space<vmem>> -> memref<128xi32, #tpu.memory_space<vmem>>
    %dma_wait3A_1810 = arith.constant 0 : i32
    %dma_wait3A_1811 = arith.constant 0 : i32
    %dma_wait3A_1812 = tpu.memref_slice %arg8[%dma_wait3A_1810, %dma_wait3A_1811] : memref<8192x128xf32, #tpu.memory_space<vmem_shared>> -> memref<8192x128xf32, #tpu.memory_space<vmem_shared>>
    %dma_wait3A_1813 = tpu.memref_slice %arg10[%dma_wait3A_1802] : memref<3x!tpu.dma_semaphore, #tpu.memory_space<semaphore_mem>> -> memref<1x!tpu.dma_semaphore, #tpu.memory_space<semaphore_mem>>
    %dma_wait3A_1814 = tpu.memref_squeeze %dma_wait3A_1813 : memref<1x!tpu.dma_semaphore, #tpu.memory_space<semaphore_mem>> -> memref<!tpu.dma_semaphore, #tpu.memory_space<semaphore_mem>>
    tpu.wait_indirect_dma semaphore(%dma_wait3A_1814 : memref<!tpu.dma_semaphore, #tpu.memory_space<semaphore_mem>>) src(%dma_wait3A_1806 : memref<128x128xf32, #tpu.memory_space<vmem>>) dst(%dma_wait3A_1812 : memref<8192x128xf32, #tpu.memory_space<vmem_shared>>)
    %mul3A_1815 = arith.constant 1024 : i32
    %mul3A_1816 = arith.muli %arg1, %mul3A_1815 : i32
    %add3A_1817 = arith.constant 768 : i32
    %add3A_1818 = arith.addi %mul3A_1816, %add3A_1817 : i32
    %multiple_of3A_1819 = tpu.assume_multiple %add3A_1818, 128 : i32
    %mul3A_1820 = arith.constant 4 : i32
    %mul3A_1821 = arith.muli %arg0, %mul3A_1820 : i32
    %add3A_1822 = arith.constant 2 : i32
    %add3A_1823 = arith.addi %mul3A_1821, %add3A_1822 : i32
    %mul3A_1824 = arith.constant 128 : i32
    %mul3A_1825 = arith.muli %add3A_1823, %mul3A_1824 : i32
    %multiple_of3A_1826 = tpu.assume_multiple %mul3A_1825, 128 : i32
    %dma_start3A_1827 = arith.constant 0 : i32
    %dma_start3A_1828 = arith.constant 0 : i32
    %dma_start3A_1829 = arith.constant 0 : i32
    %dma_start3A_1830 = arith.constant 0 : i32
    %dma_start3A_1831 = tpu.memref_slice %arg6[%dma_start3A_1827, %dma_start3A_1829, %dma_start3A_1830] : memref<3x128x128xf32, #tpu.memory_space<vmem>> -> memref<1x128x128xf32, #tpu.memory_space<vmem>>
    %dma_start3A_1832 = tpu.memref_squeeze %dma_start3A_1831 : memref<1x128x128xf32, #tpu.memory_space<vmem>> -> memref<128x128xf32, #tpu.memory_space<vmem>>
    %dma_start3A_1833 = tpu.memref_slice %arg2[%multiple_of3A_1819, %multiple_of3A_1826] : memref<16384x1024xf32, #tpu.memory_space<hbm>> -> memref<128x128xf32, #tpu.memory_space<hbm>>
    %dma_start3A_1834 = tpu.memref_slice %arg9[%dma_start3A_1828] : memref<3x!tpu.dma_semaphore, #tpu.memory_space<semaphore_mem>> -> memref<1x!tpu.dma_semaphore, #tpu.memory_space<semaphore_mem>>
    %dma_start3A_1835 = tpu.memref_squeeze %dma_start3A_1834 : memref<1x!tpu.dma_semaphore, #tpu.memory_space<semaphore_mem>> -> memref<!tpu.dma_semaphore, #tpu.memory_space<semaphore_mem>>
    %dma_start3A_1836 = arith.constant 0 : i32
    %dma_start3A_1837 = arith.constant 0 : i32
    %dma_start3A_1838 = tpu.memref_slice %arg6[%dma_start3A_1827, %dma_start3A_1836, %dma_start3A_1837] : memref<3x128x128xf32, #tpu.memory_space<vmem>> -> memref<1x128x128xf32, #tpu.memory_space<vmem>>
    %dma_start3A_1839 = tpu.memref_squeeze %dma_start3A_1838 : memref<1x128x128xf32, #tpu.memory_space<vmem>> -> memref<128x128xf32, #tpu.memory_space<vmem>>
    %dma_start3A_1840 = tpu.memref_slice %arg2[%multiple_of3A_1819, %multiple_of3A_1826] : memref<16384x1024xf32, #tpu.memory_space<hbm>> -> memref<128x128xf32, #tpu.memory_space<hbm>>
    tpu.enqueue_dma source(%dma_start3A_1840 : memref<128x128xf32, #tpu.memory_space<hbm>>) target(%dma_start3A_1839 : memref<128x128xf32, #tpu.memory_space<vmem>>) target_semaphore(%dma_start3A_1835 : memref<!tpu.dma_semaphore, #tpu.memory_space<semaphore_mem>>)
    %dma_wait3A_1841 = arith.constant 1 : i32
    %dma_wait3A_1842 = arith.constant 1 : i32
    %dma_wait3A_1843 = arith.constant 0 : i32
    %dma_wait3A_1844 = arith.constant 0 : i32
    %dma_wait3A_1845 = tpu.memref_slice %arg6[%dma_wait3A_1841, %dma_wait3A_1843, %dma_wait3A_1844] : memref<3x128x128xf32, #tpu.memory_space<vmem>> -> memref<1x128x128xf32, #tpu.memory_space<vmem>>
    %dma_wait3A_1846 = tpu.memref_squeeze %dma_wait3A_1845 : memref<1x128x128xf32, #tpu.memory_space<vmem>> -> memref<128x128xf32, #tpu.memory_space<vmem>>
    %dma_wait3A_1847 = tpu.memref_slice %arg2[%multiple_of3A_1679, %multiple_of3A_1686] : memref<16384x1024xf32, #tpu.memory_space<hbm>> -> memref<128x128xf32, #tpu.memory_space<hbm>>
    %dma_wait3A_1848 = tpu.memref_slice %arg9[%dma_wait3A_1842] : memref<3x!tpu.dma_semaphore, #tpu.memory_space<semaphore_mem>> -> memref<1x!tpu.dma_semaphore, #tpu.memory_space<semaphore_mem>>
    %dma_wait3A_1849 = tpu.memref_squeeze %dma_wait3A_1848 : memref<1x!tpu.dma_semaphore, #tpu.memory_space<semaphore_mem>> -> memref<!tpu.dma_semaphore, #tpu.memory_space<semaphore_mem>>
    %dma_wait3A_1850 = arith.constant 0 : i32
    %dma_wait3A_1851 = arith.constant 0 : i32
    %dma_wait3A_1852 = tpu.memref_slice %arg6[%dma_wait3A_1841, %dma_wait3A_1850, %dma_wait3A_1851] : memref<3x128x128xf32, #tpu.memory_space<vmem>> -> memref<1x128x128xf32, #tpu.memory_space<vmem>>
    %dma_wait3A_1853 = tpu.memref_squeeze %dma_wait3A_1852 : memref<1x128x128xf32, #tpu.memory_space<vmem>> -> memref<128x128xf32, #tpu.memory_space<vmem>>
    %dma_wait3A_1854 = tpu.memref_slice %arg2[%multiple_of3A_1679, %multiple_of3A_1686] : memref<16384x1024xf32, #tpu.memory_space<hbm>> -> memref<128x128xf32, #tpu.memory_space<hbm>>
    tpu.wait_dma2 semaphore(%dma_wait3A_1849 : memref<!tpu.dma_semaphore, #tpu.memory_space<semaphore_mem>>) src(%dma_wait3A_1854 : memref<128x128xf32, #tpu.memory_space<hbm>>) dst(%dma_wait3A_1853 : memref<128x128xf32, #tpu.memory_space<vmem>>)
    %dma_start3A_1855 = arith.constant 1 : i32
    %dma_start3A_1856 = arith.constant 4 : i32
    %dma_start3A_1857 = arith.constant 1 : i32
    %dma_start3A_1858 = arith.constant 0 : i32
    %dma_start3A_1859 = arith.constant 0 : i32
    %dma_start3A_1860 = tpu.memref_slice %arg6[%dma_start3A_1855, %dma_start3A_1858, %dma_start3A_1859] : memref<3x128x128xf32, #tpu.memory_space<vmem>> -> memref<1x128x128xf32, #tpu.memory_space<vmem>>
    %dma_start3A_1861 = tpu.memref_squeeze %dma_start3A_1860 : memref<1x128x128xf32, #tpu.memory_space<vmem>> -> memref<128x128xf32, #tpu.memory_space<vmem>>
    %dma_start3A_1862 = arith.constant 0 : i32
    %dma_start3A_1863 = tpu.memref_slice %arg5[%dma_start3A_1856, %dma_start3A_1862] : memref<8x128xi32, #tpu.memory_space<vmem>> -> memref<1x128xi32, #tpu.memory_space<vmem>>
    %dma_start3A_1864 = tpu.memref_squeeze %dma_start3A_1863 : memref<1x128xi32, #tpu.memory_space<vmem>> -> memref<128xi32, #tpu.memory_space<vmem>>
    %dma_start3A_1865 = arith.constant 0 : i32
    %dma_start3A_1866 = arith.constant 0 : i32
    %dma_start3A_1867 = tpu.memref_slice %arg8[%dma_start3A_1865, %dma_start3A_1866] : memref<8192x128xf32, #tpu.memory_space<vmem_shared>> -> memref<8192x128xf32, #tpu.memory_space<vmem_shared>>
    %dma_start3A_1868 = tpu.memref_slice %arg10[%dma_start3A_1857] : memref<3x!tpu.dma_semaphore, #tpu.memory_space<semaphore_mem>> -> memref<1x!tpu.dma_semaphore, #tpu.memory_space<semaphore_mem>>
    %dma_start3A_1869 = tpu.memref_squeeze %dma_start3A_1868 : memref<1x!tpu.dma_semaphore, #tpu.memory_space<semaphore_mem>> -> memref<!tpu.dma_semaphore, #tpu.memory_space<semaphore_mem>>
    tpu.enqueue_indirect_dma source(%dma_start3A_1861 : memref<128x128xf32, #tpu.memory_space<vmem>>) target(%dma_start3A_1867 : memref<8192x128xf32, #tpu.memory_space<vmem_shared>>) offsets(%dma_start3A_1864 : memref<128xi32, #tpu.memory_space<vmem>>) semaphore(%dma_start3A_1869 : memref<!tpu.dma_semaphore, #tpu.memory_space<semaphore_mem>>) {add = true}
    %dma_wait3A_1870 = arith.constant 1 : i32
    %dma_wait3A_1871 = arith.constant 4 : i32
    %dma_wait3A_1872 = arith.constant 1 : i32
    %dma_wait3A_1873 = arith.constant 0 : i32
    %dma_wait3A_1874 = arith.constant 0 : i32
    %dma_wait3A_1875 = tpu.memref_slice %arg6[%dma_wait3A_1870, %dma_wait3A_1873, %dma_wait3A_1874] : memref<3x128x128xf32, #tpu.memory_space<vmem>> -> memref<1x128x128xf32, #tpu.memory_space<vmem>>
    %dma_wait3A_1876 = tpu.memref_squeeze %dma_wait3A_1875 : memref<1x128x128xf32, #tpu.memory_space<vmem>> -> memref<128x128xf32, #tpu.memory_space<vmem>>
    %dma_wait3A_1877 = arith.constant 0 : i32
    %dma_wait3A_1878 = tpu.memref_slice %arg5[%dma_wait3A_1871, %dma_wait3A_1877] : memref<8x128xi32, #tpu.memory_space<vmem>> -> memref<1x128xi32, #tpu.memory_space<vmem>>
    %dma_wait3A_1879 = tpu.memref_squeeze %dma_wait3A_1878 : memref<1x128xi32, #tpu.memory_space<vmem>> -> memref<128xi32, #tpu.memory_space<vmem>>
    %dma_wait3A_1880 = arith.constant 0 : i32
    %dma_wait3A_1881 = arith.constant 0 : i32
    %dma_wait3A_1882 = tpu.memref_slice %arg8[%dma_wait3A_1880, %dma_wait3A_1881] : memref<8192x128xf32, #tpu.memory_space<vmem_shared>> -> memref<8192x128xf32, #tpu.memory_space<vmem_shared>>
    %dma_wait3A_1883 = tpu.memref_slice %arg10[%dma_wait3A_1872] : memref<3x!tpu.dma_semaphore, #tpu.memory_space<semaphore_mem>> -> memref<1x!tpu.dma_semaphore, #tpu.memory_space<semaphore_mem>>
    %dma_wait3A_1884 = tpu.memref_squeeze %dma_wait3A_1883 : memref<1x!tpu.dma_semaphore, #tpu.memory_space<semaphore_mem>> -> memref<!tpu.dma_semaphore, #tpu.memory_space<semaphore_mem>>
    tpu.wait_indirect_dma semaphore(%dma_wait3A_1884 : memref<!tpu.dma_semaphore, #tpu.memory_space<semaphore_mem>>) src(%dma_wait3A_1876 : memref<128x128xf32, #tpu.memory_space<vmem>>) dst(%dma_wait3A_1882 : memref<8192x128xf32, #tpu.memory_space<vmem_shared>>)
    %mul3A_1885 = arith.constant 1024 : i32
    %mul3A_1886 = arith.muli %arg1, %mul3A_1885 : i32
    %add3A_1887 = arith.constant 896 : i32
    %add3A_1888 = arith.addi %mul3A_1886, %add3A_1887 : i32
    %multiple_of3A_1889 = tpu.assume_multiple %add3A_1888, 128 : i32
    %mul3A_1890 = arith.constant 4 : i32
    %mul3A_1891 = arith.muli %arg0, %mul3A_1890 : i32
    %add3A_1892 = arith.constant 2 : i32
    %add3A_1893 = arith.addi %mul3A_1891, %add3A_1892 : i32
    %mul3A_1894 = arith.constant 128 : i32
    %mul3A_1895 = arith.muli %add3A_1893, %mul3A_1894 : i32
    %multiple_of3A_1896 = tpu.assume_multiple %mul3A_1895, 128 : i32
    %dma_start3A_1897 = arith.constant 1 : i32
    %dma_start3A_1898 = arith.constant 1 : i32
    %dma_start3A_1899 = arith.constant 0 : i32
    %dma_start3A_1900 = arith.constant 0 : i32
    %dma_start3A_1901 = tpu.memref_slice %arg6[%dma_start3A_1897, %dma_start3A_1899, %dma_start3A_1900] : memref<3x128x128xf32, #tpu.memory_space<vmem>> -> memref<1x128x128xf32, #tpu.memory_space<vmem>>
    %dma_start3A_1902 = tpu.memref_squeeze %dma_start3A_1901 : memref<1x128x128xf32, #tpu.memory_space<vmem>> -> memref<128x128xf32, #tpu.memory_space<vmem>>
    %dma_start3A_1903 = tpu.memref_slice %arg2[%multiple_of3A_1889, %multiple_of3A_1896] : memref<16384x1024xf32, #tpu.memory_space<hbm>> -> memref<128x128xf32, #tpu.memory_space<hbm>>
    %dma_start3A_1904 = tpu.memref_slice %arg9[%dma_start3A_1898] : memref<3x!tpu.dma_semaphore, #tpu.memory_space<semaphore_mem>> -> memref<1x!tpu.dma_semaphore, #tpu.memory_space<semaphore_mem>>
    %dma_start3A_1905 = tpu.memref_squeeze %dma_start3A_1904 : memref<1x!tpu.dma_semaphore, #tpu.memory_space<semaphore_mem>> -> memref<!tpu.dma_semaphore, #tpu.memory_space<semaphore_mem>>
    %dma_start3A_1906 = arith.constant 0 : i32
    %dma_start3A_1907 = arith.constant 0 : i32
    %dma_start3A_1908 = tpu.memref_slice %arg6[%dma_start3A_1897, %dma_start3A_1906, %dma_start3A_1907] : memref<3x128x128xf32, #tpu.memory_space<vmem>> -> memref<1x128x128xf32, #tpu.memory_space<vmem>>
    %dma_start3A_1909 = tpu.memref_squeeze %dma_start3A_1908 : memref<1x128x128xf32, #tpu.memory_space<vmem>> -> memref<128x128xf32, #tpu.memory_space<vmem>>
    %dma_start3A_1910 = tpu.memref_slice %arg2[%multiple_of3A_1889, %multiple_of3A_1896] : memref<16384x1024xf32, #tpu.memory_space<hbm>> -> memref<128x128xf32, #tpu.memory_space<hbm>>
    tpu.enqueue_dma source(%dma_start3A_1910 : memref<128x128xf32, #tpu.memory_space<hbm>>) target(%dma_start3A_1909 : memref<128x128xf32, #tpu.memory_space<vmem>>) target_semaphore(%dma_start3A_1905 : memref<!tpu.dma_semaphore, #tpu.memory_space<semaphore_mem>>)
    %dma_wait3A_1911 = arith.constant 2 : i32
    %dma_wait3A_1912 = arith.constant 2 : i32
    %dma_wait3A_1913 = arith.constant 0 : i32
    %dma_wait3A_1914 = arith.constant 0 : i32
    %dma_wait3A_1915 = tpu.memref_slice %arg6[%dma_wait3A_1911, %dma_wait3A_1913, %dma_wait3A_1914] : memref<3x128x128xf32, #tpu.memory_space<vmem>> -> memref<1x128x128xf32, #tpu.memory_space<vmem>>
    %dma_wait3A_1916 = tpu.memref_squeeze %dma_wait3A_1915 : memref<1x128x128xf32, #tpu.memory_space<vmem>> -> memref<128x128xf32, #tpu.memory_space<vmem>>
    %dma_wait3A_1917 = tpu.memref_slice %arg2[%multiple_of3A_1749, %multiple_of3A_1756] : memref<16384x1024xf32, #tpu.memory_space<hbm>> -> memref<128x128xf32, #tpu.memory_space<hbm>>
    %dma_wait3A_1918 = tpu.memref_slice %arg9[%dma_wait3A_1912] : memref<3x!tpu.dma_semaphore, #tpu.memory_space<semaphore_mem>> -> memref<1x!tpu.dma_semaphore, #tpu.memory_space<semaphore_mem>>
    %dma_wait3A_1919 = tpu.memref_squeeze %dma_wait3A_1918 : memref<1x!tpu.dma_semaphore, #tpu.memory_space<semaphore_mem>> -> memref<!tpu.dma_semaphore, #tpu.memory_space<semaphore_mem>>
    %dma_wait3A_1920 = arith.constant 0 : i32
    %dma_wait3A_1921 = arith.constant 0 : i32
    %dma_wait3A_1922 = tpu.memref_slice %arg6[%dma_wait3A_1911, %dma_wait3A_1920, %dma_wait3A_1921] : memref<3x128x128xf32, #tpu.memory_space<vmem>> -> memref<1x128x128xf32, #tpu.memory_space<vmem>>
    %dma_wait3A_1923 = tpu.memref_squeeze %dma_wait3A_1922 : memref<1x128x128xf32, #tpu.memory_space<vmem>> -> memref<128x128xf32, #tpu.memory_space<vmem>>
    %dma_wait3A_1924 = tpu.memref_slice %arg2[%multiple_of3A_1749, %multiple_of3A_1756] : memref<16384x1024xf32, #tpu.memory_space<hbm>> -> memref<128x128xf32, #tpu.memory_space<hbm>>
    tpu.wait_dma2 semaphore(%dma_wait3A_1919 : memref<!tpu.dma_semaphore, #tpu.memory_space<semaphore_mem>>) src(%dma_wait3A_1924 : memref<128x128xf32, #tpu.memory_space<hbm>>) dst(%dma_wait3A_1923 : memref<128x128xf32, #tpu.memory_space<vmem>>)
    %dma_start3A_1925 = arith.constant 2 : i32
    %dma_start3A_1926 = arith.constant 5 : i32
    %dma_start3A_1927 = arith.constant 2 : i32
    %dma_start3A_1928 = arith.constant 0 : i32
    %dma_start3A_1929 = arith.constant 0 : i32
    %dma_start3A_1930 = tpu.memref_slice %arg6[%dma_start3A_1925, %dma_start3A_1928, %dma_start3A_1929] : memref<3x128x128xf32, #tpu.memory_space<vmem>> -> memref<1x128x128xf32, #tpu.memory_space<vmem>>
    %dma_start3A_1931 = tpu.memref_squeeze %dma_start3A_1930 : memref<1x128x128xf32, #tpu.memory_space<vmem>> -> memref<128x128xf32, #tpu.memory_space<vmem>>
    %dma_start3A_1932 = arith.constant 0 : i32
    %dma_start3A_1933 = tpu.memref_slice %arg5[%dma_start3A_1926, %dma_start3A_1932] : memref<8x128xi32, #tpu.memory_space<vmem>> -> memref<1x128xi32, #tpu.memory_space<vmem>>
    %dma_start3A_1934 = tpu.memref_squeeze %dma_start3A_1933 : memref<1x128xi32, #tpu.memory_space<vmem>> -> memref<128xi32, #tpu.memory_space<vmem>>
    %dma_start3A_1935 = arith.constant 0 : i32
    %dma_start3A_1936 = arith.constant 0 : i32
    %dma_start3A_1937 = tpu.memref_slice %arg8[%dma_start3A_1935, %dma_start3A_1936] : memref<8192x128xf32, #tpu.memory_space<vmem_shared>> -> memref<8192x128xf32, #tpu.memory_space<vmem_shared>>
    %dma_start3A_1938 = tpu.memref_slice %arg10[%dma_start3A_1927] : memref<3x!tpu.dma_semaphore, #tpu.memory_space<semaphore_mem>> -> memref<1x!tpu.dma_semaphore, #tpu.memory_space<semaphore_mem>>
    %dma_start3A_1939 = tpu.memref_squeeze %dma_start3A_1938 : memref<1x!tpu.dma_semaphore, #tpu.memory_space<semaphore_mem>> -> memref<!tpu.dma_semaphore, #tpu.memory_space<semaphore_mem>>
    tpu.enqueue_indirect_dma source(%dma_start3A_1931 : memref<128x128xf32, #tpu.memory_space<vmem>>) target(%dma_start3A_1937 : memref<8192x128xf32, #tpu.memory_space<vmem_shared>>) offsets(%dma_start3A_1934 : memref<128xi32, #tpu.memory_space<vmem>>) semaphore(%dma_start3A_1939 : memref<!tpu.dma_semaphore, #tpu.memory_space<semaphore_mem>>) {add = true}
    %dma_wait3A_1940 = arith.constant 0 : i32
    %dma_wait3A_1941 = arith.constant 0 : i32
    %dma_wait3A_1942 = arith.constant 0 : i32
    %dma_wait3A_1943 = arith.constant 0 : i32
    %dma_wait3A_1944 = tpu.memref_slice %arg6[%dma_wait3A_1940, %dma_wait3A_1942, %dma_wait3A_1943] : memref<3x128x128xf32, #tpu.memory_space<vmem>> -> memref<1x128x128xf32, #tpu.memory_space<vmem>>
    %dma_wait3A_1945 = tpu.memref_squeeze %dma_wait3A_1944 : memref<1x128x128xf32, #tpu.memory_space<vmem>> -> memref<128x128xf32, #tpu.memory_space<vmem>>
    %dma_wait3A_1946 = tpu.memref_slice %arg2[%multiple_of3A_1819, %multiple_of3A_1826] : memref<16384x1024xf32, #tpu.memory_space<hbm>> -> memref<128x128xf32, #tpu.memory_space<hbm>>
    %dma_wait3A_1947 = tpu.memref_slice %arg9[%dma_wait3A_1941] : memref<3x!tpu.dma_semaphore, #tpu.memory_space<semaphore_mem>> -> memref<1x!tpu.dma_semaphore, #tpu.memory_space<semaphore_mem>>
    %dma_wait3A_1948 = tpu.memref_squeeze %dma_wait3A_1947 : memref<1x!tpu.dma_semaphore, #tpu.memory_space<semaphore_mem>> -> memref<!tpu.dma_semaphore, #tpu.memory_space<semaphore_mem>>
    %dma_wait3A_1949 = arith.constant 0 : i32
    %dma_wait3A_1950 = arith.constant 0 : i32
    %dma_wait3A_1951 = tpu.memref_slice %arg6[%dma_wait3A_1940, %dma_wait3A_1949, %dma_wait3A_1950] : memref<3x128x128xf32, #tpu.memory_space<vmem>> -> memref<1x128x128xf32, #tpu.memory_space<vmem>>
    %dma_wait3A_1952 = tpu.memref_squeeze %dma_wait3A_1951 : memref<1x128x128xf32, #tpu.memory_space<vmem>> -> memref<128x128xf32, #tpu.memory_space<vmem>>
    %dma_wait3A_1953 = tpu.memref_slice %arg2[%multiple_of3A_1819, %multiple_of3A_1826] : memref<16384x1024xf32, #tpu.memory_space<hbm>> -> memref<128x128xf32, #tpu.memory_space<hbm>>
    tpu.wait_dma2 semaphore(%dma_wait3A_1948 : memref<!tpu.dma_semaphore, #tpu.memory_space<semaphore_mem>>) src(%dma_wait3A_1953 : memref<128x128xf32, #tpu.memory_space<hbm>>) dst(%dma_wait3A_1952 : memref<128x128xf32, #tpu.memory_space<vmem>>)
    %dma_start3A_1954 = arith.constant 0 : i32
    %dma_start3A_1955 = arith.constant 6 : i32
    %dma_start3A_1956 = arith.constant 0 : i32
    %dma_start3A_1957 = arith.constant 0 : i32
    %dma_start3A_1958 = arith.constant 0 : i32
    %dma_start3A_1959 = tpu.memref_slice %arg6[%dma_start3A_1954, %dma_start3A_1957, %dma_start3A_1958] : memref<3x128x128xf32, #tpu.memory_space<vmem>> -> memref<1x128x128xf32, #tpu.memory_space<vmem>>
    %dma_start3A_1960 = tpu.memref_squeeze %dma_start3A_1959 : memref<1x128x128xf32, #tpu.memory_space<vmem>> -> memref<128x128xf32, #tpu.memory_space<vmem>>
    %dma_start3A_1961 = arith.constant 0 : i32
    %dma_start3A_1962 = tpu.memref_slice %arg5[%dma_start3A_1955, %dma_start3A_1961] : memref<8x128xi32, #tpu.memory_space<vmem>> -> memref<1x128xi32, #tpu.memory_space<vmem>>
    %dma_start3A_1963 = tpu.memref_squeeze %dma_start3A_1962 : memref<1x128xi32, #tpu.memory_space<vmem>> -> memref<128xi32, #tpu.memory_space<vmem>>
    %dma_start3A_1964 = arith.constant 0 : i32
    %dma_start3A_1965 = arith.constant 0 : i32
    %dma_start3A_1966 = tpu.memref_slice %arg8[%dma_start3A_1964, %dma_start3A_1965] : memref<8192x128xf32, #tpu.memory_space<vmem_shared>> -> memref<8192x128xf32, #tpu.memory_space<vmem_shared>>
    %dma_start3A_1967 = tpu.memref_slice %arg10[%dma_start3A_1956] : memref<3x!tpu.dma_semaphore, #tpu.memory_space<semaphore_mem>> -> memref<1x!tpu.dma_semaphore, #tpu.memory_space<semaphore_mem>>
    %dma_start3A_1968 = tpu.memref_squeeze %dma_start3A_1967 : memref<1x!tpu.dma_semaphore, #tpu.memory_space<semaphore_mem>> -> memref<!tpu.dma_semaphore, #tpu.memory_space<semaphore_mem>>
    tpu.enqueue_indirect_dma source(%dma_start3A_1960 : memref<128x128xf32, #tpu.memory_space<vmem>>) target(%dma_start3A_1966 : memref<8192x128xf32, #tpu.memory_space<vmem_shared>>) offsets(%dma_start3A_1963 : memref<128xi32, #tpu.memory_space<vmem>>) semaphore(%dma_start3A_1968 : memref<!tpu.dma_semaphore, #tpu.memory_space<semaphore_mem>>) {add = true}
    %dma_wait3A_1969 = arith.constant 1 : i32
    %dma_wait3A_1970 = arith.constant 1 : i32
    %dma_wait3A_1971 = arith.constant 0 : i32
    %dma_wait3A_1972 = arith.constant 0 : i32
    %dma_wait3A_1973 = tpu.memref_slice %arg6[%dma_wait3A_1969, %dma_wait3A_1971, %dma_wait3A_1972] : memref<3x128x128xf32, #tpu.memory_space<vmem>> -> memref<1x128x128xf32, #tpu.memory_space<vmem>>
    %dma_wait3A_1974 = tpu.memref_squeeze %dma_wait3A_1973 : memref<1x128x128xf32, #tpu.memory_space<vmem>> -> memref<128x128xf32, #tpu.memory_space<vmem>>
    %dma_wait3A_1975 = tpu.memref_slice %arg2[%multiple_of3A_1889, %multiple_of3A_1896] : memref<16384x1024xf32, #tpu.memory_space<hbm>> -> memref<128x128xf32, #tpu.memory_space<hbm>>
    %dma_wait3A_1976 = tpu.memref_slice %arg9[%dma_wait3A_1970] : memref<3x!tpu.dma_semaphore, #tpu.memory_space<semaphore_mem>> -> memref<1x!tpu.dma_semaphore, #tpu.memory_space<semaphore_mem>>
    %dma_wait3A_1977 = tpu.memref_squeeze %dma_wait3A_1976 : memref<1x!tpu.dma_semaphore, #tpu.memory_space<semaphore_mem>> -> memref<!tpu.dma_semaphore, #tpu.memory_space<semaphore_mem>>
    %dma_wait3A_1978 = arith.constant 0 : i32
    %dma_wait3A_1979 = arith.constant 0 : i32
    %dma_wait3A_1980 = tpu.memref_slice %arg6[%dma_wait3A_1969, %dma_wait3A_1978, %dma_wait3A_1979] : memref<3x128x128xf32, #tpu.memory_space<vmem>> -> memref<1x128x128xf32, #tpu.memory_space<vmem>>
    %dma_wait3A_1981 = tpu.memref_squeeze %dma_wait3A_1980 : memref<1x128x128xf32, #tpu.memory_space<vmem>> -> memref<128x128xf32, #tpu.memory_space<vmem>>
    %dma_wait3A_1982 = tpu.memref_slice %arg2[%multiple_of3A_1889, %multiple_of3A_1896] : memref<16384x1024xf32, #tpu.memory_space<hbm>> -> memref<128x128xf32, #tpu.memory_space<hbm>>
    tpu.wait_dma2 semaphore(%dma_wait3A_1977 : memref<!tpu.dma_semaphore, #tpu.memory_space<semaphore_mem>>) src(%dma_wait3A_1982 : memref<128x128xf32, #tpu.memory_space<hbm>>) dst(%dma_wait3A_1981 : memref<128x128xf32, #tpu.memory_space<vmem>>)
    %dma_start3A_1983 = arith.constant 1 : i32
    %dma_start3A_1984 = arith.constant 7 : i32
    %dma_start3A_1985 = arith.constant 1 : i32
    %dma_start3A_1986 = arith.constant 0 : i32
    %dma_start3A_1987 = arith.constant 0 : i32
    %dma_start3A_1988 = tpu.memref_slice %arg6[%dma_start3A_1983, %dma_start3A_1986, %dma_start3A_1987] : memref<3x128x128xf32, #tpu.memory_space<vmem>> -> memref<1x128x128xf32, #tpu.memory_space<vmem>>
    %dma_start3A_1989 = tpu.memref_squeeze %dma_start3A_1988 : memref<1x128x128xf32, #tpu.memory_space<vmem>> -> memref<128x128xf32, #tpu.memory_space<vmem>>
    %dma_start3A_1990 = arith.constant 0 : i32
    %dma_start3A_1991 = tpu.memref_slice %arg5[%dma_start3A_1984, %dma_start3A_1990] : memref<8x128xi32, #tpu.memory_space<vmem>> -> memref<1x128xi32, #tpu.memory_space<vmem>>
    %dma_start3A_1992 = tpu.memref_squeeze %dma_start3A_1991 : memref<1x128xi32, #tpu.memory_space<vmem>> -> memref<128xi32, #tpu.memory_space<vmem>>
    %dma_start3A_1993 = arith.constant 0 : i32
    %dma_start3A_1994 = arith.constant 0 : i32
    %dma_start3A_1995 = tpu.memref_slice %arg8[%dma_start3A_1993, %dma_start3A_1994] : memref<8192x128xf32, #tpu.memory_space<vmem_shared>> -> memref<8192x128xf32, #tpu.memory_space<vmem_shared>>
    %dma_start3A_1996 = tpu.memref_slice %arg10[%dma_start3A_1985] : memref<3x!tpu.dma_semaphore, #tpu.memory_space<semaphore_mem>> -> memref<1x!tpu.dma_semaphore, #tpu.memory_space<semaphore_mem>>
    %dma_start3A_1997 = tpu.memref_squeeze %dma_start3A_1996 : memref<1x!tpu.dma_semaphore, #tpu.memory_space<semaphore_mem>> -> memref<!tpu.dma_semaphore, #tpu.memory_space<semaphore_mem>>
    tpu.enqueue_indirect_dma source(%dma_start3A_1989 : memref<128x128xf32, #tpu.memory_space<vmem>>) target(%dma_start3A_1995 : memref<8192x128xf32, #tpu.memory_space<vmem_shared>>) offsets(%dma_start3A_1992 : memref<128xi32, #tpu.memory_space<vmem>>) semaphore(%dma_start3A_1997 : memref<!tpu.dma_semaphore, #tpu.memory_space<semaphore_mem>>) {add = true}
    %dma_wait3A_1998 = arith.constant 2 : i32
    %dma_wait3A_1999 = arith.constant 5 : i32
    %dma_wait3A_2000 = arith.constant 2 : i32
    %dma_wait3A_2001 = arith.constant 0 : i32
    %dma_wait3A_2002 = arith.constant 0 : i32
    %dma_wait3A_2003 = tpu.memref_slice %arg6[%dma_wait3A_1998, %dma_wait3A_2001, %dma_wait3A_2002] : memref<3x128x128xf32, #tpu.memory_space<vmem>> -> memref<1x128x128xf32, #tpu.memory_space<vmem>>
    %dma_wait3A_2004 = tpu.memref_squeeze %dma_wait3A_2003 : memref<1x128x128xf32, #tpu.memory_space<vmem>> -> memref<128x128xf32, #tpu.memory_space<vmem>>
    %dma_wait3A_2005 = arith.constant 0 : i32
    %dma_wait3A_2006 = tpu.memref_slice %arg5[%dma_wait3A_1999, %dma_wait3A_2005] : memref<8x128xi32, #tpu.memory_space<vmem>> -> memref<1x128xi32, #tpu.memory_space<vmem>>
    %dma_wait3A_2007 = tpu.memref_squeeze %dma_wait3A_2006 : memref<1x128xi32, #tpu.memory_space<vmem>> -> memref<128xi32, #tpu.memory_space<vmem>>
    %dma_wait3A_2008 = arith.constant 0 : i32
    %dma_wait3A_2009 = arith.constant 0 : i32
    %dma_wait3A_2010 = tpu.memref_slice %arg8[%dma_wait3A_2008, %dma_wait3A_2009] : memref<8192x128xf32, #tpu.memory_space<vmem_shared>> -> memref<8192x128xf32, #tpu.memory_space<vmem_shared>>
    %dma_wait3A_2011 = tpu.memref_slice %arg10[%dma_wait3A_2000] : memref<3x!tpu.dma_semaphore, #tpu.memory_space<semaphore_mem>> -> memref<1x!tpu.dma_semaphore, #tpu.memory_space<semaphore_mem>>
    %dma_wait3A_2012 = tpu.memref_squeeze %dma_wait3A_2011 : memref<1x!tpu.dma_semaphore, #tpu.memory_space<semaphore_mem>> -> memref<!tpu.dma_semaphore, #tpu.memory_space<semaphore_mem>>
    tpu.wait_indirect_dma semaphore(%dma_wait3A_2012 : memref<!tpu.dma_semaphore, #tpu.memory_space<semaphore_mem>>) src(%dma_wait3A_2004 : memref<128x128xf32, #tpu.memory_space<vmem>>) dst(%dma_wait3A_2010 : memref<8192x128xf32, #tpu.memory_space<vmem_shared>>)
    %dma_wait3A_2013 = arith.constant 0 : i32
    %dma_wait3A_2014 = arith.constant 6 : i32
    %dma_wait3A_2015 = arith.constant 0 : i32
    %dma_wait3A_2016 = arith.constant 0 : i32
    %dma_wait3A_2017 = arith.constant 0 : i32
    %dma_wait3A_2018 = tpu.memref_slice %arg6[%dma_wait3A_2013, %dma_wait3A_2016, %dma_wait3A_2017] : memref<3x128x128xf32, #tpu.memory_space<vmem>> -> memref<1x128x128xf32, #tpu.memory_space<vmem>>
    %dma_wait3A_2019 = tpu.memref_squeeze %dma_wait3A_2018 : memref<1x128x128xf32, #tpu.memory_space<vmem>> -> memref<128x128xf32, #tpu.memory_space<vmem>>
    %dma_wait3A_2020 = arith.constant 0 : i32
    %dma_wait3A_2021 = tpu.memref_slice %arg5[%dma_wait3A_2014, %dma_wait3A_2020] : memref<8x128xi32, #tpu.memory_space<vmem>> -> memref<1x128xi32, #tpu.memory_space<vmem>>
    %dma_wait3A_2022 = tpu.memref_squeeze %dma_wait3A_2021 : memref<1x128xi32, #tpu.memory_space<vmem>> -> memref<128xi32, #tpu.memory_space<vmem>>
    %dma_wait3A_2023 = arith.constant 0 : i32
    %dma_wait3A_2024 = arith.constant 0 : i32
    %dma_wait3A_2025 = tpu.memref_slice %arg8[%dma_wait3A_2023, %dma_wait3A_2024] : memref<8192x128xf32, #tpu.memory_space<vmem_shared>> -> memref<8192x128xf32, #tpu.memory_space<vmem_shared>>
    %dma_wait3A_2026 = tpu.memref_slice %arg10[%dma_wait3A_2015] : memref<3x!tpu.dma_semaphore, #tpu.memory_space<semaphore_mem>> -> memref<1x!tpu.dma_semaphore, #tpu.memory_space<semaphore_mem>>
    %dma_wait3A_2027 = tpu.memref_squeeze %dma_wait3A_2026 : memref<1x!tpu.dma_semaphore, #tpu.memory_space<semaphore_mem>> -> memref<!tpu.dma_semaphore, #tpu.memory_space<semaphore_mem>>
    tpu.wait_indirect_dma semaphore(%dma_wait3A_2027 : memref<!tpu.dma_semaphore, #tpu.memory_space<semaphore_mem>>) src(%dma_wait3A_2019 : memref<128x128xf32, #tpu.memory_space<vmem>>) dst(%dma_wait3A_2025 : memref<8192x128xf32, #tpu.memory_space<vmem_shared>>)
    %dma_wait3A_2028 = arith.constant 1 : i32
    %dma_wait3A_2029 = arith.constant 7 : i32
    %dma_wait3A_2030 = arith.constant 1 : i32
    %dma_wait3A_2031 = arith.constant 0 : i32
    %dma_wait3A_2032 = arith.constant 0 : i32
    %dma_wait3A_2033 = tpu.memref_slice %arg6[%dma_wait3A_2028, %dma_wait3A_2031, %dma_wait3A_2032] : memref<3x128x128xf32, #tpu.memory_space<vmem>> -> memref<1x128x128xf32, #tpu.memory_space<vmem>>
    %dma_wait3A_2034 = tpu.memref_squeeze %dma_wait3A_2033 : memref<1x128x128xf32, #tpu.memory_space<vmem>> -> memref<128x128xf32, #tpu.memory_space<vmem>>
    %dma_wait3A_2035 = arith.constant 0 : i32
    %dma_wait3A_2036 = tpu.memref_slice %arg5[%dma_wait3A_2029, %dma_wait3A_2035] : memref<8x128xi32, #tpu.memory_space<vmem>> -> memref<1x128xi32, #tpu.memory_space<vmem>>
    %dma_wait3A_2037 = tpu.memref_squeeze %dma_wait3A_2036 : memref<1x128xi32, #tpu.memory_space<vmem>> -> memref<128xi32, #tpu.memory_space<vmem>>
    %dma_wait3A_2038 = arith.constant 0 : i32
    %dma_wait3A_2039 = arith.constant 0 : i32
    %dma_wait3A_2040 = tpu.memref_slice %arg8[%dma_wait3A_2038, %dma_wait3A_2039] : memref<8192x128xf32, #tpu.memory_space<vmem_shared>> -> memref<8192x128xf32, #tpu.memory_space<vmem_shared>>
    %dma_wait3A_2041 = tpu.memref_slice %arg10[%dma_wait3A_2030] : memref<3x!tpu.dma_semaphore, #tpu.memory_space<semaphore_mem>> -> memref<1x!tpu.dma_semaphore, #tpu.memory_space<semaphore_mem>>
    %dma_wait3A_2042 = tpu.memref_squeeze %dma_wait3A_2041 : memref<1x!tpu.dma_semaphore, #tpu.memory_space<semaphore_mem>> -> memref<!tpu.dma_semaphore, #tpu.memory_space<semaphore_mem>>
    tpu.wait_indirect_dma semaphore(%dma_wait3A_2042 : memref<!tpu.dma_semaphore, #tpu.memory_space<semaphore_mem>>) src(%dma_wait3A_2034 : memref<128x128xf32, #tpu.memory_space<vmem>>) dst(%dma_wait3A_2040 : memref<8192x128xf32, #tpu.memory_space<vmem_shared>>)
    %barrier3A_2043 = arith.constant 0 : index
    tpu.barrier barrier_id(%barrier3A_2043)
    %mul3A_2044 = arith.constant 1024 : i32
    %mul3A_2045 = arith.muli %arg1, %mul3A_2044 : i32
    %add3A_2046 = arith.constant 0 : i32
    %add3A_2047 = arith.addi %mul3A_2045, %add3A_2046 : i32
    %multiple_of3A_2048 = tpu.assume_multiple %add3A_2047, 128 : i32
    %mul3A_2049 = arith.constant 4 : i32
    %mul3A_2050 = arith.muli %arg0, %mul3A_2049 : i32
    %add3A_2051 = arith.constant 3 : i32
    %add3A_2052 = arith.addi %mul3A_2050, %add3A_2051 : i32
    %mul3A_2053 = arith.constant 128 : i32
    %mul3A_2054 = arith.muli %add3A_2052, %mul3A_2053 : i32
    %multiple_of3A_2055 = tpu.assume_multiple %mul3A_2054, 128 : i32
    %dma_start3A_2056 = arith.constant 0 : i32
    %dma_start3A_2057 = arith.constant 0 : i32
    %dma_start3A_2058 = arith.constant 0 : i32
    %dma_start3A_2059 = arith.constant 0 : i32
    %dma_start3A_2060 = tpu.memref_slice %arg6[%dma_start3A_2056, %dma_start3A_2058, %dma_start3A_2059] : memref<3x128x128xf32, #tpu.memory_space<vmem>> -> memref<1x128x128xf32, #tpu.memory_space<vmem>>
    %dma_start3A_2061 = tpu.memref_squeeze %dma_start3A_2060 : memref<1x128x128xf32, #tpu.memory_space<vmem>> -> memref<128x128xf32, #tpu.memory_space<vmem>>
    %dma_start3A_2062 = tpu.memref_slice %arg2[%multiple_of3A_2048, %multiple_of3A_2055] : memref<16384x1024xf32, #tpu.memory_space<hbm>> -> memref<128x128xf32, #tpu.memory_space<hbm>>
    %dma_start3A_2063 = tpu.memref_slice %arg9[%dma_start3A_2057] : memref<3x!tpu.dma_semaphore, #tpu.memory_space<semaphore_mem>> -> memref<1x!tpu.dma_semaphore, #tpu.memory_space<semaphore_mem>>
    %dma_start3A_2064 = tpu.memref_squeeze %dma_start3A_2063 : memref<1x!tpu.dma_semaphore, #tpu.memory_space<semaphore_mem>> -> memref<!tpu.dma_semaphore, #tpu.memory_space<semaphore_mem>>
    %dma_start3A_2065 = arith.constant 0 : i32
    %dma_start3A_2066 = arith.constant 0 : i32
    %dma_start3A_2067 = tpu.memref_slice %arg6[%dma_start3A_2056, %dma_start3A_2065, %dma_start3A_2066] : memref<3x128x128xf32, #tpu.memory_space<vmem>> -> memref<1x128x128xf32, #tpu.memory_space<vmem>>
    %dma_start3A_2068 = tpu.memref_squeeze %dma_start3A_2067 : memref<1x128x128xf32, #tpu.memory_space<vmem>> -> memref<128x128xf32, #tpu.memory_space<vmem>>
    %dma_start3A_2069 = tpu.memref_slice %arg2[%multiple_of3A_2048, %multiple_of3A_2055] : memref<16384x1024xf32, #tpu.memory_space<hbm>> -> memref<128x128xf32, #tpu.memory_space<hbm>>
    tpu.enqueue_dma source(%dma_start3A_2069 : memref<128x128xf32, #tpu.memory_space<hbm>>) target(%dma_start3A_2068 : memref<128x128xf32, #tpu.memory_space<vmem>>) target_semaphore(%dma_start3A_2064 : memref<!tpu.dma_semaphore, #tpu.memory_space<semaphore_mem>>)
    %mul3A_2070 = arith.constant 1024 : i32
    %mul3A_2071 = arith.muli %arg1, %mul3A_2070 : i32
    %add3A_2072 = arith.constant 128 : i32
    %add3A_2073 = arith.addi %mul3A_2071, %add3A_2072 : i32
    %multiple_of3A_2074 = tpu.assume_multiple %add3A_2073, 128 : i32
    %mul3A_2075 = arith.constant 4 : i32
    %mul3A_2076 = arith.muli %arg0, %mul3A_2075 : i32
    %add3A_2077 = arith.constant 3 : i32
    %add3A_2078 = arith.addi %mul3A_2076, %add3A_2077 : i32
    %mul3A_2079 = arith.constant 128 : i32
    %mul3A_2080 = arith.muli %add3A_2078, %mul3A_2079 : i32
    %multiple_of3A_2081 = tpu.assume_multiple %mul3A_2080, 128 : i32
    %dma_start3A_2082 = arith.constant 1 : i32
    %dma_start3A_2083 = arith.constant 1 : i32
    %dma_start3A_2084 = arith.constant 0 : i32
    %dma_start3A_2085 = arith.constant 0 : i32
    %dma_start3A_2086 = tpu.memref_slice %arg6[%dma_start3A_2082, %dma_start3A_2084, %dma_start3A_2085] : memref<3x128x128xf32, #tpu.memory_space<vmem>> -> memref<1x128x128xf32, #tpu.memory_space<vmem>>
    %dma_start3A_2087 = tpu.memref_squeeze %dma_start3A_2086 : memref<1x128x128xf32, #tpu.memory_space<vmem>> -> memref<128x128xf32, #tpu.memory_space<vmem>>
    %dma_start3A_2088 = tpu.memref_slice %arg2[%multiple_of3A_2074, %multiple_of3A_2081] : memref<16384x1024xf32, #tpu.memory_space<hbm>> -> memref<128x128xf32, #tpu.memory_space<hbm>>
    %dma_start3A_2089 = tpu.memref_slice %arg9[%dma_start3A_2083] : memref<3x!tpu.dma_semaphore, #tpu.memory_space<semaphore_mem>> -> memref<1x!tpu.dma_semaphore, #tpu.memory_space<semaphore_mem>>
    %dma_start3A_2090 = tpu.memref_squeeze %dma_start3A_2089 : memref<1x!tpu.dma_semaphore, #tpu.memory_space<semaphore_mem>> -> memref<!tpu.dma_semaphore, #tpu.memory_space<semaphore_mem>>
    %dma_start3A_2091 = arith.constant 0 : i32
    %dma_start3A_2092 = arith.constant 0 : i32
    %dma_start3A_2093 = tpu.memref_slice %arg6[%dma_start3A_2082, %dma_start3A_2091, %dma_start3A_2092] : memref<3x128x128xf32, #tpu.memory_space<vmem>> -> memref<1x128x128xf32, #tpu.memory_space<vmem>>
    %dma_start3A_2094 = tpu.memref_squeeze %dma_start3A_2093 : memref<1x128x128xf32, #tpu.memory_space<vmem>> -> memref<128x128xf32, #tpu.memory_space<vmem>>
    %dma_start3A_2095 = tpu.memref_slice %arg2[%multiple_of3A_2074, %multiple_of3A_2081] : memref<16384x1024xf32, #tpu.memory_space<hbm>> -> memref<128x128xf32, #tpu.memory_space<hbm>>
    tpu.enqueue_dma source(%dma_start3A_2095 : memref<128x128xf32, #tpu.memory_space<hbm>>) target(%dma_start3A_2094 : memref<128x128xf32, #tpu.memory_space<vmem>>) target_semaphore(%dma_start3A_2090 : memref<!tpu.dma_semaphore, #tpu.memory_space<semaphore_mem>>)
    %mul3A_2096 = arith.constant 1024 : i32
    %mul3A_2097 = arith.muli %arg1, %mul3A_2096 : i32
    %add3A_2098 = arith.constant 256 : i32
    %add3A_2099 = arith.addi %mul3A_2097, %add3A_2098 : i32
    %multiple_of3A_2100 = tpu.assume_multiple %add3A_2099, 128 : i32
    %mul3A_2101 = arith.constant 4 : i32
    %mul3A_2102 = arith.muli %arg0, %mul3A_2101 : i32
    %add3A_2103 = arith.constant 3 : i32
    %add3A_2104 = arith.addi %mul3A_2102, %add3A_2103 : i32
    %mul3A_2105 = arith.constant 128 : i32
    %mul3A_2106 = arith.muli %add3A_2104, %mul3A_2105 : i32
    %multiple_of3A_2107 = tpu.assume_multiple %mul3A_2106, 128 : i32
    %dma_start3A_2108 = arith.constant 2 : i32
    %dma_start3A_2109 = arith.constant 2 : i32
    %dma_start3A_2110 = arith.constant 0 : i32
    %dma_start3A_2111 = arith.constant 0 : i32
    %dma_start3A_2112 = tpu.memref_slice %arg6[%dma_start3A_2108, %dma_start3A_2110, %dma_start3A_2111] : memref<3x128x128xf32, #tpu.memory_space<vmem>> -> memref<1x128x128xf32, #tpu.memory_space<vmem>>
    %dma_start3A_2113 = tpu.memref_squeeze %dma_start3A_2112 : memref<1x128x128xf32, #tpu.memory_space<vmem>> -> memref<128x128xf32, #tpu.memory_space<vmem>>
    %dma_start3A_2114 = tpu.memref_slice %arg2[%multiple_of3A_2100, %multiple_of3A_2107] : memref<16384x1024xf32, #tpu.memory_space<hbm>> -> memref<128x128xf32, #tpu.memory_space<hbm>>
    %dma_start3A_2115 = tpu.memref_slice %arg9[%dma_start3A_2109] : memref<3x!tpu.dma_semaphore, #tpu.memory_space<semaphore_mem>> -> memref<1x!tpu.dma_semaphore, #tpu.memory_space<semaphore_mem>>
    %dma_start3A_2116 = tpu.memref_squeeze %dma_start3A_2115 : memref<1x!tpu.dma_semaphore, #tpu.memory_space<semaphore_mem>> -> memref<!tpu.dma_semaphore, #tpu.memory_space<semaphore_mem>>
    %dma_start3A_2117 = arith.constant 0 : i32
    %dma_start3A_2118 = arith.constant 0 : i32
    %dma_start3A_2119 = tpu.memref_slice %arg6[%dma_start3A_2108, %dma_start3A_2117, %dma_start3A_2118] : memref<3x128x128xf32, #tpu.memory_space<vmem>> -> memref<1x128x128xf32, #tpu.memory_space<vmem>>
    %dma_start3A_2120 = tpu.memref_squeeze %dma_start3A_2119 : memref<1x128x128xf32, #tpu.memory_space<vmem>> -> memref<128x128xf32, #tpu.memory_space<vmem>>
    %dma_start3A_2121 = tpu.memref_slice %arg2[%multiple_of3A_2100, %multiple_of3A_2107] : memref<16384x1024xf32, #tpu.memory_space<hbm>> -> memref<128x128xf32, #tpu.memory_space<hbm>>
    tpu.enqueue_dma source(%dma_start3A_2121 : memref<128x128xf32, #tpu.memory_space<hbm>>) target(%dma_start3A_2120 : memref<128x128xf32, #tpu.memory_space<vmem>>) target_semaphore(%dma_start3A_2116 : memref<!tpu.dma_semaphore, #tpu.memory_space<semaphore_mem>>)
    %add3A_2122 = arith.constant 0 : i32
    %add3A_2123 = arith.addi %multiple_of3A, %add3A_2122 : i32
    %add3A_2124 = arith.constant 0 : i32
    %add3A_2125 = arith.addi %multiple_of3A, %add3A_2124 : i32
    %mul3A_2126 = arith.constant 4 : i32
    %mul3A_2127 = arith.muli %arg0, %mul3A_2126 : i32
    %add3A_2128 = arith.constant 2 : i32
    %add3A_2129 = arith.addi %mul3A_2127, %add3A_2128 : i32
    %mul3A_2130 = arith.constant 128 : i32
    %mul3A_2131 = arith.muli %add3A_2129, %mul3A_2130 : i32
    %multiple_of3A_2132 = tpu.assume_multiple %mul3A_2131, 128 : i32
    %dma_start3A_2133 = arith.constant 0 : i32
    %dma_start3A_2134 = tpu.memref_slice %arg12[%dma_start3A_2133] : memref<2x!tpu.dma_semaphore, #tpu.memory_space<semaphore_mem>> -> memref<1x!tpu.dma_semaphore, #tpu.memory_space<semaphore_mem>>
    %dma_start3A_2135 = tpu.memref_squeeze %dma_start3A_2134 : memref<1x!tpu.dma_semaphore, #tpu.memory_space<semaphore_mem>> -> memref<!tpu.dma_semaphore, #tpu.memory_space<semaphore_mem>>
    %dma_start3A_2136 = tpu.memref_slice %arg4[%add3A_2125, %multiple_of3A_2132] : memref<8192x1024xf32, #tpu.memory_space<hbm>> -> memref<256x128xf32, #tpu.memory_space<hbm>>
    %dma_start3A_2137 = arith.constant 0 : i32
    %dma_start3A_2138 = tpu.memref_slice %arg8[%add3A_2123, %dma_start3A_2137] : memref<8192x128xf32, #tpu.memory_space<vmem_shared>> -> memref<256x128xf32, #tpu.memory_space<vmem_shared>>
    tpu.enqueue_dma source(%dma_start3A_2138 : memref<256x128xf32, #tpu.memory_space<vmem_shared>>) target(%dma_start3A_2136 : memref<256x128xf32, #tpu.memory_space<hbm>>) target_semaphore(%dma_start3A_2135 : memref<!tpu.dma_semaphore, #tpu.memory_space<semaphore_mem>>)
    %add3A_2139 = arith.constant 256 : i32
    %add3A_2140 = arith.addi %multiple_of3A, %add3A_2139 : i32
    %add3A_2141 = arith.constant 256 : i32
    %add3A_2142 = arith.addi %multiple_of3A, %add3A_2141 : i32
    %mul3A_2143 = arith.constant 4 : i32
    %mul3A_2144 = arith.muli %arg0, %mul3A_2143 : i32
    %add3A_2145 = arith.constant 2 : i32
    %add3A_2146 = arith.addi %mul3A_2144, %add3A_2145 : i32
    %mul3A_2147 = arith.constant 128 : i32
    %mul3A_2148 = arith.muli %add3A_2146, %mul3A_2147 : i32
    %multiple_of3A_2149 = tpu.assume_multiple %mul3A_2148, 128 : i32
    %dma_start3A_2150 = arith.constant 1 : i32
    %dma_start3A_2151 = tpu.memref_slice %arg12[%dma_start3A_2150] : memref<2x!tpu.dma_semaphore, #tpu.memory_space<semaphore_mem>> -> memref<1x!tpu.dma_semaphore, #tpu.memory_space<semaphore_mem>>
    %dma_start3A_2152 = tpu.memref_squeeze %dma_start3A_2151 : memref<1x!tpu.dma_semaphore, #tpu.memory_space<semaphore_mem>> -> memref<!tpu.dma_semaphore, #tpu.memory_space<semaphore_mem>>
    %dma_start3A_2153 = tpu.memref_slice %arg4[%add3A_2142, %multiple_of3A_2149] : memref<8192x1024xf32, #tpu.memory_space<hbm>> -> memref<256x128xf32, #tpu.memory_space<hbm>>
    %dma_start3A_2154 = arith.constant 0 : i32
    %dma_start3A_2155 = tpu.memref_slice %arg8[%add3A_2140, %dma_start3A_2154] : memref<8192x128xf32, #tpu.memory_space<vmem_shared>> -> memref<256x128xf32, #tpu.memory_space<vmem_shared>>
    tpu.enqueue_dma source(%dma_start3A_2155 : memref<256x128xf32, #tpu.memory_space<vmem_shared>>) target(%dma_start3A_2153 : memref<256x128xf32, #tpu.memory_space<hbm>>) target_semaphore(%dma_start3A_2152 : memref<!tpu.dma_semaphore, #tpu.memory_space<semaphore_mem>>)
    %dma_wait3A_2156 = arith.constant 0 : i32
    %dma_wait3A_2157 = tpu.memref_slice %arg12[%dma_wait3A_2156] : memref<2x!tpu.dma_semaphore, #tpu.memory_space<semaphore_mem>> -> memref<1x!tpu.dma_semaphore, #tpu.memory_space<semaphore_mem>>
    %dma_wait3A_2158 = tpu.memref_squeeze %dma_wait3A_2157 : memref<1x!tpu.dma_semaphore, #tpu.memory_space<semaphore_mem>> -> memref<!tpu.dma_semaphore, #tpu.memory_space<semaphore_mem>>
    %dma_wait3A_2159 = tpu.memref_slice %arg4[%add3A_2125, %multiple_of3A_2132] : memref<8192x1024xf32, #tpu.memory_space<hbm>> -> memref<256x128xf32, #tpu.memory_space<hbm>>
    %dma_wait3A_2160 = arith.constant 0 : i32
    %dma_wait3A_2161 = tpu.memref_slice %arg8[%add3A_2123, %dma_wait3A_2160] : memref<8192x128xf32, #tpu.memory_space<vmem_shared>> -> memref<256x128xf32, #tpu.memory_space<vmem_shared>>
    tpu.wait_dma2 semaphore(%dma_wait3A_2158 : memref<!tpu.dma_semaphore, #tpu.memory_space<semaphore_mem>>) src(%dma_wait3A_2161 : memref<256x128xf32, #tpu.memory_space<vmem_shared>>) dst(%dma_wait3A_2159 : memref<256x128xf32, #tpu.memory_space<hbm>>)
    %mul3A_2162 = arith.constant 512 : i32
    %mul3A_2163 = arith.muli %arg1, %mul3A_2162 : i32
    %add3A_2164 = arith.constant 0 : i32
    %add3A_2165 = arith.addi %mul3A_2163, %add3A_2164 : i32
    %add3A_2166 = arith.constant 0 : i32
    %add3A_2167 = arith.addi %add3A_2165, %add3A_2166 : i32
    %dma_start3A_2168 = arith.constant 0 : i32
    %dma_start3A_2169 = tpu.memref_slice %arg8[%add3A_2167, %dma_start3A_2168] : memref<8192x128xf32, #tpu.memory_space<vmem_shared>> -> memref<64x128xf32, #tpu.memory_space<vmem_shared>>
    %dma_start3A_2170 = arith.constant 0 : i32
    %dma_start3A_2171 = tpu.memref_slice %arg8[%add3A_2167, %dma_start3A_2170] : memref<8192x128xf32, #tpu.memory_space<vmem_shared>> -> memref<64x128xf32, #tpu.memory_space<vmem_shared>>
    tpu.enqueue_dma source(%arg7 : memref<64x128xf32, #tpu.memory_space<vmem>>) target(%dma_start3A_2171 : memref<64x128xf32, #tpu.memory_space<vmem_shared>>) target_semaphore(%arg11 : memref<!tpu.dma_semaphore, #tpu.memory_space<semaphore_mem>>)
    %add3A_2172 = arith.constant 64 : i32
    %add3A_2173 = arith.addi %add3A_2165, %add3A_2172 : i32
    %dma_start3A_2174 = arith.constant 0 : i32
    %dma_start3A_2175 = tpu.memref_slice %arg8[%add3A_2173, %dma_start3A_2174] : memref<8192x128xf32, #tpu.memory_space<vmem_shared>> -> memref<64x128xf32, #tpu.memory_space<vmem_shared>>
    %dma_start3A_2176 = arith.constant 0 : i32
    %dma_start3A_2177 = tpu.memref_slice %arg8[%add3A_2173, %dma_start3A_2176] : memref<8192x128xf32, #tpu.memory_space<vmem_shared>> -> memref<64x128xf32, #tpu.memory_space<vmem_shared>>
    tpu.enqueue_dma source(%arg7 : memref<64x128xf32, #tpu.memory_space<vmem>>) target(%dma_start3A_2177 : memref<64x128xf32, #tpu.memory_space<vmem_shared>>) target_semaphore(%arg11 : memref<!tpu.dma_semaphore, #tpu.memory_space<semaphore_mem>>)
    %add3A_2178 = arith.constant 128 : i32
    %add3A_2179 = arith.addi %add3A_2165, %add3A_2178 : i32
    %dma_start3A_2180 = arith.constant 0 : i32
    %dma_start3A_2181 = tpu.memref_slice %arg8[%add3A_2179, %dma_start3A_2180] : memref<8192x128xf32, #tpu.memory_space<vmem_shared>> -> memref<64x128xf32, #tpu.memory_space<vmem_shared>>
    %dma_start3A_2182 = arith.constant 0 : i32
    %dma_start3A_2183 = tpu.memref_slice %arg8[%add3A_2179, %dma_start3A_2182] : memref<8192x128xf32, #tpu.memory_space<vmem_shared>> -> memref<64x128xf32, #tpu.memory_space<vmem_shared>>
    tpu.enqueue_dma source(%arg7 : memref<64x128xf32, #tpu.memory_space<vmem>>) target(%dma_start3A_2183 : memref<64x128xf32, #tpu.memory_space<vmem_shared>>) target_semaphore(%arg11 : memref<!tpu.dma_semaphore, #tpu.memory_space<semaphore_mem>>)
    %add3A_2184 = arith.constant 192 : i32
    %add3A_2185 = arith.addi %add3A_2165, %add3A_2184 : i32
    %dma_start3A_2186 = arith.constant 0 : i32
    %dma_start3A_2187 = tpu.memref_slice %arg8[%add3A_2185, %dma_start3A_2186] : memref<8192x128xf32, #tpu.memory_space<vmem_shared>> -> memref<64x128xf32, #tpu.memory_space<vmem_shared>>
    %dma_start3A_2188 = arith.constant 0 : i32
    %dma_start3A_2189 = tpu.memref_slice %arg8[%add3A_2185, %dma_start3A_2188] : memref<8192x128xf32, #tpu.memory_space<vmem_shared>> -> memref<64x128xf32, #tpu.memory_space<vmem_shared>>
    tpu.enqueue_dma source(%arg7 : memref<64x128xf32, #tpu.memory_space<vmem>>) target(%dma_start3A_2189 : memref<64x128xf32, #tpu.memory_space<vmem_shared>>) target_semaphore(%arg11 : memref<!tpu.dma_semaphore, #tpu.memory_space<semaphore_mem>>)
    %dma_wait3A_2190 = arith.constant 1 : i32
    %dma_wait3A_2191 = tpu.memref_slice %arg12[%dma_wait3A_2190] : memref<2x!tpu.dma_semaphore, #tpu.memory_space<semaphore_mem>> -> memref<1x!tpu.dma_semaphore, #tpu.memory_space<semaphore_mem>>
    %dma_wait3A_2192 = tpu.memref_squeeze %dma_wait3A_2191 : memref<1x!tpu.dma_semaphore, #tpu.memory_space<semaphore_mem>> -> memref<!tpu.dma_semaphore, #tpu.memory_space<semaphore_mem>>
    %dma_wait3A_2193 = tpu.memref_slice %arg4[%add3A_2142, %multiple_of3A_2149] : memref<8192x1024xf32, #tpu.memory_space<hbm>> -> memref<256x128xf32, #tpu.memory_space<hbm>>
    %dma_wait3A_2194 = arith.constant 0 : i32
    %dma_wait3A_2195 = tpu.memref_slice %arg8[%add3A_2140, %dma_wait3A_2194] : memref<8192x128xf32, #tpu.memory_space<vmem_shared>> -> memref<256x128xf32, #tpu.memory_space<vmem_shared>>
    tpu.wait_dma2 semaphore(%dma_wait3A_2192 : memref<!tpu.dma_semaphore, #tpu.memory_space<semaphore_mem>>) src(%dma_wait3A_2195 : memref<256x128xf32, #tpu.memory_space<vmem_shared>>) dst(%dma_wait3A_2193 : memref<256x128xf32, #tpu.memory_space<hbm>>)
    %mul3A_2196 = arith.constant 512 : i32
    %mul3A_2197 = arith.muli %arg1, %mul3A_2196 : i32
    %add3A_2198 = arith.constant 256 : i32
    %add3A_2199 = arith.addi %mul3A_2197, %add3A_2198 : i32
    %add3A_2200 = arith.constant 0 : i32
    %add3A_2201 = arith.addi %add3A_2199, %add3A_2200 : i32
    %dma_start3A_2202 = arith.constant 0 : i32
    %dma_start3A_2203 = tpu.memref_slice %arg8[%add3A_2201, %dma_start3A_2202] : memref<8192x128xf32, #tpu.memory_space<vmem_shared>> -> memref<64x128xf32, #tpu.memory_space<vmem_shared>>
    %dma_start3A_2204 = arith.constant 0 : i32
    %dma_start3A_2205 = tpu.memref_slice %arg8[%add3A_2201, %dma_start3A_2204] : memref<8192x128xf32, #tpu.memory_space<vmem_shared>> -> memref<64x128xf32, #tpu.memory_space<vmem_shared>>
    tpu.enqueue_dma source(%arg7 : memref<64x128xf32, #tpu.memory_space<vmem>>) target(%dma_start3A_2205 : memref<64x128xf32, #tpu.memory_space<vmem_shared>>) target_semaphore(%arg11 : memref<!tpu.dma_semaphore, #tpu.memory_space<semaphore_mem>>)
    %add3A_2206 = arith.constant 64 : i32
    %add3A_2207 = arith.addi %add3A_2199, %add3A_2206 : i32
    %dma_start3A_2208 = arith.constant 0 : i32
    %dma_start3A_2209 = tpu.memref_slice %arg8[%add3A_2207, %dma_start3A_2208] : memref<8192x128xf32, #tpu.memory_space<vmem_shared>> -> memref<64x128xf32, #tpu.memory_space<vmem_shared>>
    %dma_start3A_2210 = arith.constant 0 : i32
    %dma_start3A_2211 = tpu.memref_slice %arg8[%add3A_2207, %dma_start3A_2210] : memref<8192x128xf32, #tpu.memory_space<vmem_shared>> -> memref<64x128xf32, #tpu.memory_space<vmem_shared>>
    tpu.enqueue_dma source(%arg7 : memref<64x128xf32, #tpu.memory_space<vmem>>) target(%dma_start3A_2211 : memref<64x128xf32, #tpu.memory_space<vmem_shared>>) target_semaphore(%arg11 : memref<!tpu.dma_semaphore, #tpu.memory_space<semaphore_mem>>)
    %add3A_2212 = arith.constant 128 : i32
    %add3A_2213 = arith.addi %add3A_2199, %add3A_2212 : i32
    %dma_start3A_2214 = arith.constant 0 : i32
    %dma_start3A_2215 = tpu.memref_slice %arg8[%add3A_2213, %dma_start3A_2214] : memref<8192x128xf32, #tpu.memory_space<vmem_shared>> -> memref<64x128xf32, #tpu.memory_space<vmem_shared>>
    %dma_start3A_2216 = arith.constant 0 : i32
    %dma_start3A_2217 = tpu.memref_slice %arg8[%add3A_2213, %dma_start3A_2216] : memref<8192x128xf32, #tpu.memory_space<vmem_shared>> -> memref<64x128xf32, #tpu.memory_space<vmem_shared>>
    tpu.enqueue_dma source(%arg7 : memref<64x128xf32, #tpu.memory_space<vmem>>) target(%dma_start3A_2217 : memref<64x128xf32, #tpu.memory_space<vmem_shared>>) target_semaphore(%arg11 : memref<!tpu.dma_semaphore, #tpu.memory_space<semaphore_mem>>)
    %add3A_2218 = arith.constant 192 : i32
    %add3A_2219 = arith.addi %add3A_2199, %add3A_2218 : i32
    %dma_start3A_2220 = arith.constant 0 : i32
    %dma_start3A_2221 = tpu.memref_slice %arg8[%add3A_2219, %dma_start3A_2220] : memref<8192x128xf32, #tpu.memory_space<vmem_shared>> -> memref<64x128xf32, #tpu.memory_space<vmem_shared>>
    %dma_start3A_2222 = arith.constant 0 : i32
    %dma_start3A_2223 = tpu.memref_slice %arg8[%add3A_2219, %dma_start3A_2222] : memref<8192x128xf32, #tpu.memory_space<vmem_shared>> -> memref<64x128xf32, #tpu.memory_space<vmem_shared>>
    tpu.enqueue_dma source(%arg7 : memref<64x128xf32, #tpu.memory_space<vmem>>) target(%dma_start3A_2223 : memref<64x128xf32, #tpu.memory_space<vmem_shared>>) target_semaphore(%arg11 : memref<!tpu.dma_semaphore, #tpu.memory_space<semaphore_mem>>)
    %dma_wait3A_2224 = arith.constant 0 : i32
    %dma_wait3A_2225 = tpu.memref_slice %arg8[%add3A_2167, %dma_wait3A_2224] : memref<8192x128xf32, #tpu.memory_space<vmem_shared>> -> memref<64x128xf32, #tpu.memory_space<vmem_shared>>
    %dma_wait3A_2226 = arith.constant 0 : i32
    %dma_wait3A_2227 = tpu.memref_slice %arg8[%add3A_2167, %dma_wait3A_2226] : memref<8192x128xf32, #tpu.memory_space<vmem_shared>> -> memref<64x128xf32, #tpu.memory_space<vmem_shared>>
    tpu.wait_dma2 semaphore(%arg11 : memref<!tpu.dma_semaphore, #tpu.memory_space<semaphore_mem>>) src(%arg7 : memref<64x128xf32, #tpu.memory_space<vmem>>) dst(%dma_wait3A_2227 : memref<64x128xf32, #tpu.memory_space<vmem_shared>>)
    %dma_wait3A_2228 = arith.constant 0 : i32
    %dma_wait3A_2229 = tpu.memref_slice %arg8[%add3A_2173, %dma_wait3A_2228] : memref<8192x128xf32, #tpu.memory_space<vmem_shared>> -> memref<64x128xf32, #tpu.memory_space<vmem_shared>>
    %dma_wait3A_2230 = arith.constant 0 : i32
    %dma_wait3A_2231 = tpu.memref_slice %arg8[%add3A_2173, %dma_wait3A_2230] : memref<8192x128xf32, #tpu.memory_space<vmem_shared>> -> memref<64x128xf32, #tpu.memory_space<vmem_shared>>
    tpu.wait_dma2 semaphore(%arg11 : memref<!tpu.dma_semaphore, #tpu.memory_space<semaphore_mem>>) src(%arg7 : memref<64x128xf32, #tpu.memory_space<vmem>>) dst(%dma_wait3A_2231 : memref<64x128xf32, #tpu.memory_space<vmem_shared>>)
    %dma_wait3A_2232 = arith.constant 0 : i32
    %dma_wait3A_2233 = tpu.memref_slice %arg8[%add3A_2179, %dma_wait3A_2232] : memref<8192x128xf32, #tpu.memory_space<vmem_shared>> -> memref<64x128xf32, #tpu.memory_space<vmem_shared>>
    %dma_wait3A_2234 = arith.constant 0 : i32
    %dma_wait3A_2235 = tpu.memref_slice %arg8[%add3A_2179, %dma_wait3A_2234] : memref<8192x128xf32, #tpu.memory_space<vmem_shared>> -> memref<64x128xf32, #tpu.memory_space<vmem_shared>>
    tpu.wait_dma2 semaphore(%arg11 : memref<!tpu.dma_semaphore, #tpu.memory_space<semaphore_mem>>) src(%arg7 : memref<64x128xf32, #tpu.memory_space<vmem>>) dst(%dma_wait3A_2235 : memref<64x128xf32, #tpu.memory_space<vmem_shared>>)
    %dma_wait3A_2236 = arith.constant 0 : i32
    %dma_wait3A_2237 = tpu.memref_slice %arg8[%add3A_2185, %dma_wait3A_2236] : memref<8192x128xf32, #tpu.memory_space<vmem_shared>> -> memref<64x128xf32, #tpu.memory_space<vmem_shared>>
    %dma_wait3A_2238 = arith.constant 0 : i32
    %dma_wait3A_2239 = tpu.memref_slice %arg8[%add3A_2185, %dma_wait3A_2238] : memref<8192x128xf32, #tpu.memory_space<vmem_shared>> -> memref<64x128xf32, #tpu.memory_space<vmem_shared>>
    tpu.wait_dma2 semaphore(%arg11 : memref<!tpu.dma_semaphore, #tpu.memory_space<semaphore_mem>>) src(%arg7 : memref<64x128xf32, #tpu.memory_space<vmem>>) dst(%dma_wait3A_2239 : memref<64x128xf32, #tpu.memory_space<vmem_shared>>)
    %dma_wait3A_2240 = arith.constant 0 : i32
    %dma_wait3A_2241 = tpu.memref_slice %arg8[%add3A_2201, %dma_wait3A_2240] : memref<8192x128xf32, #tpu.memory_space<vmem_shared>> -> memref<64x128xf32, #tpu.memory_space<vmem_shared>>
    %dma_wait3A_2242 = arith.constant 0 : i32
    %dma_wait3A_2243 = tpu.memref_slice %arg8[%add3A_2201, %dma_wait3A_2242] : memref<8192x128xf32, #tpu.memory_space<vmem_shared>> -> memref<64x128xf32, #tpu.memory_space<vmem_shared>>
    tpu.wait_dma2 semaphore(%arg11 : memref<!tpu.dma_semaphore, #tpu.memory_space<semaphore_mem>>) src(%arg7 : memref<64x128xf32, #tpu.memory_space<vmem>>) dst(%dma_wait3A_2243 : memref<64x128xf32, #tpu.memory_space<vmem_shared>>)
    %dma_wait3A_2244 = arith.constant 0 : i32
    %dma_wait3A_2245 = tpu.memref_slice %arg8[%add3A_2207, %dma_wait3A_2244] : memref<8192x128xf32, #tpu.memory_space<vmem_shared>> -> memref<64x128xf32, #tpu.memory_space<vmem_shared>>
    %dma_wait3A_2246 = arith.constant 0 : i32
    %dma_wait3A_2247 = tpu.memref_slice %arg8[%add3A_2207, %dma_wait3A_2246] : memref<8192x128xf32, #tpu.memory_space<vmem_shared>> -> memref<64x128xf32, #tpu.memory_space<vmem_shared>>
    tpu.wait_dma2 semaphore(%arg11 : memref<!tpu.dma_semaphore, #tpu.memory_space<semaphore_mem>>) src(%arg7 : memref<64x128xf32, #tpu.memory_space<vmem>>) dst(%dma_wait3A_2247 : memref<64x128xf32, #tpu.memory_space<vmem_shared>>)
    %dma_wait3A_2248 = arith.constant 0 : i32
    %dma_wait3A_2249 = tpu.memref_slice %arg8[%add3A_2213, %dma_wait3A_2248] : memref<8192x128xf32, #tpu.memory_space<vmem_shared>> -> memref<64x128xf32, #tpu.memory_space<vmem_shared>>
    %dma_wait3A_2250 = arith.constant 0 : i32
    %dma_wait3A_2251 = tpu.memref_slice %arg8[%add3A_2213, %dma_wait3A_2250] : memref<8192x128xf32, #tpu.memory_space<vmem_shared>> -> memref<64x128xf32, #tpu.memory_space<vmem_shared>>
    tpu.wait_dma2 semaphore(%arg11 : memref<!tpu.dma_semaphore, #tpu.memory_space<semaphore_mem>>) src(%arg7 : memref<64x128xf32, #tpu.memory_space<vmem>>) dst(%dma_wait3A_2251 : memref<64x128xf32, #tpu.memory_space<vmem_shared>>)
    %dma_wait3A_2252 = arith.constant 0 : i32
    %dma_wait3A_2253 = tpu.memref_slice %arg8[%add3A_2219, %dma_wait3A_2252] : memref<8192x128xf32, #tpu.memory_space<vmem_shared>> -> memref<64x128xf32, #tpu.memory_space<vmem_shared>>
    %dma_wait3A_2254 = arith.constant 0 : i32
    %dma_wait3A_2255 = tpu.memref_slice %arg8[%add3A_2219, %dma_wait3A_2254] : memref<8192x128xf32, #tpu.memory_space<vmem_shared>> -> memref<64x128xf32, #tpu.memory_space<vmem_shared>>
    tpu.wait_dma2 semaphore(%arg11 : memref<!tpu.dma_semaphore, #tpu.memory_space<semaphore_mem>>) src(%arg7 : memref<64x128xf32, #tpu.memory_space<vmem>>) dst(%dma_wait3A_2255 : memref<64x128xf32, #tpu.memory_space<vmem_shared>>)
    %barrier3A_2256 = arith.constant 0 : index
    tpu.barrier barrier_id(%barrier3A_2256)
    %dma_wait3A_2257 = arith.constant 0 : i32
    %dma_wait3A_2258 = arith.constant 0 : i32
    %dma_wait3A_2259 = arith.constant 0 : i32
    %dma_wait3A_2260 = arith.constant 0 : i32
    %dma_wait3A_2261 = tpu.memref_slice %arg6[%dma_wait3A_2257, %dma_wait3A_2259, %dma_wait3A_2260] : memref<3x128x128xf32, #tpu.memory_space<vmem>> -> memref<1x128x128xf32, #tpu.memory_space<vmem>>
    %dma_wait3A_2262 = tpu.memref_squeeze %dma_wait3A_2261 : memref<1x128x128xf32, #tpu.memory_space<vmem>> -> memref<128x128xf32, #tpu.memory_space<vmem>>
    %dma_wait3A_2263 = tpu.memref_slice %arg2[%multiple_of3A_2048, %multiple_of3A_2055] : memref<16384x1024xf32, #tpu.memory_space<hbm>> -> memref<128x128xf32, #tpu.memory_space<hbm>>
    %dma_wait3A_2264 = tpu.memref_slice %arg9[%dma_wait3A_2258] : memref<3x!tpu.dma_semaphore, #tpu.memory_space<semaphore_mem>> -> memref<1x!tpu.dma_semaphore, #tpu.memory_space<semaphore_mem>>
    %dma_wait3A_2265 = tpu.memref_squeeze %dma_wait3A_2264 : memref<1x!tpu.dma_semaphore, #tpu.memory_space<semaphore_mem>> -> memref<!tpu.dma_semaphore, #tpu.memory_space<semaphore_mem>>
    %dma_wait3A_2266 = arith.constant 0 : i32
    %dma_wait3A_2267 = arith.constant 0 : i32
    %dma_wait3A_2268 = tpu.memref_slice %arg6[%dma_wait3A_2257, %dma_wait3A_2266, %dma_wait3A_2267] : memref<3x128x128xf32, #tpu.memory_space<vmem>> -> memref<1x128x128xf32, #tpu.memory_space<vmem>>
    %dma_wait3A_2269 = tpu.memref_squeeze %dma_wait3A_2268 : memref<1x128x128xf32, #tpu.memory_space<vmem>> -> memref<128x128xf32, #tpu.memory_space<vmem>>
    %dma_wait3A_2270 = tpu.memref_slice %arg2[%multiple_of3A_2048, %multiple_of3A_2055] : memref<16384x1024xf32, #tpu.memory_space<hbm>> -> memref<128x128xf32, #tpu.memory_space<hbm>>
    tpu.wait_dma2 semaphore(%dma_wait3A_2265 : memref<!tpu.dma_semaphore, #tpu.memory_space<semaphore_mem>>) src(%dma_wait3A_2270 : memref<128x128xf32, #tpu.memory_space<hbm>>) dst(%dma_wait3A_2269 : memref<128x128xf32, #tpu.memory_space<vmem>>)
    %dma_start3A_2271 = arith.constant 0 : i32
    %dma_start3A_2272 = arith.constant 0 : i32
    %dma_start3A_2273 = arith.constant 0 : i32
    %dma_start3A_2274 = arith.constant 0 : i32
    %dma_start3A_2275 = arith.constant 0 : i32
    %dma_start3A_2276 = tpu.memref_slice %arg6[%dma_start3A_2271, %dma_start3A_2274, %dma_start3A_2275] : memref<3x128x128xf32, #tpu.memory_space<vmem>> -> memref<1x128x128xf32, #tpu.memory_space<vmem>>
    %dma_start3A_2277 = tpu.memref_squeeze %dma_start3A_2276 : memref<1x128x128xf32, #tpu.memory_space<vmem>> -> memref<128x128xf32, #tpu.memory_space<vmem>>
    %dma_start3A_2278 = arith.constant 0 : i32
    %dma_start3A_2279 = tpu.memref_slice %arg5[%dma_start3A_2272, %dma_start3A_2278] : memref<8x128xi32, #tpu.memory_space<vmem>> -> memref<1x128xi32, #tpu.memory_space<vmem>>
    %dma_start3A_2280 = tpu.memref_squeeze %dma_start3A_2279 : memref<1x128xi32, #tpu.memory_space<vmem>> -> memref<128xi32, #tpu.memory_space<vmem>>
    %dma_start3A_2281 = arith.constant 0 : i32
    %dma_start3A_2282 = arith.constant 0 : i32
    %dma_start3A_2283 = tpu.memref_slice %arg8[%dma_start3A_2281, %dma_start3A_2282] : memref<8192x128xf32, #tpu.memory_space<vmem_shared>> -> memref<8192x128xf32, #tpu.memory_space<vmem_shared>>
    %dma_start3A_2284 = tpu.memref_slice %arg10[%dma_start3A_2273] : memref<3x!tpu.dma_semaphore, #tpu.memory_space<semaphore_mem>> -> memref<1x!tpu.dma_semaphore, #tpu.memory_space<semaphore_mem>>
    %dma_start3A_2285 = tpu.memref_squeeze %dma_start3A_2284 : memref<1x!tpu.dma_semaphore, #tpu.memory_space<semaphore_mem>> -> memref<!tpu.dma_semaphore, #tpu.memory_space<semaphore_mem>>
    tpu.enqueue_indirect_dma source(%dma_start3A_2277 : memref<128x128xf32, #tpu.memory_space<vmem>>) target(%dma_start3A_2283 : memref<8192x128xf32, #tpu.memory_space<vmem_shared>>) offsets(%dma_start3A_2280 : memref<128xi32, #tpu.memory_space<vmem>>) semaphore(%dma_start3A_2285 : memref<!tpu.dma_semaphore, #tpu.memory_space<semaphore_mem>>) {add = true}
    %dma_wait3A_2286 = arith.constant 0 : i32
    %dma_wait3A_2287 = arith.constant 0 : i32
    %dma_wait3A_2288 = arith.constant 0 : i32
    %dma_wait3A_2289 = arith.constant 0 : i32
    %dma_wait3A_2290 = arith.constant 0 : i32
    %dma_wait3A_2291 = tpu.memref_slice %arg6[%dma_wait3A_2286, %dma_wait3A_2289, %dma_wait3A_2290] : memref<3x128x128xf32, #tpu.memory_space<vmem>> -> memref<1x128x128xf32, #tpu.memory_space<vmem>>
    %dma_wait3A_2292 = tpu.memref_squeeze %dma_wait3A_2291 : memref<1x128x128xf32, #tpu.memory_space<vmem>> -> memref<128x128xf32, #tpu.memory_space<vmem>>
    %dma_wait3A_2293 = arith.constant 0 : i32
    %dma_wait3A_2294 = tpu.memref_slice %arg5[%dma_wait3A_2287, %dma_wait3A_2293] : memref<8x128xi32, #tpu.memory_space<vmem>> -> memref<1x128xi32, #tpu.memory_space<vmem>>
    %dma_wait3A_2295 = tpu.memref_squeeze %dma_wait3A_2294 : memref<1x128xi32, #tpu.memory_space<vmem>> -> memref<128xi32, #tpu.memory_space<vmem>>
    %dma_wait3A_2296 = arith.constant 0 : i32
    %dma_wait3A_2297 = arith.constant 0 : i32
    %dma_wait3A_2298 = tpu.memref_slice %arg8[%dma_wait3A_2296, %dma_wait3A_2297] : memref<8192x128xf32, #tpu.memory_space<vmem_shared>> -> memref<8192x128xf32, #tpu.memory_space<vmem_shared>>
    %dma_wait3A_2299 = tpu.memref_slice %arg10[%dma_wait3A_2288] : memref<3x!tpu.dma_semaphore, #tpu.memory_space<semaphore_mem>> -> memref<1x!tpu.dma_semaphore, #tpu.memory_space<semaphore_mem>>
    %dma_wait3A_2300 = tpu.memref_squeeze %dma_wait3A_2299 : memref<1x!tpu.dma_semaphore, #tpu.memory_space<semaphore_mem>> -> memref<!tpu.dma_semaphore, #tpu.memory_space<semaphore_mem>>
    tpu.wait_indirect_dma semaphore(%dma_wait3A_2300 : memref<!tpu.dma_semaphore, #tpu.memory_space<semaphore_mem>>) src(%dma_wait3A_2292 : memref<128x128xf32, #tpu.memory_space<vmem>>) dst(%dma_wait3A_2298 : memref<8192x128xf32, #tpu.memory_space<vmem_shared>>)
    %mul3A_2301 = arith.constant 1024 : i32
    %mul3A_2302 = arith.muli %arg1, %mul3A_2301 : i32
    %add3A_2303 = arith.constant 384 : i32
    %add3A_2304 = arith.addi %mul3A_2302, %add3A_2303 : i32
    %multiple_of3A_2305 = tpu.assume_multiple %add3A_2304, 128 : i32
    %mul3A_2306 = arith.constant 4 : i32
    %mul3A_2307 = arith.muli %arg0, %mul3A_2306 : i32
    %add3A_2308 = arith.constant 3 : i32
    %add3A_2309 = arith.addi %mul3A_2307, %add3A_2308 : i32
    %mul3A_2310 = arith.constant 128 : i32
    %mul3A_2311 = arith.muli %add3A_2309, %mul3A_2310 : i32
    %multiple_of3A_2312 = tpu.assume_multiple %mul3A_2311, 128 : i32
    %dma_start3A_2313 = arith.constant 0 : i32
    %dma_start3A_2314 = arith.constant 0 : i32
    %dma_start3A_2315 = arith.constant 0 : i32
    %dma_start3A_2316 = arith.constant 0 : i32
    %dma_start3A_2317 = tpu.memref_slice %arg6[%dma_start3A_2313, %dma_start3A_2315, %dma_start3A_2316] : memref<3x128x128xf32, #tpu.memory_space<vmem>> -> memref<1x128x128xf32, #tpu.memory_space<vmem>>
    %dma_start3A_2318 = tpu.memref_squeeze %dma_start3A_2317 : memref<1x128x128xf32, #tpu.memory_space<vmem>> -> memref<128x128xf32, #tpu.memory_space<vmem>>
    %dma_start3A_2319 = tpu.memref_slice %arg2[%multiple_of3A_2305, %multiple_of3A_2312] : memref<16384x1024xf32, #tpu.memory_space<hbm>> -> memref<128x128xf32, #tpu.memory_space<hbm>>
    %dma_start3A_2320 = tpu.memref_slice %arg9[%dma_start3A_2314] : memref<3x!tpu.dma_semaphore, #tpu.memory_space<semaphore_mem>> -> memref<1x!tpu.dma_semaphore, #tpu.memory_space<semaphore_mem>>
    %dma_start3A_2321 = tpu.memref_squeeze %dma_start3A_2320 : memref<1x!tpu.dma_semaphore, #tpu.memory_space<semaphore_mem>> -> memref<!tpu.dma_semaphore, #tpu.memory_space<semaphore_mem>>
    %dma_start3A_2322 = arith.constant 0 : i32
    %dma_start3A_2323 = arith.constant 0 : i32
    %dma_start3A_2324 = tpu.memref_slice %arg6[%dma_start3A_2313, %dma_start3A_2322, %dma_start3A_2323] : memref<3x128x128xf32, #tpu.memory_space<vmem>> -> memref<1x128x128xf32, #tpu.memory_space<vmem>>
    %dma_start3A_2325 = tpu.memref_squeeze %dma_start3A_2324 : memref<1x128x128xf32, #tpu.memory_space<vmem>> -> memref<128x128xf32, #tpu.memory_space<vmem>>
    %dma_start3A_2326 = tpu.memref_slice %arg2[%multiple_of3A_2305, %multiple_of3A_2312] : memref<16384x1024xf32, #tpu.memory_space<hbm>> -> memref<128x128xf32, #tpu.memory_space<hbm>>
    tpu.enqueue_dma source(%dma_start3A_2326 : memref<128x128xf32, #tpu.memory_space<hbm>>) target(%dma_start3A_2325 : memref<128x128xf32, #tpu.memory_space<vmem>>) target_semaphore(%dma_start3A_2321 : memref<!tpu.dma_semaphore, #tpu.memory_space<semaphore_mem>>)
    %dma_wait3A_2327 = arith.constant 1 : i32
    %dma_wait3A_2328 = arith.constant 1 : i32
    %dma_wait3A_2329 = arith.constant 0 : i32
    %dma_wait3A_2330 = arith.constant 0 : i32
    %dma_wait3A_2331 = tpu.memref_slice %arg6[%dma_wait3A_2327, %dma_wait3A_2329, %dma_wait3A_2330] : memref<3x128x128xf32, #tpu.memory_space<vmem>> -> memref<1x128x128xf32, #tpu.memory_space<vmem>>
    %dma_wait3A_2332 = tpu.memref_squeeze %dma_wait3A_2331 : memref<1x128x128xf32, #tpu.memory_space<vmem>> -> memref<128x128xf32, #tpu.memory_space<vmem>>
    %dma_wait3A_2333 = tpu.memref_slice %arg2[%multiple_of3A_2074, %multiple_of3A_2081] : memref<16384x1024xf32, #tpu.memory_space<hbm>> -> memref<128x128xf32, #tpu.memory_space<hbm>>
    %dma_wait3A_2334 = tpu.memref_slice %arg9[%dma_wait3A_2328] : memref<3x!tpu.dma_semaphore, #tpu.memory_space<semaphore_mem>> -> memref<1x!tpu.dma_semaphore, #tpu.memory_space<semaphore_mem>>
    %dma_wait3A_2335 = tpu.memref_squeeze %dma_wait3A_2334 : memref<1x!tpu.dma_semaphore, #tpu.memory_space<semaphore_mem>> -> memref<!tpu.dma_semaphore, #tpu.memory_space<semaphore_mem>>
    %dma_wait3A_2336 = arith.constant 0 : i32
    %dma_wait3A_2337 = arith.constant 0 : i32
    %dma_wait3A_2338 = tpu.memref_slice %arg6[%dma_wait3A_2327, %dma_wait3A_2336, %dma_wait3A_2337] : memref<3x128x128xf32, #tpu.memory_space<vmem>> -> memref<1x128x128xf32, #tpu.memory_space<vmem>>
    %dma_wait3A_2339 = tpu.memref_squeeze %dma_wait3A_2338 : memref<1x128x128xf32, #tpu.memory_space<vmem>> -> memref<128x128xf32, #tpu.memory_space<vmem>>
    %dma_wait3A_2340 = tpu.memref_slice %arg2[%multiple_of3A_2074, %multiple_of3A_2081] : memref<16384x1024xf32, #tpu.memory_space<hbm>> -> memref<128x128xf32, #tpu.memory_space<hbm>>
    tpu.wait_dma2 semaphore(%dma_wait3A_2335 : memref<!tpu.dma_semaphore, #tpu.memory_space<semaphore_mem>>) src(%dma_wait3A_2340 : memref<128x128xf32, #tpu.memory_space<hbm>>) dst(%dma_wait3A_2339 : memref<128x128xf32, #tpu.memory_space<vmem>>)
    %dma_start3A_2341 = arith.constant 1 : i32
    %dma_start3A_2342 = arith.constant 1 : i32
    %dma_start3A_2343 = arith.constant 1 : i32
    %dma_start3A_2344 = arith.constant 0 : i32
    %dma_start3A_2345 = arith.constant 0 : i32
    %dma_start3A_2346 = tpu.memref_slice %arg6[%dma_start3A_2341, %dma_start3A_2344, %dma_start3A_2345] : memref<3x128x128xf32, #tpu.memory_space<vmem>> -> memref<1x128x128xf32, #tpu.memory_space<vmem>>
    %dma_start3A_2347 = tpu.memref_squeeze %dma_start3A_2346 : memref<1x128x128xf32, #tpu.memory_space<vmem>> -> memref<128x128xf32, #tpu.memory_space<vmem>>
    %dma_start3A_2348 = arith.constant 0 : i32
    %dma_start3A_2349 = tpu.memref_slice %arg5[%dma_start3A_2342, %dma_start3A_2348] : memref<8x128xi32, #tpu.memory_space<vmem>> -> memref<1x128xi32, #tpu.memory_space<vmem>>
    %dma_start3A_2350 = tpu.memref_squeeze %dma_start3A_2349 : memref<1x128xi32, #tpu.memory_space<vmem>> -> memref<128xi32, #tpu.memory_space<vmem>>
    %dma_start3A_2351 = arith.constant 0 : i32
    %dma_start3A_2352 = arith.constant 0 : i32
    %dma_start3A_2353 = tpu.memref_slice %arg8[%dma_start3A_2351, %dma_start3A_2352] : memref<8192x128xf32, #tpu.memory_space<vmem_shared>> -> memref<8192x128xf32, #tpu.memory_space<vmem_shared>>
    %dma_start3A_2354 = tpu.memref_slice %arg10[%dma_start3A_2343] : memref<3x!tpu.dma_semaphore, #tpu.memory_space<semaphore_mem>> -> memref<1x!tpu.dma_semaphore, #tpu.memory_space<semaphore_mem>>
    %dma_start3A_2355 = tpu.memref_squeeze %dma_start3A_2354 : memref<1x!tpu.dma_semaphore, #tpu.memory_space<semaphore_mem>> -> memref<!tpu.dma_semaphore, #tpu.memory_space<semaphore_mem>>
    tpu.enqueue_indirect_dma source(%dma_start3A_2347 : memref<128x128xf32, #tpu.memory_space<vmem>>) target(%dma_start3A_2353 : memref<8192x128xf32, #tpu.memory_space<vmem_shared>>) offsets(%dma_start3A_2350 : memref<128xi32, #tpu.memory_space<vmem>>) semaphore(%dma_start3A_2355 : memref<!tpu.dma_semaphore, #tpu.memory_space<semaphore_mem>>) {add = true}
    %dma_wait3A_2356 = arith.constant 1 : i32
    %dma_wait3A_2357 = arith.constant 1 : i32
    %dma_wait3A_2358 = arith.constant 1 : i32
    %dma_wait3A_2359 = arith.constant 0 : i32
    %dma_wait3A_2360 = arith.constant 0 : i32
    %dma_wait3A_2361 = tpu.memref_slice %arg6[%dma_wait3A_2356, %dma_wait3A_2359, %dma_wait3A_2360] : memref<3x128x128xf32, #tpu.memory_space<vmem>> -> memref<1x128x128xf32, #tpu.memory_space<vmem>>
    %dma_wait3A_2362 = tpu.memref_squeeze %dma_wait3A_2361 : memref<1x128x128xf32, #tpu.memory_space<vmem>> -> memref<128x128xf32, #tpu.memory_space<vmem>>
    %dma_wait3A_2363 = arith.constant 0 : i32
    %dma_wait3A_2364 = tpu.memref_slice %arg5[%dma_wait3A_2357, %dma_wait3A_2363] : memref<8x128xi32, #tpu.memory_space<vmem>> -> memref<1x128xi32, #tpu.memory_space<vmem>>
    %dma_wait3A_2365 = tpu.memref_squeeze %dma_wait3A_2364 : memref<1x128xi32, #tpu.memory_space<vmem>> -> memref<128xi32, #tpu.memory_space<vmem>>
    %dma_wait3A_2366 = arith.constant 0 : i32
    %dma_wait3A_2367 = arith.constant 0 : i32
    %dma_wait3A_2368 = tpu.memref_slice %arg8[%dma_wait3A_2366, %dma_wait3A_2367] : memref<8192x128xf32, #tpu.memory_space<vmem_shared>> -> memref<8192x128xf32, #tpu.memory_space<vmem_shared>>
    %dma_wait3A_2369 = tpu.memref_slice %arg10[%dma_wait3A_2358] : memref<3x!tpu.dma_semaphore, #tpu.memory_space<semaphore_mem>> -> memref<1x!tpu.dma_semaphore, #tpu.memory_space<semaphore_mem>>
    %dma_wait3A_2370 = tpu.memref_squeeze %dma_wait3A_2369 : memref<1x!tpu.dma_semaphore, #tpu.memory_space<semaphore_mem>> -> memref<!tpu.dma_semaphore, #tpu.memory_space<semaphore_mem>>
    tpu.wait_indirect_dma semaphore(%dma_wait3A_2370 : memref<!tpu.dma_semaphore, #tpu.memory_space<semaphore_mem>>) src(%dma_wait3A_2362 : memref<128x128xf32, #tpu.memory_space<vmem>>) dst(%dma_wait3A_2368 : memref<8192x128xf32, #tpu.memory_space<vmem_shared>>)
    %mul3A_2371 = arith.constant 1024 : i32
    %mul3A_2372 = arith.muli %arg1, %mul3A_2371 : i32
    %add3A_2373 = arith.constant 512 : i32
    %add3A_2374 = arith.addi %mul3A_2372, %add3A_2373 : i32
    %multiple_of3A_2375 = tpu.assume_multiple %add3A_2374, 128 : i32
    %mul3A_2376 = arith.constant 4 : i32
    %mul3A_2377 = arith.muli %arg0, %mul3A_2376 : i32
    %add3A_2378 = arith.constant 3 : i32
    %add3A_2379 = arith.addi %mul3A_2377, %add3A_2378 : i32
    %mul3A_2380 = arith.constant 128 : i32
    %mul3A_2381 = arith.muli %add3A_2379, %mul3A_2380 : i32
    %multiple_of3A_2382 = tpu.assume_multiple %mul3A_2381, 128 : i32
    %dma_start3A_2383 = arith.constant 1 : i32
    %dma_start3A_2384 = arith.constant 1 : i32
    %dma_start3A_2385 = arith.constant 0 : i32
    %dma_start3A_2386 = arith.constant 0 : i32
    %dma_start3A_2387 = tpu.memref_slice %arg6[%dma_start3A_2383, %dma_start3A_2385, %dma_start3A_2386] : memref<3x128x128xf32, #tpu.memory_space<vmem>> -> memref<1x128x128xf32, #tpu.memory_space<vmem>>
    %dma_start3A_2388 = tpu.memref_squeeze %dma_start3A_2387 : memref<1x128x128xf32, #tpu.memory_space<vmem>> -> memref<128x128xf32, #tpu.memory_space<vmem>>
    %dma_start3A_2389 = tpu.memref_slice %arg2[%multiple_of3A_2375, %multiple_of3A_2382] : memref<16384x1024xf32, #tpu.memory_space<hbm>> -> memref<128x128xf32, #tpu.memory_space<hbm>>
    %dma_start3A_2390 = tpu.memref_slice %arg9[%dma_start3A_2384] : memref<3x!tpu.dma_semaphore, #tpu.memory_space<semaphore_mem>> -> memref<1x!tpu.dma_semaphore, #tpu.memory_space<semaphore_mem>>
    %dma_start3A_2391 = tpu.memref_squeeze %dma_start3A_2390 : memref<1x!tpu.dma_semaphore, #tpu.memory_space<semaphore_mem>> -> memref<!tpu.dma_semaphore, #tpu.memory_space<semaphore_mem>>
    %dma_start3A_2392 = arith.constant 0 : i32
    %dma_start3A_2393 = arith.constant 0 : i32
    %dma_start3A_2394 = tpu.memref_slice %arg6[%dma_start3A_2383, %dma_start3A_2392, %dma_start3A_2393] : memref<3x128x128xf32, #tpu.memory_space<vmem>> -> memref<1x128x128xf32, #tpu.memory_space<vmem>>
    %dma_start3A_2395 = tpu.memref_squeeze %dma_start3A_2394 : memref<1x128x128xf32, #tpu.memory_space<vmem>> -> memref<128x128xf32, #tpu.memory_space<vmem>>
    %dma_start3A_2396 = tpu.memref_slice %arg2[%multiple_of3A_2375, %multiple_of3A_2382] : memref<16384x1024xf32, #tpu.memory_space<hbm>> -> memref<128x128xf32, #tpu.memory_space<hbm>>
    tpu.enqueue_dma source(%dma_start3A_2396 : memref<128x128xf32, #tpu.memory_space<hbm>>) target(%dma_start3A_2395 : memref<128x128xf32, #tpu.memory_space<vmem>>) target_semaphore(%dma_start3A_2391 : memref<!tpu.dma_semaphore, #tpu.memory_space<semaphore_mem>>)
    %dma_wait3A_2397 = arith.constant 2 : i32
    %dma_wait3A_2398 = arith.constant 2 : i32
    %dma_wait3A_2399 = arith.constant 0 : i32
    %dma_wait3A_2400 = arith.constant 0 : i32
    %dma_wait3A_2401 = tpu.memref_slice %arg6[%dma_wait3A_2397, %dma_wait3A_2399, %dma_wait3A_2400] : memref<3x128x128xf32, #tpu.memory_space<vmem>> -> memref<1x128x128xf32, #tpu.memory_space<vmem>>
    %dma_wait3A_2402 = tpu.memref_squeeze %dma_wait3A_2401 : memref<1x128x128xf32, #tpu.memory_space<vmem>> -> memref<128x128xf32, #tpu.memory_space<vmem>>
    %dma_wait3A_2403 = tpu.memref_slice %arg2[%multiple_of3A_2100, %multiple_of3A_2107] : memref<16384x1024xf32, #tpu.memory_space<hbm>> -> memref<128x128xf32, #tpu.memory_space<hbm>>
    %dma_wait3A_2404 = tpu.memref_slice %arg9[%dma_wait3A_2398] : memref<3x!tpu.dma_semaphore, #tpu.memory_space<semaphore_mem>> -> memref<1x!tpu.dma_semaphore, #tpu.memory_space<semaphore_mem>>
    %dma_wait3A_2405 = tpu.memref_squeeze %dma_wait3A_2404 : memref<1x!tpu.dma_semaphore, #tpu.memory_space<semaphore_mem>> -> memref<!tpu.dma_semaphore, #tpu.memory_space<semaphore_mem>>
    %dma_wait3A_2406 = arith.constant 0 : i32
    %dma_wait3A_2407 = arith.constant 0 : i32
    %dma_wait3A_2408 = tpu.memref_slice %arg6[%dma_wait3A_2397, %dma_wait3A_2406, %dma_wait3A_2407] : memref<3x128x128xf32, #tpu.memory_space<vmem>> -> memref<1x128x128xf32, #tpu.memory_space<vmem>>
    %dma_wait3A_2409 = tpu.memref_squeeze %dma_wait3A_2408 : memref<1x128x128xf32, #tpu.memory_space<vmem>> -> memref<128x128xf32, #tpu.memory_space<vmem>>
    %dma_wait3A_2410 = tpu.memref_slice %arg2[%multiple_of3A_2100, %multiple_of3A_2107] : memref<16384x1024xf32, #tpu.memory_space<hbm>> -> memref<128x128xf32, #tpu.memory_space<hbm>>
    tpu.wait_dma2 semaphore(%dma_wait3A_2405 : memref<!tpu.dma_semaphore, #tpu.memory_space<semaphore_mem>>) src(%dma_wait3A_2410 : memref<128x128xf32, #tpu.memory_space<hbm>>) dst(%dma_wait3A_2409 : memref<128x128xf32, #tpu.memory_space<vmem>>)
    %dma_start3A_2411 = arith.constant 2 : i32
    %dma_start3A_2412 = arith.constant 2 : i32
    %dma_start3A_2413 = arith.constant 2 : i32
    %dma_start3A_2414 = arith.constant 0 : i32
    %dma_start3A_2415 = arith.constant 0 : i32
    %dma_start3A_2416 = tpu.memref_slice %arg6[%dma_start3A_2411, %dma_start3A_2414, %dma_start3A_2415] : memref<3x128x128xf32, #tpu.memory_space<vmem>> -> memref<1x128x128xf32, #tpu.memory_space<vmem>>
    %dma_start3A_2417 = tpu.memref_squeeze %dma_start3A_2416 : memref<1x128x128xf32, #tpu.memory_space<vmem>> -> memref<128x128xf32, #tpu.memory_space<vmem>>
    %dma_start3A_2418 = arith.constant 0 : i32
    %dma_start3A_2419 = tpu.memref_slice %arg5[%dma_start3A_2412, %dma_start3A_2418] : memref<8x128xi32, #tpu.memory_space<vmem>> -> memref<1x128xi32, #tpu.memory_space<vmem>>
    %dma_start3A_2420 = tpu.memref_squeeze %dma_start3A_2419 : memref<1x128xi32, #tpu.memory_space<vmem>> -> memref<128xi32, #tpu.memory_space<vmem>>
    %dma_start3A_2421 = arith.constant 0 : i32
    %dma_start3A_2422 = arith.constant 0 : i32
    %dma_start3A_2423 = tpu.memref_slice %arg8[%dma_start3A_2421, %dma_start3A_2422] : memref<8192x128xf32, #tpu.memory_space<vmem_shared>> -> memref<8192x128xf32, #tpu.memory_space<vmem_shared>>
    %dma_start3A_2424 = tpu.memref_slice %arg10[%dma_start3A_2413] : memref<3x!tpu.dma_semaphore, #tpu.memory_space<semaphore_mem>> -> memref<1x!tpu.dma_semaphore, #tpu.memory_space<semaphore_mem>>
    %dma_start3A_2425 = tpu.memref_squeeze %dma_start3A_2424 : memref<1x!tpu.dma_semaphore, #tpu.memory_space<semaphore_mem>> -> memref<!tpu.dma_semaphore, #tpu.memory_space<semaphore_mem>>
    tpu.enqueue_indirect_dma source(%dma_start3A_2417 : memref<128x128xf32, #tpu.memory_space<vmem>>) target(%dma_start3A_2423 : memref<8192x128xf32, #tpu.memory_space<vmem_shared>>) offsets(%dma_start3A_2420 : memref<128xi32, #tpu.memory_space<vmem>>) semaphore(%dma_start3A_2425 : memref<!tpu.dma_semaphore, #tpu.memory_space<semaphore_mem>>) {add = true}
    %dma_wait3A_2426 = arith.constant 2 : i32
    %dma_wait3A_2427 = arith.constant 2 : i32
    %dma_wait3A_2428 = arith.constant 2 : i32
    %dma_wait3A_2429 = arith.constant 0 : i32
    %dma_wait3A_2430 = arith.constant 0 : i32
    %dma_wait3A_2431 = tpu.memref_slice %arg6[%dma_wait3A_2426, %dma_wait3A_2429, %dma_wait3A_2430] : memref<3x128x128xf32, #tpu.memory_space<vmem>> -> memref<1x128x128xf32, #tpu.memory_space<vmem>>
    %dma_wait3A_2432 = tpu.memref_squeeze %dma_wait3A_2431 : memref<1x128x128xf32, #tpu.memory_space<vmem>> -> memref<128x128xf32, #tpu.memory_space<vmem>>
    %dma_wait3A_2433 = arith.constant 0 : i32
    %dma_wait3A_2434 = tpu.memref_slice %arg5[%dma_wait3A_2427, %dma_wait3A_2433] : memref<8x128xi32, #tpu.memory_space<vmem>> -> memref<1x128xi32, #tpu.memory_space<vmem>>
    %dma_wait3A_2435 = tpu.memref_squeeze %dma_wait3A_2434 : memref<1x128xi32, #tpu.memory_space<vmem>> -> memref<128xi32, #tpu.memory_space<vmem>>
    %dma_wait3A_2436 = arith.constant 0 : i32
    %dma_wait3A_2437 = arith.constant 0 : i32
    %dma_wait3A_2438 = tpu.memref_slice %arg8[%dma_wait3A_2436, %dma_wait3A_2437] : memref<8192x128xf32, #tpu.memory_space<vmem_shared>> -> memref<8192x128xf32, #tpu.memory_space<vmem_shared>>
    %dma_wait3A_2439 = tpu.memref_slice %arg10[%dma_wait3A_2428] : memref<3x!tpu.dma_semaphore, #tpu.memory_space<semaphore_mem>> -> memref<1x!tpu.dma_semaphore, #tpu.memory_space<semaphore_mem>>
    %dma_wait3A_2440 = tpu.memref_squeeze %dma_wait3A_2439 : memref<1x!tpu.dma_semaphore, #tpu.memory_space<semaphore_mem>> -> memref<!tpu.dma_semaphore, #tpu.memory_space<semaphore_mem>>
    tpu.wait_indirect_dma semaphore(%dma_wait3A_2440 : memref<!tpu.dma_semaphore, #tpu.memory_space<semaphore_mem>>) src(%dma_wait3A_2432 : memref<128x128xf32, #tpu.memory_space<vmem>>) dst(%dma_wait3A_2438 : memref<8192x128xf32, #tpu.memory_space<vmem_shared>>)
    %mul3A_2441 = arith.constant 1024 : i32
    %mul3A_2442 = arith.muli %arg1, %mul3A_2441 : i32
    %add3A_2443 = arith.constant 640 : i32
    %add3A_2444 = arith.addi %mul3A_2442, %add3A_2443 : i32
    %multiple_of3A_2445 = tpu.assume_multiple %add3A_2444, 128 : i32
    %mul3A_2446 = arith.constant 4 : i32
    %mul3A_2447 = arith.muli %arg0, %mul3A_2446 : i32
    %add3A_2448 = arith.constant 3 : i32
    %add3A_2449 = arith.addi %mul3A_2447, %add3A_2448 : i32
    %mul3A_2450 = arith.constant 128 : i32
    %mul3A_2451 = arith.muli %add3A_2449, %mul3A_2450 : i32
    %multiple_of3A_2452 = tpu.assume_multiple %mul3A_2451, 128 : i32
    %dma_start3A_2453 = arith.constant 2 : i32
    %dma_start3A_2454 = arith.constant 2 : i32
    %dma_start3A_2455 = arith.constant 0 : i32
    %dma_start3A_2456 = arith.constant 0 : i32
    %dma_start3A_2457 = tpu.memref_slice %arg6[%dma_start3A_2453, %dma_start3A_2455, %dma_start3A_2456] : memref<3x128x128xf32, #tpu.memory_space<vmem>> -> memref<1x128x128xf32, #tpu.memory_space<vmem>>
    %dma_start3A_2458 = tpu.memref_squeeze %dma_start3A_2457 : memref<1x128x128xf32, #tpu.memory_space<vmem>> -> memref<128x128xf32, #tpu.memory_space<vmem>>
    %dma_start3A_2459 = tpu.memref_slice %arg2[%multiple_of3A_2445, %multiple_of3A_2452] : memref<16384x1024xf32, #tpu.memory_space<hbm>> -> memref<128x128xf32, #tpu.memory_space<hbm>>
    %dma_start3A_2460 = tpu.memref_slice %arg9[%dma_start3A_2454] : memref<3x!tpu.dma_semaphore, #tpu.memory_space<semaphore_mem>> -> memref<1x!tpu.dma_semaphore, #tpu.memory_space<semaphore_mem>>
    %dma_start3A_2461 = tpu.memref_squeeze %dma_start3A_2460 : memref<1x!tpu.dma_semaphore, #tpu.memory_space<semaphore_mem>> -> memref<!tpu.dma_semaphore, #tpu.memory_space<semaphore_mem>>
    %dma_start3A_2462 = arith.constant 0 : i32
    %dma_start3A_2463 = arith.constant 0 : i32
    %dma_start3A_2464 = tpu.memref_slice %arg6[%dma_start3A_2453, %dma_start3A_2462, %dma_start3A_2463] : memref<3x128x128xf32, #tpu.memory_space<vmem>> -> memref<1x128x128xf32, #tpu.memory_space<vmem>>
    %dma_start3A_2465 = tpu.memref_squeeze %dma_start3A_2464 : memref<1x128x128xf32, #tpu.memory_space<vmem>> -> memref<128x128xf32, #tpu.memory_space<vmem>>
    %dma_start3A_2466 = tpu.memref_slice %arg2[%multiple_of3A_2445, %multiple_of3A_2452] : memref<16384x1024xf32, #tpu.memory_space<hbm>> -> memref<128x128xf32, #tpu.memory_space<hbm>>
    tpu.enqueue_dma source(%dma_start3A_2466 : memref<128x128xf32, #tpu.memory_space<hbm>>) target(%dma_start3A_2465 : memref<128x128xf32, #tpu.memory_space<vmem>>) target_semaphore(%dma_start3A_2461 : memref<!tpu.dma_semaphore, #tpu.memory_space<semaphore_mem>>)
    %dma_wait3A_2467 = arith.constant 0 : i32
    %dma_wait3A_2468 = arith.constant 0 : i32
    %dma_wait3A_2469 = arith.constant 0 : i32
    %dma_wait3A_2470 = arith.constant 0 : i32
    %dma_wait3A_2471 = tpu.memref_slice %arg6[%dma_wait3A_2467, %dma_wait3A_2469, %dma_wait3A_2470] : memref<3x128x128xf32, #tpu.memory_space<vmem>> -> memref<1x128x128xf32, #tpu.memory_space<vmem>>
    %dma_wait3A_2472 = tpu.memref_squeeze %dma_wait3A_2471 : memref<1x128x128xf32, #tpu.memory_space<vmem>> -> memref<128x128xf32, #tpu.memory_space<vmem>>
    %dma_wait3A_2473 = tpu.memref_slice %arg2[%multiple_of3A_2305, %multiple_of3A_2312] : memref<16384x1024xf32, #tpu.memory_space<hbm>> -> memref<128x128xf32, #tpu.memory_space<hbm>>
    %dma_wait3A_2474 = tpu.memref_slice %arg9[%dma_wait3A_2468] : memref<3x!tpu.dma_semaphore, #tpu.memory_space<semaphore_mem>> -> memref<1x!tpu.dma_semaphore, #tpu.memory_space<semaphore_mem>>
    %dma_wait3A_2475 = tpu.memref_squeeze %dma_wait3A_2474 : memref<1x!tpu.dma_semaphore, #tpu.memory_space<semaphore_mem>> -> memref<!tpu.dma_semaphore, #tpu.memory_space<semaphore_mem>>
    %dma_wait3A_2476 = arith.constant 0 : i32
    %dma_wait3A_2477 = arith.constant 0 : i32
    %dma_wait3A_2478 = tpu.memref_slice %arg6[%dma_wait3A_2467, %dma_wait3A_2476, %dma_wait3A_2477] : memref<3x128x128xf32, #tpu.memory_space<vmem>> -> memref<1x128x128xf32, #tpu.memory_space<vmem>>
    %dma_wait3A_2479 = tpu.memref_squeeze %dma_wait3A_2478 : memref<1x128x128xf32, #tpu.memory_space<vmem>> -> memref<128x128xf32, #tpu.memory_space<vmem>>
    %dma_wait3A_2480 = tpu.memref_slice %arg2[%multiple_of3A_2305, %multiple_of3A_2312] : memref<16384x1024xf32, #tpu.memory_space<hbm>> -> memref<128x128xf32, #tpu.memory_space<hbm>>
    tpu.wait_dma2 semaphore(%dma_wait3A_2475 : memref<!tpu.dma_semaphore, #tpu.memory_space<semaphore_mem>>) src(%dma_wait3A_2480 : memref<128x128xf32, #tpu.memory_space<hbm>>) dst(%dma_wait3A_2479 : memref<128x128xf32, #tpu.memory_space<vmem>>)
    %dma_start3A_2481 = arith.constant 0 : i32
    %dma_start3A_2482 = arith.constant 3 : i32
    %dma_start3A_2483 = arith.constant 0 : i32
    %dma_start3A_2484 = arith.constant 0 : i32
    %dma_start3A_2485 = arith.constant 0 : i32
    %dma_start3A_2486 = tpu.memref_slice %arg6[%dma_start3A_2481, %dma_start3A_2484, %dma_start3A_2485] : memref<3x128x128xf32, #tpu.memory_space<vmem>> -> memref<1x128x128xf32, #tpu.memory_space<vmem>>
    %dma_start3A_2487 = tpu.memref_squeeze %dma_start3A_2486 : memref<1x128x128xf32, #tpu.memory_space<vmem>> -> memref<128x128xf32, #tpu.memory_space<vmem>>
    %dma_start3A_2488 = arith.constant 0 : i32
    %dma_start3A_2489 = tpu.memref_slice %arg5[%dma_start3A_2482, %dma_start3A_2488] : memref<8x128xi32, #tpu.memory_space<vmem>> -> memref<1x128xi32, #tpu.memory_space<vmem>>
    %dma_start3A_2490 = tpu.memref_squeeze %dma_start3A_2489 : memref<1x128xi32, #tpu.memory_space<vmem>> -> memref<128xi32, #tpu.memory_space<vmem>>
    %dma_start3A_2491 = arith.constant 0 : i32
    %dma_start3A_2492 = arith.constant 0 : i32
    %dma_start3A_2493 = tpu.memref_slice %arg8[%dma_start3A_2491, %dma_start3A_2492] : memref<8192x128xf32, #tpu.memory_space<vmem_shared>> -> memref<8192x128xf32, #tpu.memory_space<vmem_shared>>
    %dma_start3A_2494 = tpu.memref_slice %arg10[%dma_start3A_2483] : memref<3x!tpu.dma_semaphore, #tpu.memory_space<semaphore_mem>> -> memref<1x!tpu.dma_semaphore, #tpu.memory_space<semaphore_mem>>
    %dma_start3A_2495 = tpu.memref_squeeze %dma_start3A_2494 : memref<1x!tpu.dma_semaphore, #tpu.memory_space<semaphore_mem>> -> memref<!tpu.dma_semaphore, #tpu.memory_space<semaphore_mem>>
    tpu.enqueue_indirect_dma source(%dma_start3A_2487 : memref<128x128xf32, #tpu.memory_space<vmem>>) target(%dma_start3A_2493 : memref<8192x128xf32, #tpu.memory_space<vmem_shared>>) offsets(%dma_start3A_2490 : memref<128xi32, #tpu.memory_space<vmem>>) semaphore(%dma_start3A_2495 : memref<!tpu.dma_semaphore, #tpu.memory_space<semaphore_mem>>) {add = true}
    %dma_wait3A_2496 = arith.constant 0 : i32
    %dma_wait3A_2497 = arith.constant 3 : i32
    %dma_wait3A_2498 = arith.constant 0 : i32
    %dma_wait3A_2499 = arith.constant 0 : i32
    %dma_wait3A_2500 = arith.constant 0 : i32
    %dma_wait3A_2501 = tpu.memref_slice %arg6[%dma_wait3A_2496, %dma_wait3A_2499, %dma_wait3A_2500] : memref<3x128x128xf32, #tpu.memory_space<vmem>> -> memref<1x128x128xf32, #tpu.memory_space<vmem>>
    %dma_wait3A_2502 = tpu.memref_squeeze %dma_wait3A_2501 : memref<1x128x128xf32, #tpu.memory_space<vmem>> -> memref<128x128xf32, #tpu.memory_space<vmem>>
    %dma_wait3A_2503 = arith.constant 0 : i32
    %dma_wait3A_2504 = tpu.memref_slice %arg5[%dma_wait3A_2497, %dma_wait3A_2503] : memref<8x128xi32, #tpu.memory_space<vmem>> -> memref<1x128xi32, #tpu.memory_space<vmem>>
    %dma_wait3A_2505 = tpu.memref_squeeze %dma_wait3A_2504 : memref<1x128xi32, #tpu.memory_space<vmem>> -> memref<128xi32, #tpu.memory_space<vmem>>
    %dma_wait3A_2506 = arith.constant 0 : i32
    %dma_wait3A_2507 = arith.constant 0 : i32
    %dma_wait3A_2508 = tpu.memref_slice %arg8[%dma_wait3A_2506, %dma_wait3A_2507] : memref<8192x128xf32, #tpu.memory_space<vmem_shared>> -> memref<8192x128xf32, #tpu.memory_space<vmem_shared>>
    %dma_wait3A_2509 = tpu.memref_slice %arg10[%dma_wait3A_2498] : memref<3x!tpu.dma_semaphore, #tpu.memory_space<semaphore_mem>> -> memref<1x!tpu.dma_semaphore, #tpu.memory_space<semaphore_mem>>
    %dma_wait3A_2510 = tpu.memref_squeeze %dma_wait3A_2509 : memref<1x!tpu.dma_semaphore, #tpu.memory_space<semaphore_mem>> -> memref<!tpu.dma_semaphore, #tpu.memory_space<semaphore_mem>>
    tpu.wait_indirect_dma semaphore(%dma_wait3A_2510 : memref<!tpu.dma_semaphore, #tpu.memory_space<semaphore_mem>>) src(%dma_wait3A_2502 : memref<128x128xf32, #tpu.memory_space<vmem>>) dst(%dma_wait3A_2508 : memref<8192x128xf32, #tpu.memory_space<vmem_shared>>)
    %mul3A_2511 = arith.constant 1024 : i32
    %mul3A_2512 = arith.muli %arg1, %mul3A_2511 : i32
    %add3A_2513 = arith.constant 768 : i32
    %add3A_2514 = arith.addi %mul3A_2512, %add3A_2513 : i32
    %multiple_of3A_2515 = tpu.assume_multiple %add3A_2514, 128 : i32
    %mul3A_2516 = arith.constant 4 : i32
    %mul3A_2517 = arith.muli %arg0, %mul3A_2516 : i32
    %add3A_2518 = arith.constant 3 : i32
    %add3A_2519 = arith.addi %mul3A_2517, %add3A_2518 : i32
    %mul3A_2520 = arith.constant 128 : i32
    %mul3A_2521 = arith.muli %add3A_2519, %mul3A_2520 : i32
    %multiple_of3A_2522 = tpu.assume_multiple %mul3A_2521, 128 : i32
    %dma_start3A_2523 = arith.constant 0 : i32
    %dma_start3A_2524 = arith.constant 0 : i32
    %dma_start3A_2525 = arith.constant 0 : i32
    %dma_start3A_2526 = arith.constant 0 : i32
    %dma_start3A_2527 = tpu.memref_slice %arg6[%dma_start3A_2523, %dma_start3A_2525, %dma_start3A_2526] : memref<3x128x128xf32, #tpu.memory_space<vmem>> -> memref<1x128x128xf32, #tpu.memory_space<vmem>>
    %dma_start3A_2528 = tpu.memref_squeeze %dma_start3A_2527 : memref<1x128x128xf32, #tpu.memory_space<vmem>> -> memref<128x128xf32, #tpu.memory_space<vmem>>
    %dma_start3A_2529 = tpu.memref_slice %arg2[%multiple_of3A_2515, %multiple_of3A_2522] : memref<16384x1024xf32, #tpu.memory_space<hbm>> -> memref<128x128xf32, #tpu.memory_space<hbm>>
    %dma_start3A_2530 = tpu.memref_slice %arg9[%dma_start3A_2524] : memref<3x!tpu.dma_semaphore, #tpu.memory_space<semaphore_mem>> -> memref<1x!tpu.dma_semaphore, #tpu.memory_space<semaphore_mem>>
    %dma_start3A_2531 = tpu.memref_squeeze %dma_start3A_2530 : memref<1x!tpu.dma_semaphore, #tpu.memory_space<semaphore_mem>> -> memref<!tpu.dma_semaphore, #tpu.memory_space<semaphore_mem>>
    %dma_start3A_2532 = arith.constant 0 : i32
    %dma_start3A_2533 = arith.constant 0 : i32
    %dma_start3A_2534 = tpu.memref_slice %arg6[%dma_start3A_2523, %dma_start3A_2532, %dma_start3A_2533] : memref<3x128x128xf32, #tpu.memory_space<vmem>> -> memref<1x128x128xf32, #tpu.memory_space<vmem>>
    %dma_start3A_2535 = tpu.memref_squeeze %dma_start3A_2534 : memref<1x128x128xf32, #tpu.memory_space<vmem>> -> memref<128x128xf32, #tpu.memory_space<vmem>>
    %dma_start3A_2536 = tpu.memref_slice %arg2[%multiple_of3A_2515, %multiple_of3A_2522] : memref<16384x1024xf32, #tpu.memory_space<hbm>> -> memref<128x128xf32, #tpu.memory_space<hbm>>
    tpu.enqueue_dma source(%dma_start3A_2536 : memref<128x128xf32, #tpu.memory_space<hbm>>) target(%dma_start3A_2535 : memref<128x128xf32, #tpu.memory_space<vmem>>) target_semaphore(%dma_start3A_2531 : memref<!tpu.dma_semaphore, #tpu.memory_space<semaphore_mem>>)
    %dma_wait3A_2537 = arith.constant 1 : i32
    %dma_wait3A_2538 = arith.constant 1 : i32
    %dma_wait3A_2539 = arith.constant 0 : i32
    %dma_wait3A_2540 = arith.constant 0 : i32
    %dma_wait3A_2541 = tpu.memref_slice %arg6[%dma_wait3A_2537, %dma_wait3A_2539, %dma_wait3A_2540] : memref<3x128x128xf32, #tpu.memory_space<vmem>> -> memref<1x128x128xf32, #tpu.memory_space<vmem>>
    %dma_wait3A_2542 = tpu.memref_squeeze %dma_wait3A_2541 : memref<1x128x128xf32, #tpu.memory_space<vmem>> -> memref<128x128xf32, #tpu.memory_space<vmem>>
    %dma_wait3A_2543 = tpu.memref_slice %arg2[%multiple_of3A_2375, %multiple_of3A_2382] : memref<16384x1024xf32, #tpu.memory_space<hbm>> -> memref<128x128xf32, #tpu.memory_space<hbm>>
    %dma_wait3A_2544 = tpu.memref_slice %arg9[%dma_wait3A_2538] : memref<3x!tpu.dma_semaphore, #tpu.memory_space<semaphore_mem>> -> memref<1x!tpu.dma_semaphore, #tpu.memory_space<semaphore_mem>>
    %dma_wait3A_2545 = tpu.memref_squeeze %dma_wait3A_2544 : memref<1x!tpu.dma_semaphore, #tpu.memory_space<semaphore_mem>> -> memref<!tpu.dma_semaphore, #tpu.memory_space<semaphore_mem>>
    %dma_wait3A_2546 = arith.constant 0 : i32
    %dma_wait3A_2547 = arith.constant 0 : i32
    %dma_wait3A_2548 = tpu.memref_slice %arg6[%dma_wait3A_2537, %dma_wait3A_2546, %dma_wait3A_2547] : memref<3x128x128xf32, #tpu.memory_space<vmem>> -> memref<1x128x128xf32, #tpu.memory_space<vmem>>
    %dma_wait3A_2549 = tpu.memref_squeeze %dma_wait3A_2548 : memref<1x128x128xf32, #tpu.memory_space<vmem>> -> memref<128x128xf32, #tpu.memory_space<vmem>>
    %dma_wait3A_2550 = tpu.memref_slice %arg2[%multiple_of3A_2375, %multiple_of3A_2382] : memref<16384x1024xf32, #tpu.memory_space<hbm>> -> memref<128x128xf32, #tpu.memory_space<hbm>>
    tpu.wait_dma2 semaphore(%dma_wait3A_2545 : memref<!tpu.dma_semaphore, #tpu.memory_space<semaphore_mem>>) src(%dma_wait3A_2550 : memref<128x128xf32, #tpu.memory_space<hbm>>) dst(%dma_wait3A_2549 : memref<128x128xf32, #tpu.memory_space<vmem>>)
    %dma_start3A_2551 = arith.constant 1 : i32
    %dma_start3A_2552 = arith.constant 4 : i32
    %dma_start3A_2553 = arith.constant 1 : i32
    %dma_start3A_2554 = arith.constant 0 : i32
    %dma_start3A_2555 = arith.constant 0 : i32
    %dma_start3A_2556 = tpu.memref_slice %arg6[%dma_start3A_2551, %dma_start3A_2554, %dma_start3A_2555] : memref<3x128x128xf32, #tpu.memory_space<vmem>> -> memref<1x128x128xf32, #tpu.memory_space<vmem>>
    %dma_start3A_2557 = tpu.memref_squeeze %dma_start3A_2556 : memref<1x128x128xf32, #tpu.memory_space<vmem>> -> memref<128x128xf32, #tpu.memory_space<vmem>>
    %dma_start3A_2558 = arith.constant 0 : i32
    %dma_start3A_2559 = tpu.memref_slice %arg5[%dma_start3A_2552, %dma_start3A_2558] : memref<8x128xi32, #tpu.memory_space<vmem>> -> memref<1x128xi32, #tpu.memory_space<vmem>>
    %dma_start3A_2560 = tpu.memref_squeeze %dma_start3A_2559 : memref<1x128xi32, #tpu.memory_space<vmem>> -> memref<128xi32, #tpu.memory_space<vmem>>
    %dma_start3A_2561 = arith.constant 0 : i32
    %dma_start3A_2562 = arith.constant 0 : i32
    %dma_start3A_2563 = tpu.memref_slice %arg8[%dma_start3A_2561, %dma_start3A_2562] : memref<8192x128xf32, #tpu.memory_space<vmem_shared>> -> memref<8192x128xf32, #tpu.memory_space<vmem_shared>>
    %dma_start3A_2564 = tpu.memref_slice %arg10[%dma_start3A_2553] : memref<3x!tpu.dma_semaphore, #tpu.memory_space<semaphore_mem>> -> memref<1x!tpu.dma_semaphore, #tpu.memory_space<semaphore_mem>>
    %dma_start3A_2565 = tpu.memref_squeeze %dma_start3A_2564 : memref<1x!tpu.dma_semaphore, #tpu.memory_space<semaphore_mem>> -> memref<!tpu.dma_semaphore, #tpu.memory_space<semaphore_mem>>
    tpu.enqueue_indirect_dma source(%dma_start3A_2557 : memref<128x128xf32, #tpu.memory_space<vmem>>) target(%dma_start3A_2563 : memref<8192x128xf32, #tpu.memory_space<vmem_shared>>) offsets(%dma_start3A_2560 : memref<128xi32, #tpu.memory_space<vmem>>) semaphore(%dma_start3A_2565 : memref<!tpu.dma_semaphore, #tpu.memory_space<semaphore_mem>>) {add = true}
    %dma_wait3A_2566 = arith.constant 1 : i32
    %dma_wait3A_2567 = arith.constant 4 : i32
    %dma_wait3A_2568 = arith.constant 1 : i32
    %dma_wait3A_2569 = arith.constant 0 : i32
    %dma_wait3A_2570 = arith.constant 0 : i32
    %dma_wait3A_2571 = tpu.memref_slice %arg6[%dma_wait3A_2566, %dma_wait3A_2569, %dma_wait3A_2570] : memref<3x128x128xf32, #tpu.memory_space<vmem>> -> memref<1x128x128xf32, #tpu.memory_space<vmem>>
    %dma_wait3A_2572 = tpu.memref_squeeze %dma_wait3A_2571 : memref<1x128x128xf32, #tpu.memory_space<vmem>> -> memref<128x128xf32, #tpu.memory_space<vmem>>
    %dma_wait3A_2573 = arith.constant 0 : i32
    %dma_wait3A_2574 = tpu.memref_slice %arg5[%dma_wait3A_2567, %dma_wait3A_2573] : memref<8x128xi32, #tpu.memory_space<vmem>> -> memref<1x128xi32, #tpu.memory_space<vmem>>
    %dma_wait3A_2575 = tpu.memref_squeeze %dma_wait3A_2574 : memref<1x128xi32, #tpu.memory_space<vmem>> -> memref<128xi32, #tpu.memory_space<vmem>>
    %dma_wait3A_2576 = arith.constant 0 : i32
    %dma_wait3A_2577 = arith.constant 0 : i32
    %dma_wait3A_2578 = tpu.memref_slice %arg8[%dma_wait3A_2576, %dma_wait3A_2577] : memref<8192x128xf32, #tpu.memory_space<vmem_shared>> -> memref<8192x128xf32, #tpu.memory_space<vmem_shared>>
    %dma_wait3A_2579 = tpu.memref_slice %arg10[%dma_wait3A_2568] : memref<3x!tpu.dma_semaphore, #tpu.memory_space<semaphore_mem>> -> memref<1x!tpu.dma_semaphore, #tpu.memory_space<semaphore_mem>>
    %dma_wait3A_2580 = tpu.memref_squeeze %dma_wait3A_2579 : memref<1x!tpu.dma_semaphore, #tpu.memory_space<semaphore_mem>> -> memref<!tpu.dma_semaphore, #tpu.memory_space<semaphore_mem>>
    tpu.wait_indirect_dma semaphore(%dma_wait3A_2580 : memref<!tpu.dma_semaphore, #tpu.memory_space<semaphore_mem>>) src(%dma_wait3A_2572 : memref<128x128xf32, #tpu.memory_space<vmem>>) dst(%dma_wait3A_2578 : memref<8192x128xf32, #tpu.memory_space<vmem_shared>>)
    %mul3A_2581 = arith.constant 1024 : i32
    %mul3A_2582 = arith.muli %arg1, %mul3A_2581 : i32
    %add3A_2583 = arith.constant 896 : i32
    %add3A_2584 = arith.addi %mul3A_2582, %add3A_2583 : i32
    %multiple_of3A_2585 = tpu.assume_multiple %add3A_2584, 128 : i32
    %mul3A_2586 = arith.constant 4 : i32
    %mul3A_2587 = arith.muli %arg0, %mul3A_2586 : i32
    %add3A_2588 = arith.constant 3 : i32
    %add3A_2589 = arith.addi %mul3A_2587, %add3A_2588 : i32
    %mul3A_2590 = arith.constant 128 : i32
    %mul3A_2591 = arith.muli %add3A_2589, %mul3A_2590 : i32
    %multiple_of3A_2592 = tpu.assume_multiple %mul3A_2591, 128 : i32
    %dma_start3A_2593 = arith.constant 1 : i32
    %dma_start3A_2594 = arith.constant 1 : i32
    %dma_start3A_2595 = arith.constant 0 : i32
    %dma_start3A_2596 = arith.constant 0 : i32
    %dma_start3A_2597 = tpu.memref_slice %arg6[%dma_start3A_2593, %dma_start3A_2595, %dma_start3A_2596] : memref<3x128x128xf32, #tpu.memory_space<vmem>> -> memref<1x128x128xf32, #tpu.memory_space<vmem>>
    %dma_start3A_2598 = tpu.memref_squeeze %dma_start3A_2597 : memref<1x128x128xf32, #tpu.memory_space<vmem>> -> memref<128x128xf32, #tpu.memory_space<vmem>>
    %dma_start3A_2599 = tpu.memref_slice %arg2[%multiple_of3A_2585, %multiple_of3A_2592] : memref<16384x1024xf32, #tpu.memory_space<hbm>> -> memref<128x128xf32, #tpu.memory_space<hbm>>
    %dma_start3A_2600 = tpu.memref_slice %arg9[%dma_start3A_2594] : memref<3x!tpu.dma_semaphore, #tpu.memory_space<semaphore_mem>> -> memref<1x!tpu.dma_semaphore, #tpu.memory_space<semaphore_mem>>
    %dma_start3A_2601 = tpu.memref_squeeze %dma_start3A_2600 : memref<1x!tpu.dma_semaphore, #tpu.memory_space<semaphore_mem>> -> memref<!tpu.dma_semaphore, #tpu.memory_space<semaphore_mem>>
    %dma_start3A_2602 = arith.constant 0 : i32
    %dma_start3A_2603 = arith.constant 0 : i32
    %dma_start3A_2604 = tpu.memref_slice %arg6[%dma_start3A_2593, %dma_start3A_2602, %dma_start3A_2603] : memref<3x128x128xf32, #tpu.memory_space<vmem>> -> memref<1x128x128xf32, #tpu.memory_space<vmem>>
    %dma_start3A_2605 = tpu.memref_squeeze %dma_start3A_2604 : memref<1x128x128xf32, #tpu.memory_space<vmem>> -> memref<128x128xf32, #tpu.memory_space<vmem>>
    %dma_start3A_2606 = tpu.memref_slice %arg2[%multiple_of3A_2585, %multiple_of3A_2592] : memref<16384x1024xf32, #tpu.memory_space<hbm>> -> memref<128x128xf32, #tpu.memory_space<hbm>>
    tpu.enqueue_dma source(%dma_start3A_2606 : memref<128x128xf32, #tpu.memory_space<hbm>>) target(%dma_start3A_2605 : memref<128x128xf32, #tpu.memory_space<vmem>>) target_semaphore(%dma_start3A_2601 : memref<!tpu.dma_semaphore, #tpu.memory_space<semaphore_mem>>)
    %dma_wait3A_2607 = arith.constant 2 : i32
    %dma_wait3A_2608 = arith.constant 2 : i32
    %dma_wait3A_2609 = arith.constant 0 : i32
    %dma_wait3A_2610 = arith.constant 0 : i32
    %dma_wait3A_2611 = tpu.memref_slice %arg6[%dma_wait3A_2607, %dma_wait3A_2609, %dma_wait3A_2610] : memref<3x128x128xf32, #tpu.memory_space<vmem>> -> memref<1x128x128xf32, #tpu.memory_space<vmem>>
    %dma_wait3A_2612 = tpu.memref_squeeze %dma_wait3A_2611 : memref<1x128x128xf32, #tpu.memory_space<vmem>> -> memref<128x128xf32, #tpu.memory_space<vmem>>
    %dma_wait3A_2613 = tpu.memref_slice %arg2[%multiple_of3A_2445, %multiple_of3A_2452] : memref<16384x1024xf32, #tpu.memory_space<hbm>> -> memref<128x128xf32, #tpu.memory_space<hbm>>
    %dma_wait3A_2614 = tpu.memref_slice %arg9[%dma_wait3A_2608] : memref<3x!tpu.dma_semaphore, #tpu.memory_space<semaphore_mem>> -> memref<1x!tpu.dma_semaphore, #tpu.memory_space<semaphore_mem>>
    %dma_wait3A_2615 = tpu.memref_squeeze %dma_wait3A_2614 : memref<1x!tpu.dma_semaphore, #tpu.memory_space<semaphore_mem>> -> memref<!tpu.dma_semaphore, #tpu.memory_space<semaphore_mem>>
    %dma_wait3A_2616 = arith.constant 0 : i32
    %dma_wait3A_2617 = arith.constant 0 : i32
    %dma_wait3A_2618 = tpu.memref_slice %arg6[%dma_wait3A_2607, %dma_wait3A_2616, %dma_wait3A_2617] : memref<3x128x128xf32, #tpu.memory_space<vmem>> -> memref<1x128x128xf32, #tpu.memory_space<vmem>>
    %dma_wait3A_2619 = tpu.memref_squeeze %dma_wait3A_2618 : memref<1x128x128xf32, #tpu.memory_space<vmem>> -> memref<128x128xf32, #tpu.memory_space<vmem>>
    %dma_wait3A_2620 = tpu.memref_slice %arg2[%multiple_of3A_2445, %multiple_of3A_2452] : memref<16384x1024xf32, #tpu.memory_space<hbm>> -> memref<128x128xf32, #tpu.memory_space<hbm>>
    tpu.wait_dma2 semaphore(%dma_wait3A_2615 : memref<!tpu.dma_semaphore, #tpu.memory_space<semaphore_mem>>) src(%dma_wait3A_2620 : memref<128x128xf32, #tpu.memory_space<hbm>>) dst(%dma_wait3A_2619 : memref<128x128xf32, #tpu.memory_space<vmem>>)
    %dma_start3A_2621 = arith.constant 2 : i32
    %dma_start3A_2622 = arith.constant 5 : i32
    %dma_start3A_2623 = arith.constant 2 : i32
    %dma_start3A_2624 = arith.constant 0 : i32
    %dma_start3A_2625 = arith.constant 0 : i32
    %dma_start3A_2626 = tpu.memref_slice %arg6[%dma_start3A_2621, %dma_start3A_2624, %dma_start3A_2625] : memref<3x128x128xf32, #tpu.memory_space<vmem>> -> memref<1x128x128xf32, #tpu.memory_space<vmem>>
    %dma_start3A_2627 = tpu.memref_squeeze %dma_start3A_2626 : memref<1x128x128xf32, #tpu.memory_space<vmem>> -> memref<128x128xf32, #tpu.memory_space<vmem>>
    %dma_start3A_2628 = arith.constant 0 : i32
    %dma_start3A_2629 = tpu.memref_slice %arg5[%dma_start3A_2622, %dma_start3A_2628] : memref<8x128xi32, #tpu.memory_space<vmem>> -> memref<1x128xi32, #tpu.memory_space<vmem>>
    %dma_start3A_2630 = tpu.memref_squeeze %dma_start3A_2629 : memref<1x128xi32, #tpu.memory_space<vmem>> -> memref<128xi32, #tpu.memory_space<vmem>>
    %dma_start3A_2631 = arith.constant 0 : i32
    %dma_start3A_2632 = arith.constant 0 : i32
    %dma_start3A_2633 = tpu.memref_slice %arg8[%dma_start3A_2631, %dma_start3A_2632] : memref<8192x128xf32, #tpu.memory_space<vmem_shared>> -> memref<8192x128xf32, #tpu.memory_space<vmem_shared>>
    %dma_start3A_2634 = tpu.memref_slice %arg10[%dma_start3A_2623] : memref<3x!tpu.dma_semaphore, #tpu.memory_space<semaphore_mem>> -> memref<1x!tpu.dma_semaphore, #tpu.memory_space<semaphore_mem>>
    %dma_start3A_2635 = tpu.memref_squeeze %dma_start3A_2634 : memref<1x!tpu.dma_semaphore, #tpu.memory_space<semaphore_mem>> -> memref<!tpu.dma_semaphore, #tpu.memory_space<semaphore_mem>>
    tpu.enqueue_indirect_dma source(%dma_start3A_2627 : memref<128x128xf32, #tpu.memory_space<vmem>>) target(%dma_start3A_2633 : memref<8192x128xf32, #tpu.memory_space<vmem_shared>>) offsets(%dma_start3A_2630 : memref<128xi32, #tpu.memory_space<vmem>>) semaphore(%dma_start3A_2635 : memref<!tpu.dma_semaphore, #tpu.memory_space<semaphore_mem>>) {add = true}
    %dma_wait3A_2636 = arith.constant 0 : i32
    %dma_wait3A_2637 = arith.constant 0 : i32
    %dma_wait3A_2638 = arith.constant 0 : i32
    %dma_wait3A_2639 = arith.constant 0 : i32
    %dma_wait3A_2640 = tpu.memref_slice %arg6[%dma_wait3A_2636, %dma_wait3A_2638, %dma_wait3A_2639] : memref<3x128x128xf32, #tpu.memory_space<vmem>> -> memref<1x128x128xf32, #tpu.memory_space<vmem>>
    %dma_wait3A_2641 = tpu.memref_squeeze %dma_wait3A_2640 : memref<1x128x128xf32, #tpu.memory_space<vmem>> -> memref<128x128xf32, #tpu.memory_space<vmem>>
    %dma_wait3A_2642 = tpu.memref_slice %arg2[%multiple_of3A_2515, %multiple_of3A_2522] : memref<16384x1024xf32, #tpu.memory_space<hbm>> -> memref<128x128xf32, #tpu.memory_space<hbm>>
    %dma_wait3A_2643 = tpu.memref_slice %arg9[%dma_wait3A_2637] : memref<3x!tpu.dma_semaphore, #tpu.memory_space<semaphore_mem>> -> memref<1x!tpu.dma_semaphore, #tpu.memory_space<semaphore_mem>>
    %dma_wait3A_2644 = tpu.memref_squeeze %dma_wait3A_2643 : memref<1x!tpu.dma_semaphore, #tpu.memory_space<semaphore_mem>> -> memref<!tpu.dma_semaphore, #tpu.memory_space<semaphore_mem>>
    %dma_wait3A_2645 = arith.constant 0 : i32
    %dma_wait3A_2646 = arith.constant 0 : i32
    %dma_wait3A_2647 = tpu.memref_slice %arg6[%dma_wait3A_2636, %dma_wait3A_2645, %dma_wait3A_2646] : memref<3x128x128xf32, #tpu.memory_space<vmem>> -> memref<1x128x128xf32, #tpu.memory_space<vmem>>
    %dma_wait3A_2648 = tpu.memref_squeeze %dma_wait3A_2647 : memref<1x128x128xf32, #tpu.memory_space<vmem>> -> memref<128x128xf32, #tpu.memory_space<vmem>>
    %dma_wait3A_2649 = tpu.memref_slice %arg2[%multiple_of3A_2515, %multiple_of3A_2522] : memref<16384x1024xf32, #tpu.memory_space<hbm>> -> memref<128x128xf32, #tpu.memory_space<hbm>>
    tpu.wait_dma2 semaphore(%dma_wait3A_2644 : memref<!tpu.dma_semaphore, #tpu.memory_space<semaphore_mem>>) src(%dma_wait3A_2649 : memref<128x128xf32, #tpu.memory_space<hbm>>) dst(%dma_wait3A_2648 : memref<128x128xf32, #tpu.memory_space<vmem>>)
    %dma_start3A_2650 = arith.constant 0 : i32
    %dma_start3A_2651 = arith.constant 6 : i32
    %dma_start3A_2652 = arith.constant 0 : i32
    %dma_start3A_2653 = arith.constant 0 : i32
    %dma_start3A_2654 = arith.constant 0 : i32
    %dma_start3A_2655 = tpu.memref_slice %arg6[%dma_start3A_2650, %dma_start3A_2653, %dma_start3A_2654] : memref<3x128x128xf32, #tpu.memory_space<vmem>> -> memref<1x128x128xf32, #tpu.memory_space<vmem>>
    %dma_start3A_2656 = tpu.memref_squeeze %dma_start3A_2655 : memref<1x128x128xf32, #tpu.memory_space<vmem>> -> memref<128x128xf32, #tpu.memory_space<vmem>>
    %dma_start3A_2657 = arith.constant 0 : i32
    %dma_start3A_2658 = tpu.memref_slice %arg5[%dma_start3A_2651, %dma_start3A_2657] : memref<8x128xi32, #tpu.memory_space<vmem>> -> memref<1x128xi32, #tpu.memory_space<vmem>>
    %dma_start3A_2659 = tpu.memref_squeeze %dma_start3A_2658 : memref<1x128xi32, #tpu.memory_space<vmem>> -> memref<128xi32, #tpu.memory_space<vmem>>
    %dma_start3A_2660 = arith.constant 0 : i32
    %dma_start3A_2661 = arith.constant 0 : i32
    %dma_start3A_2662 = tpu.memref_slice %arg8[%dma_start3A_2660, %dma_start3A_2661] : memref<8192x128xf32, #tpu.memory_space<vmem_shared>> -> memref<8192x128xf32, #tpu.memory_space<vmem_shared>>
    %dma_start3A_2663 = tpu.memref_slice %arg10[%dma_start3A_2652] : memref<3x!tpu.dma_semaphore, #tpu.memory_space<semaphore_mem>> -> memref<1x!tpu.dma_semaphore, #tpu.memory_space<semaphore_mem>>
    %dma_start3A_2664 = tpu.memref_squeeze %dma_start3A_2663 : memref<1x!tpu.dma_semaphore, #tpu.memory_space<semaphore_mem>> -> memref<!tpu.dma_semaphore, #tpu.memory_space<semaphore_mem>>
    tpu.enqueue_indirect_dma source(%dma_start3A_2656 : memref<128x128xf32, #tpu.memory_space<vmem>>) target(%dma_start3A_2662 : memref<8192x128xf32, #tpu.memory_space<vmem_shared>>) offsets(%dma_start3A_2659 : memref<128xi32, #tpu.memory_space<vmem>>) semaphore(%dma_start3A_2664 : memref<!tpu.dma_semaphore, #tpu.memory_space<semaphore_mem>>) {add = true}
    %dma_wait3A_2665 = arith.constant 1 : i32
    %dma_wait3A_2666 = arith.constant 1 : i32
    %dma_wait3A_2667 = arith.constant 0 : i32
    %dma_wait3A_2668 = arith.constant 0 : i32
    %dma_wait3A_2669 = tpu.memref_slice %arg6[%dma_wait3A_2665, %dma_wait3A_2667, %dma_wait3A_2668] : memref<3x128x128xf32, #tpu.memory_space<vmem>> -> memref<1x128x128xf32, #tpu.memory_space<vmem>>
    %dma_wait3A_2670 = tpu.memref_squeeze %dma_wait3A_2669 : memref<1x128x128xf32, #tpu.memory_space<vmem>> -> memref<128x128xf32, #tpu.memory_space<vmem>>
    %dma_wait3A_2671 = tpu.memref_slice %arg2[%multiple_of3A_2585, %multiple_of3A_2592] : memref<16384x1024xf32, #tpu.memory_space<hbm>> -> memref<128x128xf32, #tpu.memory_space<hbm>>
    %dma_wait3A_2672 = tpu.memref_slice %arg9[%dma_wait3A_2666] : memref<3x!tpu.dma_semaphore, #tpu.memory_space<semaphore_mem>> -> memref<1x!tpu.dma_semaphore, #tpu.memory_space<semaphore_mem>>
    %dma_wait3A_2673 = tpu.memref_squeeze %dma_wait3A_2672 : memref<1x!tpu.dma_semaphore, #tpu.memory_space<semaphore_mem>> -> memref<!tpu.dma_semaphore, #tpu.memory_space<semaphore_mem>>
    %dma_wait3A_2674 = arith.constant 0 : i32
    %dma_wait3A_2675 = arith.constant 0 : i32
    %dma_wait3A_2676 = tpu.memref_slice %arg6[%dma_wait3A_2665, %dma_wait3A_2674, %dma_wait3A_2675] : memref<3x128x128xf32, #tpu.memory_space<vmem>> -> memref<1x128x128xf32, #tpu.memory_space<vmem>>
    %dma_wait3A_2677 = tpu.memref_squeeze %dma_wait3A_2676 : memref<1x128x128xf32, #tpu.memory_space<vmem>> -> memref<128x128xf32, #tpu.memory_space<vmem>>
    %dma_wait3A_2678 = tpu.memref_slice %arg2[%multiple_of3A_2585, %multiple_of3A_2592] : memref<16384x1024xf32, #tpu.memory_space<hbm>> -> memref<128x128xf32, #tpu.memory_space<hbm>>
    tpu.wait_dma2 semaphore(%dma_wait3A_2673 : memref<!tpu.dma_semaphore, #tpu.memory_space<semaphore_mem>>) src(%dma_wait3A_2678 : memref<128x128xf32, #tpu.memory_space<hbm>>) dst(%dma_wait3A_2677 : memref<128x128xf32, #tpu.memory_space<vmem>>)
    %dma_start3A_2679 = arith.constant 1 : i32
    %dma_start3A_2680 = arith.constant 7 : i32
    %dma_start3A_2681 = arith.constant 1 : i32
    %dma_start3A_2682 = arith.constant 0 : i32
    %dma_start3A_2683 = arith.constant 0 : i32
    %dma_start3A_2684 = tpu.memref_slice %arg6[%dma_start3A_2679, %dma_start3A_2682, %dma_start3A_2683] : memref<3x128x128xf32, #tpu.memory_space<vmem>> -> memref<1x128x128xf32, #tpu.memory_space<vmem>>
    %dma_start3A_2685 = tpu.memref_squeeze %dma_start3A_2684 : memref<1x128x128xf32, #tpu.memory_space<vmem>> -> memref<128x128xf32, #tpu.memory_space<vmem>>
    %dma_start3A_2686 = arith.constant 0 : i32
    %dma_start3A_2687 = tpu.memref_slice %arg5[%dma_start3A_2680, %dma_start3A_2686] : memref<8x128xi32, #tpu.memory_space<vmem>> -> memref<1x128xi32, #tpu.memory_space<vmem>>
    %dma_start3A_2688 = tpu.memref_squeeze %dma_start3A_2687 : memref<1x128xi32, #tpu.memory_space<vmem>> -> memref<128xi32, #tpu.memory_space<vmem>>
    %dma_start3A_2689 = arith.constant 0 : i32
    %dma_start3A_2690 = arith.constant 0 : i32
    %dma_start3A_2691 = tpu.memref_slice %arg8[%dma_start3A_2689, %dma_start3A_2690] : memref<8192x128xf32, #tpu.memory_space<vmem_shared>> -> memref<8192x128xf32, #tpu.memory_space<vmem_shared>>
    %dma_start3A_2692 = tpu.memref_slice %arg10[%dma_start3A_2681] : memref<3x!tpu.dma_semaphore, #tpu.memory_space<semaphore_mem>> -> memref<1x!tpu.dma_semaphore, #tpu.memory_space<semaphore_mem>>
    %dma_start3A_2693 = tpu.memref_squeeze %dma_start3A_2692 : memref<1x!tpu.dma_semaphore, #tpu.memory_space<semaphore_mem>> -> memref<!tpu.dma_semaphore, #tpu.memory_space<semaphore_mem>>
    tpu.enqueue_indirect_dma source(%dma_start3A_2685 : memref<128x128xf32, #tpu.memory_space<vmem>>) target(%dma_start3A_2691 : memref<8192x128xf32, #tpu.memory_space<vmem_shared>>) offsets(%dma_start3A_2688 : memref<128xi32, #tpu.memory_space<vmem>>) semaphore(%dma_start3A_2693 : memref<!tpu.dma_semaphore, #tpu.memory_space<semaphore_mem>>) {add = true}
    %dma_wait3A_2694 = arith.constant 2 : i32
    %dma_wait3A_2695 = arith.constant 5 : i32
    %dma_wait3A_2696 = arith.constant 2 : i32
    %dma_wait3A_2697 = arith.constant 0 : i32
    %dma_wait3A_2698 = arith.constant 0 : i32
    %dma_wait3A_2699 = tpu.memref_slice %arg6[%dma_wait3A_2694, %dma_wait3A_2697, %dma_wait3A_2698] : memref<3x128x128xf32, #tpu.memory_space<vmem>> -> memref<1x128x128xf32, #tpu.memory_space<vmem>>
    %dma_wait3A_2700 = tpu.memref_squeeze %dma_wait3A_2699 : memref<1x128x128xf32, #tpu.memory_space<vmem>> -> memref<128x128xf32, #tpu.memory_space<vmem>>
    %dma_wait3A_2701 = arith.constant 0 : i32
    %dma_wait3A_2702 = tpu.memref_slice %arg5[%dma_wait3A_2695, %dma_wait3A_2701] : memref<8x128xi32, #tpu.memory_space<vmem>> -> memref<1x128xi32, #tpu.memory_space<vmem>>
    %dma_wait3A_2703 = tpu.memref_squeeze %dma_wait3A_2702 : memref<1x128xi32, #tpu.memory_space<vmem>> -> memref<128xi32, #tpu.memory_space<vmem>>
    %dma_wait3A_2704 = arith.constant 0 : i32
    %dma_wait3A_2705 = arith.constant 0 : i32
    %dma_wait3A_2706 = tpu.memref_slice %arg8[%dma_wait3A_2704, %dma_wait3A_2705] : memref<8192x128xf32, #tpu.memory_space<vmem_shared>> -> memref<8192x128xf32, #tpu.memory_space<vmem_shared>>
    %dma_wait3A_2707 = tpu.memref_slice %arg10[%dma_wait3A_2696] : memref<3x!tpu.dma_semaphore, #tpu.memory_space<semaphore_mem>> -> memref<1x!tpu.dma_semaphore, #tpu.memory_space<semaphore_mem>>
    %dma_wait3A_2708 = tpu.memref_squeeze %dma_wait3A_2707 : memref<1x!tpu.dma_semaphore, #tpu.memory_space<semaphore_mem>> -> memref<!tpu.dma_semaphore, #tpu.memory_space<semaphore_mem>>
    tpu.wait_indirect_dma semaphore(%dma_wait3A_2708 : memref<!tpu.dma_semaphore, #tpu.memory_space<semaphore_mem>>) src(%dma_wait3A_2700 : memref<128x128xf32, #tpu.memory_space<vmem>>) dst(%dma_wait3A_2706 : memref<8192x128xf32, #tpu.memory_space<vmem_shared>>)
    %dma_wait3A_2709 = arith.constant 0 : i32
    %dma_wait3A_2710 = arith.constant 6 : i32
    %dma_wait3A_2711 = arith.constant 0 : i32
    %dma_wait3A_2712 = arith.constant 0 : i32
    %dma_wait3A_2713 = arith.constant 0 : i32
    %dma_wait3A_2714 = tpu.memref_slice %arg6[%dma_wait3A_2709, %dma_wait3A_2712, %dma_wait3A_2713] : memref<3x128x128xf32, #tpu.memory_space<vmem>> -> memref<1x128x128xf32, #tpu.memory_space<vmem>>
    %dma_wait3A_2715 = tpu.memref_squeeze %dma_wait3A_2714 : memref<1x128x128xf32, #tpu.memory_space<vmem>> -> memref<128x128xf32, #tpu.memory_space<vmem>>
    %dma_wait3A_2716 = arith.constant 0 : i32
    %dma_wait3A_2717 = tpu.memref_slice %arg5[%dma_wait3A_2710, %dma_wait3A_2716] : memref<8x128xi32, #tpu.memory_space<vmem>> -> memref<1x128xi32, #tpu.memory_space<vmem>>
    %dma_wait3A_2718 = tpu.memref_squeeze %dma_wait3A_2717 : memref<1x128xi32, #tpu.memory_space<vmem>> -> memref<128xi32, #tpu.memory_space<vmem>>
    %dma_wait3A_2719 = arith.constant 0 : i32
    %dma_wait3A_2720 = arith.constant 0 : i32
    %dma_wait3A_2721 = tpu.memref_slice %arg8[%dma_wait3A_2719, %dma_wait3A_2720] : memref<8192x128xf32, #tpu.memory_space<vmem_shared>> -> memref<8192x128xf32, #tpu.memory_space<vmem_shared>>
    %dma_wait3A_2722 = tpu.memref_slice %arg10[%dma_wait3A_2711] : memref<3x!tpu.dma_semaphore, #tpu.memory_space<semaphore_mem>> -> memref<1x!tpu.dma_semaphore, #tpu.memory_space<semaphore_mem>>
    %dma_wait3A_2723 = tpu.memref_squeeze %dma_wait3A_2722 : memref<1x!tpu.dma_semaphore, #tpu.memory_space<semaphore_mem>> -> memref<!tpu.dma_semaphore, #tpu.memory_space<semaphore_mem>>
    tpu.wait_indirect_dma semaphore(%dma_wait3A_2723 : memref<!tpu.dma_semaphore, #tpu.memory_space<semaphore_mem>>) src(%dma_wait3A_2715 : memref<128x128xf32, #tpu.memory_space<vmem>>) dst(%dma_wait3A_2721 : memref<8192x128xf32, #tpu.memory_space<vmem_shared>>)
    %dma_wait3A_2724 = arith.constant 1 : i32
    %dma_wait3A_2725 = arith.constant 7 : i32
    %dma_wait3A_2726 = arith.constant 1 : i32
    %dma_wait3A_2727 = arith.constant 0 : i32
    %dma_wait3A_2728 = arith.constant 0 : i32
    %dma_wait3A_2729 = tpu.memref_slice %arg6[%dma_wait3A_2724, %dma_wait3A_2727, %dma_wait3A_2728] : memref<3x128x128xf32, #tpu.memory_space<vmem>> -> memref<1x128x128xf32, #tpu.memory_space<vmem>>
    %dma_wait3A_2730 = tpu.memref_squeeze %dma_wait3A_2729 : memref<1x128x128xf32, #tpu.memory_space<vmem>> -> memref<128x128xf32, #tpu.memory_space<vmem>>
    %dma_wait3A_2731 = arith.constant 0 : i32
    %dma_wait3A_2732 = tpu.memref_slice %arg5[%dma_wait3A_2725, %dma_wait3A_2731] : memref<8x128xi32, #tpu.memory_space<vmem>> -> memref<1x128xi32, #tpu.memory_space<vmem>>
    %dma_wait3A_2733 = tpu.memref_squeeze %dma_wait3A_2732 : memref<1x128xi32, #tpu.memory_space<vmem>> -> memref<128xi32, #tpu.memory_space<vmem>>
    %dma_wait3A_2734 = arith.constant 0 : i32
    %dma_wait3A_2735 = arith.constant 0 : i32
    %dma_wait3A_2736 = tpu.memref_slice %arg8[%dma_wait3A_2734, %dma_wait3A_2735] : memref<8192x128xf32, #tpu.memory_space<vmem_shared>> -> memref<8192x128xf32, #tpu.memory_space<vmem_shared>>
    %dma_wait3A_2737 = tpu.memref_slice %arg10[%dma_wait3A_2726] : memref<3x!tpu.dma_semaphore, #tpu.memory_space<semaphore_mem>> -> memref<1x!tpu.dma_semaphore, #tpu.memory_space<semaphore_mem>>
    %dma_wait3A_2738 = tpu.memref_squeeze %dma_wait3A_2737 : memref<1x!tpu.dma_semaphore, #tpu.memory_space<semaphore_mem>> -> memref<!tpu.dma_semaphore, #tpu.memory_space<semaphore_mem>>
    tpu.wait_indirect_dma semaphore(%dma_wait3A_2738 : memref<!tpu.dma_semaphore, #tpu.memory_space<semaphore_mem>>) src(%dma_wait3A_2730 : memref<128x128xf32, #tpu.memory_space<vmem>>) dst(%dma_wait3A_2736 : memref<8192x128xf32, #tpu.memory_space<vmem_shared>>)
    %barrier3A_2739 = arith.constant 0 : index
    tpu.barrier barrier_id(%barrier3A_2739)
    %add3A_2740 = arith.constant 0 : i32
    %add3A_2741 = arith.addi %multiple_of3A, %add3A_2740 : i32
    %add3A_2742 = arith.constant 0 : i32
    %add3A_2743 = arith.addi %multiple_of3A, %add3A_2742 : i32
    %mul3A_2744 = arith.constant 4 : i32
    %mul3A_2745 = arith.muli %arg0, %mul3A_2744 : i32
    %add3A_2746 = arith.constant 3 : i32
    %add3A_2747 = arith.addi %mul3A_2745, %add3A_2746 : i32
    %mul3A_2748 = arith.constant 128 : i32
    %mul3A_2749 = arith.muli %add3A_2747, %mul3A_2748 : i32
    %multiple_of3A_2750 = tpu.assume_multiple %mul3A_2749, 128 : i32
    %dma_start3A_2751 = arith.constant 0 : i32
    %dma_start3A_2752 = tpu.memref_slice %arg12[%dma_start3A_2751] : memref<2x!tpu.dma_semaphore, #tpu.memory_space<semaphore_mem>> -> memref<1x!tpu.dma_semaphore, #tpu.memory_space<semaphore_mem>>
    %dma_start3A_2753 = tpu.memref_squeeze %dma_start3A_2752 : memref<1x!tpu.dma_semaphore, #tpu.memory_space<semaphore_mem>> -> memref<!tpu.dma_semaphore, #tpu.memory_space<semaphore_mem>>
    %dma_start3A_2754 = tpu.memref_slice %arg4[%add3A_2743, %multiple_of3A_2750] : memref<8192x1024xf32, #tpu.memory_space<hbm>> -> memref<256x128xf32, #tpu.memory_space<hbm>>
    %dma_start3A_2755 = arith.constant 0 : i32
    %dma_start3A_2756 = tpu.memref_slice %arg8[%add3A_2741, %dma_start3A_2755] : memref<8192x128xf32, #tpu.memory_space<vmem_shared>> -> memref<256x128xf32, #tpu.memory_space<vmem_shared>>
    tpu.enqueue_dma source(%dma_start3A_2756 : memref<256x128xf32, #tpu.memory_space<vmem_shared>>) target(%dma_start3A_2754 : memref<256x128xf32, #tpu.memory_space<hbm>>) target_semaphore(%dma_start3A_2753 : memref<!tpu.dma_semaphore, #tpu.memory_space<semaphore_mem>>)
    %add3A_2757 = arith.constant 256 : i32
    %add3A_2758 = arith.addi %multiple_of3A, %add3A_2757 : i32
    %add3A_2759 = arith.constant 256 : i32
    %add3A_2760 = arith.addi %multiple_of3A, %add3A_2759 : i32
    %mul3A_2761 = arith.constant 4 : i32
    %mul3A_2762 = arith.muli %arg0, %mul3A_2761 : i32
    %add3A_2763 = arith.constant 3 : i32
    %add3A_2764 = arith.addi %mul3A_2762, %add3A_2763 : i32
    %mul3A_2765 = arith.constant 128 : i32
    %mul3A_2766 = arith.muli %add3A_2764, %mul3A_2765 : i32
    %multiple_of3A_2767 = tpu.assume_multiple %mul3A_2766, 128 : i32
    %dma_start3A_2768 = arith.constant 1 : i32
    %dma_start3A_2769 = tpu.memref_slice %arg12[%dma_start3A_2768] : memref<2x!tpu.dma_semaphore, #tpu.memory_space<semaphore_mem>> -> memref<1x!tpu.dma_semaphore, #tpu.memory_space<semaphore_mem>>
    %dma_start3A_2770 = tpu.memref_squeeze %dma_start3A_2769 : memref<1x!tpu.dma_semaphore, #tpu.memory_space<semaphore_mem>> -> memref<!tpu.dma_semaphore, #tpu.memory_space<semaphore_mem>>
    %dma_start3A_2771 = tpu.memref_slice %arg4[%add3A_2760, %multiple_of3A_2767] : memref<8192x1024xf32, #tpu.memory_space<hbm>> -> memref<256x128xf32, #tpu.memory_space<hbm>>
    %dma_start3A_2772 = arith.constant 0 : i32
    %dma_start3A_2773 = tpu.memref_slice %arg8[%add3A_2758, %dma_start3A_2772] : memref<8192x128xf32, #tpu.memory_space<vmem_shared>> -> memref<256x128xf32, #tpu.memory_space<vmem_shared>>
    tpu.enqueue_dma source(%dma_start3A_2773 : memref<256x128xf32, #tpu.memory_space<vmem_shared>>) target(%dma_start3A_2771 : memref<256x128xf32, #tpu.memory_space<hbm>>) target_semaphore(%dma_start3A_2770 : memref<!tpu.dma_semaphore, #tpu.memory_space<semaphore_mem>>)
    %dma_wait3A_2774 = arith.constant 0 : i32
    %dma_wait3A_2775 = tpu.memref_slice %arg12[%dma_wait3A_2774] : memref<2x!tpu.dma_semaphore, #tpu.memory_space<semaphore_mem>> -> memref<1x!tpu.dma_semaphore, #tpu.memory_space<semaphore_mem>>
    %dma_wait3A_2776 = tpu.memref_squeeze %dma_wait3A_2775 : memref<1x!tpu.dma_semaphore, #tpu.memory_space<semaphore_mem>> -> memref<!tpu.dma_semaphore, #tpu.memory_space<semaphore_mem>>
    %dma_wait3A_2777 = tpu.memref_slice %arg4[%add3A_2743, %multiple_of3A_2750] : memref<8192x1024xf32, #tpu.memory_space<hbm>> -> memref<256x128xf32, #tpu.memory_space<hbm>>
    %dma_wait3A_2778 = arith.constant 0 : i32
    %dma_wait3A_2779 = tpu.memref_slice %arg8[%add3A_2741, %dma_wait3A_2778] : memref<8192x128xf32, #tpu.memory_space<vmem_shared>> -> memref<256x128xf32, #tpu.memory_space<vmem_shared>>
    tpu.wait_dma2 semaphore(%dma_wait3A_2776 : memref<!tpu.dma_semaphore, #tpu.memory_space<semaphore_mem>>) src(%dma_wait3A_2779 : memref<256x128xf32, #tpu.memory_space<vmem_shared>>) dst(%dma_wait3A_2777 : memref<256x128xf32, #tpu.memory_space<hbm>>)
    %dma_wait3A_2780 = arith.constant 1 : i32
    %dma_wait3A_2781 = tpu.memref_slice %arg12[%dma_wait3A_2780] : memref<2x!tpu.dma_semaphore, #tpu.memory_space<semaphore_mem>> -> memref<1x!tpu.dma_semaphore, #tpu.memory_space<semaphore_mem>>
    %dma_wait3A_2782 = tpu.memref_squeeze %dma_wait3A_2781 : memref<1x!tpu.dma_semaphore, #tpu.memory_space<semaphore_mem>> -> memref<!tpu.dma_semaphore, #tpu.memory_space<semaphore_mem>>
    %dma_wait3A_2783 = tpu.memref_slice %arg4[%add3A_2760, %multiple_of3A_2767] : memref<8192x1024xf32, #tpu.memory_space<hbm>> -> memref<256x128xf32, #tpu.memory_space<hbm>>
    %dma_wait3A_2784 = arith.constant 0 : i32
    %dma_wait3A_2785 = tpu.memref_slice %arg8[%add3A_2758, %dma_wait3A_2784] : memref<8192x128xf32, #tpu.memory_space<vmem_shared>> -> memref<256x128xf32, #tpu.memory_space<vmem_shared>>
    tpu.wait_dma2 semaphore(%dma_wait3A_2782 : memref<!tpu.dma_semaphore, #tpu.memory_space<semaphore_mem>>) src(%dma_wait3A_2785 : memref<256x128xf32, #tpu.memory_space<vmem_shared>>) dst(%dma_wait3A_2783 : memref<256x128xf32, #tpu.memory_space<hbm>>)
    return
  }
}

</mosaic_0001>

<sc_bundles>
// kernel: _unpermute.3.cloned.1.call-start
scs
__scs_entry_jumppad:
0x0: {  	(pc) =	sbr.rel $0x88, $3  }
0x1: {  	(tag) =	ssettag $0x0;
	lr =	simm.s32 $0x1  }
0x2: {  	[smem:$0x3F9F] =	sst lr;
	_ =	strace $0xD0000000  }
0x3: {  	_ = 	snop  }
0x4: {  	_ = 	snop  }
0x5: {  	_ = 	snop  }
0x6: {  	_ = 	snop  }
0x7: {  	_ = 	snop  }
__scs_overlays_trampoline_lowered:
0x8: {  	[smem:$0x3FAE] =	sst s0  }
0x9: {  	[smem:$0x3FAF] =	sst s1  }
0xa: {  	[smem:$0x3FB0] =	sst s2  }
0xb: {  	[smem:$0x3FB1] =	sst s3  }
0xc: {  	[smem:$0x3FB2] =	sst s4  }
0xd: {  	[smem:$0x3FB3] =	sst s5  }
0xe: {  	[smem:$0x3FB4] =	sst s6  }
0xf: {  	[smem:$0x3FB5] =	sst s7  }
0x10: {  	[smem:$0x3FB6] =	sst s8  }
0x11: {  	[smem:$0x3FB7] =	sst s9;
	s0 =	simm.s32 @!p0 $0x0  }
0x12: {  	s1 =	sld [smem:$0x3F9D];
	s0 =	simm.s32 @p0 $0x1  }
0x13: {  	[smem:$0x3FB8] =	sst s0;
	s0 =	simm.s32 @!p1 $0x0  }
0x14: {  	s2 =	sld [smem:$0x3F9C];
	s0 =	simm.s32 @p1 $0x1  }
0x15: {  	[smem:$0x3FB9] =	sst s0;
	s0 =	simm.s32 @!p2 $0x0  }
0x16: {  	s3 =	sld [smem:$0x3FDB];
	s0 =	simm.s32 @p2 $0x1  }
0x17: {  	s4 =	simm.s32 $0x1BF5;
	[smem:$0x3FBB] =	sst s0  }
0x18: {  	s0 =	sld [smem:$0x3F9E];
	_ =	swait.ge [sflag:s4], $0x0  }
0x19: {  	s7 =	sld [smem:$0x3F9F]  }
0x1a: {  	s8 =	sadd.s32 $0xFFFFE003, lr  }
0x1b: {  	s9 =	sadd.s32 $0xFFFFFEF7, lr;
	s5 =	simm.s32 $0xFFFFFFFF;
	p2 =	slt.u32 s8, $0xFFFFF086  }
0x1c: {  	p1 =	slt.u32 s9, $0xF7A;
	s5 =	simm.s32 @!p2 $0x0  }
0x1d: {  	s5 =	simm.s32 @p1 $0x1;
	p0 =	seq.s32 s7, s2  }
0x1e: {  	s7 =	smul.u32 @!p0 $0xF7A, s2;
	p2 =	seq.s32 @!p0 s5, $0x0  }
0x1f: {  	s9 =	smul.u32 $0xF7A, s1;
	s8 =	simm.s32 @!p0 $0x1BF5;
	p2 =	por !p2, p0  }
0x20: {  	[sflag:s8] =	ssyncset.s32 @!p0 $0xFFFFF086;
	s6 =	sadd.s32 @!p0 s3, s7;
	s7 =	simm.s32 @!p0 $0x108  }
0x21: {  	s3 =	sadd.s32 s3, s9;
	s6 =	sadd.s32 @!p0 $0x88, s6;
	s7 =	simm.s32 @p2 $0x1082  }
0x22: {  	[simem:s7], [sflag:s8] =	dma.local @!p0 [hbm:s6], $0xF7A  }
0x23: {  	s9 =	sor.u32 $0xD0000000, s2;
	s6 =	simm.s32 $0x108;
	_ =	swait.ge @!p0 [sflag:s8], $0x0  }
0x24: {  	s3 =	sadd.s32 $0x88, s3;
	s6 =	simm.s32 @!p1 $0x1082;
	[sflag:s4] =	ssyncset.s32 $0xFFFFF086  }
0x25: {  	[simem:s6], [sflag:s4] =	dma.local [hbm:s3], $0xF7A  }
0x26: {  	[smem:$0x3F9F] =	sst s1;
	(tag) =	ssettag s2;
	_ =	strace s9  }
0x27: {  	s1 =	sld [smem:$0x3FAF]  }
0x28: {  	s2 =	sld [smem:$0x3FB0]  }
0x29: {  	s4 =	sld [smem:$0x3FB2]  }
0x2a: {  	p0 =	seq.s32 s5, $0x0;
	s5 =	sld [smem:$0x3FB3]  }
0x2b: {  	s6 =	sld [smem:$0x3FB4]  }
0x2c: {  	s7 =	sld [smem:$0x3FB5]  }
0x2d: {  	s3 =	simm.s32 $0x108;
	s8 =	sld [smem:$0x3FB6]  }
0x2e: {  	s3 =	simm.s32 @!p0 $0x1082;
	s9 =	sld [smem:$0x3FB7]  }
0x2f: {  	lr =	sadd.s32 s0, s3;
	s0 =	sld [smem:$0x3FAE]  }
0x30: {  	s3 =	sld [smem:$0x3FB1]  }
0x31: {  	[smem:$0x3FBA] =	sst s10  }
0x32: {  	s10 =	sld [smem:$0x3FB8];
	_ =	sdelay $0x3  }
0x33: {  	p0 =	seq.s32 s10, $0x1;
	s10 =	sld [smem:$0x3FBA];
	_ =	sdelay $0x3  }
0x34: {  	[smem:$0x3FBA] =	sst s10  }
0x35: {  	s10 =	sld [smem:$0x3FB9];
	_ =	sdelay $0x3  }
0x36: {  	p1 =	seq.s32 s10, $0x1;
	s10 =	sld [smem:$0x3FBA];
	_ =	sdelay $0x3  }
0x37: {  	[smem:$0x3FBA] =	sst s10  }
0x38: {  	s10 =	sld [smem:$0x3FBB]  }
0x39: {  	_ = 	snop;
	(pc) =	sbr.ind lr, $3  }
0x3a: {  	_ = 	snop  }
0x3b: {  	_ = 	snop  }
0x3c: {  	p2 =	seq.s32 s10, $0x1;
	s10 =	sld [smem:$0x3FBA]  }
0x3d: {  	_ =	shalt  }
0x3e: {  	_ =	shalt  }
0x3f: {  	_ =	shalt  }
0x40: {  	_ =	shalt  }
0x41: {  	_ =	shalt  }
0x42: {  	_ =	shalt  }
0x43: {  	_ =	shalt  }
0x44: {  	_ =	shalt  }
0x45: {  	_ =	shalt  }
0x46: {  	_ =	shalt  }
0x47: {  	_ =	shalt  }
0x48: {  	_ =	shalt  }
0x49: {  	_ =	shalt  }
0x4a: {  	_ =	shalt  }
0x4b: {  	_ =	shalt  }
0x4c: {  	_ =	shalt  }
0x4d: {  	_ =	shalt  }
0x4e: {  	_ =	shalt  }
0x4f: {  	_ =	shalt  }
0x50: {  	_ =	shalt  }
0x51: {  	_ =	shalt  }
0x52: {  	_ =	shalt  }
0x53: {  	_ =	shalt  }
0x54: {  	_ =	shalt  }
0x55: {  	_ =	shalt  }
0x56: {  	_ =	shalt  }
0x57: {  	_ =	shalt  }
0x58: {  	_ =	shalt  }
0x59: {  	_ =	shalt  }
0x5a: {  	_ =	shalt  }
0x5b: {  	_ =	shalt  }
0x5c: {  	_ =	shalt  }
0x5d: {  	_ =	shalt  }
0x5e: {  	_ =	shalt  }
0x5f: {  	_ =	shalt  }
0x60: {  	_ =	shalt  }
0x61: {  	_ =	shalt  }
0x62: {  	_ =	shalt  }
0x63: {  	_ =	shalt  }
0x64: {  	_ =	shalt  }
0x65: {  	_ =	shalt  }
0x66: {  	_ =	shalt  }
0x67: {  	_ =	shalt  }
0x68: {  	_ =	shalt  }
0x69: {  	_ =	shalt  }
0x6a: {  	_ =	shalt  }
0x6b: {  	_ =	shalt  }
0x6c: {  	_ =	shalt  }
0x6d: {  	_ =	shalt  }
0x6e: {  	_ =	shalt  }
0x6f: {  	_ =	shalt  }
0x70: {  	_ =	shalt  }
0x71: {  	_ =	shalt  }
0x72: {  	_ =	shalt  }
0x73: {  	_ =	shalt  }
0x74: {  	_ =	shalt  }
0x75: {  	_ =	shalt  }
0x76: {  	_ =	shalt  }
0x77: {  	_ =	shalt  }
0x78: {  	_ =	shalt  }
0x79: {  	_ =	shalt  }
0x7a: {  	_ =	shalt  }
0x7b: {  	_ =	shalt  }
0x7c: {  	_ =	shalt  }
0x7d: {  	_ =	shalt  }
0x7e: {  	_ =	shalt  }
0x7f: {  	_ =	shalt  }
0x80: {  	_ =	shalt  }
0x81: {  	_ =	shalt  }
0x82: {  	_ =	shalt  }
0x83: {  	_ =	shalt  }
0x84: {  	_ =	shalt  }
0x85: {  	_ =	shalt  }
0x86: {  	_ =	shalt  }
0x87: {  	_ =	shalt  }
.Lfunc_end0:
.L_simem_size_0:
called_computation_lowered:
.L_overlay_start_0:
0x88: {  	s2 =	sld [smem:$0x3FD9]  }
0x89: {  	s3 =	sld [smem:$0x3FFE];
	_ =	sdelay $0x1  }
0x8a: {  	s1 =	srdreg.scid  }
0x8b: {  	s0 =	sand.u32 $0x1, s1  }
0x8c: {  	s18 =	sshll.u32 s0, $0xA;
	s2 =	sadd.s32 s3, s2  }
0x8d: {  	s2 =	sadd.s32 s2, s18  }
0x8e: {  	[smem:$0x3FC6] =	sst s2  }
0x8f: {  	_ = 	snop  }
0x90: {  	s2 =	sld [smem:$0x3FC9]  }
0x91: {  	s19 =	sld [smem:$0x3FC8]  }
0x92: {  	s4 =	sld [smem:$0x3FD0];
	(tm) =	ssettm $0x1  }
0x93: {  	s5 =	sld [smem:$0x3FFB];
	_ =	sdelay $0x3  }
0x94: {  	_ =	strace s5  }
0x95: {  	s5 =	sld [smem:$0x3FFC];
	_ =	sdelay $0x3  }
0x96: {  	_ =	strace s5  }
0x97: {  	s5 =	sld [smem:$0x3FFD];
	_ =	sdelay $0x3  }
0x98: {  	_ =	strace s5  }
0x99: {  	_ =	strace $0x8FFFFFFF  }
0x9a: {  	s20 =	sld [smem:$0x3FDB];
	_ =	sdelay $0x1  }
0x9b: {  	s6 =	simm.s32 $_scs_section_size  }
0x9c: {  	s7 =	simm.s32 $_size__tile_overlayer_lowered;
	s8 =	simm.s32 $_tile_overlayer_lowered  }
0x9d: {  	s23 =	simm.s32 $0x1BFF;
	s22 =	sshll.u32 s8, $0x1;
	s5 =	sadd.s32 s6, s20  }
0x9e: {  	s9 =	simm.s32 $0x0;
	s21 =	sshll.u32 s7, $0x1;
	s7 =	sadd.s32 s22, s5  }
0x9f: {  	[timem:s9], [sflag:s23] =	dma.local [hbm:s7], s21  }
0xa0: {  	_ =	swait.ge [sflag:s23], s21  }
0xa1: {  	s6 =	ssub.s32 $0x0, s21;
	[sflag:s23] =	ssyncset.done $0x0  }
0xa2: {  	[sflag:s23] =	ssyncadd.s32 s6;
	_ =	sdelay $0x1  }
0xa3: {  	s24 =	simm.s32 $0x1B8B  }
0xa4: {  	_ =	swait.ge [sflag:s24], $0x1  }
0xa5: {  	[sflag:s24] =	ssyncset.done $0x0  }
0xa6: {  	s25 =	simm.s32 $0x1B8E;
	[sflag:s24] =	ssyncadd.s32 $0xFFFFFFFF  }
0xa7: {  	s26 =	simm.s32 $execute0_lowered;
	[smem:$0x3FD2] =	sst s25  }
0xa8: {  	s6 =	sshll.u32 s26, $0x1;
	_ =	strace $0x80000046;
	[dreg:$0x1] =	wrdreg $0xFFFFFFFF  }
0xa9: {  	s28 =	simm.s32 $_size_execute0_lowered;
	s5 =	sadd.s32 s5, s6;
	[dreg:$0x0] =	wrdreg $0x0  }
0xaa: {  	s6 =	sshll.u32 s28, $0x1;
	[dreg:$0x2] =	wrdreg s5  }
0xab: {  	[dreg:$0x3] =	wrdreg s6  }
0xac: {  	[dreg:$0x4] =	wrdreg $0xC0  }
0xad: {  	_ =	task [dreg:s9], $0x5FFFF  }
0xae: {  	[dreg:$0x1] =	wrdreg $0xFFFFFFFF  }
0xaf: {  	[dreg:$0x0] =	wrdreg $0x60  }
0xb0: {  	[dreg:$0x2] =	wrdreg s2  }
0xb1: {  	[dreg:$0x3] =	wrdreg s19  }
0xb2: {  	[dreg:$0x4] =	wrdreg s4  }
0xb3: {  	[dreg:$0x5] =	wrdreg $0xE4000  }
0xb4: {  	[dreg:$0x6] =	wrdreg $0x9  }
0xb5: {  	_ =	task.clear_ibuf [dreg:s9], $0x7FFFF;
	_ =	strace $0x90000046  }
0xb6: {  	s29 =	simm.s32 $0x9;
	_ =	strace $0x80000048  }
0xb7: {  	_ =	swait.ge [sflag:s29], $0x1  }
0xb8: {  	[sflag:s29] =	ssyncadd.s32 $0xFFFFFFFF  }
0xb9: {  	_ =	strace $0x90000048  }
0xba: {  	_ =	sfence  }
0xbb: {  	s30 =	sld [smem:$0x0];
	_ =	sdelay $0x2  }
0xbc: {  	s31 =	sshll.u32 s1, $0xD;
	s1 =	sshrl.u32 s1, $0x2  }
0xbd: {  	s3 =	sand.u32 $0x4000, s31;
	s1 =	sadd.s32 s1, s30  }
0xbe: {  	s0 =	sor.u32 s3, s0;
	s1 =	sshll.u32 s1, $0x11  }
0xbf: {  	s0 =	sor.u32 s1, s0  }
0xc0: {  	s0 =	sadd.s32 $0x8F2B, s0  }
0xc1: {  	[sflag:s0] =	ssyncadd.remote.s32 $0x1  }
0xc2: {  	_ =	sfence.sel $0xFFFF  }
0xc3: {  	[dreg:$0x0] =	wrdreg $0xFFFFFFFF;
	(pc) =	sbr.abs _section_cstart, $3  }
0xc4: {  	[dreg:$0x1] =	wrdreg $0xFFFFFFFF  }
0xc5: {  	_ =	task.clear_ibuf [dreg:s9], $0x2FFFF;
	_ =	strace $0x9FFFFFFF  }
0xc6: {  	(tm) =	ssettm $0x7FFFFFFF  }
0xc7: {  	_ =	shalt  }
tec
execute0_lowered:
.L_overlay_start_1:
0x0: {  	(tag) =	ssettag $0x1  }
0x1: {  	s0 =	srdreg.scid  }
0x2: {  	s2 =	rddreg [dreg:$0x0];
	s17 =	stileid.u32  }
0x3: {  	s9 =	rddreg [dreg:$0x1];
	s29 =	simm.s32 $0x7;
	s30 =	simm.s32 $0x1  }
0x4: {  	s31 =	simm.s32 $0x80;
	s3 =	sand.u32 $0x1, s0;
	s14 =	sshll.u32 s17, $0x9  }
0x5: {  	s6 =	sshll.u32 s17, $0x14;
	s19 =	sshll.u32 s17, $0x7;
	s0 =	ssub.s32 $0x2, s3  }
0x6: {  	s3 =	sshll.u32 s3, $0xC;
	s5 =	sor.u32 $0x20000, s6;
	s4 =	sor.u32 $0x40000, s6  }
0x7: {  	s9 =	sadd.s32 s9, s19;
	s12 =	sor.u32 $0xE0000, s6;
	s1 =	sshrl.u32 s0, $0x1  }
0x8: {  	s7 =	sor.u32 s3, s6;
	s8 =	sor.u32 s3, s5;
	s10 =	sor.u32 s3, s4  }
0x9: {  	[dreg:$0x8] =	wrdreg s9;
	s25 =	sor.u32 s3, s12;
	s7 =	sshrl.u32 s7, $0x3  }
0xa: {  	s0 =	ssub.s32 s0, s1;
	s15 =	sshrl.u32 s8, $0x3;
	s7 =	sadd.s32 s2, s7  }
0xb: {  	s1 =	sor.u32 $0x100, s14;
	[dreg:$0x5] =	wrdreg s7;
	s7 =	sadd.s32 s2, s15  }
0xc: {  	s16 =	sshrl.u32 s10, $0x3;
	[dreg:$0x6] =	wrdreg s7;
	s7 =	sor.u32 $0x60000, s6  }
0xd: {  	s8 =	sor.u32 $0x80000, s6;
	s10 =	sor.u32 $0xA0000, s6;
	s11 =	sor.u32 s3, s7  }
0xe: {  	s18 =	sadd.s32 s2, s16;
	s21 =	sor.u32 s3, s8;
	s20 =	sshrl.u32 s11, $0x3  }
0xf: {  	s23 =	sor.u32 s3, s10;
	s22 =	sshrl.u32 s21, $0x3;
	s9 =	sadd.s32 s2, s20  }
0x10: {  	s11 =	sor.u32 $0xC0000, s6;
	[dreg:$0x9] =	wrdreg s9;
	s9 =	sadd.s32 s2, s22  }
0x11: {  	s13 =	sor.u32 s3, s11;
	[dreg:$0xa] =	wrdreg s9;
	s9 =	sshrl.u32 s23, $0x3  }
0x12: {  	[dreg:$0x7] =	wrdreg s18;
	s24 =	sshrl.u32 s13, $0x3;
	s9 =	sadd.s32 s2, s9  }
0x13: {  	s13 =	sshrl.u32 s25, $0x3;
	[dreg:$0xb] =	wrdreg s9;
	s9 =	sadd.s32 s2, s24  }
0x14: {  	s13 =	sadd.s32 s2, s13;
	[dreg:$0xc] =	wrdreg s9;
	s9 =	sor.u32 $0x400, s3  }
0x15: {  	s0 =	smax.u32 s0, $0x1;
	[dreg:$0xd] =	wrdreg s13;
	s26 =	sor.u32 s6, s9  }
0x16: {  	s14 =	sor.u32 s9, s5;
	s15 =	sor.u32 s9, s4;
	s16 =	sor.u32 s9, s8  }
0x17: {  	s18 =	sor.u32 s9, s10;
	s21 =	sor.u32 s9, s11;
	s13 =	sshrl.u32 s26, $0x3  }
0x18: {  	s22 =	sor.u32 s9, s12;
	s14 =	sshrl.u32 s14, $0x3;
	s13 =	sadd.s32 s2, s13  }
0x19: {  	s28 =	sadd.s32 s2, s14;
	s14 =	sshrl.u32 s15, $0x3;
	[dreg:$0xe] =	wrdreg s13  }
0x1a: {  	s20 =	sshrl.u32 s18, $0x3;
	[dreg:$0xf] =	wrdreg s28;
	s13 =	sadd.s32 s2, s14  }
0x1b: {  	s15 =	sor.u32 s9, s7;
	s14 =	sshrl.u32 s16, $0x3;
	[dreg:$0x10] =	wrdreg s13  }
0x1c: {  	s13 =	sshrl.u32 s15, $0x3;
	s19 =	sadd.s32 s2, s14;
	s14 =	sshrl.u32 s22, $0x3  }
0x1d: {  	s15 =	sor.u32 $0x800, s3;
	s13 =	sadd.s32 s2, s13;
	[dreg:$0x12] =	wrdreg s19  }
0x1e: {  	s23 =	sadd.s32 s2, s14;
	s24 =	sor.u32 s6, s15;
	s25 =	sor.u32 s15, s5  }
0x1f: {  	s16 =	sor.u32 s15, s4;
	s18 =	sor.u32 s15, s7;
	[dreg:$0x11] =	wrdreg s13  }
0x20: {  	s19 =	sor.u32 s15, s8;
	s13 =	sadd.s32 s2, s20;
	[dreg:$0x15] =	wrdreg s23  }
0x21: {  	s26 =	sshrl.u32 s25, $0x3;
	s28 =	sshrl.u32 s16, $0x3;
	s20 =	sor.u32 s15, s10  }
0x22: {  	s25 =	sor.u32 s15, s12;
	[dreg:$0x13] =	wrdreg s13;
	s13 =	sshrl.u32 s21, $0x3  }
0x23: {  	s16 =	sadd.s32 s2, s28;
	s21 =	sshrl.u32 s19, $0x3;
	s22 =	sshrl.u32 s20, $0x3  }
0x24: {  	s19 =	sshll.u32 s17, $0x13;
	s13 =	sadd.s32 s2, s13;
	[dreg:$0x18] =	wrdreg s16  }
0x25: {  	s23 =	sadd.s32 s2, s22;
	s16 =	sor.u32 $0xC00, s3;
	[dreg:$0x14] =	wrdreg s13  }
0x26: {  	s20 =	sor.u32 s3, s19;
	s13 =	sshrl.u32 s24, $0x3;
	[dreg:$0x1b] =	wrdreg s23  }
0x27: {  	s24 =	sor.u32 s15, s11;
	s6 =	sor.u32 s6, s16;
	s5 =	sor.u32 s16, s5  }
0x28: {  	s4 =	sor.u32 s16, s4;
	s28 =	sor.u32 s16, s7;
	s11 =	sor.u32 s16, s11  }
0x29: {  	s14 =	sor.u32 s16, s12;
	s23 =	sor.u32 s19, s9;
	s13 =	sadd.s32 s2, s13  }
0x2a: {  	s6 =	sshrl.u32 s6, $0x3;
	[dreg:$0x16] =	wrdreg s13;
	s13 =	sadd.s32 s2, s26  }
0x2b: {  	s5 =	sshrl.u32 s5, $0x3;
	s6 =	sadd.s32 s2, s6;
	[dreg:$0x17] =	wrdreg s13  }
0x2c: {  	s4 =	sshrl.u32 s4, $0x3;
	s5 =	sadd.s32 s2, s5;
	[dreg:$0x1e] =	wrdreg s6  }
0x2d: {  	s4 =	sadd.s32 s2, s4;
	s13 =	sshrl.u32 s18, $0x3;
	[dreg:$0x1f] =	wrdreg s5  }
0x2e: {  	[smem:$0x7E7] =	sst s4;
	s5 =	sshrl.u32 s28, $0x3;
	s6 =	sor.u32 s16, s8  }
0x2f: {  	s8 =	sor.u32 s16, s10;
	s28 =	rddreg [dreg:$0x2];
	s13 =	sadd.s32 s2, s13  }
0x30: {  	s4 =	sadd.s32 s2, s5;
	s7 =	sshrl.u32 s6, $0x3;
	[dreg:$0x19] =	wrdreg s13  }
0x31: {  	s10 =	sshrl.u32 s8, $0x3;
	s13 =	sadd.s32 s2, s21;
	[smem:$0x7E8] =	sst s4  }
0x32: {  	s4 =	sadd.s32 s2, s7;
	s21 =	sshll.u32 s1, $0xA;
	[dreg:$0x1a] =	wrdreg s13  }
0x33: {  	s13 =	sshrl.u32 s24, $0x3;
	[smem:$0x7E9] =	sst s4;
	s4 =	sadd.s32 s2, s10  }
0x34: {  	s22 =	sor.u32 s3, s21;
	s3 =	simm.s32 $0x0;
	[smem:$0x7EA] =	sst s4  }
0x35: {  	s26 =	sshrl.u32 s25, $0x3;
	s13 =	sadd.s32 s2, s13;
	[smem:$0x7FF] =	sst s3  }
0x36: {  	s6 =	sshrl.u32 s22, $0x3;
	[dreg:$0x1c] =	wrdreg s13;
	s13 =	sadd.s32 s2, s26  }
0x37: {  	s25 =	sor.u32 s19, s15;
	s12 =	sadd.s32 s28, s6;
	[dreg:$0x1d] =	wrdreg s13  }
0x38: {  	s18 =	sshrl.u32 s14, $0x3;
	s13 =	sshrl.u32 s11, $0x3;
	[smem:$0x7EE] =	sst s12  }
0x39: {  	s5 =	sor.u32 s19, s16;
	s12 =	rddreg [dreg:$0x3];
	s4 =	sadd.s32 s2, s13  }
0x3a: {  	s24 =	sor.u32 s9, s21;
	s2 =	sadd.s32 s2, s18;
	[smem:$0x7EB] =	sst s4  }
0x3b: {  	s26 =	sor.u32 s15, s21;
	s15 =	sshrl.u32 s25, $0x3;
	[smem:$0x7EC] =	sst s2  }
0x3c: {  	s4 =	sor.u32 s16, s21;
	s2 =	sshrl.u32 s20, $0x3;
	s16 =	sadd.s32 s28, s15  }
0x3d: {  	s13 =	sshrl.u32 s23, $0x3;
	s2 =	sadd.s32 s28, s2;
	[smem:$0x7F1] =	sst s16  }
0x3e: {  	s4 =	sshrl.u32 s4, $0x3;
	[smem:$0x7ED] =	sst s2;
	s2 =	sadd.s32 s28, s13  }
0x3f: {  	s14 =	sshrl.u32 s24, $0x3;
	s20 =	sadd.s32 s28, s4;
	[smem:$0x7EF] =	sst s2  }
0x40: {  	s18 =	sshrl.u32 s26, $0x3;
	s2 =	sadd.s32 s28, s14;
	[smem:$0x7F4] =	sst s20  }
0x41: {  	s19 =	sshrl.u32 s5, $0x3;
	[smem:$0x7F0] =	sst s2;
	s2 =	sadd.s32 s28, s18  }
0x42: {  	s1 =	sshll.u32 s1, $0x7;
	[smem:$0x7F2] =	sst s2;
	s2 =	sadd.s32 s28, s19  }
0x43: {  	s5 =	simm.s32 $0x0;
	s1 =	sadd.s32 s1, s12;
	[smem:$0x7F3] =	sst s2  }
0x44: {  	s21 =	sshll.u32 s17, $0x10;
	_ =	strace $0x80000047;
	[smem:$0x7F5] =	sst s1  }
0x45: {  	s6 =	simm.s32 $0x6;
	s2 =	sadd.s32 s21, s12;
	[smem:$0x7F6] =	sst s0  }
0x46: {  	s15 =	simm.s32 $0x8;
	s22 =	sadd.s32 $0x2000, s2;
	[smem:$0x7FC] =	sst s2  }
0x47: {  	s16 =	simm.s32 $0x9;
	s23 =	sadd.s32 $0x4000, s2;
	[smem:$0x7F7] =	sst s22  }
0x48: {  	s4 =	simm.s32 $0x3;
	s24 =	sadd.s32 $0x6000, s2;
	[smem:$0x7F8] =	sst s23  }
0x49: {  	s25 =	sadd.s32 $0xA000, s2;
	s26 =	sadd.s32 $0xC000, s2;
	[smem:$0x7F9] =	sst s24  }
0x4a: {  	s28 =	sadd.s32 $0xE000, s2;
	s0 =	simm.s32 $0x4;
	[smem:$0x7FA] =	sst s25  }
0x4b: {  	s1 =	simm.s32 $0x2;
	s2 =	simm.s32 $0x5;
	[smem:$0x7FB] =	sst s26  }
0x4c: {  	[smem:$0x7FD] =	sst s28;
	s22 =	simm.s32 $0xC400;
	s23 =	simm.s32 $0x2000  }
0x4d: {  	v0 =	vimm.f32 $0.0e+00;
	s24 =	simm.s32 $0x400;
	s25 =	simm.s32 $0x4400;
	s26 =	simm.s32 $0x8400  }
.LBB2_1:
0x4e: {  	s7 =	sand.u32 $0x7E00, s3  }
0x4f: {  	s8 =	sand.u32 $0x70, s3;
	s9 =	sshrl.u32 s7, $0x2  }
0x50: {  	s7 =	simm.s32 $0x40;
	s9 =	sor.u32 s8, s9;
	s8 =	simm.s32 $0x0  }
.LBB2_2:
0x51: {  	p0 =	sne.s32 s7, $0x7FC0  }
0x52: {  	[tilespmem:s9+$0xC400] =	vst v0;
	s8 =	sadd.s32 $0x10, s8;
	s9 =	smov.u32 s7;
	s7 =	sadd.s32 $0x40, s7  }
.Ltmp0:
0x53: {  	(pc) =	sbr.rel @p0 .LBB2_2-.Ltmp0, $4  }
0x54: {  	_ = 	snop  }
0x55: {  	s9 =	sand.u32 $0x7E00, s9  }
0x56: {  	s10 =	sand.u32 $0x70, s8;
	s9 =	sshrl.u32 s9, $0x2  }
0x57: {  	s9 =	sor.u32 s10, s9  }
0x58: {  	s28 =	sld [smem:$0x7FC];
	_ =	sdelay $0x1  }
0x59: {  	[tilespmem:s9+$0xC400] =	vst v0;
	s17 =	sld [smem:$0x7F7]  }
0x5a: {  	[spmem:s28] =	stream.linear.scatter [tilespmem:s22], [sflag:$0x7], $0x2000, $0x38;
	[tilespmem:$0x1E400] =	vst v63  }
0x5b: {  	s18 =	sld [smem:$0x7F8]  }
0x5c: {  	[spmem:s17] =	stream.linear.scatter [tilespmem:s22], [sflag:$0x7], $0x2000, $0x38;
	[tilespmem:$0x1E400] =	vst v63  }
0x5d: {  	s19 =	sld [smem:$0x7F9]  }
0x5e: {  	[spmem:s18] =	stream.linear.scatter [tilespmem:s22], [sflag:$0x7], $0x2000, $0x38;
	[tilespmem:$0x1E400] =	vst v63  }
0x5f: {  	s13 =	sld [smem:$0x7F5]  }
0x60: {  	[spmem:s19] =	stream.linear.scatter [tilespmem:s22], [sflag:$0x7], $0x2000, $0x38;
	[tilespmem:$0x1E400] =	vst v63  }
0x61: {  	s20 =	sld [smem:$0x7FA]  }
0x62: {  	[spmem:s13] =	stream.linear.scatter [tilespmem:s22], [sflag:$0x7], $0x2000, $0x38;
	[tilespmem:$0x1E400] =	vst v63  }
0x63: {  	s21 =	sld [smem:$0x7FB]  }
0x64: {  	[spmem:s20] =	stream.linear.scatter [tilespmem:s22], [sflag:$0x7], $0x2000, $0x38;
	[tilespmem:$0x1E400] =	vst v63  }
0x65: {  	s14 =	sld [smem:$0x7FD]  }
0x66: {  	[spmem:s21] =	stream.linear.scatter [tilespmem:s22], [sflag:$0x7], $0x2000, $0x38;
	[tilespmem:$0x1E400] =	vst v63  }
0x67: {  	_ = 	snop  }
0x68: {  	[spmem:s14] =	stream.linear.scatter [tilespmem:s22], [sflag:$0x7], $0x2000, $0x38;
	[tilespmem:$0x1E400] =	vst v63  }
0x69: {  	s7 =	rddreg [dreg:$0x5]  }
0x6a: {  	[tilespmem:s24], [sflag:$0x1] =	stream.strided.gather [hbm4b:s7+s24], $0x4000, s23, s24, $0x38;
	[tilespmem:$0x1E400] =	vst v63  }
0x6b: {  	s8 =	rddreg [dreg:$0x6]  }
0x6c: {  	[tilespmem:s25], [sflag:$0x2] =	stream.strided.gather [hbm4b:s8+s24], $0x4000, s23, s24, $0x38;
	[tilespmem:$0x1E400] =	vst v63  }
0x6d: {  	s9 =	rddreg [dreg:$0x7]  }
0x6e: {  	[tilespmem:s26], [sflag:$0x3] =	stream.strided.gather [hbm4b:s9+s24], $0x4000, s23, s24, $0x38;
	[tilespmem:$0x1E400] =	vst v63  }
0x6f: {  	s10 =	rddreg [dreg:$0x8];
	s11 =	simm.s32 $0xA  }
0x70: {  	[tilespmem:s3], [sflag:$0xA] =	stream.linear.gather [hbm4b:s10+s3], $0x400, $0x38;
	[tilespmem:$0x1E400] =	vst v63  }
0x71: {  	_ =	swait.ge [sflag:s11], $0x400  }
0x72: {  	[sflag:s11] =	ssyncset.done $0x0  }
0x73: {  	[sflag:s11] =	ssyncadd.s32 $0xFFFFFC00  }
0x74: {  	_ =	swait.ge [sflag:s29], $0x2000  }
0x75: {  	[sflag:s29] =	ssyncset.done $0x0  }
0x76: {  	[sflag:s29] =	ssyncadd.s32 $0xFFFFE000  }
0x77: {  	_ =	swait.ge [sflag:s29], $0x2000  }
0x78: {  	[sflag:s29] =	ssyncset.done $0x0  }
0x79: {  	[sflag:s29] =	ssyncadd.s32 $0xFFFFE000  }
0x7a: {  	_ =	swait.ge [sflag:s29], $0x2000  }
0x7b: {  	[sflag:s29] =	ssyncset.done $0x0  }
0x7c: {  	[sflag:s29] =	ssyncadd.s32 $0xFFFFE000  }
0x7d: {  	_ =	swait.ge [sflag:s29], $0x2000  }
0x7e: {  	[sflag:s29] =	ssyncset.done $0x0  }
0x7f: {  	[sflag:s29] =	ssyncadd.s32 $0xFFFFE000  }
0x80: {  	_ =	swait.ge [sflag:s29], $0x2000  }
0x81: {  	[sflag:s29] =	ssyncset.done $0x0  }
0x82: {  	[sflag:s29] =	ssyncadd.s32 $0xFFFFE000  }
0x83: {  	_ =	swait.ge [sflag:s29], $0x2000  }
0x84: {  	[sflag:s29] =	ssyncset.done $0x0  }
0x85: {  	[sflag:s29] =	ssyncadd.s32 $0xFFFFE000  }
0x86: {  	_ =	swait.ge [sflag:s29], $0x2000  }
0x87: {  	[sflag:s29] =	ssyncset.done $0x0  }
0x88: {  	[sflag:s29] =	ssyncadd.s32 $0xFFFFE000  }
0x89: {  	_ =	swait.ge [sflag:s29], $0x2000  }
0x8a: {  	[sflag:s29] =	ssyncset.done $0x0  }
0x8b: {  	[sflag:s29] =	ssyncadd.s32 $0xFFFFE000  }
0x8c: {  	[bflag:$0x0] =	sbarrier.arrive $0xFFFF  }
0x8d: {  	_ =	swait.ge [sflag:s30], $0x4000  }
0x8e: {  	[sflag:s30] =	ssyncset.done $0x0  }
0x8f: {  	[sflag:s30] =	ssyncadd.s32 $0xFFFFC000  }
0x90: {  	[spmem:s12] =	stream.indirect.scatter.add.f32 [tilespmem:s24], [sflag:$0x4], $0x80, s3, s31, $0xb8;
	[tilespmem:$0x1E400] =	vst v63  }
0x91: {  	_ =	swait.ge [sflag:s0], $0x4000  }
0x92: {  	[sflag:s0] =	ssyncset.done $0x0  }
0x93: {  	s8 =	rddreg [dreg:$0x9];
	[sflag:s0] =	ssyncadd.s32 $0xFFFFC000  }
0x94: {  	[tilespmem:s24], [sflag:$0x1] =	stream.strided.gather [hbm4b:s8+s24], $0x4000, s23, s24, $0x38;
	[tilespmem:$0x1E400] =	vst v63  }
0x95: {  	_ =	swait.ge [sflag:s1], $0x4000  }
0x96: {  	[sflag:s1] =	ssyncset.done $0x0  }
0x97: {  	[sflag:s1] =	ssyncadd.s32 $0xFFFFC000  }
0x98: {  	[spmem:s12] =	stream.indirect.scatter.add.f32 [tilespmem:s25], [sflag:$0x5], $0x80, s31, s31, $0xb8;
	[tilespmem:$0x1E400] =	vst v63  }
0x99: {  	_ =	swait.ge [sflag:s2], $0x4000  }
0x9a: {  	[sflag:s2] =	ssyncset.done $0x0  }
0x9b: {  	s9 =	rddreg [dreg:$0xa];
	[sflag:s2] =	ssyncadd.s32 $0xFFFFC000  }
0x9c: {  	[tilespmem:s25], [sflag:$0x2] =	stream.strided.gather [hbm4b:s9+s24], $0x4000, s23, s24, $0x38;
	[tilespmem:$0x1E400] =	vst v63  }
0x9d: {  	_ =	swait.ge [sflag:s4], $0x4000  }
0x9e: {  	[sflag:s4] =	ssyncset.done $0x0  }
0x9f: {  	s10 =	simm.s32 $0x100;
	[sflag:s4] =	ssyncadd.s32 $0xFFFFC000  }
0xa0: {  	[spmem:s12] =	stream.indirect.scatter.add.f32 [tilespmem:s26], [sflag:$0x6], $0x80, s10, s31, $0xb8;
	[tilespmem:$0x1E400] =	vst v63  }
0xa1: {  	_ =	swait.ge [sflag:s6], $0x4000  }
0xa2: {  	[sflag:s6] =	ssyncset.done $0x0  }
0xa3: {  	s11 =	rddreg [dreg:$0xb];
	[sflag:s6] =	ssyncadd.s32 $0xFFFFC000  }
0xa4: {  	[tilespmem:s26], [sflag:$0x3] =	stream.strided.gather [hbm4b:s11+s24], $0x4000, s23, s24, $0x38;
	[tilespmem:$0x1E400] =	vst v63  }
0xa5: {  	_ =	swait.ge [sflag:s30], $0x4000  }
0xa6: {  	[sflag:s30] =	ssyncset.done $0x0  }
0xa7: {  	s8 =	simm.s32 $0x180;
	[sflag:s30] =	ssyncadd.s32 $0xFFFFC000  }
0xa8: {  	[spmem:s12] =	stream.indirect.scatter.add.f32 [tilespmem:s24], [sflag:$0x4], $0x80, s8, s31, $0xb8;
	[tilespmem:$0x1E400] =	vst v63  }
0xa9: {  	_ =	swait.ge [sflag:s0], $0x4000  }
0xaa: {  	[sflag:s0] =	ssyncset.done $0x0  }
0xab: {  	s9 =	rddreg [dreg:$0xc];
	[sflag:s0] =	ssyncadd.s32 $0xFFFFC000  }
0xac: {  	[tilespmem:s24], [sflag:$0x1] =	stream.strided.gather [hbm4b:s9+s24], $0x4000, s23, s24, $0x38;
	[tilespmem:$0x1E400] =	vst v63  }
0xad: {  	_ =	swait.ge [sflag:s1], $0x4000  }
0xae: {  	[sflag:s1] =	ssyncset.done $0x0  }
0xaf: {  	s10 =	simm.s32 $0x200;
	[sflag:s1] =	ssyncadd.s32 $0xFFFFC000  }
0xb0: {  	[spmem:s12] =	stream.indirect.scatter.add.f32 [tilespmem:s25], [sflag:$0x5], $0x80, s10, s31, $0xb8;
	[tilespmem:$0x1E400] =	vst v63  }
0xb1: {  	_ =	swait.ge [sflag:s2], $0x4000  }
0xb2: {  	[sflag:s2] =	ssyncset.done $0x0  }
0xb3: {  	s11 =	rddreg [dreg:$0xd];
	[sflag:s2] =	ssyncadd.s32 $0xFFFFC000  }
0xb4: {  	[tilespmem:s25], [sflag:$0x2] =	stream.strided.gather [hbm4b:s11+s24], $0x4000, s23, s24, $0x38;
	[tilespmem:$0x1E400] =	vst v63  }
0xb5: {  	_ =	swait.ge [sflag:s4], $0x4000  }
0xb6: {  	[sflag:s4] =	ssyncset.done $0x0  }
0xb7: {  	s8 =	simm.s32 $0x280;
	[sflag:s4] =	ssyncadd.s32 $0xFFFFC000  }
0xb8: {  	[spmem:s12] =	stream.indirect.scatter.add.f32 [tilespmem:s26], [sflag:$0x6], $0x80, s8, s31, $0xb8;
	[tilespmem:$0x1E400] =	vst v63  }
0xb9: {  	_ =	swait.ge [sflag:s30], $0x4000  }
0xba: {  	[sflag:s30] =	ssyncset.done $0x0  }
0xbb: {  	s9 =	simm.s32 $0x300;
	[sflag:s30] =	ssyncadd.s32 $0xFFFFC000  }
0xbc: {  	[spmem:s12] =	stream.indirect.scatter.add.f32 [tilespmem:s24], [sflag:$0x4], $0x80, s9, s31, $0xb8;
	[tilespmem:$0x1E400] =	vst v63  }
0xbd: {  	_ =	swait.ge [sflag:s1], $0x4000  }
0xbe: {  	[sflag:s1] =	ssyncset.done $0x0  }
0xbf: {  	s10 =	simm.s32 $0x380;
	[sflag:s1] =	ssyncadd.s32 $0xFFFFC000  }
0xc0: {  	[spmem:s12] =	stream.indirect.scatter.add.f32 [tilespmem:s25], [sflag:$0x5], $0x80, s10, s31, $0xb8;
	[tilespmem:$0x1E400] =	vst v63  }
0xc1: {  	_ =	swait.ge [sflag:s6], $0x4000  }
0xc2: {  	[sflag:s6] =	ssyncset.done $0x0  }
0xc3: {  	[sflag:s6] =	ssyncadd.s32 $0xFFFFC000  }
0xc4: {  	_ =	swait.ge [sflag:s0], $0x4000  }
0xc5: {  	[sflag:s0] =	ssyncset.done $0x0  }
0xc6: {  	[sflag:s0] =	ssyncadd.s32 $0xFFFFC000  }
0xc7: {  	_ =	swait.ge [sflag:s2], $0x4000  }
0xc8: {  	[sflag:s2] =	ssyncset.done $0x0  }
0xc9: {  	[sflag:s2] =	ssyncadd.s32 $0xFFFFC000  }
0xca: {  	[bflag:$0x0] =	sbarrier.arrive $0xFFFF  }
0xcb: {  	s11 =	rddreg [dreg:$0xe]  }
0xcc: {  	s10 =	stileid.u32;
	s8 =	rddreg [dreg:$0xf]  }
0xcd: {  	[tilespmem:s24], [sflag:$0x1] =	stream.strided.gather [hbm4b:s11+s24], $0x4000, s23, s24, $0x38;
	[tilespmem:$0x1E400] =	vst v63  }
0xce: {  	s11 =	sshll.u32 s10, $0x6;
	s10 =	sld [smem:$0x7ED]  }
0xcf: {  	[tilespmem:s25], [sflag:$0x2] =	stream.strided.gather [hbm4b:s8+s24], $0x4000, s23, s24, $0x38;
	[tilespmem:$0x1E400] =	vst v63  }
0xd0: {  	s9 =	rddreg [dreg:$0x10];
	s7 =	sor.u32 $0x1C08, s11;
	s8 =	sshrl.u32 s28, $0x3  }
0xd1: {  	[tilespmem:s26], [sflag:$0x3] =	stream.strided.gather [hbm4b:s9+s24], $0x4000, s23, s24, $0x38;
	[tilespmem:$0x1E400] =	vst v63  }
0xd2: {  	[hbm:s10@s24], [sflag:s7] =	dma.strided [spmem:s8@s31], $0x1000, s15, $0x10   }
0xd3: {  	s9 =	sor.u32 $0x1C09, s11;
	s11 =	sld [smem:$0x7EE];
	_ =	sdelay $0x1  }
0xd4: {  	s10 =	sshrl.u32 s13, $0x3  }
0xd5: {  	[hbm:s11@s24], [sflag:s9] =	dma.strided [spmem:s10@s31], $0x1000, s15, $0x10   }
0xd6: {  	_ =	swait.ge [sflag:s15], $0x1000  }
0xd7: {  	[sflag:s15] =	ssyncset.done $0x0  }
0xd8: {  	[sflag:s15] =	ssyncadd.s32 $0xFFFFF000  }
0xd9: {  	[spmem:s28] =	stream.linear.scatter [tilespmem:s22], [sflag:$0x7], $0x2000, $0x38;
	[tilespmem:$0x1E400] =	vst v63  }
0xda: {  	_ = 	snop  }
0xdb: {  	[spmem:s17] =	stream.linear.scatter [tilespmem:s22], [sflag:$0x7], $0x2000, $0x38;
	[tilespmem:$0x1E400] =	vst v63  }
0xdc: {  	_ = 	snop  }
0xdd: {  	[spmem:s18] =	stream.linear.scatter [tilespmem:s22], [sflag:$0x7], $0x2000, $0x38;
	[tilespmem:$0x1E400] =	vst v63  }
0xde: {  	_ = 	snop  }
0xdf: {  	[spmem:s19] =	stream.linear.scatter [tilespmem:s22], [sflag:$0x7], $0x2000, $0x38;
	[tilespmem:$0x1E400] =	vst v63  }
0xe0: {  	_ =	swait.ge [sflag:s16], $0x1000  }
0xe1: {  	[sflag:s16] =	ssyncset.done $0x0  }
0xe2: {  	[sflag:s16] =	ssyncadd.s32 $0xFFFFF000  }
0xe3: {  	[spmem:s13] =	stream.linear.scatter [tilespmem:s22], [sflag:$0x7], $0x2000, $0x38;
	[tilespmem:$0x1E400] =	vst v63  }
0xe4: {  	_ = 	snop  }
0xe5: {  	[spmem:s20] =	stream.linear.scatter [tilespmem:s22], [sflag:$0x7], $0x2000, $0x38;
	[tilespmem:$0x1E400] =	vst v63  }
0xe6: {  	_ = 	snop  }
0xe7: {  	[spmem:s21] =	stream.linear.scatter [tilespmem:s22], [sflag:$0x7], $0x2000, $0x38;
	[tilespmem:$0x1E400] =	vst v63  }
0xe8: {  	_ = 	snop  }
0xe9: {  	[spmem:s14] =	stream.linear.scatter [tilespmem:s22], [sflag:$0x7], $0x2000, $0x38;
	[tilespmem:$0x1E400] =	vst v63  }
0xea: {  	_ =	swait.ge [sflag:s29], $0x2000  }
0xeb: {  	[sflag:s29] =	ssyncset.done $0x0  }
0xec: {  	[sflag:s29] =	ssyncadd.s32 $0xFFFFE000  }
0xed: {  	_ =	swait.ge [sflag:s29], $0x2000  }
0xee: {  	[sflag:s29] =	ssyncset.done $0x0  }
0xef: {  	[sflag:s29] =	ssyncadd.s32 $0xFFFFE000  }
0xf0: {  	_ =	swait.ge [sflag:s29], $0x2000  }
0xf1: {  	[sflag:s29] =	ssyncset.done $0x0  }
0xf2: {  	[sflag:s29] =	ssyncadd.s32 $0xFFFFE000  }
0xf3: {  	_ =	swait.ge [sflag:s29], $0x2000  }
0xf4: {  	[sflag:s29] =	ssyncset.done $0x0  }
0xf5: {  	[sflag:s29] =	ssyncadd.s32 $0xFFFFE000  }
0xf6: {  	_ =	swait.ge [sflag:s29], $0x2000  }
0xf7: {  	[sflag:s29] =	ssyncset.done $0x0  }
0xf8: {  	[sflag:s29] =	ssyncadd.s32 $0xFFFFE000  }
0xf9: {  	_ =	swait.ge [sflag:s29], $0x2000  }
0xfa: {  	[sflag:s29] =	ssyncset.done $0x0  }
0xfb: {  	[sflag:s29] =	ssyncadd.s32 $0xFFFFE000  }
0xfc: {  	_ =	swait.ge [sflag:s29], $0x2000  }
0xfd: {  	[sflag:s29] =	ssyncset.done $0x0  }
0xfe: {  	[sflag:s29] =	ssyncadd.s32 $0xFFFFE000  }
0xff: {  	_ =	swait.ge [sflag:s29], $0x2000  }
0x100: {  	[sflag:s29] =	ssyncset.done $0x0  }
0x101: {  	[sflag:s29] =	ssyncadd.s32 $0xFFFFE000  }
0x102: {  	[bflag:$0x0] =	sbarrier.arrive $0xFFFF  }
0x103: {  	_ =	swait.ge [sflag:s30], $0x4000  }
0x104: {  	[sflag:s30] =	ssyncset.done $0x0  }
0x105: {  	s11 =	simm.s32 $0x0;
	[sflag:s30] =	ssyncadd.s32 $0xFFFFC000  }
0x106: {  	[spmem:s12] =	stream.indirect.scatter.add.f32 [tilespmem:s24], [sflag:$0x4], $0x80, s11, s31, $0xb8;
	[tilespmem:$0x1E400] =	vst v63  }
0x107: {  	_ =	swait.ge [sflag:s0], $0x4000  }
0x108: {  	[sflag:s0] =	ssyncset.done $0x0  }
0x109: {  	s11 =	rddreg [dreg:$0x11];
	[sflag:s0] =	ssyncadd.s32 $0xFFFFC000  }
0x10a: {  	[tilespmem:s24], [sflag:$0x1] =	stream.strided.gather [hbm4b:s11+s24], $0x4000, s23, s24, $0x38;
	[tilespmem:$0x1E400] =	vst v63  }
0x10b: {  	_ =	swait.ge [sflag:s1], $0x4000  }
0x10c: {  	[sflag:s1] =	ssyncset.done $0x0  }
0x10d: {  	[sflag:s1] =	ssyncadd.s32 $0xFFFFC000  }
0x10e: {  	[spmem:s12] =	stream.indirect.scatter.add.f32 [tilespmem:s25], [sflag:$0x5], $0x80, s31, s31, $0xb8;
	[tilespmem:$0x1E400] =	vst v63  }
0x10f: {  	_ =	swait.ge [sflag:s2], $0x4000  }
0x110: {  	[sflag:s2] =	ssyncset.done $0x0  }
0x111: {  	s11 =	rddreg [dreg:$0x12];
	[sflag:s2] =	ssyncadd.s32 $0xFFFFC000  }
0x112: {  	[tilespmem:s25], [sflag:$0x2] =	stream.strided.gather [hbm4b:s11+s24], $0x4000, s23, s24, $0x38;
	[tilespmem:$0x1E400] =	vst v63  }
0x113: {  	_ =	swait.ge [sflag:s4], $0x4000  }
0x114: {  	[sflag:s4] =	ssyncset.done $0x0  }
0x115: {  	s3 =	simm.s32 $0x100;
	[sflag:s4] =	ssyncadd.s32 $0xFFFFC000  }
0x116: {  	[spmem:s12] =	stream.indirect.scatter.add.f32 [tilespmem:s26], [sflag:$0x6], $0x80, s3, s31, $0xb8;
	[tilespmem:$0x1E400] =	vst v63  }
0x117: {  	_ =	swait.ge [sflag:s6], $0x4000  }
0x118: {  	[sflag:s6] =	ssyncset.done $0x0  }
0x119: {  	s3 =	rddreg [dreg:$0x13];
	[sflag:s6] =	ssyncadd.s32 $0xFFFFC000  }
0x11a: {  	[tilespmem:s26], [sflag:$0x3] =	stream.strided.gather [hbm4b:s3+s24], $0x4000, s23, s24, $0x38;
	[tilespmem:$0x1E400] =	vst v63  }
0x11b: {  	_ =	swait.ge [sflag:s30], $0x4000  }
0x11c: {  	[sflag:s30] =	ssyncset.done $0x0  }
0x11d: {  	s3 =	simm.s32 $0x180;
	[sflag:s30] =	ssyncadd.s32 $0xFFFFC000  }
0x11e: {  	[spmem:s12] =	stream.indirect.scatter.add.f32 [tilespmem:s24], [sflag:$0x4], $0x80, s3, s31, $0xb8;
	[tilespmem:$0x1E400] =	vst v63  }
0x11f: {  	_ =	swait.ge [sflag:s0], $0x4000  }
0x120: {  	[sflag:s0] =	ssyncset.done $0x0  }
0x121: {  	s11 =	rddreg [dreg:$0x14];
	[sflag:s0] =	ssyncadd.s32 $0xFFFFC000  }
0x122: {  	[tilespmem:s24], [sflag:$0x1] =	stream.strided.gather [hbm4b:s11+s24], $0x4000, s23, s24, $0x38;
	[tilespmem:$0x1E400] =	vst v63  }
0x123: {  	_ =	swait.ge [sflag:s1], $0x4000  }
0x124: {  	[sflag:s1] =	ssyncset.done $0x0  }
0x125: {  	s11 =	simm.s32 $0x200;
	[sflag:s1] =	ssyncadd.s32 $0xFFFFC000  }
0x126: {  	[spmem:s12] =	stream.indirect.scatter.add.f32 [tilespmem:s25], [sflag:$0x5], $0x80, s11, s31, $0xb8;
	[tilespmem:$0x1E400] =	vst v63  }
0x127: {  	_ =	swait.ge [sflag:s2], $0x4000  }
0x128: {  	[sflag:s2] =	ssyncset.done $0x0  }
0x129: {  	s11 =	rddreg [dreg:$0x15];
	[sflag:s2] =	ssyncadd.s32 $0xFFFFC000  }
0x12a: {  	[tilespmem:s25], [sflag:$0x2] =	stream.strided.gather [hbm4b:s11+s24], $0x4000, s23, s24, $0x38;
	[tilespmem:$0x1E400] =	vst v63  }
0x12b: {  	_ =	swait.ge [sflag:s4], $0x4000  }
0x12c: {  	[sflag:s4] =	ssyncset.done $0x0  }
0x12d: {  	s11 =	simm.s32 $0x280;
	[sflag:s4] =	ssyncadd.s32 $0xFFFFC000  }
0x12e: {  	[spmem:s12] =	stream.indirect.scatter.add.f32 [tilespmem:s26], [sflag:$0x6], $0x80, s11, s31, $0xb8;
	[tilespmem:$0x1E400] =	vst v63  }
0x12f: {  	_ =	swait.ge [sflag:s30], $0x4000  }
0x130: {  	[sflag:s30] =	ssyncset.done $0x0  }
0x131: {  	s11 =	simm.s32 $0x300;
	[sflag:s30] =	ssyncadd.s32 $0xFFFFC000  }
0x132: {  	[spmem:s12] =	stream.indirect.scatter.add.f32 [tilespmem:s24], [sflag:$0x4], $0x80, s11, s31, $0xb8;
	[tilespmem:$0x1E400] =	vst v63  }
0x133: {  	_ =	swait.ge [sflag:s1], $0x4000  }
0x134: {  	[sflag:s1] =	ssyncset.done $0x0  }
0x135: {  	s11 =	simm.s32 $0x380;
	[sflag:s1] =	ssyncadd.s32 $0xFFFFC000  }
0x136: {  	[spmem:s12] =	stream.indirect.scatter.add.f32 [tilespmem:s25], [sflag:$0x5], $0x80, s11, s31, $0xb8;
	[tilespmem:$0x1E400] =	vst v63  }
0x137: {  	_ =	swait.ge [sflag:s6], $0x4000  }
0x138: {  	[sflag:s6] =	ssyncset.done $0x0  }
0x139: {  	[sflag:s6] =	ssyncadd.s32 $0xFFFFC000  }
0x13a: {  	_ =	swait.ge [sflag:s0], $0x4000  }
0x13b: {  	[sflag:s0] =	ssyncset.done $0x0  }
0x13c: {  	[sflag:s0] =	ssyncadd.s32 $0xFFFFC000  }
0x13d: {  	_ =	swait.ge [sflag:s2], $0x4000  }
0x13e: {  	[sflag:s2] =	ssyncset.done $0x0  }
0x13f: {  	[sflag:s2] =	ssyncadd.s32 $0xFFFFC000  }
0x140: {  	[bflag:$0x0] =	sbarrier.arrive $0xFFFF  }
0x141: {  	s11 =	rddreg [dreg:$0x16]  }
0x142: {  	[tilespmem:s24], [sflag:$0x1] =	stream.strided.gather [hbm4b:s11+s24], $0x4000, s23, s24, $0x38;
	[tilespmem:$0x1E400] =	vst v63  }
0x143: {  	s11 =	rddreg [dreg:$0x17]  }
0x144: {  	[tilespmem:s25], [sflag:$0x2] =	stream.strided.gather [hbm4b:s11+s24], $0x4000, s23, s24, $0x38;
	[tilespmem:$0x1E400] =	vst v63  }
0x145: {  	s11 =	rddreg [dreg:$0x18]  }
0x146: {  	[tilespmem:s26], [sflag:$0x3] =	stream.strided.gather [hbm4b:s11+s24], $0x4000, s23, s24, $0x38;
	[tilespmem:$0x1E400] =	vst v63  }
0x147: {  	s11 =	sld [smem:$0x7EF];
	_ =	sdelay $0x2  }
0x148: {  	[hbm:s11@s24], [sflag:s7] =	dma.strided [spmem:s8@s31], $0x1000, s15, $0x10   }
0x149: {  	s11 =	sld [smem:$0x7F0];
	_ =	sdelay $0x2  }
0x14a: {  	[hbm:s11@s24], [sflag:s9] =	dma.strided [spmem:s10@s31], $0x1000, s15, $0x10   }
0x14b: {  	_ =	swait.ge [sflag:s15], $0x1000  }
0x14c: {  	[sflag:s15] =	ssyncset.done $0x0  }
0x14d: {  	[sflag:s15] =	ssyncadd.s32 $0xFFFFF000  }
0x14e: {  	[spmem:s28] =	stream.linear.scatter [tilespmem:s22], [sflag:$0x7], $0x2000, $0x38;
	[tilespmem:$0x1E400] =	vst v63  }
0x14f: {  	_ = 	snop  }
0x150: {  	[spmem:s17] =	stream.linear.scatter [tilespmem:s22], [sflag:$0x7], $0x2000, $0x38;
	[tilespmem:$0x1E400] =	vst v63  }
0x151: {  	_ = 	snop  }
0x152: {  	[spmem:s18] =	stream.linear.scatter [tilespmem:s22], [sflag:$0x7], $0x2000, $0x38;
	[tilespmem:$0x1E400] =	vst v63  }
0x153: {  	_ = 	snop  }
0x154: {  	[spmem:s19] =	stream.linear.scatter [tilespmem:s22], [sflag:$0x7], $0x2000, $0x38;
	[tilespmem:$0x1E400] =	vst v63  }
0x155: {  	_ =	swait.ge [sflag:s16], $0x1000  }
0x156: {  	[sflag:s16] =	ssyncset.done $0x0  }
0x157: {  	[sflag:s16] =	ssyncadd.s32 $0xFFFFF000  }
0x158: {  	[spmem:s13] =	stream.linear.scatter [tilespmem:s22], [sflag:$0x7], $0x2000, $0x38;
	[tilespmem:$0x1E400] =	vst v63  }
0x159: {  	_ = 	snop  }
0x15a: {  	[spmem:s20] =	stream.linear.scatter [tilespmem:s22], [sflag:$0x7], $0x2000, $0x38;
	[tilespmem:$0x1E400] =	vst v63  }
0x15b: {  	_ = 	snop  }
0x15c: {  	[spmem:s21] =	stream.linear.scatter [tilespmem:s22], [sflag:$0x7], $0x2000, $0x38;
	[tilespmem:$0x1E400] =	vst v63  }
0x15d: {  	_ = 	snop  }
0x15e: {  	[spmem:s14] =	stream.linear.scatter [tilespmem:s22], [sflag:$0x7], $0x2000, $0x38;
	[tilespmem:$0x1E400] =	vst v63  }
0x15f: {  	_ =	swait.ge [sflag:s29], $0x2000  }
0x160: {  	[sflag:s29] =	ssyncset.done $0x0  }
0x161: {  	[sflag:s29] =	ssyncadd.s32 $0xFFFFE000  }
0x162: {  	_ =	swait.ge [sflag:s29], $0x2000  }
0x163: {  	[sflag:s29] =	ssyncset.done $0x0  }
0x164: {  	[sflag:s29] =	ssyncadd.s32 $0xFFFFE000  }
0x165: {  	_ =	swait.ge [sflag:s29], $0x2000  }
0x166: {  	[sflag:s29] =	ssyncset.done $0x0  }
0x167: {  	[sflag:s29] =	ssyncadd.s32 $0xFFFFE000  }
0x168: {  	_ =	swait.ge [sflag:s29], $0x2000  }
0x169: {  	[sflag:s29] =	ssyncset.done $0x0  }
0x16a: {  	[sflag:s29] =	ssyncadd.s32 $0xFFFFE000  }
0x16b: {  	_ =	swait.ge [sflag:s29], $0x2000  }
0x16c: {  	[sflag:s29] =	ssyncset.done $0x0  }
0x16d: {  	[sflag:s29] =	ssyncadd.s32 $0xFFFFE000  }
0x16e: {  	_ =	swait.ge [sflag:s29], $0x2000  }
0x16f: {  	[sflag:s29] =	ssyncset.done $0x0  }
0x170: {  	[sflag:s29] =	ssyncadd.s32 $0xFFFFE000  }
0x171: {  	_ =	swait.ge [sflag:s29], $0x2000  }
0x172: {  	[sflag:s29] =	ssyncset.done $0x0  }
0x173: {  	[sflag:s29] =	ssyncadd.s32 $0xFFFFE000  }
0x174: {  	_ =	swait.ge [sflag:s29], $0x2000  }
0x175: {  	[sflag:s29] =	ssyncset.done $0x0  }
0x176: {  	[sflag:s29] =	ssyncadd.s32 $0xFFFFE000  }
0x177: {  	[bflag:$0x0] =	sbarrier.arrive $0xFFFF  }
0x178: {  	_ =	swait.ge [sflag:s30], $0x4000  }
0x179: {  	[sflag:s30] =	ssyncset.done $0x0  }
0x17a: {  	s11 =	simm.s32 $0x0;
	[sflag:s30] =	ssyncadd.s32 $0xFFFFC000  }
0x17b: {  	[spmem:s12] =	stream.indirect.scatter.add.f32 [tilespmem:s24], [sflag:$0x4], $0x80, s11, s31, $0xb8;
	[tilespmem:$0x1E400] =	vst v63  }
0x17c: {  	_ =	swait.ge [sflag:s0], $0x4000  }
0x17d: {  	[sflag:s0] =	ssyncset.done $0x0  }
0x17e: {  	s11 =	rddreg [dreg:$0x19];
	[sflag:s0] =	ssyncadd.s32 $0xFFFFC000  }
0x17f: {  	[tilespmem:s24], [sflag:$0x1] =	stream.strided.gather [hbm4b:s11+s24], $0x4000, s23, s24, $0x38;
	[tilespmem:$0x1E400] =	vst v63  }
0x180: {  	_ =	swait.ge [sflag:s1], $0x4000  }
0x181: {  	[sflag:s1] =	ssyncset.done $0x0  }
0x182: {  	[sflag:s1] =	ssyncadd.s32 $0xFFFFC000  }
0x183: {  	[spmem:s12] =	stream.indirect.scatter.add.f32 [tilespmem:s25], [sflag:$0x5], $0x80, s31, s31, $0xb8;
	[tilespmem:$0x1E400] =	vst v63  }
0x184: {  	_ =	swait.ge [sflag:s2], $0x4000  }
0x185: {  	[sflag:s2] =	ssyncset.done $0x0  }
0x186: {  	s11 =	rddreg [dreg:$0x1a];
	[sflag:s2] =	ssyncadd.s32 $0xFFFFC000  }
0x187: {  	[tilespmem:s25], [sflag:$0x2] =	stream.strided.gather [hbm4b:s11+s24], $0x4000, s23, s24, $0x38;
	[tilespmem:$0x1E400] =	vst v63  }
0x188: {  	_ =	swait.ge [sflag:s4], $0x4000  }
0x189: {  	[sflag:s4] =	ssyncset.done $0x0  }
0x18a: {  	s11 =	simm.s32 $0x100;
	[sflag:s4] =	ssyncadd.s32 $0xFFFFC000  }
0x18b: {  	[spmem:s12] =	stream.indirect.scatter.add.f32 [tilespmem:s26], [sflag:$0x6], $0x80, s11, s31, $0xb8;
	[tilespmem:$0x1E400] =	vst v63  }
0x18c: {  	_ =	swait.ge [sflag:s6], $0x4000  }
0x18d: {  	[sflag:s6] =	ssyncset.done $0x0  }
0x18e: {  	s11 =	rddreg [dreg:$0x1b];
	[sflag:s6] =	ssyncadd.s32 $0xFFFFC000  }
0x18f: {  	[tilespmem:s26], [sflag:$0x3] =	stream.strided.gather [hbm4b:s11+s24], $0x4000, s23, s24, $0x38;
	[tilespmem:$0x1E400] =	vst v63  }
0x190: {  	_ =	swait.ge [sflag:s30], $0x4000  }
0x191: {  	[sflag:s30] =	ssyncset.done $0x0  }
0x192: {  	[sflag:s30] =	ssyncadd.s32 $0xFFFFC000  }
0x193: {  	[spmem:s12] =	stream.indirect.scatter.add.f32 [tilespmem:s24], [sflag:$0x4], $0x80, s3, s31, $0xb8;
	[tilespmem:$0x1E400] =	vst v63  }
0x194: {  	_ =	swait.ge [sflag:s0], $0x4000  }
0x195: {  	[sflag:s0] =	ssyncset.done $0x0  }
0x196: {  	s3 =	rddreg [dreg:$0x1c];
	[sflag:s0] =	ssyncadd.s32 $0xFFFFC000  }
0x197: {  	[tilespmem:s24], [sflag:$0x1] =	stream.strided.gather [hbm4b:s3+s24], $0x4000, s23, s24, $0x38;
	[tilespmem:$0x1E400] =	vst v63  }
0x198: {  	_ =	swait.ge [sflag:s1], $0x4000  }
0x199: {  	[sflag:s1] =	ssyncset.done $0x0  }
0x19a: {  	s11 =	simm.s32 $0x200;
	[sflag:s1] =	ssyncadd.s32 $0xFFFFC000  }
0x19b: {  	[spmem:s12] =	stream.indirect.scatter.add.f32 [tilespmem:s25], [sflag:$0x5], $0x80, s11, s31, $0xb8;
	[tilespmem:$0x1E400] =	vst v63  }
0x19c: {  	_ =	swait.ge [sflag:s2], $0x4000  }
0x19d: {  	[sflag:s2] =	ssyncset.done $0x0  }
0x19e: {  	s3 =	rddreg [dreg:$0x1d];
	[sflag:s2] =	ssyncadd.s32 $0xFFFFC000  }
0x19f: {  	[tilespmem:s25], [sflag:$0x2] =	stream.strided.gather [hbm4b:s3+s24], $0x4000, s23, s24, $0x38;
	[tilespmem:$0x1E400] =	vst v63  }
0x1a0: {  	_ =	swait.ge [sflag:s4], $0x4000  }
0x1a1: {  	[sflag:s4] =	ssyncset.done $0x0  }
0x1a2: {  	s11 =	simm.s32 $0x280;
	[sflag:s4] =	ssyncadd.s32 $0xFFFFC000  }
0x1a3: {  	[spmem:s12] =	stream.indirect.scatter.add.f32 [tilespmem:s26], [sflag:$0x6], $0x80, s11, s31, $0xb8;
	[tilespmem:$0x1E400] =	vst v63  }
0x1a4: {  	_ =	swait.ge [sflag:s30], $0x4000  }
0x1a5: {  	[sflag:s30] =	ssyncset.done $0x0  }
0x1a6: {  	s11 =	simm.s32 $0x300;
	[sflag:s30] =	ssyncadd.s32 $0xFFFFC000  }
0x1a7: {  	[spmem:s12] =	stream.indirect.scatter.add.f32 [tilespmem:s24], [sflag:$0x4], $0x80, s11, s31, $0xb8;
	[tilespmem:$0x1E400] =	vst v63  }
0x1a8: {  	_ =	swait.ge [sflag:s1], $0x4000  }
0x1a9: {  	[sflag:s1] =	ssyncset.done $0x0  }
0x1aa: {  	s11 =	simm.s32 $0x380;
	[sflag:s1] =	ssyncadd.s32 $0xFFFFC000  }
0x1ab: {  	[spmem:s12] =	stream.indirect.scatter.add.f32 [tilespmem:s25], [sflag:$0x5], $0x80, s11, s31, $0xb8;
	[tilespmem:$0x1E400] =	vst v63  }
0x1ac: {  	_ =	swait.ge [sflag:s6], $0x4000  }
0x1ad: {  	[sflag:s6] =	ssyncset.done $0x0  }
0x1ae: {  	[sflag:s6] =	ssyncadd.s32 $0xFFFFC000  }
0x1af: {  	_ =	swait.ge [sflag:s0], $0x4000  }
0x1b0: {  	[sflag:s0] =	ssyncset.done $0x0  }
0x1b1: {  	[sflag:s0] =	ssyncadd.s32 $0xFFFFC000  }
0x1b2: {  	_ =	swait.ge [sflag:s2], $0x4000  }
0x1b3: {  	[sflag:s2] =	ssyncset.done $0x0  }
0x1b4: {  	[sflag:s2] =	ssyncadd.s32 $0xFFFFC000  }
0x1b5: {  	[bflag:$0x0] =	sbarrier.arrive $0xFFFF  }
0x1b6: {  	s3 =	rddreg [dreg:$0x1e]  }
0x1b7: {  	[tilespmem:s24], [sflag:$0x1] =	stream.strided.gather [hbm4b:s3+s24], $0x4000, s23, s24, $0x38;
	[tilespmem:$0x1E400] =	vst v63  }
0x1b8: {  	s3 =	rddreg [dreg:$0x1f]  }
0x1b9: {  	[tilespmem:s25], [sflag:$0x2] =	stream.strided.gather [hbm4b:s3+s24], $0x4000, s23, s24, $0x38;
	[tilespmem:$0x1E400] =	vst v63  }
0x1ba: {  	s3 =	sld [smem:$0x7E7];
	_ =	sdelay $0x2  }
0x1bb: {  	[tilespmem:s26], [sflag:$0x3] =	stream.strided.gather [hbm4b:s3+s24], $0x4000, s23, s24, $0x38;
	[tilespmem:$0x1E400] =	vst v63  }
0x1bc: {  	s3 =	sld [smem:$0x7F1];
	_ =	sdelay $0x2  }
0x1bd: {  	[hbm:s3@s24], [sflag:s7] =	dma.strided [spmem:s8@s31], $0x1000, s15, $0x10   }
0x1be: {  	s11 =	sld [smem:$0x7F2];
	_ =	sdelay $0x2  }
0x1bf: {  	[hbm:s11@s24], [sflag:s9] =	dma.strided [spmem:s10@s31], $0x1000, s15, $0x10   }
0x1c0: {  	_ =	swait.ge [sflag:s15], $0x1000  }
0x1c1: {  	[sflag:s15] =	ssyncset.done $0x0  }
0x1c2: {  	[sflag:s15] =	ssyncadd.s32 $0xFFFFF000  }
0x1c3: {  	[spmem:s28] =	stream.linear.scatter [tilespmem:s22], [sflag:$0x7], $0x2000, $0x38;
	[tilespmem:$0x1E400] =	vst v63  }
0x1c4: {  	_ = 	snop  }
0x1c5: {  	[spmem:s17] =	stream.linear.scatter [tilespmem:s22], [sflag:$0x7], $0x2000, $0x38;
	[tilespmem:$0x1E400] =	vst v63  }
0x1c6: {  	_ = 	snop  }
0x1c7: {  	[spmem:s18] =	stream.linear.scatter [tilespmem:s22], [sflag:$0x7], $0x2000, $0x38;
	[tilespmem:$0x1E400] =	vst v63  }
0x1c8: {  	_ = 	snop  }
0x1c9: {  	[spmem:s19] =	stream.linear.scatter [tilespmem:s22], [sflag:$0x7], $0x2000, $0x38;
	[tilespmem:$0x1E400] =	vst v63  }
0x1ca: {  	_ =	swait.ge [sflag:s16], $0x1000  }
0x1cb: {  	[sflag:s16] =	ssyncset.done $0x0  }
0x1cc: {  	[sflag:s16] =	ssyncadd.s32 $0xFFFFF000  }
0x1cd: {  	[spmem:s13] =	stream.linear.scatter [tilespmem:s22], [sflag:$0x7], $0x2000, $0x38;
	[tilespmem:$0x1E400] =	vst v63  }
0x1ce: {  	_ = 	snop  }
0x1cf: {  	[spmem:s20] =	stream.linear.scatter [tilespmem:s22], [sflag:$0x7], $0x2000, $0x38;
	[tilespmem:$0x1E400] =	vst v63  }
0x1d0: {  	_ = 	snop  }
0x1d1: {  	[spmem:s21] =	stream.linear.scatter [tilespmem:s22], [sflag:$0x7], $0x2000, $0x38;
	[tilespmem:$0x1E400] =	vst v63  }
0x1d2: {  	_ = 	snop  }
0x1d3: {  	[spmem:s14] =	stream.linear.scatter [tilespmem:s22], [sflag:$0x7], $0x2000, $0x38;
	[tilespmem:$0x1E400] =	vst v63  }
0x1d4: {  	_ =	swait.ge [sflag:s29], $0x2000  }
0x1d5: {  	[sflag:s29] =	ssyncset.done $0x0  }
0x1d6: {  	[sflag:s29] =	ssyncadd.s32 $0xFFFFE000  }
0x1d7: {  	_ =	swait.ge [sflag:s29], $0x2000  }
0x1d8: {  	[sflag:s29] =	ssyncset.done $0x0  }
0x1d9: {  	[sflag:s29] =	ssyncadd.s32 $0xFFFFE000  }
0x1da: {  	_ =	swait.ge [sflag:s29], $0x2000  }
0x1db: {  	[sflag:s29] =	ssyncset.done $0x0  }
0x1dc: {  	[sflag:s29] =	ssyncadd.s32 $0xFFFFE000  }
0x1dd: {  	_ =	swait.ge [sflag:s29], $0x2000  }
0x1de: {  	[sflag:s29] =	ssyncset.done $0x0  }
0x1df: {  	[sflag:s29] =	ssyncadd.s32 $0xFFFFE000  }
0x1e0: {  	_ =	swait.ge [sflag:s29], $0x2000  }
0x1e1: {  	[sflag:s29] =	ssyncset.done $0x0  }
0x1e2: {  	[sflag:s29] =	ssyncadd.s32 $0xFFFFE000  }
0x1e3: {  	_ =	swait.ge [sflag:s29], $0x2000  }
0x1e4: {  	[sflag:s29] =	ssyncset.done $0x0  }
0x1e5: {  	[sflag:s29] =	ssyncadd.s32 $0xFFFFE000  }
0x1e6: {  	_ =	swait.ge [sflag:s29], $0x2000  }
0x1e7: {  	[sflag:s29] =	ssyncset.done $0x0  }
0x1e8: {  	[sflag:s29] =	ssyncadd.s32 $0xFFFFE000  }
0x1e9: {  	_ =	swait.ge [sflag:s29], $0x2000  }
0x1ea: {  	[sflag:s29] =	ssyncset.done $0x0  }
0x1eb: {  	[sflag:s29] =	ssyncadd.s32 $0xFFFFE000  }
0x1ec: {  	[bflag:$0x0] =	sbarrier.arrive $0xFFFF  }
0x1ed: {  	_ =	swait.ge [sflag:s30], $0x4000  }
0x1ee: {  	[sflag:s30] =	ssyncset.done $0x0  }
0x1ef: {  	s17 =	simm.s32 $0x0;
	[sflag:s30] =	ssyncadd.s32 $0xFFFFC000  }
0x1f0: {  	[spmem:s12] =	stream.indirect.scatter.add.f32 [tilespmem:s24], [sflag:$0x4], $0x80, s17, s31, $0xb8;
	[tilespmem:$0x1E400] =	vst v63  }
0x1f1: {  	_ =	swait.ge [sflag:s0], $0x4000  }
0x1f2: {  	s18 =	sld [smem:$0x7E8]  }
0x1f3: {  	[sflag:s0] =	ssyncset.done $0x0  }
0x1f4: {  	[sflag:s0] =	ssyncadd.s32 $0xFFFFC000  }
0x1f5: {  	[tilespmem:s24], [sflag:$0x1] =	stream.strided.gather [hbm4b:s18+s24], $0x4000, s23, s24, $0x38;
	[tilespmem:$0x1E400] =	vst v63  }
0x1f6: {  	_ =	swait.ge [sflag:s1], $0x4000  }
0x1f7: {  	[sflag:s1] =	ssyncset.done $0x0  }
0x1f8: {  	[sflag:s1] =	ssyncadd.s32 $0xFFFFC000  }
0x1f9: {  	[spmem:s12] =	stream.indirect.scatter.add.f32 [tilespmem:s25], [sflag:$0x5], $0x80, s31, s31, $0xb8;
	[tilespmem:$0x1E400] =	vst v63  }
0x1fa: {  	_ =	swait.ge [sflag:s2], $0x4000  }
0x1fb: {  	s19 =	sld [smem:$0x7E9]  }
0x1fc: {  	[sflag:s2] =	ssyncset.done $0x0  }
0x1fd: {  	[sflag:s2] =	ssyncadd.s32 $0xFFFFC000  }
0x1fe: {  	[tilespmem:s25], [sflag:$0x2] =	stream.strided.gather [hbm4b:s19+s24], $0x4000, s23, s24, $0x38;
	[tilespmem:$0x1E400] =	vst v63  }
0x1ff: {  	_ =	swait.ge [sflag:s4], $0x4000  }
0x200: {  	[sflag:s4] =	ssyncset.done $0x0  }
0x201: {  	s20 =	simm.s32 $0x100;
	[sflag:s4] =	ssyncadd.s32 $0xFFFFC000  }
0x202: {  	[spmem:s12] =	stream.indirect.scatter.add.f32 [tilespmem:s26], [sflag:$0x6], $0x80, s20, s31, $0xb8;
	[tilespmem:$0x1E400] =	vst v63  }
0x203: {  	_ =	swait.ge [sflag:s6], $0x4000  }
0x204: {  	s21 =	sld [smem:$0x7EA]  }
0x205: {  	[sflag:s6] =	ssyncset.done $0x0  }
0x206: {  	[sflag:s6] =	ssyncadd.s32 $0xFFFFC000  }
0x207: {  	[tilespmem:s26], [sflag:$0x3] =	stream.strided.gather [hbm4b:s21+s24], $0x4000, s23, s24, $0x38;
	[tilespmem:$0x1E400] =	vst v63  }
0x208: {  	_ =	swait.ge [sflag:s30], $0x4000  }
0x209: {  	[sflag:s30] =	ssyncset.done $0x0  }
0x20a: {  	s28 =	simm.s32 $0x180;
	[sflag:s30] =	ssyncadd.s32 $0xFFFFC000  }
0x20b: {  	[spmem:s12] =	stream.indirect.scatter.add.f32 [tilespmem:s24], [sflag:$0x4], $0x80, s28, s31, $0xb8;
	[tilespmem:$0x1E400] =	vst v63  }
0x20c: {  	_ =	swait.ge [sflag:s0], $0x4000  }
0x20d: {  	s13 =	sld [smem:$0x7EB]  }
0x20e: {  	[sflag:s0] =	ssyncset.done $0x0  }
0x20f: {  	[sflag:s0] =	ssyncadd.s32 $0xFFFFC000  }
0x210: {  	[tilespmem:s24], [sflag:$0x1] =	stream.strided.gather [hbm4b:s13+s24], $0x4000, s23, s24, $0x38;
	[tilespmem:$0x1E400] =	vst v63  }
0x211: {  	_ =	swait.ge [sflag:s1], $0x4000  }
0x212: {  	[sflag:s1] =	ssyncset.done $0x0  }
0x213: {  	s14 =	simm.s32 $0x200;
	[sflag:s1] =	ssyncadd.s32 $0xFFFFC000  }
0x214: {  	[spmem:s12] =	stream.indirect.scatter.add.f32 [tilespmem:s25], [sflag:$0x5], $0x80, s14, s31, $0xb8;
	[tilespmem:$0x1E400] =	vst v63  }
0x215: {  	_ =	swait.ge [sflag:s2], $0x4000  }
0x216: {  	s17 =	sld [smem:$0x7EC]  }
0x217: {  	[sflag:s2] =	ssyncset.done $0x0  }
0x218: {  	[sflag:s2] =	ssyncadd.s32 $0xFFFFC000  }
0x219: {  	[tilespmem:s25], [sflag:$0x2] =	stream.strided.gather [hbm4b:s17+s24], $0x4000, s23, s24, $0x38;
	[tilespmem:$0x1E400] =	vst v63  }
0x21a: {  	_ =	swait.ge [sflag:s4], $0x4000  }
0x21b: {  	[sflag:s4] =	ssyncset.done $0x0  }
0x21c: {  	s18 =	simm.s32 $0x280;
	[sflag:s4] =	ssyncadd.s32 $0xFFFFC000  }
0x21d: {  	[spmem:s12] =	stream.indirect.scatter.add.f32 [tilespmem:s26], [sflag:$0x6], $0x80, s18, s31, $0xb8;
	[tilespmem:$0x1E400] =	vst v63  }
0x21e: {  	_ =	swait.ge [sflag:s30], $0x4000  }
0x21f: {  	[sflag:s30] =	ssyncset.done $0x0  }
0x220: {  	s19 =	simm.s32 $0x300;
	[sflag:s30] =	ssyncadd.s32 $0xFFFFC000  }
0x221: {  	[spmem:s12] =	stream.indirect.scatter.add.f32 [tilespmem:s24], [sflag:$0x4], $0x80, s19, s31, $0xb8;
	[tilespmem:$0x1E400] =	vst v63  }
0x222: {  	_ =	swait.ge [sflag:s1], $0x4000  }
0x223: {  	[sflag:s1] =	ssyncset.done $0x0  }
0x224: {  	s20 =	simm.s32 $0x380;
	[sflag:s1] =	ssyncadd.s32 $0xFFFFC000  }
0x225: {  	[spmem:s12] =	stream.indirect.scatter.add.f32 [tilespmem:s25], [sflag:$0x5], $0x80, s20, s31, $0xb8;
	[tilespmem:$0x1E400] =	vst v63  }
0x226: {  	_ =	swait.ge [sflag:s6], $0x4000  }
0x227: {  	[sflag:s6] =	ssyncset.done $0x0  }
0x228: {  	[sflag:s6] =	ssyncadd.s32 $0xFFFFC000  }
0x229: {  	_ =	swait.ge [sflag:s0], $0x4000  }
0x22a: {  	[sflag:s0] =	ssyncset.done $0x0  }
0x22b: {  	[sflag:s0] =	ssyncadd.s32 $0xFFFFC000  }
0x22c: {  	_ =	swait.ge [sflag:s2], $0x4000  }
0x22d: {  	[sflag:s2] =	ssyncset.done $0x0  }
0x22e: {  	[sflag:s2] =	ssyncadd.s32 $0xFFFFC000  }
0x22f: {  	[bflag:$0x0] =	sbarrier.arrive $0xFFFF  }
0x230: {  	s21 =	sld [smem:$0x7F3];
	_ =	sdelay $0x2  }
0x231: {  	[hbm:s21@s24], [sflag:s7] =	dma.strided [spmem:s8@s31], $0x1000, s15, $0x10   }
0x232: {  	s7 =	sld [smem:$0x7F4];
	_ =	sdelay $0x2  }
0x233: {  	[hbm:s7@s24], [sflag:s9] =	dma.strided [spmem:s10@s31], $0x1000, s15, $0x10   }
0x234: {  	_ =	swait.ge [sflag:s15], $0x1000  }
0x235: {  	[sflag:s15] =	ssyncset.done $0x0  }
0x236: {  	[sflag:s15] =	ssyncadd.s32 $0xFFFFF000  }
0x237: {  	_ =	swait.ge [sflag:s16], $0x1000  }
0x238: {  	s28 =	sld [smem:$0x7F6];
	_ =	sdelay $0x1  }
0x239: {  	s5 =	sadd.s32 $0x1, s5  }
0x23a: {  	p0 =	sne.s32 s5, s28  }
.Ltmp1:
0x23b: {  	_ = 	snop;
	(pc) =	sbr.rel @p0 .LBB2_1-.Ltmp1, $3  }
0x23c: {  	_ =	sdelay $0x1  }
0x23d: {  	[sflag:s16] =	ssyncset.done $0x0  }
0x23e: {  	s3 =	simm.s32 $0x0;
	[sflag:s16] =	ssyncadd.s32 $0xFFFFF000  }
0x23f: {  	_ =	sfence.sel $0x180000  }
0x240: {  	[bflag:$0x0] =	sbarrier.arrive $0xFFFF  }
0x241: {  	_ =	strace $0x90000047  }
0x242: {  	s0 =	stileid.u32;
	[bflag:$0x2] =	sbarrier.arrive $0xFFFF  }
0x243: {  	p0 =	sne.s32 s0, $0x0;
	s0 =	rddreg [dreg:$0x4]  }
0x244: {  	s0 =	sadd.s32 @!p0 $0x100000, s0  }
0x245: {  	[sflag:s0] =	ssyncadd.tile.s32 @!p0 $0x1;
	_ =	shalt  }
.Lfunc_end2:
_tile_overlayer_lowered:
.L_overlay_start_2:
0x246: {  	(tag) =	ssettag $0x2  }
0x247: {  	s0 =	rddreg [dreg:$0x0];
	s2 =	stileid.u32  }
0x248: {  	s1 =	rddreg [dreg:$0x1];
	p0 =	sne.s32 s2, $0x0  }
0x249: {  	s3 =	rddreg [dreg:$0x2];
	[bflag:$0x3] =	sbarrier.arrive $0xFFFF;
	s2 =	simm.s32 @!p0 $0x1C0A  }
0x24a: {  	[timem:s3], [sflag:s2] =	dma.local @!p0 [hbm:s0], s1  }
0x24b: {  	s0 =	simm.s32 @!p0 $0xA  }
0x24c: {  	_ =	swait.ge @!p0 [sflag:s0], s1  }
0x24d: {  	s1 =	ssub.s32 @!p0 $0x0, s1;
	[sflag:s0] =	ssyncset.done @!p0 $0x0  }
0x24e: {  	[sflag:s0] =	ssyncadd.s32 @!p0 s1  }
0x24f: {  	[bflag:$0x3] =	sbarrier.arrive $0xFFFF  }
0x250: {  	_ =	shalt  }

</sc_bundles>
